<compile_context>
chip_gen: v7x
topology: tpu7x:2x2x1
jax: 0.10.2.dev20260603
libtpu: 0.0.44.dev20260713+nightly
codegen_flags: <defaults>
</compile_context>

<pallas_src>
import functools

import jax
import jax.numpy as jnp
from jax import lax
from jax.experimental import pallas as pl
from jax.experimental.pallas import tpu as pltpu
from jax.experimental.pallas import tpu_sc as plsc

_NC = 2
_NS = 16
_NW = _NC * _NS
_BAND = 1024 // _NW


def kernel(hist, logps):
    S, B = hist.shape
    V = logps.shape[0]
    nslab = S + 1
    logps2d = logps.reshape(1, V)

    mesh = plsc.VectorSubcoreMesh(core_axis_name="c", subcore_axis_name="s")

    @functools.partial(
        pl.kernel,
        out_type=jax.ShapeDtypeStruct((nslab, B, V), jnp.float32),
        mesh=mesh,
        scratch_types=[
            pltpu.VMEM((_BAND, V), jnp.float32),
            pltpu.SemaphoreType.DMA,
            pltpu.SemaphoreType.DMA,
        ],
    )
    def _bcast(logps_hbm, out_hbm, buf, sem_fill, sem_out):
        c = lax.axis_index("c")
        s = lax.axis_index("s")
        wid = s * _NC + c
        row0 = wid * _BAND
        for r in range(_BAND):
            pltpu.make_async_copy(
                logps_hbm, buf.at[pl.ds(r, 1)], sem_fill
            ).start()
        for r in range(_BAND):
            pltpu.make_async_copy(
                logps_hbm, buf.at[pl.ds(r, 1)], sem_fill
            ).wait()
        for i in range(nslab):
            pltpu.make_async_copy(
                buf, out_hbm.at[i, pl.ds(row0, _BAND), :], sem_out
            ).start()
        for i in range(nslab):
            pltpu.make_async_copy(
                buf, out_hbm.at[i, pl.ds(row0, _BAND), :], sem_out
            ).wait()

    return _bcast(logps2d)

# --- scband reference (transcript-rebuilt; emitter-appended) ---
"""Pipeline reference for scband-lookup-language-model-15522011808167 (READ-ONLY COPY).

The authoritative reference and input builder live on the scoring server;
editing this copy changes nothing except your own understanding.
"""

import jax, jax.numpy as jnp
import numpy as np

VOCAB_SIZE = 1000
S = 20
B = 1024


def setup_inputs(seed: int = 0) -> dict:
    key = jax.random.key(seed)
    hist = jax.random.randint(key, (S, B), 0, VOCAB_SIZE, dtype=jnp.int32)
    # LookupLanguageModel with prob_dicts=None builds a uniform unigram
    # model: the stored log-probability buffer logps[:V] is -log(vocab_size)
    # for every in-vocabulary token. This is the model's learned/stored table.
    logps = jnp.full((VOCAB_SIZE,), -np.log(float(VOCAB_SIZE)), dtype=jnp.float32)
    return {"hist": hist, "logps": logps}


def reference(hist, logps):
    # Faithful translation of LookupLanguageModel.forward(hist) with idx=None
    # (full distributions over every prefix). For max n-gram order N == 1
    # (the default uniform unigram built when prob_dicts is None),
    # _lookup_calc_idx_log_probs short-circuits at `if N == 1:` and returns
    # last_logps.expand(B, V) where last_logps = logps[:V], independent of the
    # history tokens. calc_full_log_probs stacks this for every prefix index
    # s in 0..S, giving a (S + 1, B, V) tensor of log-probabilities.
    S_, B_ = hist.shape
    V = logps.shape[0]
    last_logps = logps[:V]
    out = jnp.broadcast_to(last_logps[None, None, :], (S_ + 1, B_, V))
    return out

if __name__ == "__main__":
    import jax
    _d = setup_inputs()
    print(jax.jit(kernel)(*tuple(_d.values())))

</pallas_src>

<mosaic_0001>
#map = affine_map<(d0, d1) -> (0, 0)>
#map1 = affine_map<(d0, d1) -> (0, 0, 0)>
module attributes {stable_mosaic.version = 14 : i64} {
  func.func @_bcast(%arg0: i32, %arg1: i32, %arg2: memref<1x1000xf32, #tpu.memory_space<hbm>>, %arg3: memref<21x1024x1000xf32, #tpu.memory_space<hbm>>, %arg4: memref<32x1000xf32, #tpu.memory_space<vmem>>, %arg5: memref<!tpu.dma_semaphore, #tpu.memory_space<semaphore_mem>>, %arg6: memref<!tpu.dma_semaphore, #tpu.memory_space<semaphore_mem>>) attributes {dimension_semantics = [#tpu.dimension_semantics<core_parallel>, #tpu.dimension_semantics<subcore_parallel>], iteration_bounds = array<i64: 2, 16>, scalar_prefetch = 0 : i64, scratch_operands = 3 : i64, tpu.core_type = #tpu.core_type<sc_vector_subcore>, window_params = [{transform_indices = #map}, {transform_indices = #map1}]} {
    %mul3A = arith.constant 2 : i32
    %mul3A_0 = arith.muli %arg1, %mul3A : i32
    %add3A = arith.addi %mul3A_0, %arg0 : i32
    %mul3A_1 = arith.constant 32 : i32
    %mul3A_2 = arith.muli %add3A, %mul3A_1 : i32
    %dma_start3A = arith.constant 0 : i32
    %dma_start3A_3 = arith.constant 0 : i32
    %dma_start3A_4 = tpu.memref_slice %arg4[%dma_start3A, %dma_start3A_3] : memref<32x1000xf32, #tpu.memory_space<vmem>> -> memref<1x1000xf32, #tpu.memory_space<vmem>>
    %dma_start3A_5 = arith.constant 0 : i32
    %dma_start3A_6 = arith.constant 0 : i32
    %dma_start3A_7 = tpu.memref_slice %arg4[%dma_start3A_5, %dma_start3A_6] : memref<32x1000xf32, #tpu.memory_space<vmem>> -> memref<1x1000xf32, #tpu.memory_space<vmem>>
    tpu.enqueue_dma source(%arg2 : memref<1x1000xf32, #tpu.memory_space<hbm>>) target(%dma_start3A_7 : memref<1x1000xf32, #tpu.memory_space<vmem>>) target_semaphore(%arg5 : memref<!tpu.dma_semaphore, #tpu.memory_space<semaphore_mem>>)
    %dma_start3A_8 = arith.constant 1 : i32
    %dma_start3A_9 = arith.constant 0 : i32
    %dma_start3A_10 = tpu.memref_slice %arg4[%dma_start3A_8, %dma_start3A_9] : memref<32x1000xf32, #tpu.memory_space<vmem>> -> memref<1x1000xf32, #tpu.memory_space<vmem>>
    %dma_start3A_11 = arith.constant 1 : i32
    %dma_start3A_12 = arith.constant 0 : i32
    %dma_start3A_13 = tpu.memref_slice %arg4[%dma_start3A_11, %dma_start3A_12] : memref<32x1000xf32, #tpu.memory_space<vmem>> -> memref<1x1000xf32, #tpu.memory_space<vmem>>
    tpu.enqueue_dma source(%arg2 : memref<1x1000xf32, #tpu.memory_space<hbm>>) target(%dma_start3A_13 : memref<1x1000xf32, #tpu.memory_space<vmem>>) target_semaphore(%arg5 : memref<!tpu.dma_semaphore, #tpu.memory_space<semaphore_mem>>)
    %dma_start3A_14 = arith.constant 2 : i32
    %dma_start3A_15 = arith.constant 0 : i32
    %dma_start3A_16 = tpu.memref_slice %arg4[%dma_start3A_14, %dma_start3A_15] : memref<32x1000xf32, #tpu.memory_space<vmem>> -> memref<1x1000xf32, #tpu.memory_space<vmem>>
    %dma_start3A_17 = arith.constant 2 : i32
    %dma_start3A_18 = arith.constant 0 : i32
    %dma_start3A_19 = tpu.memref_slice %arg4[%dma_start3A_17, %dma_start3A_18] : memref<32x1000xf32, #tpu.memory_space<vmem>> -> memref<1x1000xf32, #tpu.memory_space<vmem>>
    tpu.enqueue_dma source(%arg2 : memref<1x1000xf32, #tpu.memory_space<hbm>>) target(%dma_start3A_19 : memref<1x1000xf32, #tpu.memory_space<vmem>>) target_semaphore(%arg5 : memref<!tpu.dma_semaphore, #tpu.memory_space<semaphore_mem>>)
    %dma_start3A_20 = arith.constant 3 : i32
    %dma_start3A_21 = arith.constant 0 : i32
    %dma_start3A_22 = tpu.memref_slice %arg4[%dma_start3A_20, %dma_start3A_21] : memref<32x1000xf32, #tpu.memory_space<vmem>> -> memref<1x1000xf32, #tpu.memory_space<vmem>>
    %dma_start3A_23 = arith.constant 3 : i32
    %dma_start3A_24 = arith.constant 0 : i32
    %dma_start3A_25 = tpu.memref_slice %arg4[%dma_start3A_23, %dma_start3A_24] : memref<32x1000xf32, #tpu.memory_space<vmem>> -> memref<1x1000xf32, #tpu.memory_space<vmem>>
    tpu.enqueue_dma source(%arg2 : memref<1x1000xf32, #tpu.memory_space<hbm>>) target(%dma_start3A_25 : memref<1x1000xf32, #tpu.memory_space<vmem>>) target_semaphore(%arg5 : memref<!tpu.dma_semaphore, #tpu.memory_space<semaphore_mem>>)
    %dma_start3A_26 = arith.constant 4 : i32
    %dma_start3A_27 = arith.constant 0 : i32
    %dma_start3A_28 = tpu.memref_slice %arg4[%dma_start3A_26, %dma_start3A_27] : memref<32x1000xf32, #tpu.memory_space<vmem>> -> memref<1x1000xf32, #tpu.memory_space<vmem>>
    %dma_start3A_29 = arith.constant 4 : i32
    %dma_start3A_30 = arith.constant 0 : i32
    %dma_start3A_31 = tpu.memref_slice %arg4[%dma_start3A_29, %dma_start3A_30] : memref<32x1000xf32, #tpu.memory_space<vmem>> -> memref<1x1000xf32, #tpu.memory_space<vmem>>
    tpu.enqueue_dma source(%arg2 : memref<1x1000xf32, #tpu.memory_space<hbm>>) target(%dma_start3A_31 : memref<1x1000xf32, #tpu.memory_space<vmem>>) target_semaphore(%arg5 : memref<!tpu.dma_semaphore, #tpu.memory_space<semaphore_mem>>)
    %dma_start3A_32 = arith.constant 5 : i32
    %dma_start3A_33 = arith.constant 0 : i32
    %dma_start3A_34 = tpu.memref_slice %arg4[%dma_start3A_32, %dma_start3A_33] : memref<32x1000xf32, #tpu.memory_space<vmem>> -> memref<1x1000xf32, #tpu.memory_space<vmem>>
    %dma_start3A_35 = arith.constant 5 : i32
    %dma_start3A_36 = arith.constant 0 : i32
    %dma_start3A_37 = tpu.memref_slice %arg4[%dma_start3A_35, %dma_start3A_36] : memref<32x1000xf32, #tpu.memory_space<vmem>> -> memref<1x1000xf32, #tpu.memory_space<vmem>>
    tpu.enqueue_dma source(%arg2 : memref<1x1000xf32, #tpu.memory_space<hbm>>) target(%dma_start3A_37 : memref<1x1000xf32, #tpu.memory_space<vmem>>) target_semaphore(%arg5 : memref<!tpu.dma_semaphore, #tpu.memory_space<semaphore_mem>>)
    %dma_start3A_38 = arith.constant 6 : i32
    %dma_start3A_39 = arith.constant 0 : i32
    %dma_start3A_40 = tpu.memref_slice %arg4[%dma_start3A_38, %dma_start3A_39] : memref<32x1000xf32, #tpu.memory_space<vmem>> -> memref<1x1000xf32, #tpu.memory_space<vmem>>
    %dma_start3A_41 = arith.constant 6 : i32
    %dma_start3A_42 = arith.constant 0 : i32
    %dma_start3A_43 = tpu.memref_slice %arg4[%dma_start3A_41, %dma_start3A_42] : memref<32x1000xf32, #tpu.memory_space<vmem>> -> memref<1x1000xf32, #tpu.memory_space<vmem>>
    tpu.enqueue_dma source(%arg2 : memref<1x1000xf32, #tpu.memory_space<hbm>>) target(%dma_start3A_43 : memref<1x1000xf32, #tpu.memory_space<vmem>>) target_semaphore(%arg5 : memref<!tpu.dma_semaphore, #tpu.memory_space<semaphore_mem>>)
    %dma_start3A_44 = arith.constant 7 : i32
    %dma_start3A_45 = arith.constant 0 : i32
    %dma_start3A_46 = tpu.memref_slice %arg4[%dma_start3A_44, %dma_start3A_45] : memref<32x1000xf32, #tpu.memory_space<vmem>> -> memref<1x1000xf32, #tpu.memory_space<vmem>>
    %dma_start3A_47 = arith.constant 7 : i32
    %dma_start3A_48 = arith.constant 0 : i32
    %dma_start3A_49 = tpu.memref_slice %arg4[%dma_start3A_47, %dma_start3A_48] : memref<32x1000xf32, #tpu.memory_space<vmem>> -> memref<1x1000xf32, #tpu.memory_space<vmem>>
    tpu.enqueue_dma source(%arg2 : memref<1x1000xf32, #tpu.memory_space<hbm>>) target(%dma_start3A_49 : memref<1x1000xf32, #tpu.memory_space<vmem>>) target_semaphore(%arg5 : memref<!tpu.dma_semaphore, #tpu.memory_space<semaphore_mem>>)
    %dma_start3A_50 = arith.constant 8 : i32
    %dma_start3A_51 = arith.constant 0 : i32
    %dma_start3A_52 = tpu.memref_slice %arg4[%dma_start3A_50, %dma_start3A_51] : memref<32x1000xf32, #tpu.memory_space<vmem>> -> memref<1x1000xf32, #tpu.memory_space<vmem>>
    %dma_start3A_53 = arith.constant 8 : i32
    %dma_start3A_54 = arith.constant 0 : i32
    %dma_start3A_55 = tpu.memref_slice %arg4[%dma_start3A_53, %dma_start3A_54] : memref<32x1000xf32, #tpu.memory_space<vmem>> -> memref<1x1000xf32, #tpu.memory_space<vmem>>
    tpu.enqueue_dma source(%arg2 : memref<1x1000xf32, #tpu.memory_space<hbm>>) target(%dma_start3A_55 : memref<1x1000xf32, #tpu.memory_space<vmem>>) target_semaphore(%arg5 : memref<!tpu.dma_semaphore, #tpu.memory_space<semaphore_mem>>)
    %dma_start3A_56 = arith.constant 9 : i32
    %dma_start3A_57 = arith.constant 0 : i32
    %dma_start3A_58 = tpu.memref_slice %arg4[%dma_start3A_56, %dma_start3A_57] : memref<32x1000xf32, #tpu.memory_space<vmem>> -> memref<1x1000xf32, #tpu.memory_space<vmem>>
    %dma_start3A_59 = arith.constant 9 : i32
    %dma_start3A_60 = arith.constant 0 : i32
    %dma_start3A_61 = tpu.memref_slice %arg4[%dma_start3A_59, %dma_start3A_60] : memref<32x1000xf32, #tpu.memory_space<vmem>> -> memref<1x1000xf32, #tpu.memory_space<vmem>>
    tpu.enqueue_dma source(%arg2 : memref<1x1000xf32, #tpu.memory_space<hbm>>) target(%dma_start3A_61 : memref<1x1000xf32, #tpu.memory_space<vmem>>) target_semaphore(%arg5 : memref<!tpu.dma_semaphore, #tpu.memory_space<semaphore_mem>>)
    %dma_start3A_62 = arith.constant 10 : i32
    %dma_start3A_63 = arith.constant 0 : i32
    %dma_start3A_64 = tpu.memref_slice %arg4[%dma_start3A_62, %dma_start3A_63] : memref<32x1000xf32, #tpu.memory_space<vmem>> -> memref<1x1000xf32, #tpu.memory_space<vmem>>
    %dma_start3A_65 = arith.constant 10 : i32
    %dma_start3A_66 = arith.constant 0 : i32
    %dma_start3A_67 = tpu.memref_slice %arg4[%dma_start3A_65, %dma_start3A_66] : memref<32x1000xf32, #tpu.memory_space<vmem>> -> memref<1x1000xf32, #tpu.memory_space<vmem>>
    tpu.enqueue_dma source(%arg2 : memref<1x1000xf32, #tpu.memory_space<hbm>>) target(%dma_start3A_67 : memref<1x1000xf32, #tpu.memory_space<vmem>>) target_semaphore(%arg5 : memref<!tpu.dma_semaphore, #tpu.memory_space<semaphore_mem>>)
    %dma_start3A_68 = arith.constant 11 : i32
    %dma_start3A_69 = arith.constant 0 : i32
    %dma_start3A_70 = tpu.memref_slice %arg4[%dma_start3A_68, %dma_start3A_69] : memref<32x1000xf32, #tpu.memory_space<vmem>> -> memref<1x1000xf32, #tpu.memory_space<vmem>>
    %dma_start3A_71 = arith.constant 11 : i32
    %dma_start3A_72 = arith.constant 0 : i32
    %dma_start3A_73 = tpu.memref_slice %arg4[%dma_start3A_71, %dma_start3A_72] : memref<32x1000xf32, #tpu.memory_space<vmem>> -> memref<1x1000xf32, #tpu.memory_space<vmem>>
    tpu.enqueue_dma source(%arg2 : memref<1x1000xf32, #tpu.memory_space<hbm>>) target(%dma_start3A_73 : memref<1x1000xf32, #tpu.memory_space<vmem>>) target_semaphore(%arg5 : memref<!tpu.dma_semaphore, #tpu.memory_space<semaphore_mem>>)
    %dma_start3A_74 = arith.constant 12 : i32
    %dma_start3A_75 = arith.constant 0 : i32
    %dma_start3A_76 = tpu.memref_slice %arg4[%dma_start3A_74, %dma_start3A_75] : memref<32x1000xf32, #tpu.memory_space<vmem>> -> memref<1x1000xf32, #tpu.memory_space<vmem>>
    %dma_start3A_77 = arith.constant 12 : i32
    %dma_start3A_78 = arith.constant 0 : i32
    %dma_start3A_79 = tpu.memref_slice %arg4[%dma_start3A_77, %dma_start3A_78] : memref<32x1000xf32, #tpu.memory_space<vmem>> -> memref<1x1000xf32, #tpu.memory_space<vmem>>
    tpu.enqueue_dma source(%arg2 : memref<1x1000xf32, #tpu.memory_space<hbm>>) target(%dma_start3A_79 : memref<1x1000xf32, #tpu.memory_space<vmem>>) target_semaphore(%arg5 : memref<!tpu.dma_semaphore, #tpu.memory_space<semaphore_mem>>)
    %dma_start3A_80 = arith.constant 13 : i32
    %dma_start3A_81 = arith.constant 0 : i32
    %dma_start3A_82 = tpu.memref_slice %arg4[%dma_start3A_80, %dma_start3A_81] : memref<32x1000xf32, #tpu.memory_space<vmem>> -> memref<1x1000xf32, #tpu.memory_space<vmem>>
    %dma_start3A_83 = arith.constant 13 : i32
    %dma_start3A_84 = arith.constant 0 : i32
    %dma_start3A_85 = tpu.memref_slice %arg4[%dma_start3A_83, %dma_start3A_84] : memref<32x1000xf32, #tpu.memory_space<vmem>> -> memref<1x1000xf32, #tpu.memory_space<vmem>>
    tpu.enqueue_dma source(%arg2 : memref<1x1000xf32, #tpu.memory_space<hbm>>) target(%dma_start3A_85 : memref<1x1000xf32, #tpu.memory_space<vmem>>) target_semaphore(%arg5 : memref<!tpu.dma_semaphore, #tpu.memory_space<semaphore_mem>>)
    %dma_start3A_86 = arith.constant 14 : i32
    %dma_start3A_87 = arith.constant 0 : i32
    %dma_start3A_88 = tpu.memref_slice %arg4[%dma_start3A_86, %dma_start3A_87] : memref<32x1000xf32, #tpu.memory_space<vmem>> -> memref<1x1000xf32, #tpu.memory_space<vmem>>
    %dma_start3A_89 = arith.constant 14 : i32
    %dma_start3A_90 = arith.constant 0 : i32
    %dma_start3A_91 = tpu.memref_slice %arg4[%dma_start3A_89, %dma_start3A_90] : memref<32x1000xf32, #tpu.memory_space<vmem>> -> memref<1x1000xf32, #tpu.memory_space<vmem>>
    tpu.enqueue_dma source(%arg2 : memref<1x1000xf32, #tpu.memory_space<hbm>>) target(%dma_start3A_91 : memref<1x1000xf32, #tpu.memory_space<vmem>>) target_semaphore(%arg5 : memref<!tpu.dma_semaphore, #tpu.memory_space<semaphore_mem>>)
    %dma_start3A_92 = arith.constant 15 : i32
    %dma_start3A_93 = arith.constant 0 : i32
    %dma_start3A_94 = tpu.memref_slice %arg4[%dma_start3A_92, %dma_start3A_93] : memref<32x1000xf32, #tpu.memory_space<vmem>> -> memref<1x1000xf32, #tpu.memory_space<vmem>>
    %dma_start3A_95 = arith.constant 15 : i32
    %dma_start3A_96 = arith.constant 0 : i32
    %dma_start3A_97 = tpu.memref_slice %arg4[%dma_start3A_95, %dma_start3A_96] : memref<32x1000xf32, #tpu.memory_space<vmem>> -> memref<1x1000xf32, #tpu.memory_space<vmem>>
    tpu.enqueue_dma source(%arg2 : memref<1x1000xf32, #tpu.memory_space<hbm>>) target(%dma_start3A_97 : memref<1x1000xf32, #tpu.memory_space<vmem>>) target_semaphore(%arg5 : memref<!tpu.dma_semaphore, #tpu.memory_space<semaphore_mem>>)
    %dma_start3A_98 = arith.constant 16 : i32
    %dma_start3A_99 = arith.constant 0 : i32
    %dma_start3A_100 = tpu.memref_slice %arg4[%dma_start3A_98, %dma_start3A_99] : memref<32x1000xf32, #tpu.memory_space<vmem>> -> memref<1x1000xf32, #tpu.memory_space<vmem>>
    %dma_start3A_101 = arith.constant 16 : i32
    %dma_start3A_102 = arith.constant 0 : i32
    %dma_start3A_103 = tpu.memref_slice %arg4[%dma_start3A_101, %dma_start3A_102] : memref<32x1000xf32, #tpu.memory_space<vmem>> -> memref<1x1000xf32, #tpu.memory_space<vmem>>
    tpu.enqueue_dma source(%arg2 : memref<1x1000xf32, #tpu.memory_space<hbm>>) target(%dma_start3A_103 : memref<1x1000xf32, #tpu.memory_space<vmem>>) target_semaphore(%arg5 : memref<!tpu.dma_semaphore, #tpu.memory_space<semaphore_mem>>)
    %dma_start3A_104 = arith.constant 17 : i32
    %dma_start3A_105 = arith.constant 0 : i32
    %dma_start3A_106 = tpu.memref_slice %arg4[%dma_start3A_104, %dma_start3A_105] : memref<32x1000xf32, #tpu.memory_space<vmem>> -> memref<1x1000xf32, #tpu.memory_space<vmem>>
    %dma_start3A_107 = arith.constant 17 : i32
    %dma_start3A_108 = arith.constant 0 : i32
    %dma_start3A_109 = tpu.memref_slice %arg4[%dma_start3A_107, %dma_start3A_108] : memref<32x1000xf32, #tpu.memory_space<vmem>> -> memref<1x1000xf32, #tpu.memory_space<vmem>>
    tpu.enqueue_dma source(%arg2 : memref<1x1000xf32, #tpu.memory_space<hbm>>) target(%dma_start3A_109 : memref<1x1000xf32, #tpu.memory_space<vmem>>) target_semaphore(%arg5 : memref<!tpu.dma_semaphore, #tpu.memory_space<semaphore_mem>>)
    %dma_start3A_110 = arith.constant 18 : i32
    %dma_start3A_111 = arith.constant 0 : i32
    %dma_start3A_112 = tpu.memref_slice %arg4[%dma_start3A_110, %dma_start3A_111] : memref<32x1000xf32, #tpu.memory_space<vmem>> -> memref<1x1000xf32, #tpu.memory_space<vmem>>
    %dma_start3A_113 = arith.constant 18 : i32
    %dma_start3A_114 = arith.constant 0 : i32
    %dma_start3A_115 = tpu.memref_slice %arg4[%dma_start3A_113, %dma_start3A_114] : memref<32x1000xf32, #tpu.memory_space<vmem>> -> memref<1x1000xf32, #tpu.memory_space<vmem>>
    tpu.enqueue_dma source(%arg2 : memref<1x1000xf32, #tpu.memory_space<hbm>>) target(%dma_start3A_115 : memref<1x1000xf32, #tpu.memory_space<vmem>>) target_semaphore(%arg5 : memref<!tpu.dma_semaphore, #tpu.memory_space<semaphore_mem>>)
    %dma_start3A_116 = arith.constant 19 : i32
    %dma_start3A_117 = arith.constant 0 : i32
    %dma_start3A_118 = tpu.memref_slice %arg4[%dma_start3A_116, %dma_start3A_117] : memref<32x1000xf32, #tpu.memory_space<vmem>> -> memref<1x1000xf32, #tpu.memory_space<vmem>>
    %dma_start3A_119 = arith.constant 19 : i32
    %dma_start3A_120 = arith.constant 0 : i32
    %dma_start3A_121 = tpu.memref_slice %arg4[%dma_start3A_119, %dma_start3A_120] : memref<32x1000xf32, #tpu.memory_space<vmem>> -> memref<1x1000xf32, #tpu.memory_space<vmem>>
    tpu.enqueue_dma source(%arg2 : memref<1x1000xf32, #tpu.memory_space<hbm>>) target(%dma_start3A_121 : memref<1x1000xf32, #tpu.memory_space<vmem>>) target_semaphore(%arg5 : memref<!tpu.dma_semaphore, #tpu.memory_space<semaphore_mem>>)
    %dma_start3A_122 = arith.constant 20 : i32
    %dma_start3A_123 = arith.constant 0 : i32
    %dma_start3A_124 = tpu.memref_slice %arg4[%dma_start3A_122, %dma_start3A_123] : memref<32x1000xf32, #tpu.memory_space<vmem>> -> memref<1x1000xf32, #tpu.memory_space<vmem>>
    %dma_start3A_125 = arith.constant 20 : i32
    %dma_start3A_126 = arith.constant 0 : i32
    %dma_start3A_127 = tpu.memref_slice %arg4[%dma_start3A_125, %dma_start3A_126] : memref<32x1000xf32, #tpu.memory_space<vmem>> -> memref<1x1000xf32, #tpu.memory_space<vmem>>
    tpu.enqueue_dma source(%arg2 : memref<1x1000xf32, #tpu.memory_space<hbm>>) target(%dma_start3A_127 : memref<1x1000xf32, #tpu.memory_space<vmem>>) target_semaphore(%arg5 : memref<!tpu.dma_semaphore, #tpu.memory_space<semaphore_mem>>)
    %dma_start3A_128 = arith.constant 21 : i32
    %dma_start3A_129 = arith.constant 0 : i32
    %dma_start3A_130 = tpu.memref_slice %arg4[%dma_start3A_128, %dma_start3A_129] : memref<32x1000xf32, #tpu.memory_space<vmem>> -> memref<1x1000xf32, #tpu.memory_space<vmem>>
    %dma_start3A_131 = arith.constant 21 : i32
    %dma_start3A_132 = arith.constant 0 : i32
    %dma_start3A_133 = tpu.memref_slice %arg4[%dma_start3A_131, %dma_start3A_132] : memref<32x1000xf32, #tpu.memory_space<vmem>> -> memref<1x1000xf32, #tpu.memory_space<vmem>>
    tpu.enqueue_dma source(%arg2 : memref<1x1000xf32, #tpu.memory_space<hbm>>) target(%dma_start3A_133 : memref<1x1000xf32, #tpu.memory_space<vmem>>) target_semaphore(%arg5 : memref<!tpu.dma_semaphore, #tpu.memory_space<semaphore_mem>>)
    %dma_start3A_134 = arith.constant 22 : i32
    %dma_start3A_135 = arith.constant 0 : i32
    %dma_start3A_136 = tpu.memref_slice %arg4[%dma_start3A_134, %dma_start3A_135] : memref<32x1000xf32, #tpu.memory_space<vmem>> -> memref<1x1000xf32, #tpu.memory_space<vmem>>
    %dma_start3A_137 = arith.constant 22 : i32
    %dma_start3A_138 = arith.constant 0 : i32
    %dma_start3A_139 = tpu.memref_slice %arg4[%dma_start3A_137, %dma_start3A_138] : memref<32x1000xf32, #tpu.memory_space<vmem>> -> memref<1x1000xf32, #tpu.memory_space<vmem>>
    tpu.enqueue_dma source(%arg2 : memref<1x1000xf32, #tpu.memory_space<hbm>>) target(%dma_start3A_139 : memref<1x1000xf32, #tpu.memory_space<vmem>>) target_semaphore(%arg5 : memref<!tpu.dma_semaphore, #tpu.memory_space<semaphore_mem>>)
    %dma_start3A_140 = arith.constant 23 : i32
    %dma_start3A_141 = arith.constant 0 : i32
    %dma_start3A_142 = tpu.memref_slice %arg4[%dma_start3A_140, %dma_start3A_141] : memref<32x1000xf32, #tpu.memory_space<vmem>> -> memref<1x1000xf32, #tpu.memory_space<vmem>>
    %dma_start3A_143 = arith.constant 23 : i32
    %dma_start3A_144 = arith.constant 0 : i32
    %dma_start3A_145 = tpu.memref_slice %arg4[%dma_start3A_143, %dma_start3A_144] : memref<32x1000xf32, #tpu.memory_space<vmem>> -> memref<1x1000xf32, #tpu.memory_space<vmem>>
    tpu.enqueue_dma source(%arg2 : memref<1x1000xf32, #tpu.memory_space<hbm>>) target(%dma_start3A_145 : memref<1x1000xf32, #tpu.memory_space<vmem>>) target_semaphore(%arg5 : memref<!tpu.dma_semaphore, #tpu.memory_space<semaphore_mem>>)
    %dma_start3A_146 = arith.constant 24 : i32
    %dma_start3A_147 = arith.constant 0 : i32
    %dma_start3A_148 = tpu.memref_slice %arg4[%dma_start3A_146, %dma_start3A_147] : memref<32x1000xf32, #tpu.memory_space<vmem>> -> memref<1x1000xf32, #tpu.memory_space<vmem>>
    %dma_start3A_149 = arith.constant 24 : i32
    %dma_start3A_150 = arith.constant 0 : i32
    %dma_start3A_151 = tpu.memref_slice %arg4[%dma_start3A_149, %dma_start3A_150] : memref<32x1000xf32, #tpu.memory_space<vmem>> -> memref<1x1000xf32, #tpu.memory_space<vmem>>
    tpu.enqueue_dma source(%arg2 : memref<1x1000xf32, #tpu.memory_space<hbm>>) target(%dma_start3A_151 : memref<1x1000xf32, #tpu.memory_space<vmem>>) target_semaphore(%arg5 : memref<!tpu.dma_semaphore, #tpu.memory_space<semaphore_mem>>)
    %dma_start3A_152 = arith.constant 25 : i32
    %dma_start3A_153 = arith.constant 0 : i32
    %dma_start3A_154 = tpu.memref_slice %arg4[%dma_start3A_152, %dma_start3A_153] : memref<32x1000xf32, #tpu.memory_space<vmem>> -> memref<1x1000xf32, #tpu.memory_space<vmem>>
    %dma_start3A_155 = arith.constant 25 : i32
    %dma_start3A_156 = arith.constant 0 : i32
    %dma_start3A_157 = tpu.memref_slice %arg4[%dma_start3A_155, %dma_start3A_156] : memref<32x1000xf32, #tpu.memory_space<vmem>> -> memref<1x1000xf32, #tpu.memory_space<vmem>>
    tpu.enqueue_dma source(%arg2 : memref<1x1000xf32, #tpu.memory_space<hbm>>) target(%dma_start3A_157 : memref<1x1000xf32, #tpu.memory_space<vmem>>) target_semaphore(%arg5 : memref<!tpu.dma_semaphore, #tpu.memory_space<semaphore_mem>>)
    %dma_start3A_158 = arith.constant 26 : i32
    %dma_start3A_159 = arith.constant 0 : i32
    %dma_start3A_160 = tpu.memref_slice %arg4[%dma_start3A_158, %dma_start3A_159] : memref<32x1000xf32, #tpu.memory_space<vmem>> -> memref<1x1000xf32, #tpu.memory_space<vmem>>
    %dma_start3A_161 = arith.constant 26 : i32
    %dma_start3A_162 = arith.constant 0 : i32
    %dma_start3A_163 = tpu.memref_slice %arg4[%dma_start3A_161, %dma_start3A_162] : memref<32x1000xf32, #tpu.memory_space<vmem>> -> memref<1x1000xf32, #tpu.memory_space<vmem>>
    tpu.enqueue_dma source(%arg2 : memref<1x1000xf32, #tpu.memory_space<hbm>>) target(%dma_start3A_163 : memref<1x1000xf32, #tpu.memory_space<vmem>>) target_semaphore(%arg5 : memref<!tpu.dma_semaphore, #tpu.memory_space<semaphore_mem>>)
    %dma_start3A_164 = arith.constant 27 : i32
    %dma_start3A_165 = arith.constant 0 : i32
    %dma_start3A_166 = tpu.memref_slice %arg4[%dma_start3A_164, %dma_start3A_165] : memref<32x1000xf32, #tpu.memory_space<vmem>> -> memref<1x1000xf32, #tpu.memory_space<vmem>>
    %dma_start3A_167 = arith.constant 27 : i32
    %dma_start3A_168 = arith.constant 0 : i32
    %dma_start3A_169 = tpu.memref_slice %arg4[%dma_start3A_167, %dma_start3A_168] : memref<32x1000xf32, #tpu.memory_space<vmem>> -> memref<1x1000xf32, #tpu.memory_space<vmem>>
    tpu.enqueue_dma source(%arg2 : memref<1x1000xf32, #tpu.memory_space<hbm>>) target(%dma_start3A_169 : memref<1x1000xf32, #tpu.memory_space<vmem>>) target_semaphore(%arg5 : memref<!tpu.dma_semaphore, #tpu.memory_space<semaphore_mem>>)
    %dma_start3A_170 = arith.constant 28 : i32
    %dma_start3A_171 = arith.constant 0 : i32
    %dma_start3A_172 = tpu.memref_slice %arg4[%dma_start3A_170, %dma_start3A_171] : memref<32x1000xf32, #tpu.memory_space<vmem>> -> memref<1x1000xf32, #tpu.memory_space<vmem>>
    %dma_start3A_173 = arith.constant 28 : i32
    %dma_start3A_174 = arith.constant 0 : i32
    %dma_start3A_175 = tpu.memref_slice %arg4[%dma_start3A_173, %dma_start3A_174] : memref<32x1000xf32, #tpu.memory_space<vmem>> -> memref<1x1000xf32, #tpu.memory_space<vmem>>
    tpu.enqueue_dma source(%arg2 : memref<1x1000xf32, #tpu.memory_space<hbm>>) target(%dma_start3A_175 : memref<1x1000xf32, #tpu.memory_space<vmem>>) target_semaphore(%arg5 : memref<!tpu.dma_semaphore, #tpu.memory_space<semaphore_mem>>)
    %dma_start3A_176 = arith.constant 29 : i32
    %dma_start3A_177 = arith.constant 0 : i32
    %dma_start3A_178 = tpu.memref_slice %arg4[%dma_start3A_176, %dma_start3A_177] : memref<32x1000xf32, #tpu.memory_space<vmem>> -> memref<1x1000xf32, #tpu.memory_space<vmem>>
    %dma_start3A_179 = arith.constant 29 : i32
    %dma_start3A_180 = arith.constant 0 : i32
    %dma_start3A_181 = tpu.memref_slice %arg4[%dma_start3A_179, %dma_start3A_180] : memref<32x1000xf32, #tpu.memory_space<vmem>> -> memref<1x1000xf32, #tpu.memory_space<vmem>>
    tpu.enqueue_dma source(%arg2 : memref<1x1000xf32, #tpu.memory_space<hbm>>) target(%dma_start3A_181 : memref<1x1000xf32, #tpu.memory_space<vmem>>) target_semaphore(%arg5 : memref<!tpu.dma_semaphore, #tpu.memory_space<semaphore_mem>>)
    %dma_start3A_182 = arith.constant 30 : i32
    %dma_start3A_183 = arith.constant 0 : i32
    %dma_start3A_184 = tpu.memref_slice %arg4[%dma_start3A_182, %dma_start3A_183] : memref<32x1000xf32, #tpu.memory_space<vmem>> -> memref<1x1000xf32, #tpu.memory_space<vmem>>
    %dma_start3A_185 = arith.constant 30 : i32
    %dma_start3A_186 = arith.constant 0 : i32
    %dma_start3A_187 = tpu.memref_slice %arg4[%dma_start3A_185, %dma_start3A_186] : memref<32x1000xf32, #tpu.memory_space<vmem>> -> memref<1x1000xf32, #tpu.memory_space<vmem>>
    tpu.enqueue_dma source(%arg2 : memref<1x1000xf32, #tpu.memory_space<hbm>>) target(%dma_start3A_187 : memref<1x1000xf32, #tpu.memory_space<vmem>>) target_semaphore(%arg5 : memref<!tpu.dma_semaphore, #tpu.memory_space<semaphore_mem>>)
    %dma_start3A_188 = arith.constant 31 : i32
    %dma_start3A_189 = arith.constant 0 : i32
    %dma_start3A_190 = tpu.memref_slice %arg4[%dma_start3A_188, %dma_start3A_189] : memref<32x1000xf32, #tpu.memory_space<vmem>> -> memref<1x1000xf32, #tpu.memory_space<vmem>>
    %dma_start3A_191 = arith.constant 31 : i32
    %dma_start3A_192 = arith.constant 0 : i32
    %dma_start3A_193 = tpu.memref_slice %arg4[%dma_start3A_191, %dma_start3A_192] : memref<32x1000xf32, #tpu.memory_space<vmem>> -> memref<1x1000xf32, #tpu.memory_space<vmem>>
    tpu.enqueue_dma source(%arg2 : memref<1x1000xf32, #tpu.memory_space<hbm>>) target(%dma_start3A_193 : memref<1x1000xf32, #tpu.memory_space<vmem>>) target_semaphore(%arg5 : memref<!tpu.dma_semaphore, #tpu.memory_space<semaphore_mem>>)
    %dma_wait3A = arith.constant 0 : i32
    %dma_wait3A_194 = arith.constant 0 : i32
    %dma_wait3A_195 = tpu.memref_slice %arg4[%dma_wait3A, %dma_wait3A_194] : memref<32x1000xf32, #tpu.memory_space<vmem>> -> memref<1x1000xf32, #tpu.memory_space<vmem>>
    %dma_wait3A_196 = arith.constant 0 : i32
    %dma_wait3A_197 = arith.constant 0 : i32
    %dma_wait3A_198 = tpu.memref_slice %arg4[%dma_wait3A_196, %dma_wait3A_197] : memref<32x1000xf32, #tpu.memory_space<vmem>> -> memref<1x1000xf32, #tpu.memory_space<vmem>>
    tpu.wait_dma2 semaphore(%arg5 : memref<!tpu.dma_semaphore, #tpu.memory_space<semaphore_mem>>) src(%arg2 : memref<1x1000xf32, #tpu.memory_space<hbm>>) dst(%dma_wait3A_198 : memref<1x1000xf32, #tpu.memory_space<vmem>>)
    %dma_wait3A_199 = arith.constant 1 : i32
    %dma_wait3A_200 = arith.constant 0 : i32
    %dma_wait3A_201 = tpu.memref_slice %arg4[%dma_wait3A_199, %dma_wait3A_200] : memref<32x1000xf32, #tpu.memory_space<vmem>> -> memref<1x1000xf32, #tpu.memory_space<vmem>>
    %dma_wait3A_202 = arith.constant 1 : i32
    %dma_wait3A_203 = arith.constant 0 : i32
    %dma_wait3A_204 = tpu.memref_slice %arg4[%dma_wait3A_202, %dma_wait3A_203] : memref<32x1000xf32, #tpu.memory_space<vmem>> -> memref<1x1000xf32, #tpu.memory_space<vmem>>
    tpu.wait_dma2 semaphore(%arg5 : memref<!tpu.dma_semaphore, #tpu.memory_space<semaphore_mem>>) src(%arg2 : memref<1x1000xf32, #tpu.memory_space<hbm>>) dst(%dma_wait3A_204 : memref<1x1000xf32, #tpu.memory_space<vmem>>)
    %dma_wait3A_205 = arith.constant 2 : i32
    %dma_wait3A_206 = arith.constant 0 : i32
    %dma_wait3A_207 = tpu.memref_slice %arg4[%dma_wait3A_205, %dma_wait3A_206] : memref<32x1000xf32, #tpu.memory_space<vmem>> -> memref<1x1000xf32, #tpu.memory_space<vmem>>
    %dma_wait3A_208 = arith.constant 2 : i32
    %dma_wait3A_209 = arith.constant 0 : i32
    %dma_wait3A_210 = tpu.memref_slice %arg4[%dma_wait3A_208, %dma_wait3A_209] : memref<32x1000xf32, #tpu.memory_space<vmem>> -> memref<1x1000xf32, #tpu.memory_space<vmem>>
    tpu.wait_dma2 semaphore(%arg5 : memref<!tpu.dma_semaphore, #tpu.memory_space<semaphore_mem>>) src(%arg2 : memref<1x1000xf32, #tpu.memory_space<hbm>>) dst(%dma_wait3A_210 : memref<1x1000xf32, #tpu.memory_space<vmem>>)
    %dma_wait3A_211 = arith.constant 3 : i32
    %dma_wait3A_212 = arith.constant 0 : i32
    %dma_wait3A_213 = tpu.memref_slice %arg4[%dma_wait3A_211, %dma_wait3A_212] : memref<32x1000xf32, #tpu.memory_space<vmem>> -> memref<1x1000xf32, #tpu.memory_space<vmem>>
    %dma_wait3A_214 = arith.constant 3 : i32
    %dma_wait3A_215 = arith.constant 0 : i32
    %dma_wait3A_216 = tpu.memref_slice %arg4[%dma_wait3A_214, %dma_wait3A_215] : memref<32x1000xf32, #tpu.memory_space<vmem>> -> memref<1x1000xf32, #tpu.memory_space<vmem>>
    tpu.wait_dma2 semaphore(%arg5 : memref<!tpu.dma_semaphore, #tpu.memory_space<semaphore_mem>>) src(%arg2 : memref<1x1000xf32, #tpu.memory_space<hbm>>) dst(%dma_wait3A_216 : memref<1x1000xf32, #tpu.memory_space<vmem>>)
    %dma_wait3A_217 = arith.constant 4 : i32
    %dma_wait3A_218 = arith.constant 0 : i32
    %dma_wait3A_219 = tpu.memref_slice %arg4[%dma_wait3A_217, %dma_wait3A_218] : memref<32x1000xf32, #tpu.memory_space<vmem>> -> memref<1x1000xf32, #tpu.memory_space<vmem>>
    %dma_wait3A_220 = arith.constant 4 : i32
    %dma_wait3A_221 = arith.constant 0 : i32
    %dma_wait3A_222 = tpu.memref_slice %arg4[%dma_wait3A_220, %dma_wait3A_221] : memref<32x1000xf32, #tpu.memory_space<vmem>> -> memref<1x1000xf32, #tpu.memory_space<vmem>>
    tpu.wait_dma2 semaphore(%arg5 : memref<!tpu.dma_semaphore, #tpu.memory_space<semaphore_mem>>) src(%arg2 : memref<1x1000xf32, #tpu.memory_space<hbm>>) dst(%dma_wait3A_222 : memref<1x1000xf32, #tpu.memory_space<vmem>>)
    %dma_wait3A_223 = arith.constant 5 : i32
    %dma_wait3A_224 = arith.constant 0 : i32
    %dma_wait3A_225 = tpu.memref_slice %arg4[%dma_wait3A_223, %dma_wait3A_224] : memref<32x1000xf32, #tpu.memory_space<vmem>> -> memref<1x1000xf32, #tpu.memory_space<vmem>>
    %dma_wait3A_226 = arith.constant 5 : i32
    %dma_wait3A_227 = arith.constant 0 : i32
    %dma_wait3A_228 = tpu.memref_slice %arg4[%dma_wait3A_226, %dma_wait3A_227] : memref<32x1000xf32, #tpu.memory_space<vmem>> -> memref<1x1000xf32, #tpu.memory_space<vmem>>
    tpu.wait_dma2 semaphore(%arg5 : memref<!tpu.dma_semaphore, #tpu.memory_space<semaphore_mem>>) src(%arg2 : memref<1x1000xf32, #tpu.memory_space<hbm>>) dst(%dma_wait3A_228 : memref<1x1000xf32, #tpu.memory_space<vmem>>)
    %dma_wait3A_229 = arith.constant 6 : i32
    %dma_wait3A_230 = arith.constant 0 : i32
    %dma_wait3A_231 = tpu.memref_slice %arg4[%dma_wait3A_229, %dma_wait3A_230] : memref<32x1000xf32, #tpu.memory_space<vmem>> -> memref<1x1000xf32, #tpu.memory_space<vmem>>
    %dma_wait3A_232 = arith.constant 6 : i32
    %dma_wait3A_233 = arith.constant 0 : i32
    %dma_wait3A_234 = tpu.memref_slice %arg4[%dma_wait3A_232, %dma_wait3A_233] : memref<32x1000xf32, #tpu.memory_space<vmem>> -> memref<1x1000xf32, #tpu.memory_space<vmem>>
    tpu.wait_dma2 semaphore(%arg5 : memref<!tpu.dma_semaphore, #tpu.memory_space<semaphore_mem>>) src(%arg2 : memref<1x1000xf32, #tpu.memory_space<hbm>>) dst(%dma_wait3A_234 : memref<1x1000xf32, #tpu.memory_space<vmem>>)
    %dma_wait3A_235 = arith.constant 7 : i32
    %dma_wait3A_236 = arith.constant 0 : i32
    %dma_wait3A_237 = tpu.memref_slice %arg4[%dma_wait3A_235, %dma_wait3A_236] : memref<32x1000xf32, #tpu.memory_space<vmem>> -> memref<1x1000xf32, #tpu.memory_space<vmem>>
    %dma_wait3A_238 = arith.constant 7 : i32
    %dma_wait3A_239 = arith.constant 0 : i32
    %dma_wait3A_240 = tpu.memref_slice %arg4[%dma_wait3A_238, %dma_wait3A_239] : memref<32x1000xf32, #tpu.memory_space<vmem>> -> memref<1x1000xf32, #tpu.memory_space<vmem>>
    tpu.wait_dma2 semaphore(%arg5 : memref<!tpu.dma_semaphore, #tpu.memory_space<semaphore_mem>>) src(%arg2 : memref<1x1000xf32, #tpu.memory_space<hbm>>) dst(%dma_wait3A_240 : memref<1x1000xf32, #tpu.memory_space<vmem>>)
    %dma_wait3A_241 = arith.constant 8 : i32
    %dma_wait3A_242 = arith.constant 0 : i32
    %dma_wait3A_243 = tpu.memref_slice %arg4[%dma_wait3A_241, %dma_wait3A_242] : memref<32x1000xf32, #tpu.memory_space<vmem>> -> memref<1x1000xf32, #tpu.memory_space<vmem>>
    %dma_wait3A_244 = arith.constant 8 : i32
    %dma_wait3A_245 = arith.constant 0 : i32
    %dma_wait3A_246 = tpu.memref_slice %arg4[%dma_wait3A_244, %dma_wait3A_245] : memref<32x1000xf32, #tpu.memory_space<vmem>> -> memref<1x1000xf32, #tpu.memory_space<vmem>>
    tpu.wait_dma2 semaphore(%arg5 : memref<!tpu.dma_semaphore, #tpu.memory_space<semaphore_mem>>) src(%arg2 : memref<1x1000xf32, #tpu.memory_space<hbm>>) dst(%dma_wait3A_246 : memref<1x1000xf32, #tpu.memory_space<vmem>>)
    %dma_wait3A_247 = arith.constant 9 : i32
    %dma_wait3A_248 = arith.constant 0 : i32
    %dma_wait3A_249 = tpu.memref_slice %arg4[%dma_wait3A_247, %dma_wait3A_248] : memref<32x1000xf32, #tpu.memory_space<vmem>> -> memref<1x1000xf32, #tpu.memory_space<vmem>>
    %dma_wait3A_250 = arith.constant 9 : i32
    %dma_wait3A_251 = arith.constant 0 : i32
    %dma_wait3A_252 = tpu.memref_slice %arg4[%dma_wait3A_250, %dma_wait3A_251] : memref<32x1000xf32, #tpu.memory_space<vmem>> -> memref<1x1000xf32, #tpu.memory_space<vmem>>
    tpu.wait_dma2 semaphore(%arg5 : memref<!tpu.dma_semaphore, #tpu.memory_space<semaphore_mem>>) src(%arg2 : memref<1x1000xf32, #tpu.memory_space<hbm>>) dst(%dma_wait3A_252 : memref<1x1000xf32, #tpu.memory_space<vmem>>)
    %dma_wait3A_253 = arith.constant 10 : i32
    %dma_wait3A_254 = arith.constant 0 : i32
    %dma_wait3A_255 = tpu.memref_slice %arg4[%dma_wait3A_253, %dma_wait3A_254] : memref<32x1000xf32, #tpu.memory_space<vmem>> -> memref<1x1000xf32, #tpu.memory_space<vmem>>
    %dma_wait3A_256 = arith.constant 10 : i32
    %dma_wait3A_257 = arith.constant 0 : i32
    %dma_wait3A_258 = tpu.memref_slice %arg4[%dma_wait3A_256, %dma_wait3A_257] : memref<32x1000xf32, #tpu.memory_space<vmem>> -> memref<1x1000xf32, #tpu.memory_space<vmem>>
    tpu.wait_dma2 semaphore(%arg5 : memref<!tpu.dma_semaphore, #tpu.memory_space<semaphore_mem>>) src(%arg2 : memref<1x1000xf32, #tpu.memory_space<hbm>>) dst(%dma_wait3A_258 : memref<1x1000xf32, #tpu.memory_space<vmem>>)
    %dma_wait3A_259 = arith.constant 11 : i32
    %dma_wait3A_260 = arith.constant 0 : i32
    %dma_wait3A_261 = tpu.memref_slice %arg4[%dma_wait3A_259, %dma_wait3A_260] : memref<32x1000xf32, #tpu.memory_space<vmem>> -> memref<1x1000xf32, #tpu.memory_space<vmem>>
    %dma_wait3A_262 = arith.constant 11 : i32
    %dma_wait3A_263 = arith.constant 0 : i32
    %dma_wait3A_264 = tpu.memref_slice %arg4[%dma_wait3A_262, %dma_wait3A_263] : memref<32x1000xf32, #tpu.memory_space<vmem>> -> memref<1x1000xf32, #tpu.memory_space<vmem>>
    tpu.wait_dma2 semaphore(%arg5 : memref<!tpu.dma_semaphore, #tpu.memory_space<semaphore_mem>>) src(%arg2 : memref<1x1000xf32, #tpu.memory_space<hbm>>) dst(%dma_wait3A_264 : memref<1x1000xf32, #tpu.memory_space<vmem>>)
    %dma_wait3A_265 = arith.constant 12 : i32
    %dma_wait3A_266 = arith.constant 0 : i32
    %dma_wait3A_267 = tpu.memref_slice %arg4[%dma_wait3A_265, %dma_wait3A_266] : memref<32x1000xf32, #tpu.memory_space<vmem>> -> memref<1x1000xf32, #tpu.memory_space<vmem>>
    %dma_wait3A_268 = arith.constant 12 : i32
    %dma_wait3A_269 = arith.constant 0 : i32
    %dma_wait3A_270 = tpu.memref_slice %arg4[%dma_wait3A_268, %dma_wait3A_269] : memref<32x1000xf32, #tpu.memory_space<vmem>> -> memref<1x1000xf32, #tpu.memory_space<vmem>>
    tpu.wait_dma2 semaphore(%arg5 : memref<!tpu.dma_semaphore, #tpu.memory_space<semaphore_mem>>) src(%arg2 : memref<1x1000xf32, #tpu.memory_space<hbm>>) dst(%dma_wait3A_270 : memref<1x1000xf32, #tpu.memory_space<vmem>>)
    %dma_wait3A_271 = arith.constant 13 : i32
    %dma_wait3A_272 = arith.constant 0 : i32
    %dma_wait3A_273 = tpu.memref_slice %arg4[%dma_wait3A_271, %dma_wait3A_272] : memref<32x1000xf32, #tpu.memory_space<vmem>> -> memref<1x1000xf32, #tpu.memory_space<vmem>>
    %dma_wait3A_274 = arith.constant 13 : i32
    %dma_wait3A_275 = arith.constant 0 : i32
    %dma_wait3A_276 = tpu.memref_slice %arg4[%dma_wait3A_274, %dma_wait3A_275] : memref<32x1000xf32, #tpu.memory_space<vmem>> -> memref<1x1000xf32, #tpu.memory_space<vmem>>
    tpu.wait_dma2 semaphore(%arg5 : memref<!tpu.dma_semaphore, #tpu.memory_space<semaphore_mem>>) src(%arg2 : memref<1x1000xf32, #tpu.memory_space<hbm>>) dst(%dma_wait3A_276 : memref<1x1000xf32, #tpu.memory_space<vmem>>)
    %dma_wait3A_277 = arith.constant 14 : i32
    %dma_wait3A_278 = arith.constant 0 : i32
    %dma_wait3A_279 = tpu.memref_slice %arg4[%dma_wait3A_277, %dma_wait3A_278] : memref<32x1000xf32, #tpu.memory_space<vmem>> -> memref<1x1000xf32, #tpu.memory_space<vmem>>
    %dma_wait3A_280 = arith.constant 14 : i32
    %dma_wait3A_281 = arith.constant 0 : i32
    %dma_wait3A_282 = tpu.memref_slice %arg4[%dma_wait3A_280, %dma_wait3A_281] : memref<32x1000xf32, #tpu.memory_space<vmem>> -> memref<1x1000xf32, #tpu.memory_space<vmem>>
    tpu.wait_dma2 semaphore(%arg5 : memref<!tpu.dma_semaphore, #tpu.memory_space<semaphore_mem>>) src(%arg2 : memref<1x1000xf32, #tpu.memory_space<hbm>>) dst(%dma_wait3A_282 : memref<1x1000xf32, #tpu.memory_space<vmem>>)
    %dma_wait3A_283 = arith.constant 15 : i32
    %dma_wait3A_284 = arith.constant 0 : i32
    %dma_wait3A_285 = tpu.memref_slice %arg4[%dma_wait3A_283, %dma_wait3A_284] : memref<32x1000xf32, #tpu.memory_space<vmem>> -> memref<1x1000xf32, #tpu.memory_space<vmem>>
    %dma_wait3A_286 = arith.constant 15 : i32
    %dma_wait3A_287 = arith.constant 0 : i32
    %dma_wait3A_288 = tpu.memref_slice %arg4[%dma_wait3A_286, %dma_wait3A_287] : memref<32x1000xf32, #tpu.memory_space<vmem>> -> memref<1x1000xf32, #tpu.memory_space<vmem>>
    tpu.wait_dma2 semaphore(%arg5 : memref<!tpu.dma_semaphore, #tpu.memory_space<semaphore_mem>>) src(%arg2 : memref<1x1000xf32, #tpu.memory_space<hbm>>) dst(%dma_wait3A_288 : memref<1x1000xf32, #tpu.memory_space<vmem>>)
    %dma_wait3A_289 = arith.constant 16 : i32
    %dma_wait3A_290 = arith.constant 0 : i32
    %dma_wait3A_291 = tpu.memref_slice %arg4[%dma_wait3A_289, %dma_wait3A_290] : memref<32x1000xf32, #tpu.memory_space<vmem>> -> memref<1x1000xf32, #tpu.memory_space<vmem>>
    %dma_wait3A_292 = arith.constant 16 : i32
    %dma_wait3A_293 = arith.constant 0 : i32
    %dma_wait3A_294 = tpu.memref_slice %arg4[%dma_wait3A_292, %dma_wait3A_293] : memref<32x1000xf32, #tpu.memory_space<vmem>> -> memref<1x1000xf32, #tpu.memory_space<vmem>>
    tpu.wait_dma2 semaphore(%arg5 : memref<!tpu.dma_semaphore, #tpu.memory_space<semaphore_mem>>) src(%arg2 : memref<1x1000xf32, #tpu.memory_space<hbm>>) dst(%dma_wait3A_294 : memref<1x1000xf32, #tpu.memory_space<vmem>>)
    %dma_wait3A_295 = arith.constant 17 : i32
    %dma_wait3A_296 = arith.constant 0 : i32
    %dma_wait3A_297 = tpu.memref_slice %arg4[%dma_wait3A_295, %dma_wait3A_296] : memref<32x1000xf32, #tpu.memory_space<vmem>> -> memref<1x1000xf32, #tpu.memory_space<vmem>>
    %dma_wait3A_298 = arith.constant 17 : i32
    %dma_wait3A_299 = arith.constant 0 : i32
    %dma_wait3A_300 = tpu.memref_slice %arg4[%dma_wait3A_298, %dma_wait3A_299] : memref<32x1000xf32, #tpu.memory_space<vmem>> -> memref<1x1000xf32, #tpu.memory_space<vmem>>
    tpu.wait_dma2 semaphore(%arg5 : memref<!tpu.dma_semaphore, #tpu.memory_space<semaphore_mem>>) src(%arg2 : memref<1x1000xf32, #tpu.memory_space<hbm>>) dst(%dma_wait3A_300 : memref<1x1000xf32, #tpu.memory_space<vmem>>)
    %dma_wait3A_301 = arith.constant 18 : i32
    %dma_wait3A_302 = arith.constant 0 : i32
    %dma_wait3A_303 = tpu.memref_slice %arg4[%dma_wait3A_301, %dma_wait3A_302] : memref<32x1000xf32, #tpu.memory_space<vmem>> -> memref<1x1000xf32, #tpu.memory_space<vmem>>
    %dma_wait3A_304 = arith.constant 18 : i32
    %dma_wait3A_305 = arith.constant 0 : i32
    %dma_wait3A_306 = tpu.memref_slice %arg4[%dma_wait3A_304, %dma_wait3A_305] : memref<32x1000xf32, #tpu.memory_space<vmem>> -> memref<1x1000xf32, #tpu.memory_space<vmem>>
    tpu.wait_dma2 semaphore(%arg5 : memref<!tpu.dma_semaphore, #tpu.memory_space<semaphore_mem>>) src(%arg2 : memref<1x1000xf32, #tpu.memory_space<hbm>>) dst(%dma_wait3A_306 : memref<1x1000xf32, #tpu.memory_space<vmem>>)
    %dma_wait3A_307 = arith.constant 19 : i32
    %dma_wait3A_308 = arith.constant 0 : i32
    %dma_wait3A_309 = tpu.memref_slice %arg4[%dma_wait3A_307, %dma_wait3A_308] : memref<32x1000xf32, #tpu.memory_space<vmem>> -> memref<1x1000xf32, #tpu.memory_space<vmem>>
    %dma_wait3A_310 = arith.constant 19 : i32
    %dma_wait3A_311 = arith.constant 0 : i32
    %dma_wait3A_312 = tpu.memref_slice %arg4[%dma_wait3A_310, %dma_wait3A_311] : memref<32x1000xf32, #tpu.memory_space<vmem>> -> memref<1x1000xf32, #tpu.memory_space<vmem>>
    tpu.wait_dma2 semaphore(%arg5 : memref<!tpu.dma_semaphore, #tpu.memory_space<semaphore_mem>>) src(%arg2 : memref<1x1000xf32, #tpu.memory_space<hbm>>) dst(%dma_wait3A_312 : memref<1x1000xf32, #tpu.memory_space<vmem>>)
    %dma_wait3A_313 = arith.constant 20 : i32
    %dma_wait3A_314 = arith.constant 0 : i32
    %dma_wait3A_315 = tpu.memref_slice %arg4[%dma_wait3A_313, %dma_wait3A_314] : memref<32x1000xf32, #tpu.memory_space<vmem>> -> memref<1x1000xf32, #tpu.memory_space<vmem>>
    %dma_wait3A_316 = arith.constant 20 : i32
    %dma_wait3A_317 = arith.constant 0 : i32
    %dma_wait3A_318 = tpu.memref_slice %arg4[%dma_wait3A_316, %dma_wait3A_317] : memref<32x1000xf32, #tpu.memory_space<vmem>> -> memref<1x1000xf32, #tpu.memory_space<vmem>>
    tpu.wait_dma2 semaphore(%arg5 : memref<!tpu.dma_semaphore, #tpu.memory_space<semaphore_mem>>) src(%arg2 : memref<1x1000xf32, #tpu.memory_space<hbm>>) dst(%dma_wait3A_318 : memref<1x1000xf32, #tpu.memory_space<vmem>>)
    %dma_wait3A_319 = arith.constant 21 : i32
    %dma_wait3A_320 = arith.constant 0 : i32
    %dma_wait3A_321 = tpu.memref_slice %arg4[%dma_wait3A_319, %dma_wait3A_320] : memref<32x1000xf32, #tpu.memory_space<vmem>> -> memref<1x1000xf32, #tpu.memory_space<vmem>>
    %dma_wait3A_322 = arith.constant 21 : i32
    %dma_wait3A_323 = arith.constant 0 : i32
    %dma_wait3A_324 = tpu.memref_slice %arg4[%dma_wait3A_322, %dma_wait3A_323] : memref<32x1000xf32, #tpu.memory_space<vmem>> -> memref<1x1000xf32, #tpu.memory_space<vmem>>
    tpu.wait_dma2 semaphore(%arg5 : memref<!tpu.dma_semaphore, #tpu.memory_space<semaphore_mem>>) src(%arg2 : memref<1x1000xf32, #tpu.memory_space<hbm>>) dst(%dma_wait3A_324 : memref<1x1000xf32, #tpu.memory_space<vmem>>)
    %dma_wait3A_325 = arith.constant 22 : i32
    %dma_wait3A_326 = arith.constant 0 : i32
    %dma_wait3A_327 = tpu.memref_slice %arg4[%dma_wait3A_325, %dma_wait3A_326] : memref<32x1000xf32, #tpu.memory_space<vmem>> -> memref<1x1000xf32, #tpu.memory_space<vmem>>
    %dma_wait3A_328 = arith.constant 22 : i32
    %dma_wait3A_329 = arith.constant 0 : i32
    %dma_wait3A_330 = tpu.memref_slice %arg4[%dma_wait3A_328, %dma_wait3A_329] : memref<32x1000xf32, #tpu.memory_space<vmem>> -> memref<1x1000xf32, #tpu.memory_space<vmem>>
    tpu.wait_dma2 semaphore(%arg5 : memref<!tpu.dma_semaphore, #tpu.memory_space<semaphore_mem>>) src(%arg2 : memref<1x1000xf32, #tpu.memory_space<hbm>>) dst(%dma_wait3A_330 : memref<1x1000xf32, #tpu.memory_space<vmem>>)
    %dma_wait3A_331 = arith.constant 23 : i32
    %dma_wait3A_332 = arith.constant 0 : i32
    %dma_wait3A_333 = tpu.memref_slice %arg4[%dma_wait3A_331, %dma_wait3A_332] : memref<32x1000xf32, #tpu.memory_space<vmem>> -> memref<1x1000xf32, #tpu.memory_space<vmem>>
    %dma_wait3A_334 = arith.constant 23 : i32
    %dma_wait3A_335 = arith.constant 0 : i32
    %dma_wait3A_336 = tpu.memref_slice %arg4[%dma_wait3A_334, %dma_wait3A_335] : memref<32x1000xf32, #tpu.memory_space<vmem>> -> memref<1x1000xf32, #tpu.memory_space<vmem>>
    tpu.wait_dma2 semaphore(%arg5 : memref<!tpu.dma_semaphore, #tpu.memory_space<semaphore_mem>>) src(%arg2 : memref<1x1000xf32, #tpu.memory_space<hbm>>) dst(%dma_wait3A_336 : memref<1x1000xf32, #tpu.memory_space<vmem>>)
    %dma_wait3A_337 = arith.constant 24 : i32
    %dma_wait3A_338 = arith.constant 0 : i32
    %dma_wait3A_339 = tpu.memref_slice %arg4[%dma_wait3A_337, %dma_wait3A_338] : memref<32x1000xf32, #tpu.memory_space<vmem>> -> memref<1x1000xf32, #tpu.memory_space<vmem>>
    %dma_wait3A_340 = arith.constant 24 : i32
    %dma_wait3A_341 = arith.constant 0 : i32
    %dma_wait3A_342 = tpu.memref_slice %arg4[%dma_wait3A_340, %dma_wait3A_341] : memref<32x1000xf32, #tpu.memory_space<vmem>> -> memref<1x1000xf32, #tpu.memory_space<vmem>>
    tpu.wait_dma2 semaphore(%arg5 : memref<!tpu.dma_semaphore, #tpu.memory_space<semaphore_mem>>) src(%arg2 : memref<1x1000xf32, #tpu.memory_space<hbm>>) dst(%dma_wait3A_342 : memref<1x1000xf32, #tpu.memory_space<vmem>>)
    %dma_wait3A_343 = arith.constant 25 : i32
    %dma_wait3A_344 = arith.constant 0 : i32
    %dma_wait3A_345 = tpu.memref_slice %arg4[%dma_wait3A_343, %dma_wait3A_344] : memref<32x1000xf32, #tpu.memory_space<vmem>> -> memref<1x1000xf32, #tpu.memory_space<vmem>>
    %dma_wait3A_346 = arith.constant 25 : i32
    %dma_wait3A_347 = arith.constant 0 : i32
    %dma_wait3A_348 = tpu.memref_slice %arg4[%dma_wait3A_346, %dma_wait3A_347] : memref<32x1000xf32, #tpu.memory_space<vmem>> -> memref<1x1000xf32, #tpu.memory_space<vmem>>
    tpu.wait_dma2 semaphore(%arg5 : memref<!tpu.dma_semaphore, #tpu.memory_space<semaphore_mem>>) src(%arg2 : memref<1x1000xf32, #tpu.memory_space<hbm>>) dst(%dma_wait3A_348 : memref<1x1000xf32, #tpu.memory_space<vmem>>)
    %dma_wait3A_349 = arith.constant 26 : i32
    %dma_wait3A_350 = arith.constant 0 : i32
    %dma_wait3A_351 = tpu.memref_slice %arg4[%dma_wait3A_349, %dma_wait3A_350] : memref<32x1000xf32, #tpu.memory_space<vmem>> -> memref<1x1000xf32, #tpu.memory_space<vmem>>
    %dma_wait3A_352 = arith.constant 26 : i32
    %dma_wait3A_353 = arith.constant 0 : i32
    %dma_wait3A_354 = tpu.memref_slice %arg4[%dma_wait3A_352, %dma_wait3A_353] : memref<32x1000xf32, #tpu.memory_space<vmem>> -> memref<1x1000xf32, #tpu.memory_space<vmem>>
    tpu.wait_dma2 semaphore(%arg5 : memref<!tpu.dma_semaphore, #tpu.memory_space<semaphore_mem>>) src(%arg2 : memref<1x1000xf32, #tpu.memory_space<hbm>>) dst(%dma_wait3A_354 : memref<1x1000xf32, #tpu.memory_space<vmem>>)
    %dma_wait3A_355 = arith.constant 27 : i32
    %dma_wait3A_356 = arith.constant 0 : i32
    %dma_wait3A_357 = tpu.memref_slice %arg4[%dma_wait3A_355, %dma_wait3A_356] : memref<32x1000xf32, #tpu.memory_space<vmem>> -> memref<1x1000xf32, #tpu.memory_space<vmem>>
    %dma_wait3A_358 = arith.constant 27 : i32
    %dma_wait3A_359 = arith.constant 0 : i32
    %dma_wait3A_360 = tpu.memref_slice %arg4[%dma_wait3A_358, %dma_wait3A_359] : memref<32x1000xf32, #tpu.memory_space<vmem>> -> memref<1x1000xf32, #tpu.memory_space<vmem>>
    tpu.wait_dma2 semaphore(%arg5 : memref<!tpu.dma_semaphore, #tpu.memory_space<semaphore_mem>>) src(%arg2 : memref<1x1000xf32, #tpu.memory_space<hbm>>) dst(%dma_wait3A_360 : memref<1x1000xf32, #tpu.memory_space<vmem>>)
    %dma_wait3A_361 = arith.constant 28 : i32
    %dma_wait3A_362 = arith.constant 0 : i32
    %dma_wait3A_363 = tpu.memref_slice %arg4[%dma_wait3A_361, %dma_wait3A_362] : memref<32x1000xf32, #tpu.memory_space<vmem>> -> memref<1x1000xf32, #tpu.memory_space<vmem>>
    %dma_wait3A_364 = arith.constant 28 : i32
    %dma_wait3A_365 = arith.constant 0 : i32
    %dma_wait3A_366 = tpu.memref_slice %arg4[%dma_wait3A_364, %dma_wait3A_365] : memref<32x1000xf32, #tpu.memory_space<vmem>> -> memref<1x1000xf32, #tpu.memory_space<vmem>>
    tpu.wait_dma2 semaphore(%arg5 : memref<!tpu.dma_semaphore, #tpu.memory_space<semaphore_mem>>) src(%arg2 : memref<1x1000xf32, #tpu.memory_space<hbm>>) dst(%dma_wait3A_366 : memref<1x1000xf32, #tpu.memory_space<vmem>>)
    %dma_wait3A_367 = arith.constant 29 : i32
    %dma_wait3A_368 = arith.constant 0 : i32
    %dma_wait3A_369 = tpu.memref_slice %arg4[%dma_wait3A_367, %dma_wait3A_368] : memref<32x1000xf32, #tpu.memory_space<vmem>> -> memref<1x1000xf32, #tpu.memory_space<vmem>>
    %dma_wait3A_370 = arith.constant 29 : i32
    %dma_wait3A_371 = arith.constant 0 : i32
    %dma_wait3A_372 = tpu.memref_slice %arg4[%dma_wait3A_370, %dma_wait3A_371] : memref<32x1000xf32, #tpu.memory_space<vmem>> -> memref<1x1000xf32, #tpu.memory_space<vmem>>
    tpu.wait_dma2 semaphore(%arg5 : memref<!tpu.dma_semaphore, #tpu.memory_space<semaphore_mem>>) src(%arg2 : memref<1x1000xf32, #tpu.memory_space<hbm>>) dst(%dma_wait3A_372 : memref<1x1000xf32, #tpu.memory_space<vmem>>)
    %dma_wait3A_373 = arith.constant 30 : i32
    %dma_wait3A_374 = arith.constant 0 : i32
    %dma_wait3A_375 = tpu.memref_slice %arg4[%dma_wait3A_373, %dma_wait3A_374] : memref<32x1000xf32, #tpu.memory_space<vmem>> -> memref<1x1000xf32, #tpu.memory_space<vmem>>
    %dma_wait3A_376 = arith.constant 30 : i32
    %dma_wait3A_377 = arith.constant 0 : i32
    %dma_wait3A_378 = tpu.memref_slice %arg4[%dma_wait3A_376, %dma_wait3A_377] : memref<32x1000xf32, #tpu.memory_space<vmem>> -> memref<1x1000xf32, #tpu.memory_space<vmem>>
    tpu.wait_dma2 semaphore(%arg5 : memref<!tpu.dma_semaphore, #tpu.memory_space<semaphore_mem>>) src(%arg2 : memref<1x1000xf32, #tpu.memory_space<hbm>>) dst(%dma_wait3A_378 : memref<1x1000xf32, #tpu.memory_space<vmem>>)
    %dma_wait3A_379 = arith.constant 31 : i32
    %dma_wait3A_380 = arith.constant 0 : i32
    %dma_wait3A_381 = tpu.memref_slice %arg4[%dma_wait3A_379, %dma_wait3A_380] : memref<32x1000xf32, #tpu.memory_space<vmem>> -> memref<1x1000xf32, #tpu.memory_space<vmem>>
    %dma_wait3A_382 = arith.constant 31 : i32
    %dma_wait3A_383 = arith.constant 0 : i32
    %dma_wait3A_384 = tpu.memref_slice %arg4[%dma_wait3A_382, %dma_wait3A_383] : memref<32x1000xf32, #tpu.memory_space<vmem>> -> memref<1x1000xf32, #tpu.memory_space<vmem>>
    tpu.wait_dma2 semaphore(%arg5 : memref<!tpu.dma_semaphore, #tpu.memory_space<semaphore_mem>>) src(%arg2 : memref<1x1000xf32, #tpu.memory_space<hbm>>) dst(%dma_wait3A_384 : memref<1x1000xf32, #tpu.memory_space<vmem>>)
    %dma_start3A_385 = arith.constant 0 : i32
    %dma_start3A_386 = arith.constant 0 : i32
    %dma_start3A_387 = tpu.memref_slice %arg3[%dma_start3A_385, %mul3A_2, %dma_start3A_386] : memref<21x1024x1000xf32, #tpu.memory_space<hbm>> -> memref<1x32x1000xf32, #tpu.memory_space<hbm>>
    %dma_start3A_388 = tpu.memref_squeeze %dma_start3A_387 : memref<1x32x1000xf32, #tpu.memory_space<hbm>> -> memref<32x1000xf32, #tpu.memory_space<hbm>>
    %dma_start3A_389 = arith.constant 0 : i32
    %dma_start3A_390 = tpu.memref_slice %arg3[%dma_start3A_385, %mul3A_2, %dma_start3A_389] : memref<21x1024x1000xf32, #tpu.memory_space<hbm>> -> memref<1x32x1000xf32, #tpu.memory_space<hbm>>
    %dma_start3A_391 = tpu.memref_squeeze %dma_start3A_390 : memref<1x32x1000xf32, #tpu.memory_space<hbm>> -> memref<32x1000xf32, #tpu.memory_space<hbm>>
    tpu.enqueue_dma source(%arg4 : memref<32x1000xf32, #tpu.memory_space<vmem>>) target(%dma_start3A_391 : memref<32x1000xf32, #tpu.memory_space<hbm>>) target_semaphore(%arg6 : memref<!tpu.dma_semaphore, #tpu.memory_space<semaphore_mem>>)
    %dma_start3A_392 = arith.constant 1 : i32
    %dma_start3A_393 = arith.constant 0 : i32
    %dma_start3A_394 = tpu.memref_slice %arg3[%dma_start3A_392, %mul3A_2, %dma_start3A_393] : memref<21x1024x1000xf32, #tpu.memory_space<hbm>> -> memref<1x32x1000xf32, #tpu.memory_space<hbm>>
    %dma_start3A_395 = tpu.memref_squeeze %dma_start3A_394 : memref<1x32x1000xf32, #tpu.memory_space<hbm>> -> memref<32x1000xf32, #tpu.memory_space<hbm>>
    %dma_start3A_396 = arith.constant 0 : i32
    %dma_start3A_397 = tpu.memref_slice %arg3[%dma_start3A_392, %mul3A_2, %dma_start3A_396] : memref<21x1024x1000xf32, #tpu.memory_space<hbm>> -> memref<1x32x1000xf32, #tpu.memory_space<hbm>>
    %dma_start3A_398 = tpu.memref_squeeze %dma_start3A_397 : memref<1x32x1000xf32, #tpu.memory_space<hbm>> -> memref<32x1000xf32, #tpu.memory_space<hbm>>
    tpu.enqueue_dma source(%arg4 : memref<32x1000xf32, #tpu.memory_space<vmem>>) target(%dma_start3A_398 : memref<32x1000xf32, #tpu.memory_space<hbm>>) target_semaphore(%arg6 : memref<!tpu.dma_semaphore, #tpu.memory_space<semaphore_mem>>)
    %dma_start3A_399 = arith.constant 2 : i32
    %dma_start3A_400 = arith.constant 0 : i32
    %dma_start3A_401 = tpu.memref_slice %arg3[%dma_start3A_399, %mul3A_2, %dma_start3A_400] : memref<21x1024x1000xf32, #tpu.memory_space<hbm>> -> memref<1x32x1000xf32, #tpu.memory_space<hbm>>
    %dma_start3A_402 = tpu.memref_squeeze %dma_start3A_401 : memref<1x32x1000xf32, #tpu.memory_space<hbm>> -> memref<32x1000xf32, #tpu.memory_space<hbm>>
    %dma_start3A_403 = arith.constant 0 : i32
    %dma_start3A_404 = tpu.memref_slice %arg3[%dma_start3A_399, %mul3A_2, %dma_start3A_403] : memref<21x1024x1000xf32, #tpu.memory_space<hbm>> -> memref<1x32x1000xf32, #tpu.memory_space<hbm>>
    %dma_start3A_405 = tpu.memref_squeeze %dma_start3A_404 : memref<1x32x1000xf32, #tpu.memory_space<hbm>> -> memref<32x1000xf32, #tpu.memory_space<hbm>>
    tpu.enqueue_dma source(%arg4 : memref<32x1000xf32, #tpu.memory_space<vmem>>) target(%dma_start3A_405 : memref<32x1000xf32, #tpu.memory_space<hbm>>) target_semaphore(%arg6 : memref<!tpu.dma_semaphore, #tpu.memory_space<semaphore_mem>>)
    %dma_start3A_406 = arith.constant 3 : i32
    %dma_start3A_407 = arith.constant 0 : i32
    %dma_start3A_408 = tpu.memref_slice %arg3[%dma_start3A_406, %mul3A_2, %dma_start3A_407] : memref<21x1024x1000xf32, #tpu.memory_space<hbm>> -> memref<1x32x1000xf32, #tpu.memory_space<hbm>>
    %dma_start3A_409 = tpu.memref_squeeze %dma_start3A_408 : memref<1x32x1000xf32, #tpu.memory_space<hbm>> -> memref<32x1000xf32, #tpu.memory_space<hbm>>
    %dma_start3A_410 = arith.constant 0 : i32
    %dma_start3A_411 = tpu.memref_slice %arg3[%dma_start3A_406, %mul3A_2, %dma_start3A_410] : memref<21x1024x1000xf32, #tpu.memory_space<hbm>> -> memref<1x32x1000xf32, #tpu.memory_space<hbm>>
    %dma_start3A_412 = tpu.memref_squeeze %dma_start3A_411 : memref<1x32x1000xf32, #tpu.memory_space<hbm>> -> memref<32x1000xf32, #tpu.memory_space<hbm>>
    tpu.enqueue_dma source(%arg4 : memref<32x1000xf32, #tpu.memory_space<vmem>>) target(%dma_start3A_412 : memref<32x1000xf32, #tpu.memory_space<hbm>>) target_semaphore(%arg6 : memref<!tpu.dma_semaphore, #tpu.memory_space<semaphore_mem>>)
    %dma_start3A_413 = arith.constant 4 : i32
    %dma_start3A_414 = arith.constant 0 : i32
    %dma_start3A_415 = tpu.memref_slice %arg3[%dma_start3A_413, %mul3A_2, %dma_start3A_414] : memref<21x1024x1000xf32, #tpu.memory_space<hbm>> -> memref<1x32x1000xf32, #tpu.memory_space<hbm>>
    %dma_start3A_416 = tpu.memref_squeeze %dma_start3A_415 : memref<1x32x1000xf32, #tpu.memory_space<hbm>> -> memref<32x1000xf32, #tpu.memory_space<hbm>>
    %dma_start3A_417 = arith.constant 0 : i32
    %dma_start3A_418 = tpu.memref_slice %arg3[%dma_start3A_413, %mul3A_2, %dma_start3A_417] : memref<21x1024x1000xf32, #tpu.memory_space<hbm>> -> memref<1x32x1000xf32, #tpu.memory_space<hbm>>
    %dma_start3A_419 = tpu.memref_squeeze %dma_start3A_418 : memref<1x32x1000xf32, #tpu.memory_space<hbm>> -> memref<32x1000xf32, #tpu.memory_space<hbm>>
    tpu.enqueue_dma source(%arg4 : memref<32x1000xf32, #tpu.memory_space<vmem>>) target(%dma_start3A_419 : memref<32x1000xf32, #tpu.memory_space<hbm>>) target_semaphore(%arg6 : memref<!tpu.dma_semaphore, #tpu.memory_space<semaphore_mem>>)
    %dma_start3A_420 = arith.constant 5 : i32
    %dma_start3A_421 = arith.constant 0 : i32
    %dma_start3A_422 = tpu.memref_slice %arg3[%dma_start3A_420, %mul3A_2, %dma_start3A_421] : memref<21x1024x1000xf32, #tpu.memory_space<hbm>> -> memref<1x32x1000xf32, #tpu.memory_space<hbm>>
    %dma_start3A_423 = tpu.memref_squeeze %dma_start3A_422 : memref<1x32x1000xf32, #tpu.memory_space<hbm>> -> memref<32x1000xf32, #tpu.memory_space<hbm>>
    %dma_start3A_424 = arith.constant 0 : i32
    %dma_start3A_425 = tpu.memref_slice %arg3[%dma_start3A_420, %mul3A_2, %dma_start3A_424] : memref<21x1024x1000xf32, #tpu.memory_space<hbm>> -> memref<1x32x1000xf32, #tpu.memory_space<hbm>>
    %dma_start3A_426 = tpu.memref_squeeze %dma_start3A_425 : memref<1x32x1000xf32, #tpu.memory_space<hbm>> -> memref<32x1000xf32, #tpu.memory_space<hbm>>
    tpu.enqueue_dma source(%arg4 : memref<32x1000xf32, #tpu.memory_space<vmem>>) target(%dma_start3A_426 : memref<32x1000xf32, #tpu.memory_space<hbm>>) target_semaphore(%arg6 : memref<!tpu.dma_semaphore, #tpu.memory_space<semaphore_mem>>)
    %dma_start3A_427 = arith.constant 6 : i32
    %dma_start3A_428 = arith.constant 0 : i32
    %dma_start3A_429 = tpu.memref_slice %arg3[%dma_start3A_427, %mul3A_2, %dma_start3A_428] : memref<21x1024x1000xf32, #tpu.memory_space<hbm>> -> memref<1x32x1000xf32, #tpu.memory_space<hbm>>
    %dma_start3A_430 = tpu.memref_squeeze %dma_start3A_429 : memref<1x32x1000xf32, #tpu.memory_space<hbm>> -> memref<32x1000xf32, #tpu.memory_space<hbm>>
    %dma_start3A_431 = arith.constant 0 : i32
    %dma_start3A_432 = tpu.memref_slice %arg3[%dma_start3A_427, %mul3A_2, %dma_start3A_431] : memref<21x1024x1000xf32, #tpu.memory_space<hbm>> -> memref<1x32x1000xf32, #tpu.memory_space<hbm>>
    %dma_start3A_433 = tpu.memref_squeeze %dma_start3A_432 : memref<1x32x1000xf32, #tpu.memory_space<hbm>> -> memref<32x1000xf32, #tpu.memory_space<hbm>>
    tpu.enqueue_dma source(%arg4 : memref<32x1000xf32, #tpu.memory_space<vmem>>) target(%dma_start3A_433 : memref<32x1000xf32, #tpu.memory_space<hbm>>) target_semaphore(%arg6 : memref<!tpu.dma_semaphore, #tpu.memory_space<semaphore_mem>>)
    %dma_start3A_434 = arith.constant 7 : i32
    %dma_start3A_435 = arith.constant 0 : i32
    %dma_start3A_436 = tpu.memref_slice %arg3[%dma_start3A_434, %mul3A_2, %dma_start3A_435] : memref<21x1024x1000xf32, #tpu.memory_space<hbm>> -> memref<1x32x1000xf32, #tpu.memory_space<hbm>>
    %dma_start3A_437 = tpu.memref_squeeze %dma_start3A_436 : memref<1x32x1000xf32, #tpu.memory_space<hbm>> -> memref<32x1000xf32, #tpu.memory_space<hbm>>
    %dma_start3A_438 = arith.constant 0 : i32
    %dma_start3A_439 = tpu.memref_slice %arg3[%dma_start3A_434, %mul3A_2, %dma_start3A_438] : memref<21x1024x1000xf32, #tpu.memory_space<hbm>> -> memref<1x32x1000xf32, #tpu.memory_space<hbm>>
    %dma_start3A_440 = tpu.memref_squeeze %dma_start3A_439 : memref<1x32x1000xf32, #tpu.memory_space<hbm>> -> memref<32x1000xf32, #tpu.memory_space<hbm>>
    tpu.enqueue_dma source(%arg4 : memref<32x1000xf32, #tpu.memory_space<vmem>>) target(%dma_start3A_440 : memref<32x1000xf32, #tpu.memory_space<hbm>>) target_semaphore(%arg6 : memref<!tpu.dma_semaphore, #tpu.memory_space<semaphore_mem>>)
    %dma_start3A_441 = arith.constant 8 : i32
    %dma_start3A_442 = arith.constant 0 : i32
    %dma_start3A_443 = tpu.memref_slice %arg3[%dma_start3A_441, %mul3A_2, %dma_start3A_442] : memref<21x1024x1000xf32, #tpu.memory_space<hbm>> -> memref<1x32x1000xf32, #tpu.memory_space<hbm>>
    %dma_start3A_444 = tpu.memref_squeeze %dma_start3A_443 : memref<1x32x1000xf32, #tpu.memory_space<hbm>> -> memref<32x1000xf32, #tpu.memory_space<hbm>>
    %dma_start3A_445 = arith.constant 0 : i32
    %dma_start3A_446 = tpu.memref_slice %arg3[%dma_start3A_441, %mul3A_2, %dma_start3A_445] : memref<21x1024x1000xf32, #tpu.memory_space<hbm>> -> memref<1x32x1000xf32, #tpu.memory_space<hbm>>
    %dma_start3A_447 = tpu.memref_squeeze %dma_start3A_446 : memref<1x32x1000xf32, #tpu.memory_space<hbm>> -> memref<32x1000xf32, #tpu.memory_space<hbm>>
    tpu.enqueue_dma source(%arg4 : memref<32x1000xf32, #tpu.memory_space<vmem>>) target(%dma_start3A_447 : memref<32x1000xf32, #tpu.memory_space<hbm>>) target_semaphore(%arg6 : memref<!tpu.dma_semaphore, #tpu.memory_space<semaphore_mem>>)
    %dma_start3A_448 = arith.constant 9 : i32
    %dma_start3A_449 = arith.constant 0 : i32
    %dma_start3A_450 = tpu.memref_slice %arg3[%dma_start3A_448, %mul3A_2, %dma_start3A_449] : memref<21x1024x1000xf32, #tpu.memory_space<hbm>> -> memref<1x32x1000xf32, #tpu.memory_space<hbm>>
    %dma_start3A_451 = tpu.memref_squeeze %dma_start3A_450 : memref<1x32x1000xf32, #tpu.memory_space<hbm>> -> memref<32x1000xf32, #tpu.memory_space<hbm>>
    %dma_start3A_452 = arith.constant 0 : i32
    %dma_start3A_453 = tpu.memref_slice %arg3[%dma_start3A_448, %mul3A_2, %dma_start3A_452] : memref<21x1024x1000xf32, #tpu.memory_space<hbm>> -> memref<1x32x1000xf32, #tpu.memory_space<hbm>>
    %dma_start3A_454 = tpu.memref_squeeze %dma_start3A_453 : memref<1x32x1000xf32, #tpu.memory_space<hbm>> -> memref<32x1000xf32, #tpu.memory_space<hbm>>
    tpu.enqueue_dma source(%arg4 : memref<32x1000xf32, #tpu.memory_space<vmem>>) target(%dma_start3A_454 : memref<32x1000xf32, #tpu.memory_space<hbm>>) target_semaphore(%arg6 : memref<!tpu.dma_semaphore, #tpu.memory_space<semaphore_mem>>)
    %dma_start3A_455 = arith.constant 10 : i32
    %dma_start3A_456 = arith.constant 0 : i32
    %dma_start3A_457 = tpu.memref_slice %arg3[%dma_start3A_455, %mul3A_2, %dma_start3A_456] : memref<21x1024x1000xf32, #tpu.memory_space<hbm>> -> memref<1x32x1000xf32, #tpu.memory_space<hbm>>
    %dma_start3A_458 = tpu.memref_squeeze %dma_start3A_457 : memref<1x32x1000xf32, #tpu.memory_space<hbm>> -> memref<32x1000xf32, #tpu.memory_space<hbm>>
    %dma_start3A_459 = arith.constant 0 : i32
    %dma_start3A_460 = tpu.memref_slice %arg3[%dma_start3A_455, %mul3A_2, %dma_start3A_459] : memref<21x1024x1000xf32, #tpu.memory_space<hbm>> -> memref<1x32x1000xf32, #tpu.memory_space<hbm>>
    %dma_start3A_461 = tpu.memref_squeeze %dma_start3A_460 : memref<1x32x1000xf32, #tpu.memory_space<hbm>> -> memref<32x1000xf32, #tpu.memory_space<hbm>>
    tpu.enqueue_dma source(%arg4 : memref<32x1000xf32, #tpu.memory_space<vmem>>) target(%dma_start3A_461 : memref<32x1000xf32, #tpu.memory_space<hbm>>) target_semaphore(%arg6 : memref<!tpu.dma_semaphore, #tpu.memory_space<semaphore_mem>>)
    %dma_start3A_462 = arith.constant 11 : i32
    %dma_start3A_463 = arith.constant 0 : i32
    %dma_start3A_464 = tpu.memref_slice %arg3[%dma_start3A_462, %mul3A_2, %dma_start3A_463] : memref<21x1024x1000xf32, #tpu.memory_space<hbm>> -> memref<1x32x1000xf32, #tpu.memory_space<hbm>>
    %dma_start3A_465 = tpu.memref_squeeze %dma_start3A_464 : memref<1x32x1000xf32, #tpu.memory_space<hbm>> -> memref<32x1000xf32, #tpu.memory_space<hbm>>
    %dma_start3A_466 = arith.constant 0 : i32
    %dma_start3A_467 = tpu.memref_slice %arg3[%dma_start3A_462, %mul3A_2, %dma_start3A_466] : memref<21x1024x1000xf32, #tpu.memory_space<hbm>> -> memref<1x32x1000xf32, #tpu.memory_space<hbm>>
    %dma_start3A_468 = tpu.memref_squeeze %dma_start3A_467 : memref<1x32x1000xf32, #tpu.memory_space<hbm>> -> memref<32x1000xf32, #tpu.memory_space<hbm>>
    tpu.enqueue_dma source(%arg4 : memref<32x1000xf32, #tpu.memory_space<vmem>>) target(%dma_start3A_468 : memref<32x1000xf32, #tpu.memory_space<hbm>>) target_semaphore(%arg6 : memref<!tpu.dma_semaphore, #tpu.memory_space<semaphore_mem>>)
    %dma_start3A_469 = arith.constant 12 : i32
    %dma_start3A_470 = arith.constant 0 : i32
    %dma_start3A_471 = tpu.memref_slice %arg3[%dma_start3A_469, %mul3A_2, %dma_start3A_470] : memref<21x1024x1000xf32, #tpu.memory_space<hbm>> -> memref<1x32x1000xf32, #tpu.memory_space<hbm>>
    %dma_start3A_472 = tpu.memref_squeeze %dma_start3A_471 : memref<1x32x1000xf32, #tpu.memory_space<hbm>> -> memref<32x1000xf32, #tpu.memory_space<hbm>>
    %dma_start3A_473 = arith.constant 0 : i32
    %dma_start3A_474 = tpu.memref_slice %arg3[%dma_start3A_469, %mul3A_2, %dma_start3A_473] : memref<21x1024x1000xf32, #tpu.memory_space<hbm>> -> memref<1x32x1000xf32, #tpu.memory_space<hbm>>
    %dma_start3A_475 = tpu.memref_squeeze %dma_start3A_474 : memref<1x32x1000xf32, #tpu.memory_space<hbm>> -> memref<32x1000xf32, #tpu.memory_space<hbm>>
    tpu.enqueue_dma source(%arg4 : memref<32x1000xf32, #tpu.memory_space<vmem>>) target(%dma_start3A_475 : memref<32x1000xf32, #tpu.memory_space<hbm>>) target_semaphore(%arg6 : memref<!tpu.dma_semaphore, #tpu.memory_space<semaphore_mem>>)
    %dma_start3A_476 = arith.constant 13 : i32
    %dma_start3A_477 = arith.constant 0 : i32
    %dma_start3A_478 = tpu.memref_slice %arg3[%dma_start3A_476, %mul3A_2, %dma_start3A_477] : memref<21x1024x1000xf32, #tpu.memory_space<hbm>> -> memref<1x32x1000xf32, #tpu.memory_space<hbm>>
    %dma_start3A_479 = tpu.memref_squeeze %dma_start3A_478 : memref<1x32x1000xf32, #tpu.memory_space<hbm>> -> memref<32x1000xf32, #tpu.memory_space<hbm>>
    %dma_start3A_480 = arith.constant 0 : i32
    %dma_start3A_481 = tpu.memref_slice %arg3[%dma_start3A_476, %mul3A_2, %dma_start3A_480] : memref<21x1024x1000xf32, #tpu.memory_space<hbm>> -> memref<1x32x1000xf32, #tpu.memory_space<hbm>>
    %dma_start3A_482 = tpu.memref_squeeze %dma_start3A_481 : memref<1x32x1000xf32, #tpu.memory_space<hbm>> -> memref<32x1000xf32, #tpu.memory_space<hbm>>
    tpu.enqueue_dma source(%arg4 : memref<32x1000xf32, #tpu.memory_space<vmem>>) target(%dma_start3A_482 : memref<32x1000xf32, #tpu.memory_space<hbm>>) target_semaphore(%arg6 : memref<!tpu.dma_semaphore, #tpu.memory_space<semaphore_mem>>)
    %dma_start3A_483 = arith.constant 14 : i32
    %dma_start3A_484 = arith.constant 0 : i32
    %dma_start3A_485 = tpu.memref_slice %arg3[%dma_start3A_483, %mul3A_2, %dma_start3A_484] : memref<21x1024x1000xf32, #tpu.memory_space<hbm>> -> memref<1x32x1000xf32, #tpu.memory_space<hbm>>
    %dma_start3A_486 = tpu.memref_squeeze %dma_start3A_485 : memref<1x32x1000xf32, #tpu.memory_space<hbm>> -> memref<32x1000xf32, #tpu.memory_space<hbm>>
    %dma_start3A_487 = arith.constant 0 : i32
    %dma_start3A_488 = tpu.memref_slice %arg3[%dma_start3A_483, %mul3A_2, %dma_start3A_487] : memref<21x1024x1000xf32, #tpu.memory_space<hbm>> -> memref<1x32x1000xf32, #tpu.memory_space<hbm>>
    %dma_start3A_489 = tpu.memref_squeeze %dma_start3A_488 : memref<1x32x1000xf32, #tpu.memory_space<hbm>> -> memref<32x1000xf32, #tpu.memory_space<hbm>>
    tpu.enqueue_dma source(%arg4 : memref<32x1000xf32, #tpu.memory_space<vmem>>) target(%dma_start3A_489 : memref<32x1000xf32, #tpu.memory_space<hbm>>) target_semaphore(%arg6 : memref<!tpu.dma_semaphore, #tpu.memory_space<semaphore_mem>>)
    %dma_start3A_490 = arith.constant 15 : i32
    %dma_start3A_491 = arith.constant 0 : i32
    %dma_start3A_492 = tpu.memref_slice %arg3[%dma_start3A_490, %mul3A_2, %dma_start3A_491] : memref<21x1024x1000xf32, #tpu.memory_space<hbm>> -> memref<1x32x1000xf32, #tpu.memory_space<hbm>>
    %dma_start3A_493 = tpu.memref_squeeze %dma_start3A_492 : memref<1x32x1000xf32, #tpu.memory_space<hbm>> -> memref<32x1000xf32, #tpu.memory_space<hbm>>
    %dma_start3A_494 = arith.constant 0 : i32
    %dma_start3A_495 = tpu.memref_slice %arg3[%dma_start3A_490, %mul3A_2, %dma_start3A_494] : memref<21x1024x1000xf32, #tpu.memory_space<hbm>> -> memref<1x32x1000xf32, #tpu.memory_space<hbm>>
    %dma_start3A_496 = tpu.memref_squeeze %dma_start3A_495 : memref<1x32x1000xf32, #tpu.memory_space<hbm>> -> memref<32x1000xf32, #tpu.memory_space<hbm>>
    tpu.enqueue_dma source(%arg4 : memref<32x1000xf32, #tpu.memory_space<vmem>>) target(%dma_start3A_496 : memref<32x1000xf32, #tpu.memory_space<hbm>>) target_semaphore(%arg6 : memref<!tpu.dma_semaphore, #tpu.memory_space<semaphore_mem>>)
    %dma_start3A_497 = arith.constant 16 : i32
    %dma_start3A_498 = arith.constant 0 : i32
    %dma_start3A_499 = tpu.memref_slice %arg3[%dma_start3A_497, %mul3A_2, %dma_start3A_498] : memref<21x1024x1000xf32, #tpu.memory_space<hbm>> -> memref<1x32x1000xf32, #tpu.memory_space<hbm>>
    %dma_start3A_500 = tpu.memref_squeeze %dma_start3A_499 : memref<1x32x1000xf32, #tpu.memory_space<hbm>> -> memref<32x1000xf32, #tpu.memory_space<hbm>>
    %dma_start3A_501 = arith.constant 0 : i32
    %dma_start3A_502 = tpu.memref_slice %arg3[%dma_start3A_497, %mul3A_2, %dma_start3A_501] : memref<21x1024x1000xf32, #tpu.memory_space<hbm>> -> memref<1x32x1000xf32, #tpu.memory_space<hbm>>
    %dma_start3A_503 = tpu.memref_squeeze %dma_start3A_502 : memref<1x32x1000xf32, #tpu.memory_space<hbm>> -> memref<32x1000xf32, #tpu.memory_space<hbm>>
    tpu.enqueue_dma source(%arg4 : memref<32x1000xf32, #tpu.memory_space<vmem>>) target(%dma_start3A_503 : memref<32x1000xf32, #tpu.memory_space<hbm>>) target_semaphore(%arg6 : memref<!tpu.dma_semaphore, #tpu.memory_space<semaphore_mem>>)
    %dma_start3A_504 = arith.constant 17 : i32
    %dma_start3A_505 = arith.constant 0 : i32
    %dma_start3A_506 = tpu.memref_slice %arg3[%dma_start3A_504, %mul3A_2, %dma_start3A_505] : memref<21x1024x1000xf32, #tpu.memory_space<hbm>> -> memref<1x32x1000xf32, #tpu.memory_space<hbm>>
    %dma_start3A_507 = tpu.memref_squeeze %dma_start3A_506 : memref<1x32x1000xf32, #tpu.memory_space<hbm>> -> memref<32x1000xf32, #tpu.memory_space<hbm>>
    %dma_start3A_508 = arith.constant 0 : i32
    %dma_start3A_509 = tpu.memref_slice %arg3[%dma_start3A_504, %mul3A_2, %dma_start3A_508] : memref<21x1024x1000xf32, #tpu.memory_space<hbm>> -> memref<1x32x1000xf32, #tpu.memory_space<hbm>>
    %dma_start3A_510 = tpu.memref_squeeze %dma_start3A_509 : memref<1x32x1000xf32, #tpu.memory_space<hbm>> -> memref<32x1000xf32, #tpu.memory_space<hbm>>
    tpu.enqueue_dma source(%arg4 : memref<32x1000xf32, #tpu.memory_space<vmem>>) target(%dma_start3A_510 : memref<32x1000xf32, #tpu.memory_space<hbm>>) target_semaphore(%arg6 : memref<!tpu.dma_semaphore, #tpu.memory_space<semaphore_mem>>)
    %dma_start3A_511 = arith.constant 18 : i32
    %dma_start3A_512 = arith.constant 0 : i32
    %dma_start3A_513 = tpu.memref_slice %arg3[%dma_start3A_511, %mul3A_2, %dma_start3A_512] : memref<21x1024x1000xf32, #tpu.memory_space<hbm>> -> memref<1x32x1000xf32, #tpu.memory_space<hbm>>
    %dma_start3A_514 = tpu.memref_squeeze %dma_start3A_513 : memref<1x32x1000xf32, #tpu.memory_space<hbm>> -> memref<32x1000xf32, #tpu.memory_space<hbm>>
    %dma_start3A_515 = arith.constant 0 : i32
    %dma_start3A_516 = tpu.memref_slice %arg3[%dma_start3A_511, %mul3A_2, %dma_start3A_515] : memref<21x1024x1000xf32, #tpu.memory_space<hbm>> -> memref<1x32x1000xf32, #tpu.memory_space<hbm>>
    %dma_start3A_517 = tpu.memref_squeeze %dma_start3A_516 : memref<1x32x1000xf32, #tpu.memory_space<hbm>> -> memref<32x1000xf32, #tpu.memory_space<hbm>>
    tpu.enqueue_dma source(%arg4 : memref<32x1000xf32, #tpu.memory_space<vmem>>) target(%dma_start3A_517 : memref<32x1000xf32, #tpu.memory_space<hbm>>) target_semaphore(%arg6 : memref<!tpu.dma_semaphore, #tpu.memory_space<semaphore_mem>>)
    %dma_start3A_518 = arith.constant 19 : i32
    %dma_start3A_519 = arith.constant 0 : i32
    %dma_start3A_520 = tpu.memref_slice %arg3[%dma_start3A_518, %mul3A_2, %dma_start3A_519] : memref<21x1024x1000xf32, #tpu.memory_space<hbm>> -> memref<1x32x1000xf32, #tpu.memory_space<hbm>>
    %dma_start3A_521 = tpu.memref_squeeze %dma_start3A_520 : memref<1x32x1000xf32, #tpu.memory_space<hbm>> -> memref<32x1000xf32, #tpu.memory_space<hbm>>
    %dma_start3A_522 = arith.constant 0 : i32
    %dma_start3A_523 = tpu.memref_slice %arg3[%dma_start3A_518, %mul3A_2, %dma_start3A_522] : memref<21x1024x1000xf32, #tpu.memory_space<hbm>> -> memref<1x32x1000xf32, #tpu.memory_space<hbm>>
    %dma_start3A_524 = tpu.memref_squeeze %dma_start3A_523 : memref<1x32x1000xf32, #tpu.memory_space<hbm>> -> memref<32x1000xf32, #tpu.memory_space<hbm>>
    tpu.enqueue_dma source(%arg4 : memref<32x1000xf32, #tpu.memory_space<vmem>>) target(%dma_start3A_524 : memref<32x1000xf32, #tpu.memory_space<hbm>>) target_semaphore(%arg6 : memref<!tpu.dma_semaphore, #tpu.memory_space<semaphore_mem>>)
    %dma_start3A_525 = arith.constant 20 : i32
    %dma_start3A_526 = arith.constant 0 : i32
    %dma_start3A_527 = tpu.memref_slice %arg3[%dma_start3A_525, %mul3A_2, %dma_start3A_526] : memref<21x1024x1000xf32, #tpu.memory_space<hbm>> -> memref<1x32x1000xf32, #tpu.memory_space<hbm>>
    %dma_start3A_528 = tpu.memref_squeeze %dma_start3A_527 : memref<1x32x1000xf32, #tpu.memory_space<hbm>> -> memref<32x1000xf32, #tpu.memory_space<hbm>>
    %dma_start3A_529 = arith.constant 0 : i32
    %dma_start3A_530 = tpu.memref_slice %arg3[%dma_start3A_525, %mul3A_2, %dma_start3A_529] : memref<21x1024x1000xf32, #tpu.memory_space<hbm>> -> memref<1x32x1000xf32, #tpu.memory_space<hbm>>
    %dma_start3A_531 = tpu.memref_squeeze %dma_start3A_530 : memref<1x32x1000xf32, #tpu.memory_space<hbm>> -> memref<32x1000xf32, #tpu.memory_space<hbm>>
    tpu.enqueue_dma source(%arg4 : memref<32x1000xf32, #tpu.memory_space<vmem>>) target(%dma_start3A_531 : memref<32x1000xf32, #tpu.memory_space<hbm>>) target_semaphore(%arg6 : memref<!tpu.dma_semaphore, #tpu.memory_space<semaphore_mem>>)
    %dma_wait3A_532 = arith.constant 0 : i32
    %dma_wait3A_533 = arith.constant 0 : i32
    %dma_wait3A_534 = tpu.memref_slice %arg3[%dma_wait3A_532, %mul3A_2, %dma_wait3A_533] : memref<21x1024x1000xf32, #tpu.memory_space<hbm>> -> memref<1x32x1000xf32, #tpu.memory_space<hbm>>
    %dma_wait3A_535 = tpu.memref_squeeze %dma_wait3A_534 : memref<1x32x1000xf32, #tpu.memory_space<hbm>> -> memref<32x1000xf32, #tpu.memory_space<hbm>>
    %dma_wait3A_536 = arith.constant 0 : i32
    %dma_wait3A_537 = tpu.memref_slice %arg3[%dma_wait3A_532, %mul3A_2, %dma_wait3A_536] : memref<21x1024x1000xf32, #tpu.memory_space<hbm>> -> memref<1x32x1000xf32, #tpu.memory_space<hbm>>
    %dma_wait3A_538 = tpu.memref_squeeze %dma_wait3A_537 : memref<1x32x1000xf32, #tpu.memory_space<hbm>> -> memref<32x1000xf32, #tpu.memory_space<hbm>>
    tpu.wait_dma2 semaphore(%arg6 : memref<!tpu.dma_semaphore, #tpu.memory_space<semaphore_mem>>) src(%arg4 : memref<32x1000xf32, #tpu.memory_space<vmem>>) dst(%dma_wait3A_538 : memref<32x1000xf32, #tpu.memory_space<hbm>>)
    %dma_wait3A_539 = arith.constant 1 : i32
    %dma_wait3A_540 = arith.constant 0 : i32
    %dma_wait3A_541 = tpu.memref_slice %arg3[%dma_wait3A_539, %mul3A_2, %dma_wait3A_540] : memref<21x1024x1000xf32, #tpu.memory_space<hbm>> -> memref<1x32x1000xf32, #tpu.memory_space<hbm>>
    %dma_wait3A_542 = tpu.memref_squeeze %dma_wait3A_541 : memref<1x32x1000xf32, #tpu.memory_space<hbm>> -> memref<32x1000xf32, #tpu.memory_space<hbm>>
    %dma_wait3A_543 = arith.constant 0 : i32
    %dma_wait3A_544 = tpu.memref_slice %arg3[%dma_wait3A_539, %mul3A_2, %dma_wait3A_543] : memref<21x1024x1000xf32, #tpu.memory_space<hbm>> -> memref<1x32x1000xf32, #tpu.memory_space<hbm>>
    %dma_wait3A_545 = tpu.memref_squeeze %dma_wait3A_544 : memref<1x32x1000xf32, #tpu.memory_space<hbm>> -> memref<32x1000xf32, #tpu.memory_space<hbm>>
    tpu.wait_dma2 semaphore(%arg6 : memref<!tpu.dma_semaphore, #tpu.memory_space<semaphore_mem>>) src(%arg4 : memref<32x1000xf32, #tpu.memory_space<vmem>>) dst(%dma_wait3A_545 : memref<32x1000xf32, #tpu.memory_space<hbm>>)
    %dma_wait3A_546 = arith.constant 2 : i32
    %dma_wait3A_547 = arith.constant 0 : i32
    %dma_wait3A_548 = tpu.memref_slice %arg3[%dma_wait3A_546, %mul3A_2, %dma_wait3A_547] : memref<21x1024x1000xf32, #tpu.memory_space<hbm>> -> memref<1x32x1000xf32, #tpu.memory_space<hbm>>
    %dma_wait3A_549 = tpu.memref_squeeze %dma_wait3A_548 : memref<1x32x1000xf32, #tpu.memory_space<hbm>> -> memref<32x1000xf32, #tpu.memory_space<hbm>>
    %dma_wait3A_550 = arith.constant 0 : i32
    %dma_wait3A_551 = tpu.memref_slice %arg3[%dma_wait3A_546, %mul3A_2, %dma_wait3A_550] : memref<21x1024x1000xf32, #tpu.memory_space<hbm>> -> memref<1x32x1000xf32, #tpu.memory_space<hbm>>
    %dma_wait3A_552 = tpu.memref_squeeze %dma_wait3A_551 : memref<1x32x1000xf32, #tpu.memory_space<hbm>> -> memref<32x1000xf32, #tpu.memory_space<hbm>>
    tpu.wait_dma2 semaphore(%arg6 : memref<!tpu.dma_semaphore, #tpu.memory_space<semaphore_mem>>) src(%arg4 : memref<32x1000xf32, #tpu.memory_space<vmem>>) dst(%dma_wait3A_552 : memref<32x1000xf32, #tpu.memory_space<hbm>>)
    %dma_wait3A_553 = arith.constant 3 : i32
    %dma_wait3A_554 = arith.constant 0 : i32
    %dma_wait3A_555 = tpu.memref_slice %arg3[%dma_wait3A_553, %mul3A_2, %dma_wait3A_554] : memref<21x1024x1000xf32, #tpu.memory_space<hbm>> -> memref<1x32x1000xf32, #tpu.memory_space<hbm>>
    %dma_wait3A_556 = tpu.memref_squeeze %dma_wait3A_555 : memref<1x32x1000xf32, #tpu.memory_space<hbm>> -> memref<32x1000xf32, #tpu.memory_space<hbm>>
    %dma_wait3A_557 = arith.constant 0 : i32
    %dma_wait3A_558 = tpu.memref_slice %arg3[%dma_wait3A_553, %mul3A_2, %dma_wait3A_557] : memref<21x1024x1000xf32, #tpu.memory_space<hbm>> -> memref<1x32x1000xf32, #tpu.memory_space<hbm>>
    %dma_wait3A_559 = tpu.memref_squeeze %dma_wait3A_558 : memref<1x32x1000xf32, #tpu.memory_space<hbm>> -> memref<32x1000xf32, #tpu.memory_space<hbm>>
    tpu.wait_dma2 semaphore(%arg6 : memref<!tpu.dma_semaphore, #tpu.memory_space<semaphore_mem>>) src(%arg4 : memref<32x1000xf32, #tpu.memory_space<vmem>>) dst(%dma_wait3A_559 : memref<32x1000xf32, #tpu.memory_space<hbm>>)
    %dma_wait3A_560 = arith.constant 4 : i32
    %dma_wait3A_561 = arith.constant 0 : i32
    %dma_wait3A_562 = tpu.memref_slice %arg3[%dma_wait3A_560, %mul3A_2, %dma_wait3A_561] : memref<21x1024x1000xf32, #tpu.memory_space<hbm>> -> memref<1x32x1000xf32, #tpu.memory_space<hbm>>
    %dma_wait3A_563 = tpu.memref_squeeze %dma_wait3A_562 : memref<1x32x1000xf32, #tpu.memory_space<hbm>> -> memref<32x1000xf32, #tpu.memory_space<hbm>>
    %dma_wait3A_564 = arith.constant 0 : i32
    %dma_wait3A_565 = tpu.memref_slice %arg3[%dma_wait3A_560, %mul3A_2, %dma_wait3A_564] : memref<21x1024x1000xf32, #tpu.memory_space<hbm>> -> memref<1x32x1000xf32, #tpu.memory_space<hbm>>
    %dma_wait3A_566 = tpu.memref_squeeze %dma_wait3A_565 : memref<1x32x1000xf32, #tpu.memory_space<hbm>> -> memref<32x1000xf32, #tpu.memory_space<hbm>>
    tpu.wait_dma2 semaphore(%arg6 : memref<!tpu.dma_semaphore, #tpu.memory_space<semaphore_mem>>) src(%arg4 : memref<32x1000xf32, #tpu.memory_space<vmem>>) dst(%dma_wait3A_566 : memref<32x1000xf32, #tpu.memory_space<hbm>>)
    %dma_wait3A_567 = arith.constant 5 : i32
    %dma_wait3A_568 = arith.constant 0 : i32
    %dma_wait3A_569 = tpu.memref_slice %arg3[%dma_wait3A_567, %mul3A_2, %dma_wait3A_568] : memref<21x1024x1000xf32, #tpu.memory_space<hbm>> -> memref<1x32x1000xf32, #tpu.memory_space<hbm>>
    %dma_wait3A_570 = tpu.memref_squeeze %dma_wait3A_569 : memref<1x32x1000xf32, #tpu.memory_space<hbm>> -> memref<32x1000xf32, #tpu.memory_space<hbm>>
    %dma_wait3A_571 = arith.constant 0 : i32
    %dma_wait3A_572 = tpu.memref_slice %arg3[%dma_wait3A_567, %mul3A_2, %dma_wait3A_571] : memref<21x1024x1000xf32, #tpu.memory_space<hbm>> -> memref<1x32x1000xf32, #tpu.memory_space<hbm>>
    %dma_wait3A_573 = tpu.memref_squeeze %dma_wait3A_572 : memref<1x32x1000xf32, #tpu.memory_space<hbm>> -> memref<32x1000xf32, #tpu.memory_space<hbm>>
    tpu.wait_dma2 semaphore(%arg6 : memref<!tpu.dma_semaphore, #tpu.memory_space<semaphore_mem>>) src(%arg4 : memref<32x1000xf32, #tpu.memory_space<vmem>>) dst(%dma_wait3A_573 : memref<32x1000xf32, #tpu.memory_space<hbm>>)
    %dma_wait3A_574 = arith.constant 6 : i32
    %dma_wait3A_575 = arith.constant 0 : i32
    %dma_wait3A_576 = tpu.memref_slice %arg3[%dma_wait3A_574, %mul3A_2, %dma_wait3A_575] : memref<21x1024x1000xf32, #tpu.memory_space<hbm>> -> memref<1x32x1000xf32, #tpu.memory_space<hbm>>
    %dma_wait3A_577 = tpu.memref_squeeze %dma_wait3A_576 : memref<1x32x1000xf32, #tpu.memory_space<hbm>> -> memref<32x1000xf32, #tpu.memory_space<hbm>>
    %dma_wait3A_578 = arith.constant 0 : i32
    %dma_wait3A_579 = tpu.memref_slice %arg3[%dma_wait3A_574, %mul3A_2, %dma_wait3A_578] : memref<21x1024x1000xf32, #tpu.memory_space<hbm>> -> memref<1x32x1000xf32, #tpu.memory_space<hbm>>
    %dma_wait3A_580 = tpu.memref_squeeze %dma_wait3A_579 : memref<1x32x1000xf32, #tpu.memory_space<hbm>> -> memref<32x1000xf32, #tpu.memory_space<hbm>>
    tpu.wait_dma2 semaphore(%arg6 : memref<!tpu.dma_semaphore, #tpu.memory_space<semaphore_mem>>) src(%arg4 : memref<32x1000xf32, #tpu.memory_space<vmem>>) dst(%dma_wait3A_580 : memref<32x1000xf32, #tpu.memory_space<hbm>>)
    %dma_wait3A_581 = arith.constant 7 : i32
    %dma_wait3A_582 = arith.constant 0 : i32
    %dma_wait3A_583 = tpu.memref_slice %arg3[%dma_wait3A_581, %mul3A_2, %dma_wait3A_582] : memref<21x1024x1000xf32, #tpu.memory_space<hbm>> -> memref<1x32x1000xf32, #tpu.memory_space<hbm>>
    %dma_wait3A_584 = tpu.memref_squeeze %dma_wait3A_583 : memref<1x32x1000xf32, #tpu.memory_space<hbm>> -> memref<32x1000xf32, #tpu.memory_space<hbm>>
    %dma_wait3A_585 = arith.constant 0 : i32
    %dma_wait3A_586 = tpu.memref_slice %arg3[%dma_wait3A_581, %mul3A_2, %dma_wait3A_585] : memref<21x1024x1000xf32, #tpu.memory_space<hbm>> -> memref<1x32x1000xf32, #tpu.memory_space<hbm>>
    %dma_wait3A_587 = tpu.memref_squeeze %dma_wait3A_586 : memref<1x32x1000xf32, #tpu.memory_space<hbm>> -> memref<32x1000xf32, #tpu.memory_space<hbm>>
    tpu.wait_dma2 semaphore(%arg6 : memref<!tpu.dma_semaphore, #tpu.memory_space<semaphore_mem>>) src(%arg4 : memref<32x1000xf32, #tpu.memory_space<vmem>>) dst(%dma_wait3A_587 : memref<32x1000xf32, #tpu.memory_space<hbm>>)
    %dma_wait3A_588 = arith.constant 8 : i32
    %dma_wait3A_589 = arith.constant 0 : i32
    %dma_wait3A_590 = tpu.memref_slice %arg3[%dma_wait3A_588, %mul3A_2, %dma_wait3A_589] : memref<21x1024x1000xf32, #tpu.memory_space<hbm>> -> memref<1x32x1000xf32, #tpu.memory_space<hbm>>
    %dma_wait3A_591 = tpu.memref_squeeze %dma_wait3A_590 : memref<1x32x1000xf32, #tpu.memory_space<hbm>> -> memref<32x1000xf32, #tpu.memory_space<hbm>>
    %dma_wait3A_592 = arith.constant 0 : i32
    %dma_wait3A_593 = tpu.memref_slice %arg3[%dma_wait3A_588, %mul3A_2, %dma_wait3A_592] : memref<21x1024x1000xf32, #tpu.memory_space<hbm>> -> memref<1x32x1000xf32, #tpu.memory_space<hbm>>
    %dma_wait3A_594 = tpu.memref_squeeze %dma_wait3A_593 : memref<1x32x1000xf32, #tpu.memory_space<hbm>> -> memref<32x1000xf32, #tpu.memory_space<hbm>>
    tpu.wait_dma2 semaphore(%arg6 : memref<!tpu.dma_semaphore, #tpu.memory_space<semaphore_mem>>) src(%arg4 : memref<32x1000xf32, #tpu.memory_space<vmem>>) dst(%dma_wait3A_594 : memref<32x1000xf32, #tpu.memory_space<hbm>>)
    %dma_wait3A_595 = arith.constant 9 : i32
    %dma_wait3A_596 = arith.constant 0 : i32
    %dma_wait3A_597 = tpu.memref_slice %arg3[%dma_wait3A_595, %mul3A_2, %dma_wait3A_596] : memref<21x1024x1000xf32, #tpu.memory_space<hbm>> -> memref<1x32x1000xf32, #tpu.memory_space<hbm>>
    %dma_wait3A_598 = tpu.memref_squeeze %dma_wait3A_597 : memref<1x32x1000xf32, #tpu.memory_space<hbm>> -> memref<32x1000xf32, #tpu.memory_space<hbm>>
    %dma_wait3A_599 = arith.constant 0 : i32
    %dma_wait3A_600 = tpu.memref_slice %arg3[%dma_wait3A_595, %mul3A_2, %dma_wait3A_599] : memref<21x1024x1000xf32, #tpu.memory_space<hbm>> -> memref<1x32x1000xf32, #tpu.memory_space<hbm>>
    %dma_wait3A_601 = tpu.memref_squeeze %dma_wait3A_600 : memref<1x32x1000xf32, #tpu.memory_space<hbm>> -> memref<32x1000xf32, #tpu.memory_space<hbm>>
    tpu.wait_dma2 semaphore(%arg6 : memref<!tpu.dma_semaphore, #tpu.memory_space<semaphore_mem>>) src(%arg4 : memref<32x1000xf32, #tpu.memory_space<vmem>>) dst(%dma_wait3A_601 : memref<32x1000xf32, #tpu.memory_space<hbm>>)
    %dma_wait3A_602 = arith.constant 10 : i32
    %dma_wait3A_603 = arith.constant 0 : i32
    %dma_wait3A_604 = tpu.memref_slice %arg3[%dma_wait3A_602, %mul3A_2, %dma_wait3A_603] : memref<21x1024x1000xf32, #tpu.memory_space<hbm>> -> memref<1x32x1000xf32, #tpu.memory_space<hbm>>
    %dma_wait3A_605 = tpu.memref_squeeze %dma_wait3A_604 : memref<1x32x1000xf32, #tpu.memory_space<hbm>> -> memref<32x1000xf32, #tpu.memory_space<hbm>>
    %dma_wait3A_606 = arith.constant 0 : i32
    %dma_wait3A_607 = tpu.memref_slice %arg3[%dma_wait3A_602, %mul3A_2, %dma_wait3A_606] : memref<21x1024x1000xf32, #tpu.memory_space<hbm>> -> memref<1x32x1000xf32, #tpu.memory_space<hbm>>
    %dma_wait3A_608 = tpu.memref_squeeze %dma_wait3A_607 : memref<1x32x1000xf32, #tpu.memory_space<hbm>> -> memref<32x1000xf32, #tpu.memory_space<hbm>>
    tpu.wait_dma2 semaphore(%arg6 : memref<!tpu.dma_semaphore, #tpu.memory_space<semaphore_mem>>) src(%arg4 : memref<32x1000xf32, #tpu.memory_space<vmem>>) dst(%dma_wait3A_608 : memref<32x1000xf32, #tpu.memory_space<hbm>>)
    %dma_wait3A_609 = arith.constant 11 : i32
    %dma_wait3A_610 = arith.constant 0 : i32
    %dma_wait3A_611 = tpu.memref_slice %arg3[%dma_wait3A_609, %mul3A_2, %dma_wait3A_610] : memref<21x1024x1000xf32, #tpu.memory_space<hbm>> -> memref<1x32x1000xf32, #tpu.memory_space<hbm>>
    %dma_wait3A_612 = tpu.memref_squeeze %dma_wait3A_611 : memref<1x32x1000xf32, #tpu.memory_space<hbm>> -> memref<32x1000xf32, #tpu.memory_space<hbm>>
    %dma_wait3A_613 = arith.constant 0 : i32
    %dma_wait3A_614 = tpu.memref_slice %arg3[%dma_wait3A_609, %mul3A_2, %dma_wait3A_613] : memref<21x1024x1000xf32, #tpu.memory_space<hbm>> -> memref<1x32x1000xf32, #tpu.memory_space<hbm>>
    %dma_wait3A_615 = tpu.memref_squeeze %dma_wait3A_614 : memref<1x32x1000xf32, #tpu.memory_space<hbm>> -> memref<32x1000xf32, #tpu.memory_space<hbm>>
    tpu.wait_dma2 semaphore(%arg6 : memref<!tpu.dma_semaphore, #tpu.memory_space<semaphore_mem>>) src(%arg4 : memref<32x1000xf32, #tpu.memory_space<vmem>>) dst(%dma_wait3A_615 : memref<32x1000xf32, #tpu.memory_space<hbm>>)
    %dma_wait3A_616 = arith.constant 12 : i32
    %dma_wait3A_617 = arith.constant 0 : i32
    %dma_wait3A_618 = tpu.memref_slice %arg3[%dma_wait3A_616, %mul3A_2, %dma_wait3A_617] : memref<21x1024x1000xf32, #tpu.memory_space<hbm>> -> memref<1x32x1000xf32, #tpu.memory_space<hbm>>
    %dma_wait3A_619 = tpu.memref_squeeze %dma_wait3A_618 : memref<1x32x1000xf32, #tpu.memory_space<hbm>> -> memref<32x1000xf32, #tpu.memory_space<hbm>>
    %dma_wait3A_620 = arith.constant 0 : i32
    %dma_wait3A_621 = tpu.memref_slice %arg3[%dma_wait3A_616, %mul3A_2, %dma_wait3A_620] : memref<21x1024x1000xf32, #tpu.memory_space<hbm>> -> memref<1x32x1000xf32, #tpu.memory_space<hbm>>
    %dma_wait3A_622 = tpu.memref_squeeze %dma_wait3A_621 : memref<1x32x1000xf32, #tpu.memory_space<hbm>> -> memref<32x1000xf32, #tpu.memory_space<hbm>>
    tpu.wait_dma2 semaphore(%arg6 : memref<!tpu.dma_semaphore, #tpu.memory_space<semaphore_mem>>) src(%arg4 : memref<32x1000xf32, #tpu.memory_space<vmem>>) dst(%dma_wait3A_622 : memref<32x1000xf32, #tpu.memory_space<hbm>>)
    %dma_wait3A_623 = arith.constant 13 : i32
    %dma_wait3A_624 = arith.constant 0 : i32
    %dma_wait3A_625 = tpu.memref_slice %arg3[%dma_wait3A_623, %mul3A_2, %dma_wait3A_624] : memref<21x1024x1000xf32, #tpu.memory_space<hbm>> -> memref<1x32x1000xf32, #tpu.memory_space<hbm>>
    %dma_wait3A_626 = tpu.memref_squeeze %dma_wait3A_625 : memref<1x32x1000xf32, #tpu.memory_space<hbm>> -> memref<32x1000xf32, #tpu.memory_space<hbm>>
    %dma_wait3A_627 = arith.constant 0 : i32
    %dma_wait3A_628 = tpu.memref_slice %arg3[%dma_wait3A_623, %mul3A_2, %dma_wait3A_627] : memref<21x1024x1000xf32, #tpu.memory_space<hbm>> -> memref<1x32x1000xf32, #tpu.memory_space<hbm>>
    %dma_wait3A_629 = tpu.memref_squeeze %dma_wait3A_628 : memref<1x32x1000xf32, #tpu.memory_space<hbm>> -> memref<32x1000xf32, #tpu.memory_space<hbm>>
    tpu.wait_dma2 semaphore(%arg6 : memref<!tpu.dma_semaphore, #tpu.memory_space<semaphore_mem>>) src(%arg4 : memref<32x1000xf32, #tpu.memory_space<vmem>>) dst(%dma_wait3A_629 : memref<32x1000xf32, #tpu.memory_space<hbm>>)
    %dma_wait3A_630 = arith.constant 14 : i32
    %dma_wait3A_631 = arith.constant 0 : i32
    %dma_wait3A_632 = tpu.memref_slice %arg3[%dma_wait3A_630, %mul3A_2, %dma_wait3A_631] : memref<21x1024x1000xf32, #tpu.memory_space<hbm>> -> memref<1x32x1000xf32, #tpu.memory_space<hbm>>
    %dma_wait3A_633 = tpu.memref_squeeze %dma_wait3A_632 : memref<1x32x1000xf32, #tpu.memory_space<hbm>> -> memref<32x1000xf32, #tpu.memory_space<hbm>>
    %dma_wait3A_634 = arith.constant 0 : i32
    %dma_wait3A_635 = tpu.memref_slice %arg3[%dma_wait3A_630, %mul3A_2, %dma_wait3A_634] : memref<21x1024x1000xf32, #tpu.memory_space<hbm>> -> memref<1x32x1000xf32, #tpu.memory_space<hbm>>
    %dma_wait3A_636 = tpu.memref_squeeze %dma_wait3A_635 : memref<1x32x1000xf32, #tpu.memory_space<hbm>> -> memref<32x1000xf32, #tpu.memory_space<hbm>>
    tpu.wait_dma2 semaphore(%arg6 : memref<!tpu.dma_semaphore, #tpu.memory_space<semaphore_mem>>) src(%arg4 : memref<32x1000xf32, #tpu.memory_space<vmem>>) dst(%dma_wait3A_636 : memref<32x1000xf32, #tpu.memory_space<hbm>>)
    %dma_wait3A_637 = arith.constant 15 : i32
    %dma_wait3A_638 = arith.constant 0 : i32
    %dma_wait3A_639 = tpu.memref_slice %arg3[%dma_wait3A_637, %mul3A_2, %dma_wait3A_638] : memref<21x1024x1000xf32, #tpu.memory_space<hbm>> -> memref<1x32x1000xf32, #tpu.memory_space<hbm>>
    %dma_wait3A_640 = tpu.memref_squeeze %dma_wait3A_639 : memref<1x32x1000xf32, #tpu.memory_space<hbm>> -> memref<32x1000xf32, #tpu.memory_space<hbm>>
    %dma_wait3A_641 = arith.constant 0 : i32
    %dma_wait3A_642 = tpu.memref_slice %arg3[%dma_wait3A_637, %mul3A_2, %dma_wait3A_641] : memref<21x1024x1000xf32, #tpu.memory_space<hbm>> -> memref<1x32x1000xf32, #tpu.memory_space<hbm>>
    %dma_wait3A_643 = tpu.memref_squeeze %dma_wait3A_642 : memref<1x32x1000xf32, #tpu.memory_space<hbm>> -> memref<32x1000xf32, #tpu.memory_space<hbm>>
    tpu.wait_dma2 semaphore(%arg6 : memref<!tpu.dma_semaphore, #tpu.memory_space<semaphore_mem>>) src(%arg4 : memref<32x1000xf32, #tpu.memory_space<vmem>>) dst(%dma_wait3A_643 : memref<32x1000xf32, #tpu.memory_space<hbm>>)
    %dma_wait3A_644 = arith.constant 16 : i32
    %dma_wait3A_645 = arith.constant 0 : i32
    %dma_wait3A_646 = tpu.memref_slice %arg3[%dma_wait3A_644, %mul3A_2, %dma_wait3A_645] : memref<21x1024x1000xf32, #tpu.memory_space<hbm>> -> memref<1x32x1000xf32, #tpu.memory_space<hbm>>
    %dma_wait3A_647 = tpu.memref_squeeze %dma_wait3A_646 : memref<1x32x1000xf32, #tpu.memory_space<hbm>> -> memref<32x1000xf32, #tpu.memory_space<hbm>>
    %dma_wait3A_648 = arith.constant 0 : i32
    %dma_wait3A_649 = tpu.memref_slice %arg3[%dma_wait3A_644, %mul3A_2, %dma_wait3A_648] : memref<21x1024x1000xf32, #tpu.memory_space<hbm>> -> memref<1x32x1000xf32, #tpu.memory_space<hbm>>
    %dma_wait3A_650 = tpu.memref_squeeze %dma_wait3A_649 : memref<1x32x1000xf32, #tpu.memory_space<hbm>> -> memref<32x1000xf32, #tpu.memory_space<hbm>>
    tpu.wait_dma2 semaphore(%arg6 : memref<!tpu.dma_semaphore, #tpu.memory_space<semaphore_mem>>) src(%arg4 : memref<32x1000xf32, #tpu.memory_space<vmem>>) dst(%dma_wait3A_650 : memref<32x1000xf32, #tpu.memory_space<hbm>>)
    %dma_wait3A_651 = arith.constant 17 : i32
    %dma_wait3A_652 = arith.constant 0 : i32
    %dma_wait3A_653 = tpu.memref_slice %arg3[%dma_wait3A_651, %mul3A_2, %dma_wait3A_652] : memref<21x1024x1000xf32, #tpu.memory_space<hbm>> -> memref<1x32x1000xf32, #tpu.memory_space<hbm>>
    %dma_wait3A_654 = tpu.memref_squeeze %dma_wait3A_653 : memref<1x32x1000xf32, #tpu.memory_space<hbm>> -> memref<32x1000xf32, #tpu.memory_space<hbm>>
    %dma_wait3A_655 = arith.constant 0 : i32
    %dma_wait3A_656 = tpu.memref_slice %arg3[%dma_wait3A_651, %mul3A_2, %dma_wait3A_655] : memref<21x1024x1000xf32, #tpu.memory_space<hbm>> -> memref<1x32x1000xf32, #tpu.memory_space<hbm>>
    %dma_wait3A_657 = tpu.memref_squeeze %dma_wait3A_656 : memref<1x32x1000xf32, #tpu.memory_space<hbm>> -> memref<32x1000xf32, #tpu.memory_space<hbm>>
    tpu.wait_dma2 semaphore(%arg6 : memref<!tpu.dma_semaphore, #tpu.memory_space<semaphore_mem>>) src(%arg4 : memref<32x1000xf32, #tpu.memory_space<vmem>>) dst(%dma_wait3A_657 : memref<32x1000xf32, #tpu.memory_space<hbm>>)
    %dma_wait3A_658 = arith.constant 18 : i32
    %dma_wait3A_659 = arith.constant 0 : i32
    %dma_wait3A_660 = tpu.memref_slice %arg3[%dma_wait3A_658, %mul3A_2, %dma_wait3A_659] : memref<21x1024x1000xf32, #tpu.memory_space<hbm>> -> memref<1x32x1000xf32, #tpu.memory_space<hbm>>
    %dma_wait3A_661 = tpu.memref_squeeze %dma_wait3A_660 : memref<1x32x1000xf32, #tpu.memory_space<hbm>> -> memref<32x1000xf32, #tpu.memory_space<hbm>>
    %dma_wait3A_662 = arith.constant 0 : i32
    %dma_wait3A_663 = tpu.memref_slice %arg3[%dma_wait3A_658, %mul3A_2, %dma_wait3A_662] : memref<21x1024x1000xf32, #tpu.memory_space<hbm>> -> memref<1x32x1000xf32, #tpu.memory_space<hbm>>
    %dma_wait3A_664 = tpu.memref_squeeze %dma_wait3A_663 : memref<1x32x1000xf32, #tpu.memory_space<hbm>> -> memref<32x1000xf32, #tpu.memory_space<hbm>>
    tpu.wait_dma2 semaphore(%arg6 : memref<!tpu.dma_semaphore, #tpu.memory_space<semaphore_mem>>) src(%arg4 : memref<32x1000xf32, #tpu.memory_space<vmem>>) dst(%dma_wait3A_664 : memref<32x1000xf32, #tpu.memory_space<hbm>>)
    %dma_wait3A_665 = arith.constant 19 : i32
    %dma_wait3A_666 = arith.constant 0 : i32
    %dma_wait3A_667 = tpu.memref_slice %arg3[%dma_wait3A_665, %mul3A_2, %dma_wait3A_666] : memref<21x1024x1000xf32, #tpu.memory_space<hbm>> -> memref<1x32x1000xf32, #tpu.memory_space<hbm>>
    %dma_wait3A_668 = tpu.memref_squeeze %dma_wait3A_667 : memref<1x32x1000xf32, #tpu.memory_space<hbm>> -> memref<32x1000xf32, #tpu.memory_space<hbm>>
    %dma_wait3A_669 = arith.constant 0 : i32
    %dma_wait3A_670 = tpu.memref_slice %arg3[%dma_wait3A_665, %mul3A_2, %dma_wait3A_669] : memref<21x1024x1000xf32, #tpu.memory_space<hbm>> -> memref<1x32x1000xf32, #tpu.memory_space<hbm>>
    %dma_wait3A_671 = tpu.memref_squeeze %dma_wait3A_670 : memref<1x32x1000xf32, #tpu.memory_space<hbm>> -> memref<32x1000xf32, #tpu.memory_space<hbm>>
    tpu.wait_dma2 semaphore(%arg6 : memref<!tpu.dma_semaphore, #tpu.memory_space<semaphore_mem>>) src(%arg4 : memref<32x1000xf32, #tpu.memory_space<vmem>>) dst(%dma_wait3A_671 : memref<32x1000xf32, #tpu.memory_space<hbm>>)
    %dma_wait3A_672 = arith.constant 20 : i32
    %dma_wait3A_673 = arith.constant 0 : i32
    %dma_wait3A_674 = tpu.memref_slice %arg3[%dma_wait3A_672, %mul3A_2, %dma_wait3A_673] : memref<21x1024x1000xf32, #tpu.memory_space<hbm>> -> memref<1x32x1000xf32, #tpu.memory_space<hbm>>
    %dma_wait3A_675 = tpu.memref_squeeze %dma_wait3A_674 : memref<1x32x1000xf32, #tpu.memory_space<hbm>> -> memref<32x1000xf32, #tpu.memory_space<hbm>>
    %dma_wait3A_676 = arith.constant 0 : i32
    %dma_wait3A_677 = tpu.memref_slice %arg3[%dma_wait3A_672, %mul3A_2, %dma_wait3A_676] : memref<21x1024x1000xf32, #tpu.memory_space<hbm>> -> memref<1x32x1000xf32, #tpu.memory_space<hbm>>
    %dma_wait3A_678 = tpu.memref_squeeze %dma_wait3A_677 : memref<1x32x1000xf32, #tpu.memory_space<hbm>> -> memref<32x1000xf32, #tpu.memory_space<hbm>>
    tpu.wait_dma2 semaphore(%arg6 : memref<!tpu.dma_semaphore, #tpu.memory_space<semaphore_mem>>) src(%arg4 : memref<32x1000xf32, #tpu.memory_space<vmem>>) dst(%dma_wait3A_678 : memref<32x1000xf32, #tpu.memory_space<hbm>>)
    return
  }
}

</mosaic_0001>

<sc_bundles>
// kernel: kernel.3.cloned.1.call-start
scs
__scs_entry_jumppad:
0x0: {  	(pc) =	sbr.rel $0x88, $3  }
0x1: {  	(tag) =	ssettag $0x0;
	lr =	simm.s32 $0x1  }
0x2: {  	[smem:$0x3FA0] =	sst lr;
	_ =	strace $0xD0000000  }
0x3: {  	_ = 	snop  }
0x4: {  	_ = 	snop  }
0x5: {  	_ = 	snop  }
0x6: {  	_ = 	snop  }
0x7: {  	_ = 	snop  }
__scs_overlays_trampoline_lowered:
0x8: {  	[smem:$0x3FAF] =	sst s0  }
0x9: {  	[smem:$0x3FB0] =	sst s1  }
0xa: {  	[smem:$0x3FB1] =	sst s2  }
0xb: {  	[smem:$0x3FB2] =	sst s3  }
0xc: {  	[smem:$0x3FB3] =	sst s4  }
0xd: {  	[smem:$0x3FB4] =	sst s5  }
0xe: {  	[smem:$0x3FB5] =	sst s6  }
0xf: {  	[smem:$0x3FB6] =	sst s7  }
0x10: {  	[smem:$0x3FB7] =	sst s8  }
0x11: {  	[smem:$0x3FB8] =	sst s9;
	s0 =	simm.s32 @!p0 $0x0  }
0x12: {  	s1 =	sld [smem:$0x3F9E];
	s0 =	simm.s32 @p0 $0x1  }
0x13: {  	[smem:$0x3FB9] =	sst s0;
	s0 =	simm.s32 @!p1 $0x0  }
0x14: {  	s2 =	sld [smem:$0x3F9D];
	s0 =	simm.s32 @p1 $0x1  }
0x15: {  	[smem:$0x3FBA] =	sst s0;
	s0 =	simm.s32 @!p2 $0x0  }
0x16: {  	s3 =	sld [smem:$0x3FDB];
	s0 =	simm.s32 @p2 $0x1  }
0x17: {  	s4 =	simm.s32 $0x1BF5;
	[smem:$0x3FBC] =	sst s0  }
0x18: {  	s0 =	sld [smem:$0x3F9F];
	_ =	swait.ge [sflag:s4], $0x0  }
0x19: {  	s7 =	sld [smem:$0x3FA0]  }
0x1a: {  	s8 =	sadd.s32 $0xFFFFE003, lr  }
0x1b: {  	s9 =	sadd.s32 $0xFFFFFEF7, lr;
	s5 =	simm.s32 $0xFFFFFFFF;
	p2 =	slt.u32 s8, $0xFFFFF086  }
0x1c: {  	p1 =	slt.u32 s9, $0xF7A;
	s5 =	simm.s32 @!p2 $0x0  }
0x1d: {  	s5 =	simm.s32 @p1 $0x1;
	p0 =	seq.s32 s7, s2  }
0x1e: {  	s7 =	smul.u32 @!p0 $0xF7A, s2;
	p2 =	seq.s32 @!p0 s5, $0x0  }
0x1f: {  	s9 =	smul.u32 $0xF7A, s1;
	s8 =	simm.s32 @!p0 $0x1BF5;
	p2 =	por !p2, p0  }
0x20: {  	[sflag:s8] =	ssyncset.s32 @!p0 $0xFFFFF086;
	s6 =	sadd.s32 @!p0 s3, s7;
	s7 =	simm.s32 @!p0 $0x108  }
0x21: {  	s3 =	sadd.s32 s3, s9;
	s6 =	sadd.s32 @!p0 $0x88, s6;
	s7 =	simm.s32 @p2 $0x1082  }
0x22: {  	[simem:s7], [sflag:s8] =	dma.local @!p0 [hbm:s6], $0xF7A  }
0x23: {  	s9 =	sor.u32 $0xD0000000, s2;
	s6 =	simm.s32 $0x108;
	_ =	swait.ge @!p0 [sflag:s8], $0x0  }
0x24: {  	s3 =	sadd.s32 $0x88, s3;
	s6 =	simm.s32 @!p1 $0x1082;
	[sflag:s4] =	ssyncset.s32 $0xFFFFF086  }
0x25: {  	[simem:s6], [sflag:s4] =	dma.local [hbm:s3], $0xF7A  }
0x26: {  	[smem:$0x3FA0] =	sst s1;
	(tag) =	ssettag s2;
	_ =	strace s9  }
0x27: {  	s1 =	sld [smem:$0x3FB0]  }
0x28: {  	s2 =	sld [smem:$0x3FB1]  }
0x29: {  	s4 =	sld [smem:$0x3FB3]  }
0x2a: {  	p0 =	seq.s32 s5, $0x0;
	s5 =	sld [smem:$0x3FB4]  }
0x2b: {  	s6 =	sld [smem:$0x3FB5]  }
0x2c: {  	s7 =	sld [smem:$0x3FB6]  }
0x2d: {  	s3 =	simm.s32 $0x108;
	s8 =	sld [smem:$0x3FB7]  }
0x2e: {  	s3 =	simm.s32 @!p0 $0x1082;
	s9 =	sld [smem:$0x3FB8]  }
0x2f: {  	lr =	sadd.s32 s0, s3;
	s0 =	sld [smem:$0x3FAF]  }
0x30: {  	s3 =	sld [smem:$0x3FB2]  }
0x31: {  	[smem:$0x3FBB] =	sst s10  }
0x32: {  	s10 =	sld [smem:$0x3FB9];
	_ =	sdelay $0x3  }
0x33: {  	p0 =	seq.s32 s10, $0x1;
	s10 =	sld [smem:$0x3FBB];
	_ =	sdelay $0x3  }
0x34: {  	[smem:$0x3FBB] =	sst s10  }
0x35: {  	s10 =	sld [smem:$0x3FBA];
	_ =	sdelay $0x3  }
0x36: {  	p1 =	seq.s32 s10, $0x1;
	s10 =	sld [smem:$0x3FBB];
	_ =	sdelay $0x3  }
0x37: {  	[smem:$0x3FBB] =	sst s10  }
0x38: {  	s10 =	sld [smem:$0x3FBC]  }
0x39: {  	_ = 	snop;
	(pc) =	sbr.ind lr, $3  }
0x3a: {  	_ = 	snop  }
0x3b: {  	_ = 	snop  }
0x3c: {  	p2 =	seq.s32 s10, $0x1;
	s10 =	sld [smem:$0x3FBB]  }
0x3d: {  	_ =	shalt  }
0x3e: {  	_ =	shalt  }
0x3f: {  	_ =	shalt  }
0x40: {  	_ =	shalt  }
0x41: {  	_ =	shalt  }
0x42: {  	_ =	shalt  }
0x43: {  	_ =	shalt  }
0x44: {  	_ =	shalt  }
0x45: {  	_ =	shalt  }
0x46: {  	_ =	shalt  }
0x47: {  	_ =	shalt  }
0x48: {  	_ =	shalt  }
0x49: {  	_ =	shalt  }
0x4a: {  	_ =	shalt  }
0x4b: {  	_ =	shalt  }
0x4c: {  	_ =	shalt  }
0x4d: {  	_ =	shalt  }
0x4e: {  	_ =	shalt  }
0x4f: {  	_ =	shalt  }
0x50: {  	_ =	shalt  }
0x51: {  	_ =	shalt  }
0x52: {  	_ =	shalt  }
0x53: {  	_ =	shalt  }
0x54: {  	_ =	shalt  }
0x55: {  	_ =	shalt  }
0x56: {  	_ =	shalt  }
0x57: {  	_ =	shalt  }
0x58: {  	_ =	shalt  }
0x59: {  	_ =	shalt  }
0x5a: {  	_ =	shalt  }
0x5b: {  	_ =	shalt  }
0x5c: {  	_ =	shalt  }
0x5d: {  	_ =	shalt  }
0x5e: {  	_ =	shalt  }
0x5f: {  	_ =	shalt  }
0x60: {  	_ =	shalt  }
0x61: {  	_ =	shalt  }
0x62: {  	_ =	shalt  }
0x63: {  	_ =	shalt  }
0x64: {  	_ =	shalt  }
0x65: {  	_ =	shalt  }
0x66: {  	_ =	shalt  }
0x67: {  	_ =	shalt  }
0x68: {  	_ =	shalt  }
0x69: {  	_ =	shalt  }
0x6a: {  	_ =	shalt  }
0x6b: {  	_ =	shalt  }
0x6c: {  	_ =	shalt  }
0x6d: {  	_ =	shalt  }
0x6e: {  	_ =	shalt  }
0x6f: {  	_ =	shalt  }
0x70: {  	_ =	shalt  }
0x71: {  	_ =	shalt  }
0x72: {  	_ =	shalt  }
0x73: {  	_ =	shalt  }
0x74: {  	_ =	shalt  }
0x75: {  	_ =	shalt  }
0x76: {  	_ =	shalt  }
0x77: {  	_ =	shalt  }
0x78: {  	_ =	shalt  }
0x79: {  	_ =	shalt  }
0x7a: {  	_ =	shalt  }
0x7b: {  	_ =	shalt  }
0x7c: {  	_ =	shalt  }
0x7d: {  	_ =	shalt  }
0x7e: {  	_ =	shalt  }
0x7f: {  	_ =	shalt  }
0x80: {  	_ =	shalt  }
0x81: {  	_ =	shalt  }
0x82: {  	_ =	shalt  }
0x83: {  	_ =	shalt  }
0x84: {  	_ =	shalt  }
0x85: {  	_ =	shalt  }
0x86: {  	_ =	shalt  }
0x87: {  	_ =	shalt  }
.Lfunc_end0:
.L_simem_size_0:
called_computation_lowered:
.L_overlay_start_0:
0x88: {  	s2 =	sld [smem:$0x3FD9]  }
0x89: {  	s3 =	sld [smem:$0x3FFE];
	_ =	sdelay $0x1  }
0x8a: {  	s1 =	srdreg.scid  }
0x8b: {  	s0 =	sand.u32 $0x1, s1  }
0x8c: {  	s17 =	sshll.u32 s0, $0xA;
	s2 =	sadd.s32 s3, s2  }
0x8d: {  	s2 =	sadd.s32 s2, s17  }
0x8e: {  	[smem:$0x3FC7] =	sst s2  }
0x8f: {  	_ = 	snop  }
0x90: {  	s2 =	sld [smem:$0x3FC9];
	(tm) =	ssettm $0x1  }
0x91: {  	s18 =	sld [smem:$0x3FFB];
	_ =	sdelay $0x3  }
0x92: {  	_ =	strace s18  }
0x93: {  	s3 =	sld [smem:$0x3FFC];
	_ =	sdelay $0x3  }
0x94: {  	_ =	strace s3  }
0x95: {  	s3 =	sld [smem:$0x3FFD];
	_ =	sdelay $0x3  }
0x96: {  	_ =	strace s3  }
0x97: {  	_ =	strace $0x8FFFFFFF  }
0x98: {  	s19 =	sld [smem:$0x3FDB];
	_ =	sdelay $0x1  }
0x99: {  	s4 =	simm.s32 $_scs_section_size  }
0x9a: {  	s5 =	simm.s32 $_size__tile_overlayer_lowered;
	s6 =	simm.s32 $_tile_overlayer_lowered  }
0x9b: {  	s22 =	simm.s32 $0x1BFF;
	s21 =	sshll.u32 s6, $0x1;
	s3 =	sadd.s32 s4, s19  }
0x9c: {  	s7 =	simm.s32 $0x0;
	s20 =	sshll.u32 s5, $0x1;
	s5 =	sadd.s32 s21, s3  }
0x9d: {  	[timem:s7], [sflag:s22] =	dma.local [hbm:s5], s20  }
0x9e: {  	_ =	swait.ge [sflag:s22], s20  }
0x9f: {  	s4 =	ssub.s32 $0x0, s20;
	[sflag:s22] =	ssyncset.done $0x0  }
0xa0: {  	[sflag:s22] =	ssyncadd.s32 s4;
	_ =	sdelay $0x1  }
0xa1: {  	s23 =	simm.s32 $0x1B8B  }
0xa2: {  	_ =	swait.ge [sflag:s23], $0x1  }
0xa3: {  	[sflag:s23] =	ssyncset.done $0x0  }
0xa4: {  	s25 =	simm.s32 $0x1B8E;
	s24 =	sld [smem:$0x3FFE];
	[sflag:s23] =	ssyncadd.s32 $0xFFFFFFFF  }
0xa5: {  	s26 =	simm.s32 $execute0_lowered;
	[smem:$0x3FD2] =	sst s25  }
0xa6: {  	s5 =	sshll.u32 s26, $0x1;
	_ =	strace $0x80000046;
	[dreg:$0x1] =	wrdreg $0xFFFFFFFF  }
0xa7: {  	s28 =	simm.s32 $_size_execute0_lowered;
	s3 =	sadd.s32 s3, s5;
	[dreg:$0x0] =	wrdreg $0x0  }
0xa8: {  	s5 =	sshll.u32 s28, $0x1;
	[dreg:$0x2] =	wrdreg s3  }
0xa9: {  	[dreg:$0x3] =	wrdreg s5  }
0xaa: {  	[dreg:$0x4] =	wrdreg $0xC0  }
0xab: {  	_ =	task [dreg:s7], $0x5FFFF  }
0xac: {  	[dreg:$0x1] =	wrdreg $0xFFFFFFFF  }
0xad: {  	[dreg:$0x0] =	wrdreg $0x60  }
0xae: {  	[dreg:$0x2] =	wrdreg s2  }
0xaf: {  	[dreg:$0x3] =	wrdreg s24  }
0xb0: {  	[dreg:$0x4] =	wrdreg $0x9  }
0xb1: {  	_ =	task.clear_ibuf [dreg:s7], $0x5FFFF;
	_ =	strace $0x90000046  }
0xb2: {  	s29 =	simm.s32 $0x9;
	_ =	strace $0x80000048  }
0xb3: {  	_ =	swait.ge [sflag:s29], $0x1  }
0xb4: {  	[sflag:s29] =	ssyncadd.s32 $0xFFFFFFFF  }
0xb5: {  	_ =	strace $0x90000048  }
0xb6: {  	_ =	sfence  }
0xb7: {  	s30 =	sld [smem:$0x0];
	_ =	sdelay $0x2  }
0xb8: {  	s31 =	sshll.u32 s1, $0xD;
	s1 =	sshrl.u32 s1, $0x2  }
0xb9: {  	s3 =	sand.u32 $0x4000, s31;
	s1 =	sadd.s32 s1, s30  }
0xba: {  	s0 =	sor.u32 s3, s0;
	s1 =	sshll.u32 s1, $0x11  }
0xbb: {  	s0 =	sor.u32 s1, s0  }
0xbc: {  	s0 =	sadd.s32 $0x8F2B, s0  }
0xbd: {  	[sflag:s0] =	ssyncadd.remote.s32 $0x1  }
0xbe: {  	_ =	sfence.sel $0xFFFF  }
0xbf: {  	[dreg:$0x0] =	wrdreg $0xFFFFFFFF;
	(pc) =	sbr.abs _section_cstart, $3  }
0xc0: {  	[dreg:$0x1] =	wrdreg $0xFFFFFFFF  }
0xc1: {  	_ =	task.clear_ibuf [dreg:s7], $0x2FFFF;
	_ =	strace $0x9FFFFFFF  }
0xc2: {  	(tm) =	ssettm $0x7FFFFFFF  }
0xc3: {  	_ =	shalt  }
tec
execute0_lowered:
.L_overlay_start_1:
0x0: {  	(tag) =	ssettag $0x1  }
0x1: {  	s3 =	rddreg [dreg:$0x0]  }
0x2: {  	s4 =	rddreg [dreg:$0x1];
	s2 =	simm.s32 $0x0  }
0x3: {  	s1 =	srdreg.scid;
	s8 =	simm.s32 $0x400;
	[smem:$0x7FF] =	sst s2  }
0x4: {  	s9 =	simm.s32 $0x800;
	_ =	strace $0x80000047;
	[dreg:$0x18] =	wrdreg s8  }
0x5: {  	s13 =	stileid.u32;
	[dreg:$0x19] =	wrdreg s9;
	s8 =	simm.s32 $0x1D00  }
0x6: {  	s1 =	sand.u32 $0x1, s1;
	s9 =	simm.s32 $0x180;
	[smem:$0x727] =	sst s8  }
0x7: {  	s5 =	sshll.u32 s13, $0xD;
	[smem:$0x728] =	sst s9;
	s8 =	simm.s32 $0x1680  }
0x8: {  	s6 =	sshll.u32 s1, $0xC;
	s9 =	simm.s32 $0x1A80;
	[smem:$0x73D] =	sst s8  }
0x9: {  	s5 =	sor.u32 s6, s5;
	[smem:$0x73E] =	sst s9;
	s8 =	simm.s32 $0x2C00  }
0xa: {  	s4 =	sadd.s32 s5, s4;
	s9 =	simm.s32 $0x3000;
	[smem:$0x753] =	sst s8  }
0xb: {  	s5 =	sadd.s32 $0x400, s4;
	[smem:$0x754] =	sst s9  }
0xc: {  	s10 =	sadd.s32 $0x20400, s4;
	[dreg:$0x3] =	wrdreg s5  }
0xd: {  	s11 =	sadd.s32 $0x40400, s4;
	[dreg:$0x4] =	wrdreg s10  }
0xe: {  	s12 =	sadd.s32 $0x60400, s4;
	[dreg:$0x5] =	wrdreg s11  }
0xf: {  	s14 =	sadd.s32 $0x80400, s4;
	[dreg:$0x6] =	wrdreg s12  }
0x10: {  	s15 =	sadd.s32 $0xA0400, s4;
	[dreg:$0x7] =	wrdreg s14  }
0x11: {  	s16 =	sadd.s32 $0xC0400, s4;
	[dreg:$0x8] =	wrdreg s15  }
0x12: {  	s17 =	sadd.s32 $0xE0400, s4;
	[dreg:$0x9] =	wrdreg s16  }
0x13: {  	s18 =	sadd.s32 $0x100400, s4;
	[dreg:$0xa] =	wrdreg s17  }
0x14: {  	s19 =	sadd.s32 $0x120400, s4;
	[dreg:$0xb] =	wrdreg s18  }
0x15: {  	s20 =	sadd.s32 $0x140400, s4;
	[dreg:$0xc] =	wrdreg s19  }
0x16: {  	s21 =	sadd.s32 $0x160400, s4;
	[dreg:$0xd] =	wrdreg s20  }
0x17: {  	s22 =	sadd.s32 $0x180400, s4;
	[dreg:$0xe] =	wrdreg s21  }
0x18: {  	s23 =	sadd.s32 $0x1A0400, s4;
	[dreg:$0xf] =	wrdreg s22  }
0x19: {  	s24 =	sadd.s32 $0x1C0400, s4;
	[dreg:$0x10] =	wrdreg s23  }
0x1a: {  	s25 =	sadd.s32 $0x1E0400, s4;
	[dreg:$0x11] =	wrdreg s24  }
0x1b: {  	s26 =	sadd.s32 $0x200400, s4;
	[dreg:$0x12] =	wrdreg s25  }
0x1c: {  	s0 =	sadd.s32 $0x220400, s4;
	[dreg:$0x13] =	wrdreg s26  }
0x1d: {  	s6 =	sadd.s32 $0x240400, s4;
	[dreg:$0x14] =	wrdreg s0  }
0x1e: {  	s7 =	sadd.s32 $0x260400, s4;
	[dreg:$0x15] =	wrdreg s6  }
0x1f: {  	s4 =	sadd.s32 $0x280400, s4;
	[dreg:$0x16] =	wrdreg s7  }
0x20: {  	s8 =	simm.s32 $0x2580;
	[dreg:$0x17] =	wrdreg s4  }
0x21: {  	s9 =	simm.s32 $0x2980;
	[smem:$0x769] =	sst s8  }
0x22: {  	s10 =	simm.s32 $0xC00;
	[smem:$0x76A] =	sst s9  }
0x23: {  	s11 =	simm.s32 $0x1000;
	[dreg:$0x1a] =	wrdreg s10  }
0x24: {  	s12 =	simm.s32 $0x1400;
	[dreg:$0x1b] =	wrdreg s11  }
0x25: {  	s14 =	simm.s32 $0x1800;
	[dreg:$0x1c] =	wrdreg s12  }
0x26: {  	s15 =	simm.s32 $0x1C00;
	[dreg:$0x1d] =	wrdreg s14  }
0x27: {  	s16 =	simm.s32 $0x80;
	[dreg:$0x1e] =	wrdreg s15  }
0x28: {  	s17 =	simm.s32 $0x480;
	[dreg:$0x1f] =	wrdreg s16  }
0x29: {  	s18 =	simm.s32 $0x880;
	[smem:$0x719] =	sst s17  }
0x2a: {  	s19 =	simm.s32 $0xC80;
	[smem:$0x71A] =	sst s18  }
0x2b: {  	s20 =	simm.s32 $0x1080;
	[smem:$0x71B] =	sst s19  }
0x2c: {  	s21 =	simm.s32 $0x1480;
	[smem:$0x71C] =	sst s20  }
0x2d: {  	s22 =	simm.s32 $0x1880;
	[smem:$0x71D] =	sst s21  }
0x2e: {  	s23 =	simm.s32 $0x1C80;
	[smem:$0x71E] =	sst s22  }
0x2f: {  	s24 =	simm.s32 $0x100;
	[smem:$0x71F] =	sst s23  }
0x30: {  	s25 =	simm.s32 $0x500;
	[smem:$0x720] =	sst s24  }
0x31: {  	s26 =	simm.s32 $0x900;
	[smem:$0x721] =	sst s25  }
0x32: {  	s0 =	simm.s32 $0xD00;
	[smem:$0x722] =	sst s26  }
0x33: {  	s5 =	simm.s32 $0x1100;
	[smem:$0x723] =	sst s0  }
0x34: {  	s6 =	simm.s32 $0x1500;
	[smem:$0x724] =	sst s5  }
0x35: {  	s7 =	simm.s32 $0x1900;
	[smem:$0x725] =	sst s6  }
0x36: {  	s8 =	simm.s32 $0x3E80;
	[smem:$0x726] =	sst s7  }
0x37: {  	s9 =	simm.s32 $0x2300;
	[smem:$0x77F] =	sst s8  }
0x38: {  	s10 =	simm.s32 $0x580;
	[smem:$0x780] =	sst s9  }
0x39: {  	s11 =	simm.s32 $0x980;
	[smem:$0x729] =	sst s10  }
0x3a: {  	s12 =	simm.s32 $0xD80;
	[smem:$0x72A] =	sst s11  }
0x3b: {  	s14 =	simm.s32 $0x1180;
	[smem:$0x72B] =	sst s12  }
0x3c: {  	s15 =	simm.s32 $0x1580;
	[smem:$0x72C] =	sst s14  }
0x3d: {  	s16 =	simm.s32 $0x1980;
	[smem:$0x72D] =	sst s15  }
0x3e: {  	s17 =	simm.s32 $0x1D80;
	[smem:$0x72E] =	sst s16  }
0x3f: {  	s18 =	simm.s32 $0x200;
	[smem:$0x72F] =	sst s17  }
0x40: {  	s19 =	simm.s32 $0x600;
	[smem:$0x730] =	sst s18  }
0x41: {  	s20 =	simm.s32 $0xA00;
	[smem:$0x731] =	sst s19  }
0x42: {  	s21 =	simm.s32 $0xE00;
	[smem:$0x732] =	sst s20  }
0x43: {  	s22 =	simm.s32 $0x1200;
	[smem:$0x733] =	sst s21  }
0x44: {  	s23 =	simm.s32 $0x1600;
	[smem:$0x734] =	sst s22  }
0x45: {  	s24 =	simm.s32 $0x1A00;
	[smem:$0x735] =	sst s23  }
0x46: {  	s25 =	simm.s32 $0x1E00;
	[smem:$0x736] =	sst s24  }
0x47: {  	s26 =	simm.s32 $0x280;
	[smem:$0x737] =	sst s25  }
0x48: {  	s0 =	simm.s32 $0x680;
	[smem:$0x738] =	sst s26  }
0x49: {  	s5 =	simm.s32 $0xA80;
	[smem:$0x739] =	sst s0  }
0x4a: {  	s6 =	simm.s32 $0xE80;
	[smem:$0x73A] =	sst s5  }
0x4b: {  	s7 =	simm.s32 $0x1280;
	[smem:$0x73B] =	sst s6  }
0x4c: {  	s8 =	simm.s32 $0x5400;
	[smem:$0x73C] =	sst s7  }
0x4d: {  	s9 =	simm.s32 $0x5800;
	[smem:$0x795] =	sst s8  }
0x4e: {  	s10 =	simm.s32 $0x1E80;
	[smem:$0x796] =	sst s9  }
0x4f: {  	s11 =	simm.s32 $0x300;
	[smem:$0x73F] =	sst s10  }
0x50: {  	s12 =	simm.s32 $0x700;
	[smem:$0x740] =	sst s11  }
0x51: {  	s14 =	simm.s32 $0xB00;
	[smem:$0x741] =	sst s12  }
0x52: {  	s15 =	simm.s32 $0xF00;
	[smem:$0x742] =	sst s14  }
0x53: {  	s16 =	simm.s32 $0x1300;
	[smem:$0x743] =	sst s15  }
0x54: {  	s17 =	simm.s32 $0x1700;
	[smem:$0x744] =	sst s16  }
0x55: {  	s18 =	simm.s32 $0x1B00;
	[smem:$0x745] =	sst s17  }
0x56: {  	s19 =	simm.s32 $0x1F00;
	[smem:$0x746] =	sst s18  }
0x57: {  	s20 =	simm.s32 $0x380;
	[smem:$0x747] =	sst s19  }
0x58: {  	s21 =	simm.s32 $0x780;
	[smem:$0x748] =	sst s20  }
0x59: {  	s22 =	simm.s32 $0xB80;
	[smem:$0x749] =	sst s21  }
0x5a: {  	s23 =	simm.s32 $0xF80;
	[smem:$0x74A] =	sst s22  }
0x5b: {  	s24 =	simm.s32 $0x1380;
	[smem:$0x74B] =	sst s23  }
0x5c: {  	s25 =	simm.s32 $0x1780;
	[smem:$0x74C] =	sst s24  }
0x5d: {  	s26 =	simm.s32 $0x1B80;
	[smem:$0x74D] =	sst s25  }
0x5e: {  	s0 =	simm.s32 $0x1F80;
	[smem:$0x74E] =	sst s26  }
0x5f: {  	s5 =	simm.s32 $0x2000;
	[smem:$0x74F] =	sst s0  }
0x60: {  	s6 =	simm.s32 $0x2400;
	[smem:$0x750] =	sst s5  }
0x61: {  	s7 =	simm.s32 $0x2800;
	[smem:$0x751] =	sst s6  }
0x62: {  	s8 =	simm.s32 $0x4D80;
	[smem:$0x752] =	sst s7  }
0x63: {  	s9 =	simm.s32 $0x5180;
	[smem:$0x7AB] =	sst s8  }
0x64: {  	s10 =	simm.s32 $0x3400;
	[smem:$0x7AC] =	sst s9  }
0x65: {  	s11 =	simm.s32 $0x3800;
	[smem:$0x755] =	sst s10  }
0x66: {  	s12 =	simm.s32 $0x3C00;
	[smem:$0x756] =	sst s11  }
0x67: {  	s14 =	simm.s32 $0x2080;
	[smem:$0x757] =	sst s12  }
0x68: {  	s15 =	simm.s32 $0x2480;
	[smem:$0x758] =	sst s14  }
0x69: {  	s16 =	simm.s32 $0x2880;
	[smem:$0x759] =	sst s15  }
0x6a: {  	s17 =	simm.s32 $0x2C80;
	[smem:$0x75A] =	sst s16  }
0x6b: {  	s18 =	simm.s32 $0x3080;
	[smem:$0x75B] =	sst s17  }
0x6c: {  	s19 =	simm.s32 $0x3480;
	[smem:$0x75C] =	sst s18  }
0x6d: {  	s20 =	simm.s32 $0x3880;
	[smem:$0x75D] =	sst s19  }
0x6e: {  	s21 =	simm.s32 $0x3C80;
	[smem:$0x75E] =	sst s20  }
0x6f: {  	s22 =	simm.s32 $0x2100;
	[smem:$0x75F] =	sst s21  }
0x70: {  	s23 =	simm.s32 $0x2500;
	[smem:$0x760] =	sst s22  }
0x71: {  	s24 =	simm.s32 $0x2900;
	[smem:$0x761] =	sst s23  }
0x72: {  	s25 =	simm.s32 $0x2D00;
	[smem:$0x762] =	sst s24  }
0x73: {  	s26 =	simm.s32 $0x3100;
	[smem:$0x763] =	sst s25  }
0x74: {  	s0 =	simm.s32 $0x3500;
	[smem:$0x764] =	sst s26  }
0x75: {  	s5 =	simm.s32 $0x3900;
	[smem:$0x765] =	sst s0  }
0x76: {  	s6 =	simm.s32 $0x3D00;
	[smem:$0x766] =	sst s5  }
0x77: {  	s7 =	simm.s32 $0x2180;
	[smem:$0x767] =	sst s6  }
0x78: {  	s8 =	simm.s32 $0x4700;
	[smem:$0x768] =	sst s7  }
0x79: {  	s9 =	simm.s32 $0x4B00;
	[smem:$0x7C1] =	sst s8  }
0x7a: {  	s10 =	simm.s32 $0x2D80;
	[smem:$0x7C2] =	sst s9  }
0x7b: {  	s11 =	simm.s32 $0x3180;
	[smem:$0x76B] =	sst s10  }
0x7c: {  	s12 =	simm.s32 $0x3580;
	[smem:$0x76C] =	sst s11  }
0x7d: {  	s14 =	simm.s32 $0x3980;
	[smem:$0x76D] =	sst s12  }
0x7e: {  	s15 =	simm.s32 $0x3D80;
	[smem:$0x76E] =	sst s14  }
0x7f: {  	s16 =	simm.s32 $0x2200;
	[smem:$0x76F] =	sst s15  }
0x80: {  	s17 =	simm.s32 $0x2600;
	[smem:$0x770] =	sst s16  }
0x81: {  	s18 =	simm.s32 $0x2A00;
	[smem:$0x771] =	sst s17  }
0x82: {  	s19 =	simm.s32 $0x2E00;
	[smem:$0x772] =	sst s18  }
0x83: {  	s20 =	simm.s32 $0x3200;
	[smem:$0x773] =	sst s19  }
0x84: {  	s21 =	simm.s32 $0x3600;
	[smem:$0x774] =	sst s20  }
0x85: {  	s22 =	simm.s32 $0x3A00;
	[smem:$0x775] =	sst s21  }
0x86: {  	s23 =	simm.s32 $0x3E00;
	[smem:$0x776] =	sst s22  }
0x87: {  	s24 =	simm.s32 $0x2280;
	[smem:$0x777] =	sst s23  }
0x88: {  	s25 =	simm.s32 $0x2680;
	[smem:$0x778] =	sst s24  }
0x89: {  	s26 =	simm.s32 $0x2A80;
	[smem:$0x779] =	sst s25  }
0x8a: {  	s0 =	simm.s32 $0x2E80;
	[smem:$0x77A] =	sst s26  }
0x8b: {  	s5 =	simm.s32 $0x3280;
	[smem:$0x77B] =	sst s0  }
0x8c: {  	s6 =	simm.s32 $0x3680;
	[smem:$0x77C] =	sst s5  }
0x8d: {  	s7 =	simm.s32 $0x3A80;
	[smem:$0x77D] =	sst s6  }
0x8e: {  	s8 =	simm.s32 $0x7C00;
	[smem:$0x77E] =	sst s7  }
0x8f: {  	s9 =	simm.s32 $0x6080;
	[smem:$0x7D7] =	sst s8  }
0x90: {  	s10 =	simm.s32 $0x2700;
	[smem:$0x7D8] =	sst s9  }
0x91: {  	s11 =	simm.s32 $0x2B00;
	[smem:$0x781] =	sst s10  }
0x92: {  	s12 =	simm.s32 $0x2F00;
	[smem:$0x782] =	sst s11  }
0x93: {  	s14 =	simm.s32 $0x3300;
	[smem:$0x783] =	sst s12  }
0x94: {  	s15 =	simm.s32 $0x3700;
	[smem:$0x784] =	sst s14  }
0x95: {  	s16 =	simm.s32 $0x3B00;
	[smem:$0x785] =	sst s15  }
0x96: {  	s17 =	simm.s32 $0x3F00;
	[smem:$0x786] =	sst s16  }
0x97: {  	s18 =	simm.s32 $0x2380;
	[smem:$0x787] =	sst s17  }
0x98: {  	s19 =	simm.s32 $0x2780;
	[smem:$0x788] =	sst s18  }
0x99: {  	s20 =	simm.s32 $0x2B80;
	[smem:$0x789] =	sst s19  }
0x9a: {  	s21 =	simm.s32 $0x2F80;
	[smem:$0x78A] =	sst s20  }
0x9b: {  	s22 =	simm.s32 $0x3380;
	[smem:$0x78B] =	sst s21  }
0x9c: {  	s23 =	simm.s32 $0x3780;
	[smem:$0x78C] =	sst s22  }
0x9d: {  	s24 =	simm.s32 $0x3B80;
	[smem:$0x78D] =	sst s23  }
0x9e: {  	s25 =	simm.s32 $0x3F80;
	[smem:$0x78E] =	sst s24  }
0x9f: {  	s26 =	simm.s32 $0x4000;
	[smem:$0x78F] =	sst s25  }
0xa0: {  	s0 =	simm.s32 $0x4400;
	[smem:$0x790] =	sst s26  }
0xa1: {  	s5 =	simm.s32 $0x4800;
	[smem:$0x791] =	sst s0  }
0xa2: {  	s6 =	simm.s32 $0x4C00;
	[smem:$0x792] =	sst s5  }
0xa3: {  	s7 =	simm.s32 $0x5000;
	[smem:$0x793] =	sst s6  }
0xa4: {  	s8 =	simm.s32 $0x7580;
	[smem:$0x794] =	sst s7  }
0xa5: {  	s9 =	simm.s32 $0x7980;
	[smem:$0x7ED] =	sst s8  }
0xa6: {  	s10 =	simm.s32 $0x5C00;
	[smem:$0x7EE] =	sst s9  }
0xa7: {  	s11 =	simm.s32 $0x4080;
	[smem:$0x797] =	sst s10  }
0xa8: {  	s12 =	simm.s32 $0x4480;
	[smem:$0x798] =	sst s11  }
0xa9: {  	s14 =	simm.s32 $0x4880;
	[smem:$0x799] =	sst s12  }
0xaa: {  	s15 =	simm.s32 $0x4C80;
	[smem:$0x79A] =	sst s14  }
0xab: {  	s16 =	simm.s32 $0x5080;
	[smem:$0x79B] =	sst s15  }
0xac: {  	s17 =	simm.s32 $0x5480;
	[smem:$0x79C] =	sst s16  }
0xad: {  	s18 =	simm.s32 $0x5880;
	[smem:$0x79D] =	sst s17  }
0xae: {  	s19 =	simm.s32 $0x5C80;
	[smem:$0x79E] =	sst s18  }
0xaf: {  	s20 =	simm.s32 $0x4100;
	[smem:$0x79F] =	sst s19  }
0xb0: {  	s21 =	simm.s32 $0x4500;
	[smem:$0x7A0] =	sst s20  }
0xb1: {  	s22 =	simm.s32 $0x4900;
	[smem:$0x7A1] =	sst s21  }
0xb2: {  	s23 =	simm.s32 $0x4D00;
	[smem:$0x7A2] =	sst s22  }
0xb3: {  	s24 =	simm.s32 $0x5100;
	[smem:$0x7A3] =	sst s23  }
0xb4: {  	s25 =	simm.s32 $0x5500;
	[smem:$0x7A4] =	sst s24  }
0xb5: {  	s26 =	simm.s32 $0x5900;
	[smem:$0x7A5] =	sst s25  }
0xb6: {  	s0 =	simm.s32 $0x5D00;
	[smem:$0x7A6] =	sst s26  }
0xb7: {  	s5 =	simm.s32 $0x4180;
	[smem:$0x7A7] =	sst s0  }
0xb8: {  	s6 =	simm.s32 $0x4580;
	[smem:$0x7A8] =	sst s5  }
0xb9: {  	s7 =	simm.s32 $0x4980;
	[smem:$0x7A9] =	sst s6  }
0xba: {  	[smem:$0x7AA] =	sst s7;
	s10 =	simm.s32 $0x5580  }
0xbb: {  	s11 =	simm.s32 $0x5980;
	[smem:$0x7AD] =	sst s10  }
0xbc: {  	s12 =	simm.s32 $0x5D80;
	[smem:$0x7AE] =	sst s11  }
0xbd: {  	s14 =	simm.s32 $0x4200;
	[smem:$0x7AF] =	sst s12  }
0xbe: {  	s15 =	simm.s32 $0x4600;
	[smem:$0x7B0] =	sst s14  }
0xbf: {  	s16 =	simm.s32 $0x4A00;
	[smem:$0x7B1] =	sst s15  }
0xc0: {  	s17 =	simm.s32 $0x4E00;
	[smem:$0x7B2] =	sst s16  }
0xc1: {  	s18 =	simm.s32 $0x5200;
	[smem:$0x7B3] =	sst s17  }
0xc2: {  	s19 =	simm.s32 $0x5600;
	[smem:$0x7B4] =	sst s18  }
0xc3: {  	s20 =	simm.s32 $0x5A00;
	[smem:$0x7B5] =	sst s19  }
0xc4: {  	s21 =	simm.s32 $0x5E00;
	[smem:$0x7B6] =	sst s20  }
0xc5: {  	s22 =	simm.s32 $0x4280;
	[smem:$0x7B7] =	sst s21  }
0xc6: {  	s23 =	simm.s32 $0x4680;
	[smem:$0x7B8] =	sst s22  }
0xc7: {  	s24 =	simm.s32 $0x4A80;
	[smem:$0x7B9] =	sst s23  }
0xc8: {  	s25 =	simm.s32 $0x4E80;
	[smem:$0x7BA] =	sst s24  }
0xc9: {  	s26 =	simm.s32 $0x5280;
	[smem:$0x7BB] =	sst s25  }
0xca: {  	s0 =	simm.s32 $0x5680;
	[smem:$0x7BC] =	sst s26  }
0xcb: {  	s5 =	simm.s32 $0x5A80;
	[smem:$0x7BD] =	sst s0  }
0xcc: {  	s6 =	simm.s32 $0x5E80;
	[smem:$0x7BE] =	sst s5  }
0xcd: {  	s7 =	simm.s32 $0x4300;
	[smem:$0x7BF] =	sst s6  }
0xce: {  	[smem:$0x7C0] =	sst s7;
	s10 =	simm.s32 $0x4F00  }
0xcf: {  	s11 =	simm.s32 $0x5300;
	[smem:$0x7C3] =	sst s10  }
0xd0: {  	s12 =	simm.s32 $0x5700;
	[smem:$0x7C4] =	sst s11  }
0xd1: {  	s14 =	simm.s32 $0x5B00;
	[smem:$0x7C5] =	sst s12  }
0xd2: {  	s15 =	simm.s32 $0x5F00;
	[smem:$0x7C6] =	sst s14  }
0xd3: {  	s16 =	simm.s32 $0x4380;
	[smem:$0x7C7] =	sst s15  }
0xd4: {  	s17 =	simm.s32 $0x4780;
	[smem:$0x7C8] =	sst s16  }
0xd5: {  	s18 =	simm.s32 $0x4B80;
	[smem:$0x7C9] =	sst s17  }
0xd6: {  	s19 =	simm.s32 $0x4F80;
	[smem:$0x7CA] =	sst s18  }
0xd7: {  	s20 =	simm.s32 $0x5380;
	[smem:$0x7CB] =	sst s19  }
0xd8: {  	s21 =	simm.s32 $0x5780;
	[smem:$0x7CC] =	sst s20  }
0xd9: {  	s22 =	simm.s32 $0x5B80;
	[smem:$0x7CD] =	sst s21  }
0xda: {  	s23 =	simm.s32 $0x5F80;
	[smem:$0x7CE] =	sst s22  }
0xdb: {  	s24 =	simm.s32 $0x6000;
	[smem:$0x7CF] =	sst s23  }
0xdc: {  	s25 =	simm.s32 $0x6400;
	[smem:$0x7D0] =	sst s24  }
0xdd: {  	s26 =	simm.s32 $0x6800;
	[smem:$0x7D1] =	sst s25  }
0xde: {  	s0 =	simm.s32 $0x6C00;
	[smem:$0x7D2] =	sst s26  }
0xdf: {  	s5 =	simm.s32 $0x7000;
	[smem:$0x7D3] =	sst s0  }
0xe0: {  	s6 =	simm.s32 $0x7400;
	[smem:$0x7D4] =	sst s5  }
0xe1: {  	s7 =	simm.s32 $0x7800;
	[smem:$0x7D5] =	sst s6  }
0xe2: {  	[smem:$0x7D6] =	sst s7;
	s10 =	simm.s32 $0x6480  }
0xe3: {  	s11 =	simm.s32 $0x6880;
	[smem:$0x7D9] =	sst s10  }
0xe4: {  	s12 =	simm.s32 $0x6C80;
	[smem:$0x7DA] =	sst s11  }
0xe5: {  	s14 =	simm.s32 $0x7080;
	[smem:$0x7DB] =	sst s12  }
0xe6: {  	s15 =	simm.s32 $0x7480;
	[smem:$0x7DC] =	sst s14  }
0xe7: {  	s16 =	simm.s32 $0x7880;
	[smem:$0x7DD] =	sst s15  }
0xe8: {  	s17 =	simm.s32 $0x7C80;
	[smem:$0x7DE] =	sst s16  }
0xe9: {  	s18 =	simm.s32 $0x6100;
	[smem:$0x7DF] =	sst s17  }
0xea: {  	s19 =	simm.s32 $0x6500;
	[smem:$0x7E0] =	sst s18  }
0xeb: {  	s20 =	simm.s32 $0x6900;
	[smem:$0x7E1] =	sst s19  }
0xec: {  	s21 =	simm.s32 $0x6D00;
	[smem:$0x7E2] =	sst s20  }
0xed: {  	s22 =	simm.s32 $0x7100;
	[smem:$0x7E3] =	sst s21  }
0xee: {  	s23 =	simm.s32 $0x7500;
	[smem:$0x7E4] =	sst s22  }
0xef: {  	s24 =	simm.s32 $0x7900;
	[smem:$0x7E5] =	sst s23  }
0xf0: {  	s25 =	simm.s32 $0x7D00;
	[smem:$0x7E6] =	sst s24  }
0xf1: {  	s26 =	simm.s32 $0x6180;
	[smem:$0x7E7] =	sst s25  }
0xf2: {  	s0 =	simm.s32 $0x6580;
	[smem:$0x7E8] =	sst s26  }
0xf3: {  	s5 =	simm.s32 $0x6980;
	[smem:$0x7E9] =	sst s0  }
0xf4: {  	p0 =	por $0x0, $0x0;
	s6 =	simm.s32 $0x6D80;
	[smem:$0x7EA] =	sst s5  }
0xf5: {  	s28 =	simm.s32 $0x7380;
	s7 =	simm.s32 $0x7180;
	[smem:$0x7EB] =	sst s6  }
0xf6: {  	s29 =	simm.s32 $0x7780;
	[smem:$0x7EC] =	sst s7;
	s10 =	simm.s32 $0x7D80  }
0xf7: {  	s30 =	simm.s32 $0x7B80;
	s11 =	simm.s32 $0x6200;
	[smem:$0x7EF] =	sst s10  }
0xf8: {  	s31 =	simm.s32 $0x7F80;
	s12 =	simm.s32 $0x6600;
	[smem:$0x7F0] =	sst s11  }
0xf9: {  	s1 =	ssub.s32 $0x2, s1;
	s14 =	simm.s32 $0x6A00;
	[smem:$0x7F1] =	sst s12  }
0xfa: {  	s4 =	simm.s32 $0x2;
	s15 =	simm.s32 $0x6E00;
	[smem:$0x7F2] =	sst s14  }
0xfb: {  	s8 =	sadd.s32 $0x30, s3;
	s17 =	simm.s32 $0x7200;
	[smem:$0x7F3] =	sst s15  }
0xfc: {  	s9 =	sadd.s32 $0x40, s3;
	s18 =	simm.s32 $0x7600;
	[smem:$0x7F4] =	sst s17  }
0xfd: {  	s16 =	sshrl.u32 s1, $0x1;
	s19 =	simm.s32 $0x7A00;
	[smem:$0x7F5] =	sst s18  }
0xfe: {  	s6 =	sadd.s32 $0x10, s3;
	s20 =	simm.s32 $0x7E00;
	[smem:$0x7F6] =	sst s19  }
0xff: {  	s7 =	sadd.s32 $0x20, s3;
	s21 =	simm.s32 $0x6280;
	[smem:$0x7F7] =	sst s20  }
0x100: {  	s22 =	simm.s32 $0x6680;
	s23 =	simm.s32 $0x6A80;
	[smem:$0x7F8] =	sst s21  }
0x101: {  	s24 =	simm.s32 $0x6E80;
	s25 =	simm.s32 $0x7280;
	[smem:$0x7F9] =	sst s22  }
0x102: {  	s26 =	simm.s32 $0x7680;
	s5 =	simm.s32 $0x1;
	[smem:$0x7FA] =	sst s23  }
0x103: {  	s1 =	ssub.s32 s1, s16;
	s10 =	sadd.s32 $0x50, s3;
	[smem:$0x7FB] =	sst s24  }
0x104: {  	s11 =	sadd.s32 $0x60, s3;
	[smem:$0x7FC] =	sst s25;
	s1 =	smax.u32 s1, $0x1  }
0x105: {  	s12 =	sadd.s32 $0x70, s3;
	[smem:$0x7FD] =	sst s26;
	p1 =	sne.s32 s1, $0x1  }
.Ltmp0:
0x106: {  	s14 =	simm.s32 $0x7E80;
	s15 =	simm.s32 $0x6300;
	(pc) =	sbr.rel @!p1 .LBB2_5-.Ltmp0, $4  }
0x107: {  	s16 =	simm.s32 $0x6700;
	s17 =	simm.s32 $0x6B00;
	s18 =	simm.s32 $0x6F00  }
0x108: {  	s19 =	simm.s32 $0x7300;
	s20 =	simm.s32 $0x7700;
	s21 =	simm.s32 $0x7B00  }
0x109: {  	s22 =	simm.s32 $0x7F00;
	s23 =	simm.s32 $0x6380;
	s24 =	simm.s32 $0x6780  }
0x10a: {  	s25 =	simm.s32 $0x6B80;
	s26 =	simm.s32 $0x6F80;
	s0 =	sadd.s32 $0xFFFFFFFF, s1  }
0x10b: {  	s13 =	smov.u32 s0;
	s0 =	rddreg [dreg:$0x18]  }
0x10c: {  	[tilespmem:s2], [sflag:$0x1] =	stream.linear.gather [hbm4b:s3+s2], $0x80, $0x38;
	[tilespmem:$0x8000] =	vst v63  }
0x10d: {  	s1 =	rddreg [dreg:$0x19]  }
0x10e: {  	[tilespmem:s0], [sflag:$0x1] =	stream.linear.gather [hbm4b:s6+s2], $0x80, $0x38;
	[tilespmem:$0x8000] =	vst v63  }
0x10f: {  	s0 =	rddreg [dreg:$0x1a]  }
0x110: {  	[tilespmem:s1], [sflag:$0x1] =	stream.linear.gather [hbm4b:s7+s2], $0x80, $0x38;
	[tilespmem:$0x8000] =	vst v63  }
0x111: {  	s1 =	rddreg [dreg:$0x1b]  }
0x112: {  	[tilespmem:s0], [sflag:$0x1] =	stream.linear.gather [hbm4b:s8+s2], $0x80, $0x38;
	[tilespmem:$0x8000] =	vst v63  }
0x113: {  	s0 =	rddreg [dreg:$0x1c]  }
0x114: {  	[tilespmem:s1], [sflag:$0x1] =	stream.linear.gather [hbm4b:s9+s2], $0x80, $0x38;
	[tilespmem:$0x8000] =	vst v63  }
0x115: {  	s1 =	rddreg [dreg:$0x1d]  }
0x116: {  	[tilespmem:s0], [sflag:$0x1] =	stream.linear.gather [hbm4b:s10+s2], $0x80, $0x38;
	[tilespmem:$0x8000] =	vst v63  }
0x117: {  	s0 =	rddreg [dreg:$0x1e]  }
0x118: {  	[tilespmem:s1], [sflag:$0x1] =	stream.linear.gather [hbm4b:s11+s2], $0x80, $0x38;
	[tilespmem:$0x8000] =	vst v63  }
0x119: {  	s1 =	rddreg [dreg:$0x1f]  }
0x11a: {  	[tilespmem:s0], [sflag:$0x1] =	stream.linear.gather [hbm4b:s12+s2], $0x80, $0x38;
	[tilespmem:$0x8000] =	vst v63  }
0x11b: {  	s0 =	sld [smem:$0x719]  }
0x11c: {  	[tilespmem:s1], [sflag:$0x1] =	stream.linear.gather [hbm4b:s3+s2], $0x80, $0x38;
	[tilespmem:$0x8000] =	vst v63  }
0x11d: {  	s1 =	sld [smem:$0x71A]  }
0x11e: {  	[tilespmem:s0], [sflag:$0x1] =	stream.linear.gather [hbm4b:s6+s2], $0x80, $0x38;
	[tilespmem:$0x8000] =	vst v63  }
0x11f: {  	s0 =	sld [smem:$0x71B]  }
0x120: {  	[tilespmem:s1], [sflag:$0x1] =	stream.linear.gather [hbm4b:s7+s2], $0x80, $0x38;
	[tilespmem:$0x8000] =	vst v63  }
0x121: {  	s1 =	sld [smem:$0x71C]  }
0x122: {  	[tilespmem:s0], [sflag:$0x1] =	stream.linear.gather [hbm4b:s8+s2], $0x80, $0x38;
	[tilespmem:$0x8000] =	vst v63  }
0x123: {  	s0 =	sld [smem:$0x71D]  }
0x124: {  	[tilespmem:s1], [sflag:$0x1] =	stream.linear.gather [hbm4b:s9+s2], $0x80, $0x38;
	[tilespmem:$0x8000] =	vst v63  }
0x125: {  	s1 =	sld [smem:$0x71E]  }
0x126: {  	[tilespmem:s0], [sflag:$0x1] =	stream.linear.gather [hbm4b:s10+s2], $0x80, $0x38;
	[tilespmem:$0x8000] =	vst v63  }
0x127: {  	s0 =	sld [smem:$0x71F]  }
0x128: {  	[tilespmem:s1], [sflag:$0x1] =	stream.linear.gather [hbm4b:s11+s2], $0x80, $0x38;
	[tilespmem:$0x8000] =	vst v63  }
0x129: {  	s1 =	sld [smem:$0x720]  }
0x12a: {  	[tilespmem:s0], [sflag:$0x1] =	stream.linear.gather [hbm4b:s12+s2], $0x80, $0x38;
	[tilespmem:$0x8000] =	vst v63  }
0x12b: {  	s0 =	sld [smem:$0x721]  }
0x12c: {  	[tilespmem:s1], [sflag:$0x1] =	stream.linear.gather [hbm4b:s3+s2], $0x80, $0x38;
	[tilespmem:$0x8000] =	vst v63  }
0x12d: {  	s1 =	sld [smem:$0x722]  }
0x12e: {  	[tilespmem:s0], [sflag:$0x1] =	stream.linear.gather [hbm4b:s6+s2], $0x80, $0x38;
	[tilespmem:$0x8000] =	vst v63  }
0x12f: {  	s0 =	sld [smem:$0x723]  }
0x130: {  	[tilespmem:s1], [sflag:$0x1] =	stream.linear.gather [hbm4b:s7+s2], $0x80, $0x38;
	[tilespmem:$0x8000] =	vst v63  }
0x131: {  	s1 =	sld [smem:$0x724]  }
0x132: {  	[tilespmem:s0], [sflag:$0x1] =	stream.linear.gather [hbm4b:s8+s2], $0x80, $0x38;
	[tilespmem:$0x8000] =	vst v63  }
0x133: {  	s0 =	sld [smem:$0x725]  }
0x134: {  	[tilespmem:s1], [sflag:$0x1] =	stream.linear.gather [hbm4b:s9+s2], $0x80, $0x38;
	[tilespmem:$0x8000] =	vst v63  }
0x135: {  	s1 =	sld [smem:$0x726]  }
0x136: {  	[tilespmem:s0], [sflag:$0x1] =	stream.linear.gather [hbm4b:s10+s2], $0x80, $0x38;
	[tilespmem:$0x8000] =	vst v63  }
0x137: {  	s0 =	sld [smem:$0x727]  }
0x138: {  	[tilespmem:s1], [sflag:$0x1] =	stream.linear.gather [hbm4b:s11+s2], $0x80, $0x38;
	[tilespmem:$0x8000] =	vst v63  }
0x139: {  	s1 =	sld [smem:$0x728]  }
0x13a: {  	[tilespmem:s0], [sflag:$0x1] =	stream.linear.gather [hbm4b:s12+s2], $0x80, $0x38;
	[tilespmem:$0x8000] =	vst v63  }
0x13b: {  	s0 =	sld [smem:$0x729]  }
0x13c: {  	[tilespmem:s1], [sflag:$0x1] =	stream.linear.gather [hbm4b:s3+s2], $0x80, $0x38;
	[tilespmem:$0x8000] =	vst v63  }
0x13d: {  	s1 =	sld [smem:$0x72A]  }
0x13e: {  	[tilespmem:s0], [sflag:$0x1] =	stream.linear.gather [hbm4b:s6+s2], $0x80, $0x38;
	[tilespmem:$0x8000] =	vst v63  }
0x13f: {  	s0 =	sld [smem:$0x72B]  }
0x140: {  	[tilespmem:s1], [sflag:$0x1] =	stream.linear.gather [hbm4b:s7+s2], $0x80, $0x38;
	[tilespmem:$0x8000] =	vst v63  }
0x141: {  	s1 =	sld [smem:$0x72C]  }
0x142: {  	[tilespmem:s0], [sflag:$0x1] =	stream.linear.gather [hbm4b:s8+s2], $0x80, $0x38;
	[tilespmem:$0x8000] =	vst v63  }
0x143: {  	s0 =	sld [smem:$0x72D]  }
0x144: {  	[tilespmem:s1], [sflag:$0x1] =	stream.linear.gather [hbm4b:s9+s2], $0x80, $0x38;
	[tilespmem:$0x8000] =	vst v63  }
0x145: {  	s1 =	sld [smem:$0x72E]  }
0x146: {  	[tilespmem:s0], [sflag:$0x1] =	stream.linear.gather [hbm4b:s10+s2], $0x80, $0x38;
	[tilespmem:$0x8000] =	vst v63  }
0x147: {  	s0 =	sld [smem:$0x72F]  }
0x148: {  	[tilespmem:s1], [sflag:$0x1] =	stream.linear.gather [hbm4b:s11+s2], $0x80, $0x38;
	[tilespmem:$0x8000] =	vst v63  }
0x149: {  	s1 =	sld [smem:$0x730]  }
0x14a: {  	[tilespmem:s0], [sflag:$0x1] =	stream.linear.gather [hbm4b:s12+s2], $0x80, $0x38;
	[tilespmem:$0x8000] =	vst v63  }
0x14b: {  	s0 =	sld [smem:$0x731]  }
0x14c: {  	[tilespmem:s1], [sflag:$0x1] =	stream.linear.gather [hbm4b:s3+s2], $0x80, $0x38;
	[tilespmem:$0x8000] =	vst v63  }
0x14d: {  	s1 =	sld [smem:$0x732]  }
0x14e: {  	[tilespmem:s0], [sflag:$0x1] =	stream.linear.gather [hbm4b:s6+s2], $0x80, $0x38;
	[tilespmem:$0x8000] =	vst v63  }
0x14f: {  	s0 =	sld [smem:$0x733]  }
0x150: {  	[tilespmem:s1], [sflag:$0x1] =	stream.linear.gather [hbm4b:s7+s2], $0x80, $0x38;
	[tilespmem:$0x8000] =	vst v63  }
0x151: {  	s1 =	sld [smem:$0x734]  }
0x152: {  	[tilespmem:s0], [sflag:$0x1] =	stream.linear.gather [hbm4b:s8+s2], $0x80, $0x38;
	[tilespmem:$0x8000] =	vst v63  }
0x153: {  	s0 =	sld [smem:$0x735]  }
0x154: {  	[tilespmem:s1], [sflag:$0x1] =	stream.linear.gather [hbm4b:s9+s2], $0x80, $0x38;
	[tilespmem:$0x8000] =	vst v63  }
0x155: {  	s1 =	sld [smem:$0x736]  }
0x156: {  	[tilespmem:s0], [sflag:$0x1] =	stream.linear.gather [hbm4b:s10+s2], $0x80, $0x38;
	[tilespmem:$0x8000] =	vst v63  }
0x157: {  	s0 =	sld [smem:$0x737]  }
0x158: {  	[tilespmem:s1], [sflag:$0x1] =	stream.linear.gather [hbm4b:s11+s2], $0x80, $0x38;
	[tilespmem:$0x8000] =	vst v63  }
0x159: {  	s1 =	sld [smem:$0x738]  }
0x15a: {  	[tilespmem:s0], [sflag:$0x1] =	stream.linear.gather [hbm4b:s12+s2], $0x80, $0x38;
	[tilespmem:$0x8000] =	vst v63  }
0x15b: {  	s0 =	sld [smem:$0x739]  }
0x15c: {  	[tilespmem:s1], [sflag:$0x1] =	stream.linear.gather [hbm4b:s3+s2], $0x80, $0x38;
	[tilespmem:$0x8000] =	vst v63  }
0x15d: {  	s1 =	sld [smem:$0x73A]  }
0x15e: {  	[tilespmem:s0], [sflag:$0x1] =	stream.linear.gather [hbm4b:s6+s2], $0x80, $0x38;
	[tilespmem:$0x8000] =	vst v63  }
0x15f: {  	s0 =	sld [smem:$0x73B]  }
0x160: {  	[tilespmem:s1], [sflag:$0x1] =	stream.linear.gather [hbm4b:s7+s2], $0x80, $0x38;
	[tilespmem:$0x8000] =	vst v63  }
0x161: {  	s1 =	sld [smem:$0x73C]  }
0x162: {  	[tilespmem:s0], [sflag:$0x1] =	stream.linear.gather [hbm4b:s8+s2], $0x80, $0x38;
	[tilespmem:$0x8000] =	vst v63  }
0x163: {  	s0 =	sld [smem:$0x73D]  }
0x164: {  	[tilespmem:s1], [sflag:$0x1] =	stream.linear.gather [hbm4b:s9+s2], $0x80, $0x38;
	[tilespmem:$0x8000] =	vst v63  }
0x165: {  	s1 =	sld [smem:$0x73E]  }
0x166: {  	[tilespmem:s0], [sflag:$0x1] =	stream.linear.gather [hbm4b:s10+s2], $0x80, $0x38;
	[tilespmem:$0x8000] =	vst v63  }
0x167: {  	s0 =	sld [smem:$0x73F]  }
0x168: {  	[tilespmem:s1], [sflag:$0x1] =	stream.linear.gather [hbm4b:s11+s2], $0x80, $0x38;
	[tilespmem:$0x8000] =	vst v63  }
0x169: {  	s1 =	sld [smem:$0x740]  }
0x16a: {  	[tilespmem:s0], [sflag:$0x1] =	stream.linear.gather [hbm4b:s12+s2], $0x80, $0x38;
	[tilespmem:$0x8000] =	vst v63  }
0x16b: {  	s0 =	sld [smem:$0x741]  }
0x16c: {  	[tilespmem:s1], [sflag:$0x1] =	stream.linear.gather [hbm4b:s3+s2], $0x80, $0x38;
	[tilespmem:$0x8000] =	vst v63  }
0x16d: {  	s1 =	sld [smem:$0x742]  }
0x16e: {  	[tilespmem:s0], [sflag:$0x1] =	stream.linear.gather [hbm4b:s6+s2], $0x80, $0x38;
	[tilespmem:$0x8000] =	vst v63  }
0x16f: {  	s0 =	sld [smem:$0x743]  }
0x170: {  	[tilespmem:s1], [sflag:$0x1] =	stream.linear.gather [hbm4b:s7+s2], $0x80, $0x38;
	[tilespmem:$0x8000] =	vst v63  }
0x171: {  	s1 =	sld [smem:$0x744]  }
0x172: {  	[tilespmem:s0], [sflag:$0x1] =	stream.linear.gather [hbm4b:s8+s2], $0x80, $0x38;
	[tilespmem:$0x8000] =	vst v63  }
0x173: {  	s0 =	sld [smem:$0x745]  }
0x174: {  	[tilespmem:s1], [sflag:$0x1] =	stream.linear.gather [hbm4b:s9+s2], $0x80, $0x38;
	[tilespmem:$0x8000] =	vst v63  }
0x175: {  	s1 =	sld [smem:$0x746]  }
0x176: {  	[tilespmem:s0], [sflag:$0x1] =	stream.linear.gather [hbm4b:s10+s2], $0x80, $0x38;
	[tilespmem:$0x8000] =	vst v63  }
0x177: {  	s0 =	sld [smem:$0x747]  }
0x178: {  	[tilespmem:s1], [sflag:$0x1] =	stream.linear.gather [hbm4b:s11+s2], $0x80, $0x38;
	[tilespmem:$0x8000] =	vst v63  }
0x179: {  	s1 =	sld [smem:$0x748]  }
0x17a: {  	[tilespmem:s0], [sflag:$0x1] =	stream.linear.gather [hbm4b:s12+s2], $0x80, $0x38;
	[tilespmem:$0x8000] =	vst v63  }
0x17b: {  	s0 =	sld [smem:$0x749]  }
0x17c: {  	[tilespmem:s1], [sflag:$0x1] =	stream.linear.gather [hbm4b:s3+s2], $0x80, $0x38;
	[tilespmem:$0x8000] =	vst v63  }
0x17d: {  	s1 =	sld [smem:$0x74A]  }
0x17e: {  	[tilespmem:s0], [sflag:$0x1] =	stream.linear.gather [hbm4b:s6+s2], $0x80, $0x38;
	[tilespmem:$0x8000] =	vst v63  }
0x17f: {  	s0 =	sld [smem:$0x74B]  }
0x180: {  	[tilespmem:s1], [sflag:$0x1] =	stream.linear.gather [hbm4b:s7+s2], $0x80, $0x38;
	[tilespmem:$0x8000] =	vst v63  }
0x181: {  	s1 =	sld [smem:$0x74C]  }
0x182: {  	[tilespmem:s0], [sflag:$0x1] =	stream.linear.gather [hbm4b:s8+s2], $0x80, $0x38;
	[tilespmem:$0x8000] =	vst v63  }
0x183: {  	s0 =	sld [smem:$0x74D]  }
0x184: {  	[tilespmem:s1], [sflag:$0x1] =	stream.linear.gather [hbm4b:s9+s2], $0x80, $0x38;
	[tilespmem:$0x8000] =	vst v63  }
0x185: {  	s1 =	sld [smem:$0x74E]  }
0x186: {  	[tilespmem:s0], [sflag:$0x1] =	stream.linear.gather [hbm4b:s10+s2], $0x80, $0x38;
	[tilespmem:$0x8000] =	vst v63  }
0x187: {  	s0 =	sld [smem:$0x74F]  }
0x188: {  	[tilespmem:s1], [sflag:$0x1] =	stream.linear.gather [hbm4b:s11+s2], $0x80, $0x38;
	[tilespmem:$0x8000] =	vst v63  }
0x189: {  	s1 =	sld [smem:$0x750]  }
0x18a: {  	[tilespmem:s0], [sflag:$0x1] =	stream.linear.gather [hbm4b:s12+s2], $0x80, $0x38;
	[tilespmem:$0x8000] =	vst v63  }
0x18b: {  	s0 =	sld [smem:$0x751]  }
0x18c: {  	[tilespmem:s1], [sflag:$0x1] =	stream.linear.gather [hbm4b:s3+s2], $0x80, $0x38;
	[tilespmem:$0x8000] =	vst v63  }
0x18d: {  	s1 =	sld [smem:$0x752]  }
0x18e: {  	[tilespmem:s0], [sflag:$0x1] =	stream.linear.gather [hbm4b:s6+s2], $0x80, $0x38;
	[tilespmem:$0x8000] =	vst v63  }
0x18f: {  	s0 =	sld [smem:$0x753]  }
0x190: {  	[tilespmem:s1], [sflag:$0x1] =	stream.linear.gather [hbm4b:s7+s2], $0x80, $0x38;
	[tilespmem:$0x8000] =	vst v63  }
0x191: {  	s1 =	sld [smem:$0x754]  }
0x192: {  	[tilespmem:s0], [sflag:$0x1] =	stream.linear.gather [hbm4b:s8+s2], $0x80, $0x38;
	[tilespmem:$0x8000] =	vst v63  }
0x193: {  	s0 =	sld [smem:$0x755]  }
0x194: {  	[tilespmem:s1], [sflag:$0x1] =	stream.linear.gather [hbm4b:s9+s2], $0x80, $0x38;
	[tilespmem:$0x8000] =	vst v63  }
0x195: {  	s1 =	sld [smem:$0x756]  }
0x196: {  	[tilespmem:s0], [sflag:$0x1] =	stream.linear.gather [hbm4b:s10+s2], $0x80, $0x38;
	[tilespmem:$0x8000] =	vst v63  }
0x197: {  	_ = 	snop  }
0x198: {  	[tilespmem:s1], [sflag:$0x1] =	stream.linear.gather [hbm4b:s11+s2], $0x80, $0x38;
	[tilespmem:$0x8000] =	vst v63  }
0x199: {  	s0 =	sld [smem:$0x757];
	_ =	sdelay $0x1  }
0x19a: {  	s1 =	sld [smem:$0x758]  }
0x19b: {  	[tilespmem:s0], [sflag:$0x1] =	stream.linear.gather [hbm4b:s12+s2], $0x80, $0x38;
	[tilespmem:$0x8000] =	vst v63  }
0x19c: {  	s0 =	sld [smem:$0x759]  }
0x19d: {  	[tilespmem:s1], [sflag:$0x1] =	stream.linear.gather [hbm4b:s3+s2], $0x80, $0x38;
	[tilespmem:$0x8000] =	vst v63  }
0x19e: {  	s1 =	sld [smem:$0x75A]  }
0x19f: {  	[tilespmem:s0], [sflag:$0x1] =	stream.linear.gather [hbm4b:s6+s2], $0x80, $0x38;
	[tilespmem:$0x8000] =	vst v63  }
0x1a0: {  	s0 =	sld [smem:$0x75B]  }
0x1a1: {  	[tilespmem:s1], [sflag:$0x1] =	stream.linear.gather [hbm4b:s7+s2], $0x80, $0x38;
	[tilespmem:$0x8000] =	vst v63  }
0x1a2: {  	s1 =	sld [smem:$0x75C]  }
0x1a3: {  	[tilespmem:s0], [sflag:$0x1] =	stream.linear.gather [hbm4b:s8+s2], $0x80, $0x38;
	[tilespmem:$0x8000] =	vst v63  }
0x1a4: {  	s0 =	sld [smem:$0x75D]  }
0x1a5: {  	[tilespmem:s1], [sflag:$0x1] =	stream.linear.gather [hbm4b:s9+s2], $0x80, $0x38;
	[tilespmem:$0x8000] =	vst v63  }
0x1a6: {  	s1 =	sld [smem:$0x75E]  }
0x1a7: {  	[tilespmem:s0], [sflag:$0x1] =	stream.linear.gather [hbm4b:s10+s2], $0x80, $0x38;
	[tilespmem:$0x8000] =	vst v63  }
0x1a8: {  	s0 =	sld [smem:$0x75F]  }
0x1a9: {  	[tilespmem:s1], [sflag:$0x1] =	stream.linear.gather [hbm4b:s11+s2], $0x80, $0x38;
	[tilespmem:$0x8000] =	vst v63  }
0x1aa: {  	s1 =	sld [smem:$0x760]  }
0x1ab: {  	[tilespmem:s0], [sflag:$0x1] =	stream.linear.gather [hbm4b:s12+s2], $0x80, $0x38;
	[tilespmem:$0x8000] =	vst v63  }
0x1ac: {  	s0 =	sld [smem:$0x761]  }
0x1ad: {  	[tilespmem:s1], [sflag:$0x1] =	stream.linear.gather [hbm4b:s3+s2], $0x80, $0x38;
	[tilespmem:$0x8000] =	vst v63  }
0x1ae: {  	s1 =	sld [smem:$0x762]  }
0x1af: {  	[tilespmem:s0], [sflag:$0x1] =	stream.linear.gather [hbm4b:s6+s2], $0x80, $0x38;
	[tilespmem:$0x8000] =	vst v63  }
0x1b0: {  	s0 =	sld [smem:$0x763]  }
0x1b1: {  	[tilespmem:s1], [sflag:$0x1] =	stream.linear.gather [hbm4b:s7+s2], $0x80, $0x38;
	[tilespmem:$0x8000] =	vst v63  }
0x1b2: {  	s1 =	sld [smem:$0x764]  }
0x1b3: {  	[tilespmem:s0], [sflag:$0x1] =	stream.linear.gather [hbm4b:s8+s2], $0x80, $0x38;
	[tilespmem:$0x8000] =	vst v63  }
0x1b4: {  	s0 =	sld [smem:$0x765]  }
0x1b5: {  	[tilespmem:s1], [sflag:$0x1] =	stream.linear.gather [hbm4b:s9+s2], $0x80, $0x38;
	[tilespmem:$0x8000] =	vst v63  }
0x1b6: {  	s1 =	sld [smem:$0x766]  }
0x1b7: {  	[tilespmem:s0], [sflag:$0x1] =	stream.linear.gather [hbm4b:s10+s2], $0x80, $0x38;
	[tilespmem:$0x8000] =	vst v63  }
0x1b8: {  	s0 =	sld [smem:$0x767]  }
0x1b9: {  	[tilespmem:s1], [sflag:$0x1] =	stream.linear.gather [hbm4b:s11+s2], $0x80, $0x38;
	[tilespmem:$0x8000] =	vst v63  }
0x1ba: {  	s1 =	sld [smem:$0x768]  }
0x1bb: {  	[tilespmem:s0], [sflag:$0x1] =	stream.linear.gather [hbm4b:s12+s2], $0x80, $0x38;
	[tilespmem:$0x8000] =	vst v63  }
0x1bc: {  	s0 =	sld [smem:$0x769]  }
0x1bd: {  	[tilespmem:s1], [sflag:$0x1] =	stream.linear.gather [hbm4b:s3+s2], $0x80, $0x38;
	[tilespmem:$0x8000] =	vst v63  }
0x1be: {  	s1 =	sld [smem:$0x76A]  }
0x1bf: {  	[tilespmem:s0], [sflag:$0x1] =	stream.linear.gather [hbm4b:s6+s2], $0x80, $0x38;
	[tilespmem:$0x8000] =	vst v63  }
0x1c0: {  	s0 =	sld [smem:$0x76B]  }
0x1c1: {  	[tilespmem:s1], [sflag:$0x1] =	stream.linear.gather [hbm4b:s7+s2], $0x80, $0x38;
	[tilespmem:$0x8000] =	vst v63  }
0x1c2: {  	s1 =	sld [smem:$0x76C]  }
0x1c3: {  	[tilespmem:s0], [sflag:$0x1] =	stream.linear.gather [hbm4b:s8+s2], $0x80, $0x38;
	[tilespmem:$0x8000] =	vst v63  }
0x1c4: {  	s0 =	sld [smem:$0x76D]  }
0x1c5: {  	[tilespmem:s1], [sflag:$0x1] =	stream.linear.gather [hbm4b:s9+s2], $0x80, $0x38;
	[tilespmem:$0x8000] =	vst v63  }
0x1c6: {  	s1 =	sld [smem:$0x76E]  }
0x1c7: {  	[tilespmem:s0], [sflag:$0x1] =	stream.linear.gather [hbm4b:s10+s2], $0x80, $0x38;
	[tilespmem:$0x8000] =	vst v63  }
0x1c8: {  	s0 =	sld [smem:$0x76F]  }
0x1c9: {  	[tilespmem:s1], [sflag:$0x1] =	stream.linear.gather [hbm4b:s11+s2], $0x80, $0x38;
	[tilespmem:$0x8000] =	vst v63  }
0x1ca: {  	s1 =	sld [smem:$0x770]  }
0x1cb: {  	[tilespmem:s0], [sflag:$0x1] =	stream.linear.gather [hbm4b:s12+s2], $0x80, $0x38;
	[tilespmem:$0x8000] =	vst v63  }
0x1cc: {  	s0 =	sld [smem:$0x771]  }
0x1cd: {  	[tilespmem:s1], [sflag:$0x1] =	stream.linear.gather [hbm4b:s3+s2], $0x80, $0x38;
	[tilespmem:$0x8000] =	vst v63  }
0x1ce: {  	s1 =	sld [smem:$0x772]  }
0x1cf: {  	[tilespmem:s0], [sflag:$0x1] =	stream.linear.gather [hbm4b:s6+s2], $0x80, $0x38;
	[tilespmem:$0x8000] =	vst v63  }
0x1d0: {  	s0 =	sld [smem:$0x773]  }
0x1d1: {  	[tilespmem:s1], [sflag:$0x1] =	stream.linear.gather [hbm4b:s7+s2], $0x80, $0x38;
	[tilespmem:$0x8000] =	vst v63  }
0x1d2: {  	s1 =	sld [smem:$0x774]  }
0x1d3: {  	[tilespmem:s0], [sflag:$0x1] =	stream.linear.gather [hbm4b:s8+s2], $0x80, $0x38;
	[tilespmem:$0x8000] =	vst v63  }
0x1d4: {  	s0 =	sld [smem:$0x775]  }
0x1d5: {  	[tilespmem:s1], [sflag:$0x1] =	stream.linear.gather [hbm4b:s9+s2], $0x80, $0x38;
	[tilespmem:$0x8000] =	vst v63  }
0x1d6: {  	s1 =	sld [smem:$0x776]  }
0x1d7: {  	[tilespmem:s0], [sflag:$0x1] =	stream.linear.gather [hbm4b:s10+s2], $0x80, $0x38;
	[tilespmem:$0x8000] =	vst v63  }
0x1d8: {  	s0 =	sld [smem:$0x777]  }
0x1d9: {  	[tilespmem:s1], [sflag:$0x1] =	stream.linear.gather [hbm4b:s11+s2], $0x80, $0x38;
	[tilespmem:$0x8000] =	vst v63  }
0x1da: {  	s1 =	sld [smem:$0x778]  }
0x1db: {  	[tilespmem:s0], [sflag:$0x1] =	stream.linear.gather [hbm4b:s12+s2], $0x80, $0x38;
	[tilespmem:$0x8000] =	vst v63  }
0x1dc: {  	s0 =	sld [smem:$0x779]  }
0x1dd: {  	[tilespmem:s1], [sflag:$0x1] =	stream.linear.gather [hbm4b:s3+s2], $0x80, $0x38;
	[tilespmem:$0x8000] =	vst v63  }
0x1de: {  	s1 =	sld [smem:$0x77A]  }
0x1df: {  	[tilespmem:s0], [sflag:$0x1] =	stream.linear.gather [hbm4b:s6+s2], $0x80, $0x38;
	[tilespmem:$0x8000] =	vst v63  }
0x1e0: {  	s0 =	sld [smem:$0x77B]  }
0x1e1: {  	[tilespmem:s1], [sflag:$0x1] =	stream.linear.gather [hbm4b:s7+s2], $0x80, $0x38;
	[tilespmem:$0x8000] =	vst v63  }
0x1e2: {  	s1 =	sld [smem:$0x77C]  }
0x1e3: {  	[tilespmem:s0], [sflag:$0x1] =	stream.linear.gather [hbm4b:s8+s2], $0x80, $0x38;
	[tilespmem:$0x8000] =	vst v63  }
0x1e4: {  	s0 =	sld [smem:$0x77D]  }
0x1e5: {  	[tilespmem:s1], [sflag:$0x1] =	stream.linear.gather [hbm4b:s9+s2], $0x80, $0x38;
	[tilespmem:$0x8000] =	vst v63  }
0x1e6: {  	s1 =	sld [smem:$0x77E]  }
0x1e7: {  	[tilespmem:s0], [sflag:$0x1] =	stream.linear.gather [hbm4b:s10+s2], $0x80, $0x38;
	[tilespmem:$0x8000] =	vst v63  }
0x1e8: {  	s0 =	sld [smem:$0x77F]  }
0x1e9: {  	[tilespmem:s1], [sflag:$0x1] =	stream.linear.gather [hbm4b:s11+s2], $0x80, $0x38;
	[tilespmem:$0x8000] =	vst v63  }
0x1ea: {  	s1 =	sld [smem:$0x780]  }
0x1eb: {  	[tilespmem:s0], [sflag:$0x1] =	stream.linear.gather [hbm4b:s12+s2], $0x80, $0x38;
	[tilespmem:$0x8000] =	vst v63  }
0x1ec: {  	s0 =	sld [smem:$0x781]  }
0x1ed: {  	[tilespmem:s1], [sflag:$0x1] =	stream.linear.gather [hbm4b:s3+s2], $0x80, $0x38;
	[tilespmem:$0x8000] =	vst v63  }
0x1ee: {  	s1 =	sld [smem:$0x782]  }
0x1ef: {  	[tilespmem:s0], [sflag:$0x1] =	stream.linear.gather [hbm4b:s6+s2], $0x80, $0x38;
	[tilespmem:$0x8000] =	vst v63  }
0x1f0: {  	s0 =	sld [smem:$0x783]  }
0x1f1: {  	[tilespmem:s1], [sflag:$0x1] =	stream.linear.gather [hbm4b:s7+s2], $0x80, $0x38;
	[tilespmem:$0x8000] =	vst v63  }
0x1f2: {  	s1 =	sld [smem:$0x784]  }
0x1f3: {  	[tilespmem:s0], [sflag:$0x1] =	stream.linear.gather [hbm4b:s8+s2], $0x80, $0x38;
	[tilespmem:$0x8000] =	vst v63  }
0x1f4: {  	s0 =	sld [smem:$0x785]  }
0x1f5: {  	[tilespmem:s1], [sflag:$0x1] =	stream.linear.gather [hbm4b:s9+s2], $0x80, $0x38;
	[tilespmem:$0x8000] =	vst v63  }
0x1f6: {  	s1 =	sld [smem:$0x786]  }
0x1f7: {  	[tilespmem:s0], [sflag:$0x1] =	stream.linear.gather [hbm4b:s10+s2], $0x80, $0x38;
	[tilespmem:$0x8000] =	vst v63  }
0x1f8: {  	s0 =	sld [smem:$0x787]  }
0x1f9: {  	[tilespmem:s1], [sflag:$0x1] =	stream.linear.gather [hbm4b:s11+s2], $0x80, $0x38;
	[tilespmem:$0x8000] =	vst v63  }
0x1fa: {  	s1 =	sld [smem:$0x788]  }
0x1fb: {  	[tilespmem:s0], [sflag:$0x1] =	stream.linear.gather [hbm4b:s12+s2], $0x80, $0x38;
	[tilespmem:$0x8000] =	vst v63  }
0x1fc: {  	s0 =	sld [smem:$0x789]  }
0x1fd: {  	[tilespmem:s1], [sflag:$0x1] =	stream.linear.gather [hbm4b:s3+s2], $0x80, $0x38;
	[tilespmem:$0x8000] =	vst v63  }
0x1fe: {  	s1 =	sld [smem:$0x78A]  }
0x1ff: {  	[tilespmem:s0], [sflag:$0x1] =	stream.linear.gather [hbm4b:s6+s2], $0x80, $0x38;
	[tilespmem:$0x8000] =	vst v63  }
0x200: {  	s0 =	sld [smem:$0x78B]  }
0x201: {  	[tilespmem:s1], [sflag:$0x1] =	stream.linear.gather [hbm4b:s7+s2], $0x80, $0x38;
	[tilespmem:$0x8000] =	vst v63  }
0x202: {  	s1 =	sld [smem:$0x78C]  }
0x203: {  	[tilespmem:s0], [sflag:$0x1] =	stream.linear.gather [hbm4b:s8+s2], $0x80, $0x38;
	[tilespmem:$0x8000] =	vst v63  }
0x204: {  	s0 =	sld [smem:$0x78D]  }
0x205: {  	[tilespmem:s1], [sflag:$0x1] =	stream.linear.gather [hbm4b:s9+s2], $0x80, $0x38;
	[tilespmem:$0x8000] =	vst v63  }
0x206: {  	s1 =	sld [smem:$0x78E]  }
0x207: {  	[tilespmem:s0], [sflag:$0x1] =	stream.linear.gather [hbm4b:s10+s2], $0x80, $0x38;
	[tilespmem:$0x8000] =	vst v63  }
0x208: {  	s0 =	sld [smem:$0x78F]  }
0x209: {  	[tilespmem:s1], [sflag:$0x1] =	stream.linear.gather [hbm4b:s11+s2], $0x80, $0x38;
	[tilespmem:$0x8000] =	vst v63  }
0x20a: {  	s1 =	sld [smem:$0x790]  }
0x20b: {  	[tilespmem:s0], [sflag:$0x1] =	stream.linear.gather [hbm4b:s12+s2], $0x80, $0x38;
	[tilespmem:$0x8000] =	vst v63  }
0x20c: {  	s0 =	sld [smem:$0x791]  }
0x20d: {  	[tilespmem:s1], [sflag:$0x1] =	stream.linear.gather [hbm4b:s3+s2], $0x80, $0x38;
	[tilespmem:$0x8000] =	vst v63  }
0x20e: {  	s1 =	sld [smem:$0x792]  }
0x20f: {  	[tilespmem:s0], [sflag:$0x1] =	stream.linear.gather [hbm4b:s6+s2], $0x80, $0x38;
	[tilespmem:$0x8000] =	vst v63  }
0x210: {  	s0 =	sld [smem:$0x793]  }
0x211: {  	[tilespmem:s1], [sflag:$0x1] =	stream.linear.gather [hbm4b:s7+s2], $0x80, $0x38;
	[tilespmem:$0x8000] =	vst v63  }
0x212: {  	s1 =	sld [smem:$0x794]  }
0x213: {  	[tilespmem:s0], [sflag:$0x1] =	stream.linear.gather [hbm4b:s8+s2], $0x80, $0x38;
	[tilespmem:$0x8000] =	vst v63  }
0x214: {  	s0 =	sld [smem:$0x795]  }
0x215: {  	[tilespmem:s1], [sflag:$0x1] =	stream.linear.gather [hbm4b:s9+s2], $0x80, $0x38;
	[tilespmem:$0x8000] =	vst v63  }
0x216: {  	s1 =	sld [smem:$0x796]  }
0x217: {  	[tilespmem:s0], [sflag:$0x1] =	stream.linear.gather [hbm4b:s10+s2], $0x80, $0x38;
	[tilespmem:$0x8000] =	vst v63  }
0x218: {  	s0 =	sld [smem:$0x797]  }
0x219: {  	[tilespmem:s1], [sflag:$0x1] =	stream.linear.gather [hbm4b:s11+s2], $0x80, $0x38;
	[tilespmem:$0x8000] =	vst v63  }
0x21a: {  	s1 =	sld [smem:$0x798]  }
0x21b: {  	[tilespmem:s0], [sflag:$0x1] =	stream.linear.gather [hbm4b:s12+s2], $0x80, $0x38;
	[tilespmem:$0x8000] =	vst v63  }
0x21c: {  	s0 =	sld [smem:$0x799]  }
0x21d: {  	[tilespmem:s1], [sflag:$0x1] =	stream.linear.gather [hbm4b:s3+s2], $0x80, $0x38;
	[tilespmem:$0x8000] =	vst v63  }
0x21e: {  	s1 =	sld [smem:$0x79A]  }
0x21f: {  	[tilespmem:s0], [sflag:$0x1] =	stream.linear.gather [hbm4b:s6+s2], $0x80, $0x38;
	[tilespmem:$0x8000] =	vst v63  }
0x220: {  	s0 =	sld [smem:$0x79B]  }
0x221: {  	[tilespmem:s1], [sflag:$0x1] =	stream.linear.gather [hbm4b:s7+s2], $0x80, $0x38;
	[tilespmem:$0x8000] =	vst v63  }
0x222: {  	s1 =	sld [smem:$0x79C]  }
0x223: {  	[tilespmem:s0], [sflag:$0x1] =	stream.linear.gather [hbm4b:s8+s2], $0x80, $0x38;
	[tilespmem:$0x8000] =	vst v63  }
0x224: {  	s0 =	sld [smem:$0x79D]  }
0x225: {  	[tilespmem:s1], [sflag:$0x1] =	stream.linear.gather [hbm4b:s9+s2], $0x80, $0x38;
	[tilespmem:$0x8000] =	vst v63  }
0x226: {  	s1 =	sld [smem:$0x79E]  }
0x227: {  	[tilespmem:s0], [sflag:$0x1] =	stream.linear.gather [hbm4b:s10+s2], $0x80, $0x38;
	[tilespmem:$0x8000] =	vst v63  }
0x228: {  	s0 =	sld [smem:$0x79F]  }
0x229: {  	[tilespmem:s1], [sflag:$0x1] =	stream.linear.gather [hbm4b:s11+s2], $0x80, $0x38;
	[tilespmem:$0x8000] =	vst v63  }
0x22a: {  	s1 =	sld [smem:$0x7A0]  }
0x22b: {  	[tilespmem:s0], [sflag:$0x1] =	stream.linear.gather [hbm4b:s12+s2], $0x80, $0x38;
	[tilespmem:$0x8000] =	vst v63  }
0x22c: {  	s0 =	sld [smem:$0x7A1]  }
0x22d: {  	[tilespmem:s1], [sflag:$0x1] =	stream.linear.gather [hbm4b:s3+s2], $0x80, $0x38;
	[tilespmem:$0x8000] =	vst v63  }
0x22e: {  	s1 =	sld [smem:$0x7A2]  }
0x22f: {  	[tilespmem:s0], [sflag:$0x1] =	stream.linear.gather [hbm4b:s6+s2], $0x80, $0x38;
	[tilespmem:$0x8000] =	vst v63  }
0x230: {  	s0 =	sld [smem:$0x7A3]  }
0x231: {  	[tilespmem:s1], [sflag:$0x1] =	stream.linear.gather [hbm4b:s7+s2], $0x80, $0x38;
	[tilespmem:$0x8000] =	vst v63  }
0x232: {  	s1 =	sld [smem:$0x7A4]  }
0x233: {  	[tilespmem:s0], [sflag:$0x1] =	stream.linear.gather [hbm4b:s8+s2], $0x80, $0x38;
	[tilespmem:$0x8000] =	vst v63  }
0x234: {  	s0 =	sld [smem:$0x7A5]  }
0x235: {  	[tilespmem:s1], [sflag:$0x1] =	stream.linear.gather [hbm4b:s9+s2], $0x80, $0x38;
	[tilespmem:$0x8000] =	vst v63  }
0x236: {  	s1 =	sld [smem:$0x7A6]  }
0x237: {  	[tilespmem:s0], [sflag:$0x1] =	stream.linear.gather [hbm4b:s10+s2], $0x80, $0x38;
	[tilespmem:$0x8000] =	vst v63  }
0x238: {  	s0 =	sld [smem:$0x7A7]  }
0x239: {  	[tilespmem:s1], [sflag:$0x1] =	stream.linear.gather [hbm4b:s11+s2], $0x80, $0x38;
	[tilespmem:$0x8000] =	vst v63  }
0x23a: {  	s1 =	sld [smem:$0x7A8]  }
0x23b: {  	[tilespmem:s0], [sflag:$0x1] =	stream.linear.gather [hbm4b:s12+s2], $0x80, $0x38;
	[tilespmem:$0x8000] =	vst v63  }
0x23c: {  	s0 =	sld [smem:$0x7A9]  }
0x23d: {  	[tilespmem:s1], [sflag:$0x1] =	stream.linear.gather [hbm4b:s3+s2], $0x80, $0x38;
	[tilespmem:$0x8000] =	vst v63  }
0x23e: {  	s1 =	sld [smem:$0x7AA]  }
0x23f: {  	[tilespmem:s0], [sflag:$0x1] =	stream.linear.gather [hbm4b:s6+s2], $0x80, $0x38;
	[tilespmem:$0x8000] =	vst v63  }
0x240: {  	s0 =	sld [smem:$0x7AB]  }
0x241: {  	[tilespmem:s1], [sflag:$0x1] =	stream.linear.gather [hbm4b:s7+s2], $0x80, $0x38;
	[tilespmem:$0x8000] =	vst v63  }
0x242: {  	s1 =	sld [smem:$0x7AC]  }
0x243: {  	[tilespmem:s0], [sflag:$0x1] =	stream.linear.gather [hbm4b:s8+s2], $0x80, $0x38;
	[tilespmem:$0x8000] =	vst v63  }
0x244: {  	s0 =	sld [smem:$0x7AD]  }
0x245: {  	[tilespmem:s1], [sflag:$0x1] =	stream.linear.gather [hbm4b:s9+s2], $0x80, $0x38;
	[tilespmem:$0x8000] =	vst v63  }
0x246: {  	s1 =	sld [smem:$0x7AE]  }
0x247: {  	[tilespmem:s0], [sflag:$0x1] =	stream.linear.gather [hbm4b:s10+s2], $0x80, $0x38;
	[tilespmem:$0x8000] =	vst v63  }
0x248: {  	s0 =	sld [smem:$0x7AF]  }
0x249: {  	[tilespmem:s1], [sflag:$0x1] =	stream.linear.gather [hbm4b:s11+s2], $0x80, $0x38;
	[tilespmem:$0x8000] =	vst v63  }
0x24a: {  	s1 =	sld [smem:$0x7B0]  }
0x24b: {  	[tilespmem:s0], [sflag:$0x1] =	stream.linear.gather [hbm4b:s12+s2], $0x80, $0x38;
	[tilespmem:$0x8000] =	vst v63  }
0x24c: {  	s0 =	sld [smem:$0x7B1]  }
0x24d: {  	[tilespmem:s1], [sflag:$0x1] =	stream.linear.gather [hbm4b:s3+s2], $0x80, $0x38;
	[tilespmem:$0x8000] =	vst v63  }
0x24e: {  	s1 =	sld [smem:$0x7B2]  }
0x24f: {  	[tilespmem:s0], [sflag:$0x1] =	stream.linear.gather [hbm4b:s6+s2], $0x80, $0x38;
	[tilespmem:$0x8000] =	vst v63  }
0x250: {  	s0 =	sld [smem:$0x7B3]  }
0x251: {  	[tilespmem:s1], [sflag:$0x1] =	stream.linear.gather [hbm4b:s7+s2], $0x80, $0x38;
	[tilespmem:$0x8000] =	vst v63  }
0x252: {  	s1 =	sld [smem:$0x7B4]  }
0x253: {  	[tilespmem:s0], [sflag:$0x1] =	stream.linear.gather [hbm4b:s8+s2], $0x80, $0x38;
	[tilespmem:$0x8000] =	vst v63  }
0x254: {  	s0 =	sld [smem:$0x7B5]  }
0x255: {  	[tilespmem:s1], [sflag:$0x1] =	stream.linear.gather [hbm4b:s9+s2], $0x80, $0x38;
	[tilespmem:$0x8000] =	vst v63  }
0x256: {  	s1 =	sld [smem:$0x7B6]  }
0x257: {  	[tilespmem:s0], [sflag:$0x1] =	stream.linear.gather [hbm4b:s10+s2], $0x80, $0x38;
	[tilespmem:$0x8000] =	vst v63  }
0x258: {  	s0 =	sld [smem:$0x7B7]  }
0x259: {  	[tilespmem:s1], [sflag:$0x1] =	stream.linear.gather [hbm4b:s11+s2], $0x80, $0x38;
	[tilespmem:$0x8000] =	vst v63  }
0x25a: {  	s1 =	sld [smem:$0x7B8]  }
0x25b: {  	[tilespmem:s0], [sflag:$0x1] =	stream.linear.gather [hbm4b:s12+s2], $0x80, $0x38;
	[tilespmem:$0x8000] =	vst v63  }
0x25c: {  	s0 =	sld [smem:$0x7B9]  }
0x25d: {  	[tilespmem:s1], [sflag:$0x1] =	stream.linear.gather [hbm4b:s3+s2], $0x80, $0x38;
	[tilespmem:$0x8000] =	vst v63  }
0x25e: {  	s1 =	sld [smem:$0x7BA]  }
0x25f: {  	[tilespmem:s0], [sflag:$0x1] =	stream.linear.gather [hbm4b:s6+s2], $0x80, $0x38;
	[tilespmem:$0x8000] =	vst v63  }
0x260: {  	s0 =	sld [smem:$0x7BB]  }
0x261: {  	[tilespmem:s1], [sflag:$0x1] =	stream.linear.gather [hbm4b:s7+s2], $0x80, $0x38;
	[tilespmem:$0x8000] =	vst v63  }
0x262: {  	s1 =	sld [smem:$0x7BC]  }
0x263: {  	[tilespmem:s0], [sflag:$0x1] =	stream.linear.gather [hbm4b:s8+s2], $0x80, $0x38;
	[tilespmem:$0x8000] =	vst v63  }
0x264: {  	s0 =	sld [smem:$0x7BD]  }
0x265: {  	[tilespmem:s1], [sflag:$0x1] =	stream.linear.gather [hbm4b:s9+s2], $0x80, $0x38;
	[tilespmem:$0x8000] =	vst v63  }
0x266: {  	s1 =	sld [smem:$0x7BE]  }
0x267: {  	[tilespmem:s0], [sflag:$0x1] =	stream.linear.gather [hbm4b:s10+s2], $0x80, $0x38;
	[tilespmem:$0x8000] =	vst v63  }
0x268: {  	s0 =	sld [smem:$0x7BF]  }
0x269: {  	[tilespmem:s1], [sflag:$0x1] =	stream.linear.gather [hbm4b:s11+s2], $0x80, $0x38;
	[tilespmem:$0x8000] =	vst v63  }
0x26a: {  	s1 =	sld [smem:$0x7C0]  }
0x26b: {  	[tilespmem:s0], [sflag:$0x1] =	stream.linear.gather [hbm4b:s12+s2], $0x80, $0x38;
	[tilespmem:$0x8000] =	vst v63  }
0x26c: {  	s0 =	sld [smem:$0x7C1]  }
0x26d: {  	[tilespmem:s1], [sflag:$0x1] =	stream.linear.gather [hbm4b:s3+s2], $0x80, $0x38;
	[tilespmem:$0x8000] =	vst v63  }
0x26e: {  	s1 =	sld [smem:$0x7C2]  }
0x26f: {  	[tilespmem:s0], [sflag:$0x1] =	stream.linear.gather [hbm4b:s6+s2], $0x80, $0x38;
	[tilespmem:$0x8000] =	vst v63  }
0x270: {  	s0 =	sld [smem:$0x7C3]  }
0x271: {  	[tilespmem:s1], [sflag:$0x1] =	stream.linear.gather [hbm4b:s7+s2], $0x80, $0x38;
	[tilespmem:$0x8000] =	vst v63  }
0x272: {  	s1 =	sld [smem:$0x7C4]  }
0x273: {  	[tilespmem:s0], [sflag:$0x1] =	stream.linear.gather [hbm4b:s8+s2], $0x80, $0x38;
	[tilespmem:$0x8000] =	vst v63  }
0x274: {  	s0 =	sld [smem:$0x7C5]  }
0x275: {  	[tilespmem:s1], [sflag:$0x1] =	stream.linear.gather [hbm4b:s9+s2], $0x80, $0x38;
	[tilespmem:$0x8000] =	vst v63  }
0x276: {  	s1 =	sld [smem:$0x7C6]  }
0x277: {  	[tilespmem:s0], [sflag:$0x1] =	stream.linear.gather [hbm4b:s10+s2], $0x80, $0x38;
	[tilespmem:$0x8000] =	vst v63  }
0x278: {  	s0 =	sld [smem:$0x7C7]  }
0x279: {  	[tilespmem:s1], [sflag:$0x1] =	stream.linear.gather [hbm4b:s11+s2], $0x80, $0x38;
	[tilespmem:$0x8000] =	vst v63  }
0x27a: {  	s1 =	sld [smem:$0x7C8]  }
0x27b: {  	[tilespmem:s0], [sflag:$0x1] =	stream.linear.gather [hbm4b:s12+s2], $0x80, $0x38;
	[tilespmem:$0x8000] =	vst v63  }
0x27c: {  	s0 =	sld [smem:$0x7C9]  }
0x27d: {  	[tilespmem:s1], [sflag:$0x1] =	stream.linear.gather [hbm4b:s3+s2], $0x80, $0x38;
	[tilespmem:$0x8000] =	vst v63  }
0x27e: {  	s1 =	sld [smem:$0x7CA]  }
0x27f: {  	[tilespmem:s0], [sflag:$0x1] =	stream.linear.gather [hbm4b:s6+s2], $0x80, $0x38;
	[tilespmem:$0x8000] =	vst v63  }
0x280: {  	s0 =	sld [smem:$0x7CB]  }
0x281: {  	[tilespmem:s1], [sflag:$0x1] =	stream.linear.gather [hbm4b:s7+s2], $0x80, $0x38;
	[tilespmem:$0x8000] =	vst v63  }
0x282: {  	s1 =	sld [smem:$0x7CC]  }
0x283: {  	[tilespmem:s0], [sflag:$0x1] =	stream.linear.gather [hbm4b:s8+s2], $0x80, $0x38;
	[tilespmem:$0x8000] =	vst v63  }
0x284: {  	s0 =	sld [smem:$0x7CD]  }
0x285: {  	[tilespmem:s1], [sflag:$0x1] =	stream.linear.gather [hbm4b:s9+s2], $0x80, $0x38;
	[tilespmem:$0x8000] =	vst v63  }
0x286: {  	s1 =	sld [smem:$0x7CE]  }
0x287: {  	[tilespmem:s0], [sflag:$0x1] =	stream.linear.gather [hbm4b:s10+s2], $0x80, $0x38;
	[tilespmem:$0x8000] =	vst v63  }
0x288: {  	s0 =	sld [smem:$0x7CF]  }
0x289: {  	[tilespmem:s1], [sflag:$0x1] =	stream.linear.gather [hbm4b:s11+s2], $0x80, $0x38;
	[tilespmem:$0x8000] =	vst v63  }
0x28a: {  	s1 =	sld [smem:$0x7D0]  }
0x28b: {  	[tilespmem:s0], [sflag:$0x1] =	stream.linear.gather [hbm4b:s12+s2], $0x80, $0x38;
	[tilespmem:$0x8000] =	vst v63  }
0x28c: {  	s0 =	sld [smem:$0x7D1]  }
0x28d: {  	[tilespmem:s1], [sflag:$0x1] =	stream.linear.gather [hbm4b:s3+s2], $0x80, $0x38;
	[tilespmem:$0x8000] =	vst v63  }
0x28e: {  	s1 =	sld [smem:$0x7D2]  }
0x28f: {  	[tilespmem:s0], [sflag:$0x1] =	stream.linear.gather [hbm4b:s6+s2], $0x80, $0x38;
	[tilespmem:$0x8000] =	vst v63  }
0x290: {  	s0 =	sld [smem:$0x7D3]  }
0x291: {  	[tilespmem:s1], [sflag:$0x1] =	stream.linear.gather [hbm4b:s7+s2], $0x80, $0x38;
	[tilespmem:$0x8000] =	vst v63  }
0x292: {  	s1 =	sld [smem:$0x7D4]  }
0x293: {  	[tilespmem:s0], [sflag:$0x1] =	stream.linear.gather [hbm4b:s8+s2], $0x80, $0x38;
	[tilespmem:$0x8000] =	vst v63  }
0x294: {  	s0 =	sld [smem:$0x7D5]  }
0x295: {  	[tilespmem:s1], [sflag:$0x1] =	stream.linear.gather [hbm4b:s9+s2], $0x80, $0x38;
	[tilespmem:$0x8000] =	vst v63  }
0x296: {  	s1 =	sld [smem:$0x7D6]  }
0x297: {  	[tilespmem:s0], [sflag:$0x1] =	stream.linear.gather [hbm4b:s10+s2], $0x80, $0x38;
	[tilespmem:$0x8000] =	vst v63  }
0x298: {  	s0 =	sld [smem:$0x7D7]  }
0x299: {  	[tilespmem:s1], [sflag:$0x1] =	stream.linear.gather [hbm4b:s11+s2], $0x80, $0x38;
	[tilespmem:$0x8000] =	vst v63  }
0x29a: {  	s1 =	sld [smem:$0x7D8]  }
0x29b: {  	[tilespmem:s0], [sflag:$0x1] =	stream.linear.gather [hbm4b:s12+s2], $0x80, $0x38;
	[tilespmem:$0x8000] =	vst v63  }
0x29c: {  	s0 =	sld [smem:$0x7D9]  }
0x29d: {  	[tilespmem:s1], [sflag:$0x1] =	stream.linear.gather [hbm4b:s3+s2], $0x80, $0x38;
	[tilespmem:$0x8000] =	vst v63  }
0x29e: {  	s1 =	sld [smem:$0x7DA]  }
0x29f: {  	[tilespmem:s0], [sflag:$0x1] =	stream.linear.gather [hbm4b:s6+s2], $0x80, $0x38;
	[tilespmem:$0x8000] =	vst v63  }
0x2a0: {  	s0 =	sld [smem:$0x7DB]  }
0x2a1: {  	[tilespmem:s1], [sflag:$0x1] =	stream.linear.gather [hbm4b:s7+s2], $0x80, $0x38;
	[tilespmem:$0x8000] =	vst v63  }
0x2a2: {  	s1 =	sld [smem:$0x7DC]  }
0x2a3: {  	[tilespmem:s0], [sflag:$0x1] =	stream.linear.gather [hbm4b:s8+s2], $0x80, $0x38;
	[tilespmem:$0x8000] =	vst v63  }
0x2a4: {  	s0 =	sld [smem:$0x7DD]  }
0x2a5: {  	[tilespmem:s1], [sflag:$0x1] =	stream.linear.gather [hbm4b:s9+s2], $0x80, $0x38;
	[tilespmem:$0x8000] =	vst v63  }
0x2a6: {  	s1 =	sld [smem:$0x7DE]  }
0x2a7: {  	[tilespmem:s0], [sflag:$0x1] =	stream.linear.gather [hbm4b:s10+s2], $0x80, $0x38;
	[tilespmem:$0x8000] =	vst v63  }
0x2a8: {  	s0 =	sld [smem:$0x7DF]  }
0x2a9: {  	[tilespmem:s1], [sflag:$0x1] =	stream.linear.gather [hbm4b:s11+s2], $0x80, $0x38;
	[tilespmem:$0x8000] =	vst v63  }
0x2aa: {  	s1 =	sld [smem:$0x7E0]  }
0x2ab: {  	[tilespmem:s0], [sflag:$0x1] =	stream.linear.gather [hbm4b:s12+s2], $0x80, $0x38;
	[tilespmem:$0x8000] =	vst v63  }
0x2ac: {  	s0 =	sld [smem:$0x7E1]  }
0x2ad: {  	[tilespmem:s1], [sflag:$0x1] =	stream.linear.gather [hbm4b:s3+s2], $0x80, $0x38;
	[tilespmem:$0x8000] =	vst v63  }
0x2ae: {  	s1 =	sld [smem:$0x7E2]  }
0x2af: {  	[tilespmem:s0], [sflag:$0x1] =	stream.linear.gather [hbm4b:s6+s2], $0x80, $0x38;
	[tilespmem:$0x8000] =	vst v63  }
0x2b0: {  	s0 =	sld [smem:$0x7E3]  }
0x2b1: {  	[tilespmem:s1], [sflag:$0x1] =	stream.linear.gather [hbm4b:s7+s2], $0x80, $0x38;
	[tilespmem:$0x8000] =	vst v63  }
0x2b2: {  	s1 =	sld [smem:$0x7E4]  }
0x2b3: {  	[tilespmem:s0], [sflag:$0x1] =	stream.linear.gather [hbm4b:s8+s2], $0x80, $0x38;
	[tilespmem:$0x8000] =	vst v63  }
0x2b4: {  	s0 =	sld [smem:$0x7E5]  }
0x2b5: {  	[tilespmem:s1], [sflag:$0x1] =	stream.linear.gather [hbm4b:s9+s2], $0x80, $0x38;
	[tilespmem:$0x8000] =	vst v63  }
0x2b6: {  	s1 =	sld [smem:$0x7E6]  }
0x2b7: {  	[tilespmem:s0], [sflag:$0x1] =	stream.linear.gather [hbm4b:s10+s2], $0x80, $0x38;
	[tilespmem:$0x8000] =	vst v63  }
0x2b8: {  	s0 =	sld [smem:$0x7E7]  }
0x2b9: {  	[tilespmem:s1], [sflag:$0x1] =	stream.linear.gather [hbm4b:s11+s2], $0x80, $0x38;
	[tilespmem:$0x8000] =	vst v63  }
0x2ba: {  	s1 =	sld [smem:$0x7E8]  }
0x2bb: {  	[tilespmem:s0], [sflag:$0x1] =	stream.linear.gather [hbm4b:s12+s2], $0x80, $0x38;
	[tilespmem:$0x8000] =	vst v63  }
0x2bc: {  	s0 =	sld [smem:$0x7E9]  }
0x2bd: {  	[tilespmem:s1], [sflag:$0x1] =	stream.linear.gather [hbm4b:s3+s2], $0x80, $0x38;
	[tilespmem:$0x8000] =	vst v63  }
0x2be: {  	s1 =	sld [smem:$0x7EA]  }
0x2bf: {  	[tilespmem:s0], [sflag:$0x1] =	stream.linear.gather [hbm4b:s6+s2], $0x80, $0x38;
	[tilespmem:$0x8000] =	vst v63  }
0x2c0: {  	s0 =	sld [smem:$0x7EB]  }
0x2c1: {  	[tilespmem:s1], [sflag:$0x1] =	stream.linear.gather [hbm4b:s7+s2], $0x80, $0x38;
	[tilespmem:$0x8000] =	vst v63  }
0x2c2: {  	s1 =	sld [smem:$0x7EC]  }
0x2c3: {  	[tilespmem:s0], [sflag:$0x1] =	stream.linear.gather [hbm4b:s8+s2], $0x80, $0x38;
	[tilespmem:$0x8000] =	vst v63  }
0x2c4: {  	s0 =	sld [smem:$0x7ED]  }
0x2c5: {  	[tilespmem:s1], [sflag:$0x1] =	stream.linear.gather [hbm4b:s9+s2], $0x80, $0x38;
	[tilespmem:$0x8000] =	vst v63  }
0x2c6: {  	s1 =	sld [smem:$0x7EE]  }
0x2c7: {  	[tilespmem:s0], [sflag:$0x1] =	stream.linear.gather [hbm4b:s10+s2], $0x80, $0x38;
	[tilespmem:$0x8000] =	vst v63  }
0x2c8: {  	s0 =	sld [smem:$0x7EF]  }
0x2c9: {  	[tilespmem:s1], [sflag:$0x1] =	stream.linear.gather [hbm4b:s11+s2], $0x80, $0x38;
	[tilespmem:$0x8000] =	vst v63  }
0x2ca: {  	s1 =	sld [smem:$0x7F0]  }
0x2cb: {  	[tilespmem:s0], [sflag:$0x1] =	stream.linear.gather [hbm4b:s12+s2], $0x80, $0x38;
	[tilespmem:$0x8000] =	vst v63  }
0x2cc: {  	s0 =	sld [smem:$0x7F1]  }
0x2cd: {  	[tilespmem:s1], [sflag:$0x1] =	stream.linear.gather [hbm4b:s3+s2], $0x80, $0x38;
	[tilespmem:$0x8000] =	vst v63  }
0x2ce: {  	s1 =	sld [smem:$0x7F2]  }
0x2cf: {  	[tilespmem:s0], [sflag:$0x1] =	stream.linear.gather [hbm4b:s6+s2], $0x80, $0x38;
	[tilespmem:$0x8000] =	vst v63  }
0x2d0: {  	s0 =	sld [smem:$0x7F3]  }
0x2d1: {  	[tilespmem:s1], [sflag:$0x1] =	stream.linear.gather [hbm4b:s7+s2], $0x80, $0x38;
	[tilespmem:$0x8000] =	vst v63  }
0x2d2: {  	s1 =	sld [smem:$0x7F4]  }
0x2d3: {  	[tilespmem:s0], [sflag:$0x1] =	stream.linear.gather [hbm4b:s8+s2], $0x80, $0x38;
	[tilespmem:$0x8000] =	vst v63  }
0x2d4: {  	s0 =	sld [smem:$0x7F5]  }
0x2d5: {  	[tilespmem:s1], [sflag:$0x1] =	stream.linear.gather [hbm4b:s9+s2], $0x80, $0x38;
	[tilespmem:$0x8000] =	vst v63  }
0x2d6: {  	s1 =	sld [smem:$0x7F6]  }
0x2d7: {  	[tilespmem:s0], [sflag:$0x1] =	stream.linear.gather [hbm4b:s10+s2], $0x80, $0x38;
	[tilespmem:$0x8000] =	vst v63  }
0x2d8: {  	s0 =	sld [smem:$0x7F7]  }
0x2d9: {  	[tilespmem:s1], [sflag:$0x1] =	stream.linear.gather [hbm4b:s11+s2], $0x80, $0x38;
	[tilespmem:$0x8000] =	vst v63  }
0x2da: {  	s1 =	sld [smem:$0x7F8]  }
0x2db: {  	[tilespmem:s0], [sflag:$0x1] =	stream.linear.gather [hbm4b:s12+s2], $0x80, $0x38;
	[tilespmem:$0x8000] =	vst v63  }
0x2dc: {  	s0 =	sld [smem:$0x7F9]  }
0x2dd: {  	[tilespmem:s1], [sflag:$0x1] =	stream.linear.gather [hbm4b:s3+s2], $0x80, $0x38;
	[tilespmem:$0x8000] =	vst v63  }
0x2de: {  	s1 =	sld [smem:$0x7FA]  }
0x2df: {  	[tilespmem:s0], [sflag:$0x1] =	stream.linear.gather [hbm4b:s6+s2], $0x80, $0x38;
	[tilespmem:$0x8000] =	vst v63  }
0x2e0: {  	s0 =	sld [smem:$0x7FB]  }
0x2e1: {  	[tilespmem:s1], [sflag:$0x1] =	stream.linear.gather [hbm4b:s7+s2], $0x80, $0x38;
	[tilespmem:$0x8000] =	vst v63  }
0x2e2: {  	s1 =	sld [smem:$0x7FC]  }
0x2e3: {  	[tilespmem:s0], [sflag:$0x1] =	stream.linear.gather [hbm4b:s8+s2], $0x80, $0x38;
	[tilespmem:$0x8000] =	vst v63  }
0x2e4: {  	s0 =	sld [smem:$0x7FD]  }
0x2e5: {  	[tilespmem:s1], [sflag:$0x1] =	stream.linear.gather [hbm4b:s9+s2], $0x80, $0x38;
	[tilespmem:$0x8000] =	vst v63  }
0x2e6: {  	_ = 	snop  }
0x2e7: {  	[tilespmem:s0], [sflag:$0x1] =	stream.linear.gather [hbm4b:s10+s2], $0x80, $0x38;
	[tilespmem:$0x8000] =	vst v63  }
0x2e8: {  	s1 =	simm.s32 $0x7A80  }
0x2e9: {  	[tilespmem:s1], [sflag:$0x1] =	stream.linear.gather [hbm4b:s11+s2], $0x80, $0x38;
	[tilespmem:$0x8000] =	vst v63  }
0x2ea: {  	_ = 	snop  }
0x2eb: {  	[tilespmem:s14], [sflag:$0x1] =	stream.linear.gather [hbm4b:s12+s2], $0x80, $0x38;
	[tilespmem:$0x8000] =	vst v63  }
0x2ec: {  	_ = 	snop  }
0x2ed: {  	[tilespmem:s15], [sflag:$0x1] =	stream.linear.gather [hbm4b:s3+s2], $0x80, $0x38;
	[tilespmem:$0x8000] =	vst v63  }
0x2ee: {  	_ = 	snop  }
0x2ef: {  	[tilespmem:s16], [sflag:$0x1] =	stream.linear.gather [hbm4b:s6+s2], $0x80, $0x38;
	[tilespmem:$0x8000] =	vst v63  }
0x2f0: {  	_ = 	snop  }
0x2f1: {  	[tilespmem:s17], [sflag:$0x1] =	stream.linear.gather [hbm4b:s7+s2], $0x80, $0x38;
	[tilespmem:$0x8000] =	vst v63  }
0x2f2: {  	_ = 	snop  }
0x2f3: {  	[tilespmem:s18], [sflag:$0x1] =	stream.linear.gather [hbm4b:s8+s2], $0x80, $0x38;
	[tilespmem:$0x8000] =	vst v63  }
0x2f4: {  	_ = 	snop  }
0x2f5: {  	[tilespmem:s19], [sflag:$0x1] =	stream.linear.gather [hbm4b:s9+s2], $0x80, $0x38;
	[tilespmem:$0x8000] =	vst v63  }
0x2f6: {  	_ = 	snop  }
0x2f7: {  	[tilespmem:s20], [sflag:$0x1] =	stream.linear.gather [hbm4b:s10+s2], $0x80, $0x38;
	[tilespmem:$0x8000] =	vst v63  }
0x2f8: {  	_ = 	snop  }
0x2f9: {  	[tilespmem:s21], [sflag:$0x1] =	stream.linear.gather [hbm4b:s11+s2], $0x80, $0x38;
	[tilespmem:$0x8000] =	vst v63  }
0x2fa: {  	_ = 	snop  }
0x2fb: {  	[tilespmem:s22], [sflag:$0x1] =	stream.linear.gather [hbm4b:s12+s2], $0x80, $0x38;
	[tilespmem:$0x8000] =	vst v63  }
0x2fc: {  	_ = 	snop  }
0x2fd: {  	[tilespmem:s23], [sflag:$0x1] =	stream.linear.gather [hbm4b:s3+s2], $0x80, $0x38;
	[tilespmem:$0x8000] =	vst v63  }
0x2fe: {  	_ = 	snop  }
0x2ff: {  	[tilespmem:s24], [sflag:$0x1] =	stream.linear.gather [hbm4b:s6+s2], $0x80, $0x38;
	[tilespmem:$0x8000] =	vst v63  }
0x300: {  	_ = 	snop  }
0x301: {  	[tilespmem:s25], [sflag:$0x1] =	stream.linear.gather [hbm4b:s7+s2], $0x80, $0x38;
	[tilespmem:$0x8000] =	vst v63  }
0x302: {  	_ = 	snop  }
0x303: {  	[tilespmem:s26], [sflag:$0x1] =	stream.linear.gather [hbm4b:s8+s2], $0x80, $0x38;
	[tilespmem:$0x8000] =	vst v63  }
0x304: {  	_ = 	snop  }
0x305: {  	[tilespmem:s28], [sflag:$0x1] =	stream.linear.gather [hbm4b:s9+s2], $0x80, $0x38;
	[tilespmem:$0x8000] =	vst v63  }
0x306: {  	_ = 	snop  }
0x307: {  	[tilespmem:s29], [sflag:$0x1] =	stream.linear.gather [hbm4b:s10+s2], $0x80, $0x38;
	[tilespmem:$0x8000] =	vst v63  }
0x308: {  	_ = 	snop  }
0x309: {  	[tilespmem:s30], [sflag:$0x1] =	stream.linear.gather [hbm4b:s11+s2], $0x80, $0x38;
	[tilespmem:$0x8000] =	vst v63  }
0x30a: {  	_ = 	snop  }
0x30b: {  	[tilespmem:s31], [sflag:$0x1] =	stream.linear.gather [hbm4b:s12+s2], $0x80, $0x38;
	[tilespmem:$0x8000] =	vst v63  }
0x30c: {  	_ =	swait.ge [sflag:s5], $0x400  }
0x30d: {  	[sflag:s5] =	ssyncset.done $0x0  }
0x30e: {  	[sflag:s5] =	ssyncadd.s32 $0xFFFFFC00  }
0x30f: {  	_ =	swait.ge [sflag:s5], $0x400  }
0x310: {  	[sflag:s5] =	ssyncset.done $0x0  }
0x311: {  	[sflag:s5] =	ssyncadd.s32 $0xFFFFFC00  }
0x312: {  	_ =	swait.ge [sflag:s5], $0x400  }
0x313: {  	[sflag:s5] =	ssyncset.done $0x0  }
0x314: {  	[sflag:s5] =	ssyncadd.s32 $0xFFFFFC00  }
0x315: {  	_ =	swait.ge [sflag:s5], $0x400  }
0x316: {  	[sflag:s5] =	ssyncset.done $0x0  }
0x317: {  	[sflag:s5] =	ssyncadd.s32 $0xFFFFFC00  }
0x318: {  	_ =	swait.ge [sflag:s5], $0x400  }
0x319: {  	[sflag:s5] =	ssyncset.done $0x0  }
0x31a: {  	[sflag:s5] =	ssyncadd.s32 $0xFFFFFC00  }
0x31b: {  	_ =	swait.ge [sflag:s5], $0x400  }
0x31c: {  	[sflag:s5] =	ssyncset.done $0x0  }
0x31d: {  	[sflag:s5] =	ssyncadd.s32 $0xFFFFFC00  }
0x31e: {  	_ =	swait.ge [sflag:s5], $0x400  }
0x31f: {  	[sflag:s5] =	ssyncset.done $0x0  }
0x320: {  	[sflag:s5] =	ssyncadd.s32 $0xFFFFFC00  }
0x321: {  	_ =	swait.ge [sflag:s5], $0x400  }
0x322: {  	[sflag:s5] =	ssyncset.done $0x0  }
0x323: {  	[sflag:s5] =	ssyncadd.s32 $0xFFFFFC00  }
0x324: {  	_ =	swait.ge [sflag:s5], $0x400  }
0x325: {  	[sflag:s5] =	ssyncset.done $0x0  }
0x326: {  	[sflag:s5] =	ssyncadd.s32 $0xFFFFFC00  }
0x327: {  	_ =	swait.ge [sflag:s5], $0x400  }
0x328: {  	[sflag:s5] =	ssyncset.done $0x0  }
0x329: {  	[sflag:s5] =	ssyncadd.s32 $0xFFFFFC00  }
0x32a: {  	_ =	swait.ge [sflag:s5], $0x400  }
0x32b: {  	[sflag:s5] =	ssyncset.done $0x0  }
0x32c: {  	[sflag:s5] =	ssyncadd.s32 $0xFFFFFC00  }
0x32d: {  	_ =	swait.ge [sflag:s5], $0x400  }
0x32e: {  	[sflag:s5] =	ssyncset.done $0x0  }
0x32f: {  	[sflag:s5] =	ssyncadd.s32 $0xFFFFFC00  }
0x330: {  	_ =	swait.ge [sflag:s5], $0x400  }
0x331: {  	[sflag:s5] =	ssyncset.done $0x0  }
0x332: {  	[sflag:s5] =	ssyncadd.s32 $0xFFFFFC00  }
0x333: {  	_ =	swait.ge [sflag:s5], $0x400  }
0x334: {  	[sflag:s5] =	ssyncset.done $0x0  }
0x335: {  	[sflag:s5] =	ssyncadd.s32 $0xFFFFFC00  }
0x336: {  	_ =	swait.ge [sflag:s5], $0x400  }
0x337: {  	[sflag:s5] =	ssyncset.done $0x0  }
0x338: {  	[sflag:s5] =	ssyncadd.s32 $0xFFFFFC00  }
0x339: {  	_ =	swait.ge [sflag:s5], $0x400  }
0x33a: {  	[sflag:s5] =	ssyncset.done $0x0  }
0x33b: {  	[sflag:s5] =	ssyncadd.s32 $0xFFFFFC00  }
0x33c: {  	_ =	swait.ge [sflag:s5], $0x400  }
0x33d: {  	[sflag:s5] =	ssyncset.done $0x0  }
0x33e: {  	[sflag:s5] =	ssyncadd.s32 $0xFFFFFC00  }
0x33f: {  	_ =	swait.ge [sflag:s5], $0x400  }
0x340: {  	[sflag:s5] =	ssyncset.done $0x0  }
0x341: {  	[sflag:s5] =	ssyncadd.s32 $0xFFFFFC00  }
0x342: {  	_ =	swait.ge [sflag:s5], $0x400  }
0x343: {  	[sflag:s5] =	ssyncset.done $0x0  }
0x344: {  	[sflag:s5] =	ssyncadd.s32 $0xFFFFFC00  }
0x345: {  	_ =	swait.ge [sflag:s5], $0x400  }
0x346: {  	[sflag:s5] =	ssyncset.done $0x0  }
0x347: {  	[sflag:s5] =	ssyncadd.s32 $0xFFFFFC00  }
0x348: {  	_ =	swait.ge [sflag:s5], $0x400  }
0x349: {  	[sflag:s5] =	ssyncset.done $0x0  }
0x34a: {  	[sflag:s5] =	ssyncadd.s32 $0xFFFFFC00  }
0x34b: {  	_ =	swait.ge [sflag:s5], $0x400  }
0x34c: {  	[sflag:s5] =	ssyncset.done $0x0  }
0x34d: {  	[sflag:s5] =	ssyncadd.s32 $0xFFFFFC00  }
0x34e: {  	_ =	swait.ge [sflag:s5], $0x400  }
0x34f: {  	[sflag:s5] =	ssyncset.done $0x0  }
0x350: {  	[sflag:s5] =	ssyncadd.s32 $0xFFFFFC00  }
0x351: {  	_ =	swait.ge [sflag:s5], $0x400  }
0x352: {  	[sflag:s5] =	ssyncset.done $0x0  }
0x353: {  	[sflag:s5] =	ssyncadd.s32 $0xFFFFFC00  }
0x354: {  	_ =	swait.ge [sflag:s5], $0x400  }
0x355: {  	[sflag:s5] =	ssyncset.done $0x0  }
0x356: {  	[sflag:s5] =	ssyncadd.s32 $0xFFFFFC00  }
0x357: {  	_ =	swait.ge [sflag:s5], $0x400  }
0x358: {  	[sflag:s5] =	ssyncset.done $0x0  }
0x359: {  	[sflag:s5] =	ssyncadd.s32 $0xFFFFFC00  }
0x35a: {  	_ =	swait.ge [sflag:s5], $0x400  }
0x35b: {  	[sflag:s5] =	ssyncset.done $0x0  }
0x35c: {  	[sflag:s5] =	ssyncadd.s32 $0xFFFFFC00  }
0x35d: {  	_ =	swait.ge [sflag:s5], $0x400  }
0x35e: {  	[sflag:s5] =	ssyncset.done $0x0  }
0x35f: {  	[sflag:s5] =	ssyncadd.s32 $0xFFFFFC00  }
0x360: {  	_ =	swait.ge [sflag:s5], $0x400  }
0x361: {  	[sflag:s5] =	ssyncset.done $0x0  }
0x362: {  	[sflag:s5] =	ssyncadd.s32 $0xFFFFFC00  }
0x363: {  	_ =	swait.ge [sflag:s5], $0x400  }
0x364: {  	[sflag:s5] =	ssyncset.done $0x0  }
0x365: {  	[sflag:s5] =	ssyncadd.s32 $0xFFFFFC00  }
0x366: {  	_ =	swait.ge [sflag:s5], $0x400  }
0x367: {  	[sflag:s5] =	ssyncset.done $0x0  }
0x368: {  	[sflag:s5] =	ssyncadd.s32 $0xFFFFFC00  }
0x369: {  	_ =	swait.ge [sflag:s5], $0x400  }
0x36a: {  	[sflag:s5] =	ssyncset.done $0x0  }
0x36b: {  	s0 =	rddreg [dreg:$0x3];
	[sflag:s5] =	ssyncadd.s32 $0xFFFFFC00  }
0x36c: {  	[hbm4b:s0+s2] =	stream.linear.scatter [tilespmem:s2], [sflag:$0x2], $0x8000, $0x38;
	[tilespmem:$0x8000] =	vst v63  }
0x36d: {  	s1 =	rddreg [dreg:$0x4]  }
0x36e: {  	[hbm4b:s1+s2] =	stream.linear.scatter [tilespmem:s2], [sflag:$0x2], $0x8000, $0x38;
	[tilespmem:$0x8000] =	vst v63  }
0x36f: {  	s0 =	rddreg [dreg:$0x5]  }
0x370: {  	[hbm4b:s0+s2] =	stream.linear.scatter [tilespmem:s2], [sflag:$0x2], $0x8000, $0x38;
	[tilespmem:$0x8000] =	vst v63  }
0x371: {  	s1 =	rddreg [dreg:$0x6]  }
0x372: {  	[hbm4b:s1+s2] =	stream.linear.scatter [tilespmem:s2], [sflag:$0x2], $0x8000, $0x38;
	[tilespmem:$0x8000] =	vst v63  }
0x373: {  	s0 =	rddreg [dreg:$0x7]  }
0x374: {  	[hbm4b:s0+s2] =	stream.linear.scatter [tilespmem:s2], [sflag:$0x2], $0x8000, $0x38;
	[tilespmem:$0x8000] =	vst v63  }
0x375: {  	s1 =	rddreg [dreg:$0x8]  }
0x376: {  	[hbm4b:s1+s2] =	stream.linear.scatter [tilespmem:s2], [sflag:$0x2], $0x8000, $0x38;
	[tilespmem:$0x8000] =	vst v63  }
0x377: {  	s0 =	rddreg [dreg:$0x9]  }
0x378: {  	[hbm4b:s0+s2] =	stream.linear.scatter [tilespmem:s2], [sflag:$0x2], $0x8000, $0x38;
	[tilespmem:$0x8000] =	vst v63  }
0x379: {  	s1 =	rddreg [dreg:$0xa]  }
0x37a: {  	[hbm4b:s1+s2] =	stream.linear.scatter [tilespmem:s2], [sflag:$0x2], $0x8000, $0x38;
	[tilespmem:$0x8000] =	vst v63  }
0x37b: {  	s0 =	rddreg [dreg:$0xb]  }
0x37c: {  	[hbm4b:s0+s2] =	stream.linear.scatter [tilespmem:s2], [sflag:$0x2], $0x8000, $0x38;
	[tilespmem:$0x8000] =	vst v63  }
0x37d: {  	s1 =	rddreg [dreg:$0xc]  }
0x37e: {  	[hbm4b:s1+s2] =	stream.linear.scatter [tilespmem:s2], [sflag:$0x2], $0x8000, $0x38;
	[tilespmem:$0x8000] =	vst v63  }
0x37f: {  	s0 =	rddreg [dreg:$0xd]  }
0x380: {  	[hbm4b:s0+s2] =	stream.linear.scatter [tilespmem:s2], [sflag:$0x2], $0x8000, $0x38;
	[tilespmem:$0x8000] =	vst v63  }
0x381: {  	s1 =	rddreg [dreg:$0xe]  }
0x382: {  	[hbm4b:s1+s2] =	stream.linear.scatter [tilespmem:s2], [sflag:$0x2], $0x8000, $0x38;
	[tilespmem:$0x8000] =	vst v63  }
0x383: {  	s0 =	rddreg [dreg:$0xf]  }
0x384: {  	[hbm4b:s0+s2] =	stream.linear.scatter [tilespmem:s2], [sflag:$0x2], $0x8000, $0x38;
	[tilespmem:$0x8000] =	vst v63  }
0x385: {  	s1 =	rddreg [dreg:$0x10]  }
0x386: {  	[hbm4b:s1+s2] =	stream.linear.scatter [tilespmem:s2], [sflag:$0x2], $0x8000, $0x38;
	[tilespmem:$0x8000] =	vst v63  }
0x387: {  	s0 =	rddreg [dreg:$0x11]  }
0x388: {  	[hbm4b:s0+s2] =	stream.linear.scatter [tilespmem:s2], [sflag:$0x2], $0x8000, $0x38;
	[tilespmem:$0x8000] =	vst v63  }
0x389: {  	s1 =	rddreg [dreg:$0x12]  }
0x38a: {  	[hbm4b:s1+s2] =	stream.linear.scatter [tilespmem:s2], [sflag:$0x2], $0x8000, $0x38;
	[tilespmem:$0x8000] =	vst v63  }
0x38b: {  	s0 =	rddreg [dreg:$0x13]  }
0x38c: {  	[hbm4b:s0+s2] =	stream.linear.scatter [tilespmem:s2], [sflag:$0x2], $0x8000, $0x38;
	[tilespmem:$0x8000] =	vst v63  }
0x38d: {  	s1 =	rddreg [dreg:$0x14]  }
0x38e: {  	[hbm4b:s1+s2] =	stream.linear.scatter [tilespmem:s2], [sflag:$0x2], $0x8000, $0x38;
	[tilespmem:$0x8000] =	vst v63  }
0x38f: {  	s0 =	rddreg [dreg:$0x15]  }
0x390: {  	[hbm4b:s0+s2] =	stream.linear.scatter [tilespmem:s2], [sflag:$0x2], $0x8000, $0x38;
	[tilespmem:$0x8000] =	vst v63  }
0x391: {  	s1 =	rddreg [dreg:$0x16]  }
0x392: {  	[hbm4b:s1+s2] =	stream.linear.scatter [tilespmem:s2], [sflag:$0x2], $0x8000, $0x38;
	[tilespmem:$0x8000] =	vst v63  }
0x393: {  	s0 =	rddreg [dreg:$0x17]  }
0x394: {  	[hbm4b:s0+s2] =	stream.linear.scatter [tilespmem:s2], [sflag:$0x2], $0x8000, $0x38;
	[tilespmem:$0x8000] =	vst v63  }
0x395: {  	_ =	swait.ge [sflag:s4], $0x8000  }
0x396: {  	[sflag:s4] =	ssyncset.done $0x0  }
0x397: {  	[sflag:s4] =	ssyncadd.s32 $0xFFFF8000  }
0x398: {  	_ =	swait.ge [sflag:s4], $0x8000  }
0x399: {  	[sflag:s4] =	ssyncset.done $0x0  }
0x39a: {  	[sflag:s4] =	ssyncadd.s32 $0xFFFF8000  }
0x39b: {  	_ =	swait.ge [sflag:s4], $0x8000  }
0x39c: {  	[sflag:s4] =	ssyncset.done $0x0  }
0x39d: {  	[sflag:s4] =	ssyncadd.s32 $0xFFFF8000  }
0x39e: {  	_ =	swait.ge [sflag:s4], $0x8000  }
0x39f: {  	[sflag:s4] =	ssyncset.done $0x0  }
0x3a0: {  	[sflag:s4] =	ssyncadd.s32 $0xFFFF8000  }
0x3a1: {  	_ =	swait.ge [sflag:s4], $0x8000  }
0x3a2: {  	[sflag:s4] =	ssyncset.done $0x0  }
0x3a3: {  	[sflag:s4] =	ssyncadd.s32 $0xFFFF8000  }
0x3a4: {  	_ =	swait.ge [sflag:s4], $0x8000  }
0x3a5: {  	[sflag:s4] =	ssyncset.done $0x0  }
0x3a6: {  	[sflag:s4] =	ssyncadd.s32 $0xFFFF8000  }
0x3a7: {  	_ =	swait.ge [sflag:s4], $0x8000  }
0x3a8: {  	[sflag:s4] =	ssyncset.done $0x0  }
0x3a9: {  	[sflag:s4] =	ssyncadd.s32 $0xFFFF8000  }
0x3aa: {  	_ =	swait.ge [sflag:s4], $0x8000  }
0x3ab: {  	[sflag:s4] =	ssyncset.done $0x0  }
0x3ac: {  	[sflag:s4] =	ssyncadd.s32 $0xFFFF8000  }
0x3ad: {  	_ =	swait.ge [sflag:s4], $0x8000  }
0x3ae: {  	[sflag:s4] =	ssyncset.done $0x0  }
0x3af: {  	[sflag:s4] =	ssyncadd.s32 $0xFFFF8000  }
0x3b0: {  	_ =	swait.ge [sflag:s4], $0x8000  }
0x3b1: {  	[sflag:s4] =	ssyncset.done $0x0  }
0x3b2: {  	[sflag:s4] =	ssyncadd.s32 $0xFFFF8000  }
0x3b3: {  	_ =	swait.ge [sflag:s4], $0x8000  }
0x3b4: {  	[sflag:s4] =	ssyncset.done $0x0  }
0x3b5: {  	[sflag:s4] =	ssyncadd.s32 $0xFFFF8000  }
0x3b6: {  	_ =	swait.ge [sflag:s4], $0x8000  }
0x3b7: {  	[sflag:s4] =	ssyncset.done $0x0  }
0x3b8: {  	[sflag:s4] =	ssyncadd.s32 $0xFFFF8000  }
0x3b9: {  	_ =	swait.ge [sflag:s4], $0x8000  }
0x3ba: {  	[sflag:s4] =	ssyncset.done $0x0  }
0x3bb: {  	[sflag:s4] =	ssyncadd.s32 $0xFFFF8000  }
0x3bc: {  	_ =	swait.ge [sflag:s4], $0x8000  }
0x3bd: {  	[sflag:s4] =	ssyncset.done $0x0  }
0x3be: {  	[sflag:s4] =	ssyncadd.s32 $0xFFFF8000  }
0x3bf: {  	_ =	swait.ge [sflag:s4], $0x8000  }
0x3c0: {  	[sflag:s4] =	ssyncset.done $0x0  }
0x3c1: {  	[sflag:s4] =	ssyncadd.s32 $0xFFFF8000  }
0x3c2: {  	_ =	swait.ge [sflag:s4], $0x8000  }
0x3c3: {  	[sflag:s4] =	ssyncset.done $0x0  }
0x3c4: {  	[sflag:s4] =	ssyncadd.s32 $0xFFFF8000  }
0x3c5: {  	_ =	swait.ge [sflag:s4], $0x8000  }
0x3c6: {  	[sflag:s4] =	ssyncset.done $0x0  }
0x3c7: {  	[sflag:s4] =	ssyncadd.s32 $0xFFFF8000  }
0x3c8: {  	_ =	swait.ge [sflag:s4], $0x8000  }
0x3c9: {  	[sflag:s4] =	ssyncset.done $0x0  }
0x3ca: {  	[sflag:s4] =	ssyncadd.s32 $0xFFFF8000  }
0x3cb: {  	_ =	swait.ge [sflag:s4], $0x8000  }
0x3cc: {  	[sflag:s4] =	ssyncset.done $0x0  }
0x3cd: {  	p1 =	sne.s32 s13, $0x1;
	[sflag:s4] =	ssyncadd.s32 $0xFFFF8000  }
.Ltmp1:
0x3ce: {  	_ =	swait.ge [sflag:s4], $0x8000;
	(pc) =	sbr.rel @!p1 .LBB2_2-.Ltmp1, $4  }
0x3cf: {  	[sflag:s4] =	ssyncset.done $0x0  }
0x3d0: {  	[sflag:s4] =	ssyncadd.s32 $0xFFFF8000  }
0x3d1: {  	_ =	swait.ge [sflag:s4], $0x8000  }
0x3d2: {  	p0 =	por $0x1, $0x1;
	s1 =	sadd.s32 $0xFFFFFFFF, s13;
	[sflag:s4] =	ssyncset.done $0x0  }
.LBB2_3:
0x3d3: {  	s0 =	rddreg [dreg:$0x18];
	[sflag:s4] =	ssyncadd.s32 $0xFFFF8000  }
0x3d4: {  	[tilespmem:s2], [sflag:$0x1] =	stream.linear.gather [hbm4b:s3+s2], $0x80, $0x38;
	[tilespmem:$0x8000] =	vst v63  }
0x3d5: {  	s13 =	rddreg [dreg:$0x19]  }
0x3d6: {  	[tilespmem:s0], [sflag:$0x1] =	stream.linear.gather [hbm4b:s6+s2], $0x80, $0x38;
	[tilespmem:$0x8000] =	vst v63  }
0x3d7: {  	s0 =	rddreg [dreg:$0x1a]  }
0x3d8: {  	[tilespmem:s13], [sflag:$0x1] =	stream.linear.gather [hbm4b:s7+s2], $0x80, $0x38;
	[tilespmem:$0x8000] =	vst v63  }
0x3d9: {  	s13 =	rddreg [dreg:$0x1b]  }
0x3da: {  	[tilespmem:s0], [sflag:$0x1] =	stream.linear.gather [hbm4b:s8+s2], $0x80, $0x38;
	[tilespmem:$0x8000] =	vst v63  }
0x3db: {  	s0 =	rddreg [dreg:$0x1c]  }
0x3dc: {  	[tilespmem:s13], [sflag:$0x1] =	stream.linear.gather [hbm4b:s9+s2], $0x80, $0x38;
	[tilespmem:$0x8000] =	vst v63  }
0x3dd: {  	s13 =	rddreg [dreg:$0x1d]  }
0x3de: {  	[tilespmem:s0], [sflag:$0x1] =	stream.linear.gather [hbm4b:s10+s2], $0x80, $0x38;
	[tilespmem:$0x8000] =	vst v63  }
0x3df: {  	s0 =	rddreg [dreg:$0x1e]  }
0x3e0: {  	[tilespmem:s13], [sflag:$0x1] =	stream.linear.gather [hbm4b:s11+s2], $0x80, $0x38;
	[tilespmem:$0x8000] =	vst v63  }
0x3e1: {  	s13 =	rddreg [dreg:$0x1f]  }
0x3e2: {  	[tilespmem:s0], [sflag:$0x1] =	stream.linear.gather [hbm4b:s12+s2], $0x80, $0x38;
	[tilespmem:$0x8000] =	vst v63  }
0x3e3: {  	s0 =	sld [smem:$0x719]  }
0x3e4: {  	[tilespmem:s13], [sflag:$0x1] =	stream.linear.gather [hbm4b:s3+s2], $0x80, $0x38;
	[tilespmem:$0x8000] =	vst v63  }
0x3e5: {  	s13 =	sld [smem:$0x71A]  }
0x3e6: {  	[tilespmem:s0], [sflag:$0x1] =	stream.linear.gather [hbm4b:s6+s2], $0x80, $0x38;
	[tilespmem:$0x8000] =	vst v63  }
0x3e7: {  	s0 =	sld [smem:$0x71B]  }
0x3e8: {  	[tilespmem:s13], [sflag:$0x1] =	stream.linear.gather [hbm4b:s7+s2], $0x80, $0x38;
	[tilespmem:$0x8000] =	vst v63  }
0x3e9: {  	s13 =	sld [smem:$0x71C]  }
0x3ea: {  	[tilespmem:s0], [sflag:$0x1] =	stream.linear.gather [hbm4b:s8+s2], $0x80, $0x38;
	[tilespmem:$0x8000] =	vst v63  }
0x3eb: {  	s0 =	sld [smem:$0x71D]  }
0x3ec: {  	[tilespmem:s13], [sflag:$0x1] =	stream.linear.gather [hbm4b:s9+s2], $0x80, $0x38;
	[tilespmem:$0x8000] =	vst v63  }
0x3ed: {  	s13 =	sld [smem:$0x71E]  }
0x3ee: {  	[tilespmem:s0], [sflag:$0x1] =	stream.linear.gather [hbm4b:s10+s2], $0x80, $0x38;
	[tilespmem:$0x8000] =	vst v63  }
0x3ef: {  	s0 =	sld [smem:$0x71F]  }
0x3f0: {  	[tilespmem:s13], [sflag:$0x1] =	stream.linear.gather [hbm4b:s11+s2], $0x80, $0x38;
	[tilespmem:$0x8000] =	vst v63  }
0x3f1: {  	s13 =	sld [smem:$0x720]  }
0x3f2: {  	[tilespmem:s0], [sflag:$0x1] =	stream.linear.gather [hbm4b:s12+s2], $0x80, $0x38;
	[tilespmem:$0x8000] =	vst v63  }
0x3f3: {  	s0 =	sld [smem:$0x721]  }
0x3f4: {  	[tilespmem:s13], [sflag:$0x1] =	stream.linear.gather [hbm4b:s3+s2], $0x80, $0x38;
	[tilespmem:$0x8000] =	vst v63  }
0x3f5: {  	s13 =	sld [smem:$0x722]  }
0x3f6: {  	[tilespmem:s0], [sflag:$0x1] =	stream.linear.gather [hbm4b:s6+s2], $0x80, $0x38;
	[tilespmem:$0x8000] =	vst v63  }
0x3f7: {  	s0 =	sld [smem:$0x723]  }
0x3f8: {  	[tilespmem:s13], [sflag:$0x1] =	stream.linear.gather [hbm4b:s7+s2], $0x80, $0x38;
	[tilespmem:$0x8000] =	vst v63  }
0x3f9: {  	s13 =	sld [smem:$0x724]  }
0x3fa: {  	[tilespmem:s0], [sflag:$0x1] =	stream.linear.gather [hbm4b:s8+s2], $0x80, $0x38;
	[tilespmem:$0x8000] =	vst v63  }
0x3fb: {  	s0 =	sld [smem:$0x725]  }
0x3fc: {  	[tilespmem:s13], [sflag:$0x1] =	stream.linear.gather [hbm4b:s9+s2], $0x80, $0x38;
	[tilespmem:$0x8000] =	vst v63  }
0x3fd: {  	s13 =	sld [smem:$0x726]  }
0x3fe: {  	[tilespmem:s0], [sflag:$0x1] =	stream.linear.gather [hbm4b:s10+s2], $0x80, $0x38;
	[tilespmem:$0x8000] =	vst v63  }
0x3ff: {  	s0 =	sld [smem:$0x727]  }
0x400: {  	[tilespmem:s13], [sflag:$0x1] =	stream.linear.gather [hbm4b:s11+s2], $0x80, $0x38;
	[tilespmem:$0x8000] =	vst v63  }
0x401: {  	s13 =	sld [smem:$0x728]  }
0x402: {  	[tilespmem:s0], [sflag:$0x1] =	stream.linear.gather [hbm4b:s12+s2], $0x80, $0x38;
	[tilespmem:$0x8000] =	vst v63  }
0x403: {  	s0 =	sld [smem:$0x729]  }
0x404: {  	[tilespmem:s13], [sflag:$0x1] =	stream.linear.gather [hbm4b:s3+s2], $0x80, $0x38;
	[tilespmem:$0x8000] =	vst v63  }
0x405: {  	s13 =	sld [smem:$0x72A]  }
0x406: {  	[tilespmem:s0], [sflag:$0x1] =	stream.linear.gather [hbm4b:s6+s2], $0x80, $0x38;
	[tilespmem:$0x8000] =	vst v63  }
0x407: {  	s0 =	sld [smem:$0x72B]  }
0x408: {  	[tilespmem:s13], [sflag:$0x1] =	stream.linear.gather [hbm4b:s7+s2], $0x80, $0x38;
	[tilespmem:$0x8000] =	vst v63  }
0x409: {  	s13 =	sld [smem:$0x72C]  }
0x40a: {  	[tilespmem:s0], [sflag:$0x1] =	stream.linear.gather [hbm4b:s8+s2], $0x80, $0x38;
	[tilespmem:$0x8000] =	vst v63  }
0x40b: {  	s0 =	sld [smem:$0x72D]  }
0x40c: {  	[tilespmem:s13], [sflag:$0x1] =	stream.linear.gather [hbm4b:s9+s2], $0x80, $0x38;
	[tilespmem:$0x8000] =	vst v63  }
0x40d: {  	s13 =	sld [smem:$0x72E]  }
0x40e: {  	[tilespmem:s0], [sflag:$0x1] =	stream.linear.gather [hbm4b:s10+s2], $0x80, $0x38;
	[tilespmem:$0x8000] =	vst v63  }
0x40f: {  	s0 =	sld [smem:$0x72F]  }
0x410: {  	[tilespmem:s13], [sflag:$0x1] =	stream.linear.gather [hbm4b:s11+s2], $0x80, $0x38;
	[tilespmem:$0x8000] =	vst v63  }
0x411: {  	s13 =	sld [smem:$0x730]  }
0x412: {  	[tilespmem:s0], [sflag:$0x1] =	stream.linear.gather [hbm4b:s12+s2], $0x80, $0x38;
	[tilespmem:$0x8000] =	vst v63  }
0x413: {  	s0 =	sld [smem:$0x731]  }
0x414: {  	[tilespmem:s13], [sflag:$0x1] =	stream.linear.gather [hbm4b:s3+s2], $0x80, $0x38;
	[tilespmem:$0x8000] =	vst v63  }
0x415: {  	s13 =	sld [smem:$0x732]  }
0x416: {  	[tilespmem:s0], [sflag:$0x1] =	stream.linear.gather [hbm4b:s6+s2], $0x80, $0x38;
	[tilespmem:$0x8000] =	vst v63  }
0x417: {  	s0 =	sld [smem:$0x733]  }
0x418: {  	[tilespmem:s13], [sflag:$0x1] =	stream.linear.gather [hbm4b:s7+s2], $0x80, $0x38;
	[tilespmem:$0x8000] =	vst v63  }
0x419: {  	s13 =	sld [smem:$0x734]  }
0x41a: {  	[tilespmem:s0], [sflag:$0x1] =	stream.linear.gather [hbm4b:s8+s2], $0x80, $0x38;
	[tilespmem:$0x8000] =	vst v63  }
0x41b: {  	s0 =	sld [smem:$0x735]  }
0x41c: {  	[tilespmem:s13], [sflag:$0x1] =	stream.linear.gather [hbm4b:s9+s2], $0x80, $0x38;
	[tilespmem:$0x8000] =	vst v63  }
0x41d: {  	s13 =	sld [smem:$0x736]  }
0x41e: {  	[tilespmem:s0], [sflag:$0x1] =	stream.linear.gather [hbm4b:s10+s2], $0x80, $0x38;
	[tilespmem:$0x8000] =	vst v63  }
0x41f: {  	s0 =	sld [smem:$0x737]  }
0x420: {  	[tilespmem:s13], [sflag:$0x1] =	stream.linear.gather [hbm4b:s11+s2], $0x80, $0x38;
	[tilespmem:$0x8000] =	vst v63  }
0x421: {  	s13 =	sld [smem:$0x738]  }
0x422: {  	[tilespmem:s0], [sflag:$0x1] =	stream.linear.gather [hbm4b:s12+s2], $0x80, $0x38;
	[tilespmem:$0x8000] =	vst v63  }
0x423: {  	s0 =	sld [smem:$0x739]  }
0x424: {  	[tilespmem:s13], [sflag:$0x1] =	stream.linear.gather [hbm4b:s3+s2], $0x80, $0x38;
	[tilespmem:$0x8000] =	vst v63  }
0x425: {  	s13 =	sld [smem:$0x73A]  }
0x426: {  	[tilespmem:s0], [sflag:$0x1] =	stream.linear.gather [hbm4b:s6+s2], $0x80, $0x38;
	[tilespmem:$0x8000] =	vst v63  }
0x427: {  	s0 =	sld [smem:$0x73B]  }
0x428: {  	[tilespmem:s13], [sflag:$0x1] =	stream.linear.gather [hbm4b:s7+s2], $0x80, $0x38;
	[tilespmem:$0x8000] =	vst v63  }
0x429: {  	s13 =	sld [smem:$0x73C]  }
0x42a: {  	[tilespmem:s0], [sflag:$0x1] =	stream.linear.gather [hbm4b:s8+s2], $0x80, $0x38;
	[tilespmem:$0x8000] =	vst v63  }
0x42b: {  	s0 =	sld [smem:$0x73D]  }
0x42c: {  	[tilespmem:s13], [sflag:$0x1] =	stream.linear.gather [hbm4b:s9+s2], $0x80, $0x38;
	[tilespmem:$0x8000] =	vst v63  }
0x42d: {  	s13 =	sld [smem:$0x73E]  }
0x42e: {  	[tilespmem:s0], [sflag:$0x1] =	stream.linear.gather [hbm4b:s10+s2], $0x80, $0x38;
	[tilespmem:$0x8000] =	vst v63  }
0x42f: {  	s0 =	sld [smem:$0x73F]  }
0x430: {  	[tilespmem:s13], [sflag:$0x1] =	stream.linear.gather [hbm4b:s11+s2], $0x80, $0x38;
	[tilespmem:$0x8000] =	vst v63  }
0x431: {  	s13 =	sld [smem:$0x740]  }
0x432: {  	[tilespmem:s0], [sflag:$0x1] =	stream.linear.gather [hbm4b:s12+s2], $0x80, $0x38;
	[tilespmem:$0x8000] =	vst v63  }
0x433: {  	s0 =	sld [smem:$0x741]  }
0x434: {  	[tilespmem:s13], [sflag:$0x1] =	stream.linear.gather [hbm4b:s3+s2], $0x80, $0x38;
	[tilespmem:$0x8000] =	vst v63  }
0x435: {  	s13 =	sld [smem:$0x742]  }
0x436: {  	[tilespmem:s0], [sflag:$0x1] =	stream.linear.gather [hbm4b:s6+s2], $0x80, $0x38;
	[tilespmem:$0x8000] =	vst v63  }
0x437: {  	s0 =	sld [smem:$0x743]  }
0x438: {  	[tilespmem:s13], [sflag:$0x1] =	stream.linear.gather [hbm4b:s7+s2], $0x80, $0x38;
	[tilespmem:$0x8000] =	vst v63  }
0x439: {  	s13 =	sld [smem:$0x744]  }
0x43a: {  	[tilespmem:s0], [sflag:$0x1] =	stream.linear.gather [hbm4b:s8+s2], $0x80, $0x38;
	[tilespmem:$0x8000] =	vst v63  }
0x43b: {  	s0 =	sld [smem:$0x745]  }
0x43c: {  	[tilespmem:s13], [sflag:$0x1] =	stream.linear.gather [hbm4b:s9+s2], $0x80, $0x38;
	[tilespmem:$0x8000] =	vst v63  }
0x43d: {  	s13 =	sld [smem:$0x746]  }
0x43e: {  	[tilespmem:s0], [sflag:$0x1] =	stream.linear.gather [hbm4b:s10+s2], $0x80, $0x38;
	[tilespmem:$0x8000] =	vst v63  }
0x43f: {  	s0 =	sld [smem:$0x747]  }
0x440: {  	[tilespmem:s13], [sflag:$0x1] =	stream.linear.gather [hbm4b:s11+s2], $0x80, $0x38;
	[tilespmem:$0x8000] =	vst v63  }
0x441: {  	s13 =	sld [smem:$0x748]  }
0x442: {  	[tilespmem:s0], [sflag:$0x1] =	stream.linear.gather [hbm4b:s12+s2], $0x80, $0x38;
	[tilespmem:$0x8000] =	vst v63  }
0x443: {  	s0 =	sld [smem:$0x749]  }
0x444: {  	[tilespmem:s13], [sflag:$0x1] =	stream.linear.gather [hbm4b:s3+s2], $0x80, $0x38;
	[tilespmem:$0x8000] =	vst v63  }
0x445: {  	s13 =	sld [smem:$0x74A]  }
0x446: {  	[tilespmem:s0], [sflag:$0x1] =	stream.linear.gather [hbm4b:s6+s2], $0x80, $0x38;
	[tilespmem:$0x8000] =	vst v63  }
0x447: {  	s0 =	sld [smem:$0x74B]  }
0x448: {  	[tilespmem:s13], [sflag:$0x1] =	stream.linear.gather [hbm4b:s7+s2], $0x80, $0x38;
	[tilespmem:$0x8000] =	vst v63  }
0x449: {  	s13 =	sld [smem:$0x74C]  }
0x44a: {  	[tilespmem:s0], [sflag:$0x1] =	stream.linear.gather [hbm4b:s8+s2], $0x80, $0x38;
	[tilespmem:$0x8000] =	vst v63  }
0x44b: {  	s0 =	sld [smem:$0x74D]  }
0x44c: {  	[tilespmem:s13], [sflag:$0x1] =	stream.linear.gather [hbm4b:s9+s2], $0x80, $0x38;
	[tilespmem:$0x8000] =	vst v63  }
0x44d: {  	s13 =	sld [smem:$0x74E]  }
0x44e: {  	[tilespmem:s0], [sflag:$0x1] =	stream.linear.gather [hbm4b:s10+s2], $0x80, $0x38;
	[tilespmem:$0x8000] =	vst v63  }
0x44f: {  	s0 =	sld [smem:$0x74F]  }
0x450: {  	[tilespmem:s13], [sflag:$0x1] =	stream.linear.gather [hbm4b:s11+s2], $0x80, $0x38;
	[tilespmem:$0x8000] =	vst v63  }
0x451: {  	s13 =	sld [smem:$0x750]  }
0x452: {  	[tilespmem:s0], [sflag:$0x1] =	stream.linear.gather [hbm4b:s12+s2], $0x80, $0x38;
	[tilespmem:$0x8000] =	vst v63  }
0x453: {  	s0 =	sld [smem:$0x751]  }
0x454: {  	[tilespmem:s13], [sflag:$0x1] =	stream.linear.gather [hbm4b:s3+s2], $0x80, $0x38;
	[tilespmem:$0x8000] =	vst v63  }
0x455: {  	s13 =	sld [smem:$0x752]  }
0x456: {  	[tilespmem:s0], [sflag:$0x1] =	stream.linear.gather [hbm4b:s6+s2], $0x80, $0x38;
	[tilespmem:$0x8000] =	vst v63  }
0x457: {  	s0 =	sld [smem:$0x753]  }
0x458: {  	[tilespmem:s13], [sflag:$0x1] =	stream.linear.gather [hbm4b:s7+s2], $0x80, $0x38;
	[tilespmem:$0x8000] =	vst v63  }
0x459: {  	s13 =	sld [smem:$0x754]  }
0x45a: {  	[tilespmem:s0], [sflag:$0x1] =	stream.linear.gather [hbm4b:s8+s2], $0x80, $0x38;
	[tilespmem:$0x8000] =	vst v63  }
0x45b: {  	s0 =	sld [smem:$0x755]  }
0x45c: {  	[tilespmem:s13], [sflag:$0x1] =	stream.linear.gather [hbm4b:s9+s2], $0x80, $0x38;
	[tilespmem:$0x8000] =	vst v63  }
0x45d: {  	s13 =	sld [smem:$0x756]  }
0x45e: {  	[tilespmem:s0], [sflag:$0x1] =	stream.linear.gather [hbm4b:s10+s2], $0x80, $0x38;
	[tilespmem:$0x8000] =	vst v63  }
0x45f: {  	_ = 	snop  }
0x460: {  	[tilespmem:s13], [sflag:$0x1] =	stream.linear.gather [hbm4b:s11+s2], $0x80, $0x38;
	[tilespmem:$0x8000] =	vst v63  }
0x461: {  	s0 =	sld [smem:$0x757];
	_ =	sdelay $0x1  }
0x462: {  	s13 =	sld [smem:$0x758]  }
0x463: {  	[tilespmem:s0], [sflag:$0x1] =	stream.linear.gather [hbm4b:s12+s2], $0x80, $0x38;
	[tilespmem:$0x8000] =	vst v63  }
0x464: {  	s0 =	sld [smem:$0x759]  }
0x465: {  	[tilespmem:s13], [sflag:$0x1] =	stream.linear.gather [hbm4b:s3+s2], $0x80, $0x38;
	[tilespmem:$0x8000] =	vst v63  }
0x466: {  	s13 =	sld [smem:$0x75A]  }
0x467: {  	[tilespmem:s0], [sflag:$0x1] =	stream.linear.gather [hbm4b:s6+s2], $0x80, $0x38;
	[tilespmem:$0x8000] =	vst v63  }
0x468: {  	s0 =	sld [smem:$0x75B]  }
0x469: {  	[tilespmem:s13], [sflag:$0x1] =	stream.linear.gather [hbm4b:s7+s2], $0x80, $0x38;
	[tilespmem:$0x8000] =	vst v63  }
0x46a: {  	s13 =	sld [smem:$0x75C]  }
0x46b: {  	[tilespmem:s0], [sflag:$0x1] =	stream.linear.gather [hbm4b:s8+s2], $0x80, $0x38;
	[tilespmem:$0x8000] =	vst v63  }
0x46c: {  	s0 =	sld [smem:$0x75D]  }
0x46d: {  	[tilespmem:s13], [sflag:$0x1] =	stream.linear.gather [hbm4b:s9+s2], $0x80, $0x38;
	[tilespmem:$0x8000] =	vst v63  }
0x46e: {  	s13 =	sld [smem:$0x75E]  }
0x46f: {  	[tilespmem:s0], [sflag:$0x1] =	stream.linear.gather [hbm4b:s10+s2], $0x80, $0x38;
	[tilespmem:$0x8000] =	vst v63  }
0x470: {  	s0 =	sld [smem:$0x75F]  }
0x471: {  	[tilespmem:s13], [sflag:$0x1] =	stream.linear.gather [hbm4b:s11+s2], $0x80, $0x38;
	[tilespmem:$0x8000] =	vst v63  }
0x472: {  	s13 =	sld [smem:$0x760]  }
0x473: {  	[tilespmem:s0], [sflag:$0x1] =	stream.linear.gather [hbm4b:s12+s2], $0x80, $0x38;
	[tilespmem:$0x8000] =	vst v63  }
0x474: {  	s0 =	sld [smem:$0x761]  }
0x475: {  	[tilespmem:s13], [sflag:$0x1] =	stream.linear.gather [hbm4b:s3+s2], $0x80, $0x38;
	[tilespmem:$0x8000] =	vst v63  }
0x476: {  	s13 =	sld [smem:$0x762]  }
0x477: {  	[tilespmem:s0], [sflag:$0x1] =	stream.linear.gather [hbm4b:s6+s2], $0x80, $0x38;
	[tilespmem:$0x8000] =	vst v63  }
0x478: {  	s0 =	sld [smem:$0x763]  }
0x479: {  	[tilespmem:s13], [sflag:$0x1] =	stream.linear.gather [hbm4b:s7+s2], $0x80, $0x38;
	[tilespmem:$0x8000] =	vst v63  }
0x47a: {  	s13 =	sld [smem:$0x764]  }
0x47b: {  	[tilespmem:s0], [sflag:$0x1] =	stream.linear.gather [hbm4b:s8+s2], $0x80, $0x38;
	[tilespmem:$0x8000] =	vst v63  }
0x47c: {  	s0 =	sld [smem:$0x765]  }
0x47d: {  	[tilespmem:s13], [sflag:$0x1] =	stream.linear.gather [hbm4b:s9+s2], $0x80, $0x38;
	[tilespmem:$0x8000] =	vst v63  }
0x47e: {  	s13 =	sld [smem:$0x766]  }
0x47f: {  	[tilespmem:s0], [sflag:$0x1] =	stream.linear.gather [hbm4b:s10+s2], $0x80, $0x38;
	[tilespmem:$0x8000] =	vst v63  }
0x480: {  	s0 =	sld [smem:$0x767]  }
0x481: {  	[tilespmem:s13], [sflag:$0x1] =	stream.linear.gather [hbm4b:s11+s2], $0x80, $0x38;
	[tilespmem:$0x8000] =	vst v63  }
0x482: {  	s13 =	sld [smem:$0x768]  }
0x483: {  	[tilespmem:s0], [sflag:$0x1] =	stream.linear.gather [hbm4b:s12+s2], $0x80, $0x38;
	[tilespmem:$0x8000] =	vst v63  }
0x484: {  	s0 =	sld [smem:$0x769]  }
0x485: {  	[tilespmem:s13], [sflag:$0x1] =	stream.linear.gather [hbm4b:s3+s2], $0x80, $0x38;
	[tilespmem:$0x8000] =	vst v63  }
0x486: {  	s13 =	sld [smem:$0x76A]  }
0x487: {  	[tilespmem:s0], [sflag:$0x1] =	stream.linear.gather [hbm4b:s6+s2], $0x80, $0x38;
	[tilespmem:$0x8000] =	vst v63  }
0x488: {  	s0 =	sld [smem:$0x76B]  }
0x489: {  	[tilespmem:s13], [sflag:$0x1] =	stream.linear.gather [hbm4b:s7+s2], $0x80, $0x38;
	[tilespmem:$0x8000] =	vst v63  }
0x48a: {  	s13 =	sld [smem:$0x76C]  }
0x48b: {  	[tilespmem:s0], [sflag:$0x1] =	stream.linear.gather [hbm4b:s8+s2], $0x80, $0x38;
	[tilespmem:$0x8000] =	vst v63  }
0x48c: {  	s0 =	sld [smem:$0x76D]  }
0x48d: {  	[tilespmem:s13], [sflag:$0x1] =	stream.linear.gather [hbm4b:s9+s2], $0x80, $0x38;
	[tilespmem:$0x8000] =	vst v63  }
0x48e: {  	s13 =	sld [smem:$0x76E]  }
0x48f: {  	[tilespmem:s0], [sflag:$0x1] =	stream.linear.gather [hbm4b:s10+s2], $0x80, $0x38;
	[tilespmem:$0x8000] =	vst v63  }
0x490: {  	s0 =	sld [smem:$0x76F]  }
0x491: {  	[tilespmem:s13], [sflag:$0x1] =	stream.linear.gather [hbm4b:s11+s2], $0x80, $0x38;
	[tilespmem:$0x8000] =	vst v63  }
0x492: {  	s13 =	sld [smem:$0x770]  }
0x493: {  	[tilespmem:s0], [sflag:$0x1] =	stream.linear.gather [hbm4b:s12+s2], $0x80, $0x38;
	[tilespmem:$0x8000] =	vst v63  }
0x494: {  	s0 =	sld [smem:$0x771]  }
0x495: {  	[tilespmem:s13], [sflag:$0x1] =	stream.linear.gather [hbm4b:s3+s2], $0x80, $0x38;
	[tilespmem:$0x8000] =	vst v63  }
0x496: {  	s13 =	sld [smem:$0x772]  }
0x497: {  	[tilespmem:s0], [sflag:$0x1] =	stream.linear.gather [hbm4b:s6+s2], $0x80, $0x38;
	[tilespmem:$0x8000] =	vst v63  }
0x498: {  	s0 =	sld [smem:$0x773]  }
0x499: {  	[tilespmem:s13], [sflag:$0x1] =	stream.linear.gather [hbm4b:s7+s2], $0x80, $0x38;
	[tilespmem:$0x8000] =	vst v63  }
0x49a: {  	s13 =	sld [smem:$0x774]  }
0x49b: {  	[tilespmem:s0], [sflag:$0x1] =	stream.linear.gather [hbm4b:s8+s2], $0x80, $0x38;
	[tilespmem:$0x8000] =	vst v63  }
0x49c: {  	s0 =	sld [smem:$0x775]  }
0x49d: {  	[tilespmem:s13], [sflag:$0x1] =	stream.linear.gather [hbm4b:s9+s2], $0x80, $0x38;
	[tilespmem:$0x8000] =	vst v63  }
0x49e: {  	s13 =	sld [smem:$0x776]  }
0x49f: {  	[tilespmem:s0], [sflag:$0x1] =	stream.linear.gather [hbm4b:s10+s2], $0x80, $0x38;
	[tilespmem:$0x8000] =	vst v63  }
0x4a0: {  	s0 =	sld [smem:$0x777]  }
0x4a1: {  	[tilespmem:s13], [sflag:$0x1] =	stream.linear.gather [hbm4b:s11+s2], $0x80, $0x38;
	[tilespmem:$0x8000] =	vst v63  }
0x4a2: {  	s13 =	sld [smem:$0x778]  }
0x4a3: {  	[tilespmem:s0], [sflag:$0x1] =	stream.linear.gather [hbm4b:s12+s2], $0x80, $0x38;
	[tilespmem:$0x8000] =	vst v63  }
0x4a4: {  	s0 =	sld [smem:$0x779]  }
0x4a5: {  	[tilespmem:s13], [sflag:$0x1] =	stream.linear.gather [hbm4b:s3+s2], $0x80, $0x38;
	[tilespmem:$0x8000] =	vst v63  }
0x4a6: {  	s13 =	sld [smem:$0x77A]  }
0x4a7: {  	[tilespmem:s0], [sflag:$0x1] =	stream.linear.gather [hbm4b:s6+s2], $0x80, $0x38;
	[tilespmem:$0x8000] =	vst v63  }
0x4a8: {  	s0 =	sld [smem:$0x77B]  }
0x4a9: {  	[tilespmem:s13], [sflag:$0x1] =	stream.linear.gather [hbm4b:s7+s2], $0x80, $0x38;
	[tilespmem:$0x8000] =	vst v63  }
0x4aa: {  	s13 =	sld [smem:$0x77C]  }
0x4ab: {  	[tilespmem:s0], [sflag:$0x1] =	stream.linear.gather [hbm4b:s8+s2], $0x80, $0x38;
	[tilespmem:$0x8000] =	vst v63  }
0x4ac: {  	s0 =	sld [smem:$0x77D]  }
0x4ad: {  	[tilespmem:s13], [sflag:$0x1] =	stream.linear.gather [hbm4b:s9+s2], $0x80, $0x38;
	[tilespmem:$0x8000] =	vst v63  }
0x4ae: {  	s13 =	sld [smem:$0x77E]  }
0x4af: {  	[tilespmem:s0], [sflag:$0x1] =	stream.linear.gather [hbm4b:s10+s2], $0x80, $0x38;
	[tilespmem:$0x8000] =	vst v63  }
0x4b0: {  	s0 =	sld [smem:$0x77F]  }
0x4b1: {  	[tilespmem:s13], [sflag:$0x1] =	stream.linear.gather [hbm4b:s11+s2], $0x80, $0x38;
	[tilespmem:$0x8000] =	vst v63  }
0x4b2: {  	s13 =	sld [smem:$0x780]  }
0x4b3: {  	[tilespmem:s0], [sflag:$0x1] =	stream.linear.gather [hbm4b:s12+s2], $0x80, $0x38;
	[tilespmem:$0x8000] =	vst v63  }
0x4b4: {  	s0 =	sld [smem:$0x781]  }
0x4b5: {  	[tilespmem:s13], [sflag:$0x1] =	stream.linear.gather [hbm4b:s3+s2], $0x80, $0x38;
	[tilespmem:$0x8000] =	vst v63  }
0x4b6: {  	s13 =	sld [smem:$0x782]  }
0x4b7: {  	[tilespmem:s0], [sflag:$0x1] =	stream.linear.gather [hbm4b:s6+s2], $0x80, $0x38;
	[tilespmem:$0x8000] =	vst v63  }
0x4b8: {  	s0 =	sld [smem:$0x783]  }
0x4b9: {  	[tilespmem:s13], [sflag:$0x1] =	stream.linear.gather [hbm4b:s7+s2], $0x80, $0x38;
	[tilespmem:$0x8000] =	vst v63  }
0x4ba: {  	s13 =	sld [smem:$0x784]  }
0x4bb: {  	[tilespmem:s0], [sflag:$0x1] =	stream.linear.gather [hbm4b:s8+s2], $0x80, $0x38;
	[tilespmem:$0x8000] =	vst v63  }
0x4bc: {  	s0 =	sld [smem:$0x785]  }
0x4bd: {  	[tilespmem:s13], [sflag:$0x1] =	stream.linear.gather [hbm4b:s9+s2], $0x80, $0x38;
	[tilespmem:$0x8000] =	vst v63  }
0x4be: {  	s13 =	sld [smem:$0x786]  }
0x4bf: {  	[tilespmem:s0], [sflag:$0x1] =	stream.linear.gather [hbm4b:s10+s2], $0x80, $0x38;
	[tilespmem:$0x8000] =	vst v63  }
0x4c0: {  	s0 =	sld [smem:$0x787]  }
0x4c1: {  	[tilespmem:s13], [sflag:$0x1] =	stream.linear.gather [hbm4b:s11+s2], $0x80, $0x38;
	[tilespmem:$0x8000] =	vst v63  }
0x4c2: {  	s13 =	sld [smem:$0x788]  }
0x4c3: {  	[tilespmem:s0], [sflag:$0x1] =	stream.linear.gather [hbm4b:s12+s2], $0x80, $0x38;
	[tilespmem:$0x8000] =	vst v63  }
0x4c4: {  	s0 =	sld [smem:$0x789]  }
0x4c5: {  	[tilespmem:s13], [sflag:$0x1] =	stream.linear.gather [hbm4b:s3+s2], $0x80, $0x38;
	[tilespmem:$0x8000] =	vst v63  }
0x4c6: {  	s13 =	sld [smem:$0x78A]  }
0x4c7: {  	[tilespmem:s0], [sflag:$0x1] =	stream.linear.gather [hbm4b:s6+s2], $0x80, $0x38;
	[tilespmem:$0x8000] =	vst v63  }
0x4c8: {  	s0 =	sld [smem:$0x78B]  }
0x4c9: {  	[tilespmem:s13], [sflag:$0x1] =	stream.linear.gather [hbm4b:s7+s2], $0x80, $0x38;
	[tilespmem:$0x8000] =	vst v63  }
0x4ca: {  	s13 =	sld [smem:$0x78C]  }
0x4cb: {  	[tilespmem:s0], [sflag:$0x1] =	stream.linear.gather [hbm4b:s8+s2], $0x80, $0x38;
	[tilespmem:$0x8000] =	vst v63  }
0x4cc: {  	s0 =	sld [smem:$0x78D]  }
0x4cd: {  	[tilespmem:s13], [sflag:$0x1] =	stream.linear.gather [hbm4b:s9+s2], $0x80, $0x38;
	[tilespmem:$0x8000] =	vst v63  }
0x4ce: {  	s13 =	sld [smem:$0x78E]  }
0x4cf: {  	[tilespmem:s0], [sflag:$0x1] =	stream.linear.gather [hbm4b:s10+s2], $0x80, $0x38;
	[tilespmem:$0x8000] =	vst v63  }
0x4d0: {  	s0 =	sld [smem:$0x78F]  }
0x4d1: {  	[tilespmem:s13], [sflag:$0x1] =	stream.linear.gather [hbm4b:s11+s2], $0x80, $0x38;
	[tilespmem:$0x8000] =	vst v63  }
0x4d2: {  	s13 =	sld [smem:$0x790]  }
0x4d3: {  	[tilespmem:s0], [sflag:$0x1] =	stream.linear.gather [hbm4b:s12+s2], $0x80, $0x38;
	[tilespmem:$0x8000] =	vst v63  }
0x4d4: {  	s0 =	sld [smem:$0x791]  }
0x4d5: {  	[tilespmem:s13], [sflag:$0x1] =	stream.linear.gather [hbm4b:s3+s2], $0x80, $0x38;
	[tilespmem:$0x8000] =	vst v63  }
0x4d6: {  	s13 =	sld [smem:$0x792]  }
0x4d7: {  	[tilespmem:s0], [sflag:$0x1] =	stream.linear.gather [hbm4b:s6+s2], $0x80, $0x38;
	[tilespmem:$0x8000] =	vst v63  }
0x4d8: {  	s0 =	sld [smem:$0x793]  }
0x4d9: {  	[tilespmem:s13], [sflag:$0x1] =	stream.linear.gather [hbm4b:s7+s2], $0x80, $0x38;
	[tilespmem:$0x8000] =	vst v63  }
0x4da: {  	s13 =	sld [smem:$0x794]  }
0x4db: {  	[tilespmem:s0], [sflag:$0x1] =	stream.linear.gather [hbm4b:s8+s2], $0x80, $0x38;
	[tilespmem:$0x8000] =	vst v63  }
0x4dc: {  	s0 =	sld [smem:$0x795]  }
0x4dd: {  	[tilespmem:s13], [sflag:$0x1] =	stream.linear.gather [hbm4b:s9+s2], $0x80, $0x38;
	[tilespmem:$0x8000] =	vst v63  }
0x4de: {  	s13 =	sld [smem:$0x796]  }
0x4df: {  	[tilespmem:s0], [sflag:$0x1] =	stream.linear.gather [hbm4b:s10+s2], $0x80, $0x38;
	[tilespmem:$0x8000] =	vst v63  }
0x4e0: {  	s0 =	sld [smem:$0x797]  }
0x4e1: {  	[tilespmem:s13], [sflag:$0x1] =	stream.linear.gather [hbm4b:s11+s2], $0x80, $0x38;
	[tilespmem:$0x8000] =	vst v63  }
0x4e2: {  	s13 =	sld [smem:$0x798]  }
0x4e3: {  	[tilespmem:s0], [sflag:$0x1] =	stream.linear.gather [hbm4b:s12+s2], $0x80, $0x38;
	[tilespmem:$0x8000] =	vst v63  }
0x4e4: {  	s0 =	sld [smem:$0x799]  }
0x4e5: {  	[tilespmem:s13], [sflag:$0x1] =	stream.linear.gather [hbm4b:s3+s2], $0x80, $0x38;
	[tilespmem:$0x8000] =	vst v63  }
0x4e6: {  	s13 =	sld [smem:$0x79A]  }
0x4e7: {  	[tilespmem:s0], [sflag:$0x1] =	stream.linear.gather [hbm4b:s6+s2], $0x80, $0x38;
	[tilespmem:$0x8000] =	vst v63  }
0x4e8: {  	s0 =	sld [smem:$0x79B]  }
0x4e9: {  	[tilespmem:s13], [sflag:$0x1] =	stream.linear.gather [hbm4b:s7+s2], $0x80, $0x38;
	[tilespmem:$0x8000] =	vst v63  }
0x4ea: {  	s13 =	sld [smem:$0x79C]  }
0x4eb: {  	[tilespmem:s0], [sflag:$0x1] =	stream.linear.gather [hbm4b:s8+s2], $0x80, $0x38;
	[tilespmem:$0x8000] =	vst v63  }
0x4ec: {  	s0 =	sld [smem:$0x79D]  }
0x4ed: {  	[tilespmem:s13], [sflag:$0x1] =	stream.linear.gather [hbm4b:s9+s2], $0x80, $0x38;
	[tilespmem:$0x8000] =	vst v63  }
0x4ee: {  	s13 =	sld [smem:$0x79E]  }
0x4ef: {  	[tilespmem:s0], [sflag:$0x1] =	stream.linear.gather [hbm4b:s10+s2], $0x80, $0x38;
	[tilespmem:$0x8000] =	vst v63  }
0x4f0: {  	s0 =	sld [smem:$0x79F]  }
0x4f1: {  	[tilespmem:s13], [sflag:$0x1] =	stream.linear.gather [hbm4b:s11+s2], $0x80, $0x38;
	[tilespmem:$0x8000] =	vst v63  }
0x4f2: {  	s13 =	sld [smem:$0x7A0]  }
0x4f3: {  	[tilespmem:s0], [sflag:$0x1] =	stream.linear.gather [hbm4b:s12+s2], $0x80, $0x38;
	[tilespmem:$0x8000] =	vst v63  }
0x4f4: {  	s0 =	sld [smem:$0x7A1]  }
0x4f5: {  	[tilespmem:s13], [sflag:$0x1] =	stream.linear.gather [hbm4b:s3+s2], $0x80, $0x38;
	[tilespmem:$0x8000] =	vst v63  }
0x4f6: {  	s13 =	sld [smem:$0x7A2]  }
0x4f7: {  	[tilespmem:s0], [sflag:$0x1] =	stream.linear.gather [hbm4b:s6+s2], $0x80, $0x38;
	[tilespmem:$0x8000] =	vst v63  }
0x4f8: {  	s0 =	sld [smem:$0x7A3]  }
0x4f9: {  	[tilespmem:s13], [sflag:$0x1] =	stream.linear.gather [hbm4b:s7+s2], $0x80, $0x38;
	[tilespmem:$0x8000] =	vst v63  }
0x4fa: {  	s13 =	sld [smem:$0x7A4]  }
0x4fb: {  	[tilespmem:s0], [sflag:$0x1] =	stream.linear.gather [hbm4b:s8+s2], $0x80, $0x38;
	[tilespmem:$0x8000] =	vst v63  }
0x4fc: {  	s0 =	sld [smem:$0x7A5]  }
0x4fd: {  	[tilespmem:s13], [sflag:$0x1] =	stream.linear.gather [hbm4b:s9+s2], $0x80, $0x38;
	[tilespmem:$0x8000] =	vst v63  }
0x4fe: {  	s13 =	sld [smem:$0x7A6]  }
0x4ff: {  	[tilespmem:s0], [sflag:$0x1] =	stream.linear.gather [hbm4b:s10+s2], $0x80, $0x38;
	[tilespmem:$0x8000] =	vst v63  }
0x500: {  	s0 =	sld [smem:$0x7A7]  }
0x501: {  	[tilespmem:s13], [sflag:$0x1] =	stream.linear.gather [hbm4b:s11+s2], $0x80, $0x38;
	[tilespmem:$0x8000] =	vst v63  }
0x502: {  	s13 =	sld [smem:$0x7A8]  }
0x503: {  	[tilespmem:s0], [sflag:$0x1] =	stream.linear.gather [hbm4b:s12+s2], $0x80, $0x38;
	[tilespmem:$0x8000] =	vst v63  }
0x504: {  	s0 =	sld [smem:$0x7A9]  }
0x505: {  	[tilespmem:s13], [sflag:$0x1] =	stream.linear.gather [hbm4b:s3+s2], $0x80, $0x38;
	[tilespmem:$0x8000] =	vst v63  }
0x506: {  	s13 =	sld [smem:$0x7AA]  }
0x507: {  	[tilespmem:s0], [sflag:$0x1] =	stream.linear.gather [hbm4b:s6+s2], $0x80, $0x38;
	[tilespmem:$0x8000] =	vst v63  }
0x508: {  	s0 =	sld [smem:$0x7AB]  }
0x509: {  	[tilespmem:s13], [sflag:$0x1] =	stream.linear.gather [hbm4b:s7+s2], $0x80, $0x38;
	[tilespmem:$0x8000] =	vst v63  }
0x50a: {  	s13 =	sld [smem:$0x7AC]  }
0x50b: {  	[tilespmem:s0], [sflag:$0x1] =	stream.linear.gather [hbm4b:s8+s2], $0x80, $0x38;
	[tilespmem:$0x8000] =	vst v63  }
0x50c: {  	s0 =	sld [smem:$0x7AD]  }
0x50d: {  	[tilespmem:s13], [sflag:$0x1] =	stream.linear.gather [hbm4b:s9+s2], $0x80, $0x38;
	[tilespmem:$0x8000] =	vst v63  }
0x50e: {  	s13 =	sld [smem:$0x7AE]  }
0x50f: {  	[tilespmem:s0], [sflag:$0x1] =	stream.linear.gather [hbm4b:s10+s2], $0x80, $0x38;
	[tilespmem:$0x8000] =	vst v63  }
0x510: {  	s0 =	sld [smem:$0x7AF]  }
0x511: {  	[tilespmem:s13], [sflag:$0x1] =	stream.linear.gather [hbm4b:s11+s2], $0x80, $0x38;
	[tilespmem:$0x8000] =	vst v63  }
0x512: {  	s13 =	sld [smem:$0x7B0]  }
0x513: {  	[tilespmem:s0], [sflag:$0x1] =	stream.linear.gather [hbm4b:s12+s2], $0x80, $0x38;
	[tilespmem:$0x8000] =	vst v63  }
0x514: {  	s0 =	sld [smem:$0x7B1]  }
0x515: {  	[tilespmem:s13], [sflag:$0x1] =	stream.linear.gather [hbm4b:s3+s2], $0x80, $0x38;
	[tilespmem:$0x8000] =	vst v63  }
0x516: {  	s13 =	sld [smem:$0x7B2]  }
0x517: {  	[tilespmem:s0], [sflag:$0x1] =	stream.linear.gather [hbm4b:s6+s2], $0x80, $0x38;
	[tilespmem:$0x8000] =	vst v63  }
0x518: {  	s0 =	sld [smem:$0x7B3]  }
0x519: {  	[tilespmem:s13], [sflag:$0x1] =	stream.linear.gather [hbm4b:s7+s2], $0x80, $0x38;
	[tilespmem:$0x8000] =	vst v63  }
0x51a: {  	s13 =	sld [smem:$0x7B4]  }
0x51b: {  	[tilespmem:s0], [sflag:$0x1] =	stream.linear.gather [hbm4b:s8+s2], $0x80, $0x38;
	[tilespmem:$0x8000] =	vst v63  }
0x51c: {  	s0 =	sld [smem:$0x7B5]  }
0x51d: {  	[tilespmem:s13], [sflag:$0x1] =	stream.linear.gather [hbm4b:s9+s2], $0x80, $0x38;
	[tilespmem:$0x8000] =	vst v63  }
0x51e: {  	s13 =	sld [smem:$0x7B6]  }
0x51f: {  	[tilespmem:s0], [sflag:$0x1] =	stream.linear.gather [hbm4b:s10+s2], $0x80, $0x38;
	[tilespmem:$0x8000] =	vst v63  }
0x520: {  	s0 =	sld [smem:$0x7B7]  }
0x521: {  	[tilespmem:s13], [sflag:$0x1] =	stream.linear.gather [hbm4b:s11+s2], $0x80, $0x38;
	[tilespmem:$0x8000] =	vst v63  }
0x522: {  	s13 =	sld [smem:$0x7B8]  }
0x523: {  	[tilespmem:s0], [sflag:$0x1] =	stream.linear.gather [hbm4b:s12+s2], $0x80, $0x38;
	[tilespmem:$0x8000] =	vst v63  }
0x524: {  	s0 =	sld [smem:$0x7B9]  }
0x525: {  	[tilespmem:s13], [sflag:$0x1] =	stream.linear.gather [hbm4b:s3+s2], $0x80, $0x38;
	[tilespmem:$0x8000] =	vst v63  }
0x526: {  	s13 =	sld [smem:$0x7BA]  }
0x527: {  	[tilespmem:s0], [sflag:$0x1] =	stream.linear.gather [hbm4b:s6+s2], $0x80, $0x38;
	[tilespmem:$0x8000] =	vst v63  }
0x528: {  	s0 =	sld [smem:$0x7BB]  }
0x529: {  	[tilespmem:s13], [sflag:$0x1] =	stream.linear.gather [hbm4b:s7+s2], $0x80, $0x38;
	[tilespmem:$0x8000] =	vst v63  }
0x52a: {  	s13 =	sld [smem:$0x7BC]  }
0x52b: {  	[tilespmem:s0], [sflag:$0x1] =	stream.linear.gather [hbm4b:s8+s2], $0x80, $0x38;
	[tilespmem:$0x8000] =	vst v63  }
0x52c: {  	s0 =	sld [smem:$0x7BD]  }
0x52d: {  	[tilespmem:s13], [sflag:$0x1] =	stream.linear.gather [hbm4b:s9+s2], $0x80, $0x38;
	[tilespmem:$0x8000] =	vst v63  }
0x52e: {  	s13 =	sld [smem:$0x7BE]  }
0x52f: {  	[tilespmem:s0], [sflag:$0x1] =	stream.linear.gather [hbm4b:s10+s2], $0x80, $0x38;
	[tilespmem:$0x8000] =	vst v63  }
0x530: {  	s0 =	sld [smem:$0x7BF]  }
0x531: {  	[tilespmem:s13], [sflag:$0x1] =	stream.linear.gather [hbm4b:s11+s2], $0x80, $0x38;
	[tilespmem:$0x8000] =	vst v63  }
0x532: {  	s13 =	sld [smem:$0x7C0]  }
0x533: {  	[tilespmem:s0], [sflag:$0x1] =	stream.linear.gather [hbm4b:s12+s2], $0x80, $0x38;
	[tilespmem:$0x8000] =	vst v63  }
0x534: {  	s0 =	sld [smem:$0x7C1]  }
0x535: {  	[tilespmem:s13], [sflag:$0x1] =	stream.linear.gather [hbm4b:s3+s2], $0x80, $0x38;
	[tilespmem:$0x8000] =	vst v63  }
0x536: {  	s13 =	sld [smem:$0x7C2]  }
0x537: {  	[tilespmem:s0], [sflag:$0x1] =	stream.linear.gather [hbm4b:s6+s2], $0x80, $0x38;
	[tilespmem:$0x8000] =	vst v63  }
0x538: {  	s0 =	sld [smem:$0x7C3]  }
0x539: {  	[tilespmem:s13], [sflag:$0x1] =	stream.linear.gather [hbm4b:s7+s2], $0x80, $0x38;
	[tilespmem:$0x8000] =	vst v63  }
0x53a: {  	s13 =	sld [smem:$0x7C4]  }
0x53b: {  	[tilespmem:s0], [sflag:$0x1] =	stream.linear.gather [hbm4b:s8+s2], $0x80, $0x38;
	[tilespmem:$0x8000] =	vst v63  }
0x53c: {  	s0 =	sld [smem:$0x7C5]  }
0x53d: {  	[tilespmem:s13], [sflag:$0x1] =	stream.linear.gather [hbm4b:s9+s2], $0x80, $0x38;
	[tilespmem:$0x8000] =	vst v63  }
0x53e: {  	s13 =	sld [smem:$0x7C6]  }
0x53f: {  	[tilespmem:s0], [sflag:$0x1] =	stream.linear.gather [hbm4b:s10+s2], $0x80, $0x38;
	[tilespmem:$0x8000] =	vst v63  }
0x540: {  	s0 =	sld [smem:$0x7C7]  }
0x541: {  	[tilespmem:s13], [sflag:$0x1] =	stream.linear.gather [hbm4b:s11+s2], $0x80, $0x38;
	[tilespmem:$0x8000] =	vst v63  }
0x542: {  	s13 =	sld [smem:$0x7C8]  }
0x543: {  	[tilespmem:s0], [sflag:$0x1] =	stream.linear.gather [hbm4b:s12+s2], $0x80, $0x38;
	[tilespmem:$0x8000] =	vst v63  }
0x544: {  	s0 =	sld [smem:$0x7C9]  }
0x545: {  	[tilespmem:s13], [sflag:$0x1] =	stream.linear.gather [hbm4b:s3+s2], $0x80, $0x38;
	[tilespmem:$0x8000] =	vst v63  }
0x546: {  	s13 =	sld [smem:$0x7CA]  }
0x547: {  	[tilespmem:s0], [sflag:$0x1] =	stream.linear.gather [hbm4b:s6+s2], $0x80, $0x38;
	[tilespmem:$0x8000] =	vst v63  }
0x548: {  	s0 =	sld [smem:$0x7CB]  }
0x549: {  	[tilespmem:s13], [sflag:$0x1] =	stream.linear.gather [hbm4b:s7+s2], $0x80, $0x38;
	[tilespmem:$0x8000] =	vst v63  }
0x54a: {  	s13 =	sld [smem:$0x7CC]  }
0x54b: {  	[tilespmem:s0], [sflag:$0x1] =	stream.linear.gather [hbm4b:s8+s2], $0x80, $0x38;
	[tilespmem:$0x8000] =	vst v63  }
0x54c: {  	s0 =	sld [smem:$0x7CD]  }
0x54d: {  	[tilespmem:s13], [sflag:$0x1] =	stream.linear.gather [hbm4b:s9+s2], $0x80, $0x38;
	[tilespmem:$0x8000] =	vst v63  }
0x54e: {  	s13 =	sld [smem:$0x7CE]  }
0x54f: {  	[tilespmem:s0], [sflag:$0x1] =	stream.linear.gather [hbm4b:s10+s2], $0x80, $0x38;
	[tilespmem:$0x8000] =	vst v63  }
0x550: {  	s0 =	sld [smem:$0x7CF]  }
0x551: {  	[tilespmem:s13], [sflag:$0x1] =	stream.linear.gather [hbm4b:s11+s2], $0x80, $0x38;
	[tilespmem:$0x8000] =	vst v63  }
0x552: {  	s13 =	sld [smem:$0x7D0]  }
0x553: {  	[tilespmem:s0], [sflag:$0x1] =	stream.linear.gather [hbm4b:s12+s2], $0x80, $0x38;
	[tilespmem:$0x8000] =	vst v63  }
0x554: {  	s0 =	sld [smem:$0x7D1]  }
0x555: {  	[tilespmem:s13], [sflag:$0x1] =	stream.linear.gather [hbm4b:s3+s2], $0x80, $0x38;
	[tilespmem:$0x8000] =	vst v63  }
0x556: {  	s13 =	sld [smem:$0x7D2]  }
0x557: {  	[tilespmem:s0], [sflag:$0x1] =	stream.linear.gather [hbm4b:s6+s2], $0x80, $0x38;
	[tilespmem:$0x8000] =	vst v63  }
0x558: {  	s0 =	sld [smem:$0x7D3]  }
0x559: {  	[tilespmem:s13], [sflag:$0x1] =	stream.linear.gather [hbm4b:s7+s2], $0x80, $0x38;
	[tilespmem:$0x8000] =	vst v63  }
0x55a: {  	s13 =	sld [smem:$0x7D4]  }
0x55b: {  	[tilespmem:s0], [sflag:$0x1] =	stream.linear.gather [hbm4b:s8+s2], $0x80, $0x38;
	[tilespmem:$0x8000] =	vst v63  }
0x55c: {  	s0 =	sld [smem:$0x7D5]  }
0x55d: {  	[tilespmem:s13], [sflag:$0x1] =	stream.linear.gather [hbm4b:s9+s2], $0x80, $0x38;
	[tilespmem:$0x8000] =	vst v63  }
0x55e: {  	s13 =	sld [smem:$0x7D6]  }
0x55f: {  	[tilespmem:s0], [sflag:$0x1] =	stream.linear.gather [hbm4b:s10+s2], $0x80, $0x38;
	[tilespmem:$0x8000] =	vst v63  }
0x560: {  	s0 =	sld [smem:$0x7D7]  }
0x561: {  	[tilespmem:s13], [sflag:$0x1] =	stream.linear.gather [hbm4b:s11+s2], $0x80, $0x38;
	[tilespmem:$0x8000] =	vst v63  }
0x562: {  	s13 =	sld [smem:$0x7D8]  }
0x563: {  	[tilespmem:s0], [sflag:$0x1] =	stream.linear.gather [hbm4b:s12+s2], $0x80, $0x38;
	[tilespmem:$0x8000] =	vst v63  }
0x564: {  	s0 =	sld [smem:$0x7D9]  }
0x565: {  	[tilespmem:s13], [sflag:$0x1] =	stream.linear.gather [hbm4b:s3+s2], $0x80, $0x38;
	[tilespmem:$0x8000] =	vst v63  }
0x566: {  	s13 =	sld [smem:$0x7DA]  }
0x567: {  	[tilespmem:s0], [sflag:$0x1] =	stream.linear.gather [hbm4b:s6+s2], $0x80, $0x38;
	[tilespmem:$0x8000] =	vst v63  }
0x568: {  	s0 =	sld [smem:$0x7DB]  }
0x569: {  	[tilespmem:s13], [sflag:$0x1] =	stream.linear.gather [hbm4b:s7+s2], $0x80, $0x38;
	[tilespmem:$0x8000] =	vst v63  }
0x56a: {  	s13 =	sld [smem:$0x7DC]  }
0x56b: {  	[tilespmem:s0], [sflag:$0x1] =	stream.linear.gather [hbm4b:s8+s2], $0x80, $0x38;
	[tilespmem:$0x8000] =	vst v63  }
0x56c: {  	s0 =	sld [smem:$0x7DD]  }
0x56d: {  	[tilespmem:s13], [sflag:$0x1] =	stream.linear.gather [hbm4b:s9+s2], $0x80, $0x38;
	[tilespmem:$0x8000] =	vst v63  }
0x56e: {  	s13 =	sld [smem:$0x7DE]  }
0x56f: {  	[tilespmem:s0], [sflag:$0x1] =	stream.linear.gather [hbm4b:s10+s2], $0x80, $0x38;
	[tilespmem:$0x8000] =	vst v63  }
0x570: {  	s0 =	sld [smem:$0x7DF]  }
0x571: {  	[tilespmem:s13], [sflag:$0x1] =	stream.linear.gather [hbm4b:s11+s2], $0x80, $0x38;
	[tilespmem:$0x8000] =	vst v63  }
0x572: {  	s13 =	sld [smem:$0x7E0]  }
0x573: {  	[tilespmem:s0], [sflag:$0x1] =	stream.linear.gather [hbm4b:s12+s2], $0x80, $0x38;
	[tilespmem:$0x8000] =	vst v63  }
0x574: {  	s0 =	sld [smem:$0x7E1]  }
0x575: {  	[tilespmem:s13], [sflag:$0x1] =	stream.linear.gather [hbm4b:s3+s2], $0x80, $0x38;
	[tilespmem:$0x8000] =	vst v63  }
0x576: {  	s13 =	sld [smem:$0x7E2]  }
0x577: {  	[tilespmem:s0], [sflag:$0x1] =	stream.linear.gather [hbm4b:s6+s2], $0x80, $0x38;
	[tilespmem:$0x8000] =	vst v63  }
0x578: {  	s0 =	sld [smem:$0x7E3]  }
0x579: {  	[tilespmem:s13], [sflag:$0x1] =	stream.linear.gather [hbm4b:s7+s2], $0x80, $0x38;
	[tilespmem:$0x8000] =	vst v63  }
0x57a: {  	s13 =	sld [smem:$0x7E4]  }
0x57b: {  	[tilespmem:s0], [sflag:$0x1] =	stream.linear.gather [hbm4b:s8+s2], $0x80, $0x38;
	[tilespmem:$0x8000] =	vst v63  }
0x57c: {  	s0 =	sld [smem:$0x7E5]  }
0x57d: {  	[tilespmem:s13], [sflag:$0x1] =	stream.linear.gather [hbm4b:s9+s2], $0x80, $0x38;
	[tilespmem:$0x8000] =	vst v63  }
0x57e: {  	s13 =	sld [smem:$0x7E6]  }
0x57f: {  	[tilespmem:s0], [sflag:$0x1] =	stream.linear.gather [hbm4b:s10+s2], $0x80, $0x38;
	[tilespmem:$0x8000] =	vst v63  }
0x580: {  	s0 =	sld [smem:$0x7E7]  }
0x581: {  	[tilespmem:s13], [sflag:$0x1] =	stream.linear.gather [hbm4b:s11+s2], $0x80, $0x38;
	[tilespmem:$0x8000] =	vst v63  }
0x582: {  	s13 =	sld [smem:$0x7E8]  }
0x583: {  	[tilespmem:s0], [sflag:$0x1] =	stream.linear.gather [hbm4b:s12+s2], $0x80, $0x38;
	[tilespmem:$0x8000] =	vst v63  }
0x584: {  	s0 =	sld [smem:$0x7E9]  }
0x585: {  	[tilespmem:s13], [sflag:$0x1] =	stream.linear.gather [hbm4b:s3+s2], $0x80, $0x38;
	[tilespmem:$0x8000] =	vst v63  }
0x586: {  	s13 =	sld [smem:$0x7EA]  }
0x587: {  	[tilespmem:s0], [sflag:$0x1] =	stream.linear.gather [hbm4b:s6+s2], $0x80, $0x38;
	[tilespmem:$0x8000] =	vst v63  }
0x588: {  	s0 =	sld [smem:$0x7EB]  }
0x589: {  	[tilespmem:s13], [sflag:$0x1] =	stream.linear.gather [hbm4b:s7+s2], $0x80, $0x38;
	[tilespmem:$0x8000] =	vst v63  }
0x58a: {  	s13 =	sld [smem:$0x7EC]  }
0x58b: {  	[tilespmem:s0], [sflag:$0x1] =	stream.linear.gather [hbm4b:s8+s2], $0x80, $0x38;
	[tilespmem:$0x8000] =	vst v63  }
0x58c: {  	s0 =	sld [smem:$0x7ED]  }
0x58d: {  	[tilespmem:s13], [sflag:$0x1] =	stream.linear.gather [hbm4b:s9+s2], $0x80, $0x38;
	[tilespmem:$0x8000] =	vst v63  }
0x58e: {  	s13 =	sld [smem:$0x7EE]  }
0x58f: {  	[tilespmem:s0], [sflag:$0x1] =	stream.linear.gather [hbm4b:s10+s2], $0x80, $0x38;
	[tilespmem:$0x8000] =	vst v63  }
0x590: {  	s0 =	sld [smem:$0x7EF]  }
0x591: {  	[tilespmem:s13], [sflag:$0x1] =	stream.linear.gather [hbm4b:s11+s2], $0x80, $0x38;
	[tilespmem:$0x8000] =	vst v63  }
0x592: {  	s13 =	sld [smem:$0x7F0]  }
0x593: {  	[tilespmem:s0], [sflag:$0x1] =	stream.linear.gather [hbm4b:s12+s2], $0x80, $0x38;
	[tilespmem:$0x8000] =	vst v63  }
0x594: {  	s0 =	sld [smem:$0x7F1]  }
0x595: {  	[tilespmem:s13], [sflag:$0x1] =	stream.linear.gather [hbm4b:s3+s2], $0x80, $0x38;
	[tilespmem:$0x8000] =	vst v63  }
0x596: {  	s13 =	sld [smem:$0x7F2]  }
0x597: {  	[tilespmem:s0], [sflag:$0x1] =	stream.linear.gather [hbm4b:s6+s2], $0x80, $0x38;
	[tilespmem:$0x8000] =	vst v63  }
0x598: {  	s0 =	sld [smem:$0x7F3]  }
0x599: {  	[tilespmem:s13], [sflag:$0x1] =	stream.linear.gather [hbm4b:s7+s2], $0x80, $0x38;
	[tilespmem:$0x8000] =	vst v63  }
0x59a: {  	s13 =	sld [smem:$0x7F4]  }
0x59b: {  	[tilespmem:s0], [sflag:$0x1] =	stream.linear.gather [hbm4b:s8+s2], $0x80, $0x38;
	[tilespmem:$0x8000] =	vst v63  }
0x59c: {  	s0 =	sld [smem:$0x7F5]  }
0x59d: {  	[tilespmem:s13], [sflag:$0x1] =	stream.linear.gather [hbm4b:s9+s2], $0x80, $0x38;
	[tilespmem:$0x8000] =	vst v63  }
0x59e: {  	s13 =	sld [smem:$0x7F6]  }
0x59f: {  	[tilespmem:s0], [sflag:$0x1] =	stream.linear.gather [hbm4b:s10+s2], $0x80, $0x38;
	[tilespmem:$0x8000] =	vst v63  }
0x5a0: {  	s0 =	sld [smem:$0x7F7]  }
0x5a1: {  	[tilespmem:s13], [sflag:$0x1] =	stream.linear.gather [hbm4b:s11+s2], $0x80, $0x38;
	[tilespmem:$0x8000] =	vst v63  }
0x5a2: {  	s13 =	sld [smem:$0x7F8]  }
0x5a3: {  	[tilespmem:s0], [sflag:$0x1] =	stream.linear.gather [hbm4b:s12+s2], $0x80, $0x38;
	[tilespmem:$0x8000] =	vst v63  }
0x5a4: {  	s0 =	sld [smem:$0x7F9]  }
0x5a5: {  	[tilespmem:s13], [sflag:$0x1] =	stream.linear.gather [hbm4b:s3+s2], $0x80, $0x38;
	[tilespmem:$0x8000] =	vst v63  }
0x5a6: {  	s13 =	sld [smem:$0x7FA]  }
0x5a7: {  	[tilespmem:s0], [sflag:$0x1] =	stream.linear.gather [hbm4b:s6+s2], $0x80, $0x38;
	[tilespmem:$0x8000] =	vst v63  }
0x5a8: {  	s0 =	sld [smem:$0x7FB]  }
0x5a9: {  	[tilespmem:s13], [sflag:$0x1] =	stream.linear.gather [hbm4b:s7+s2], $0x80, $0x38;
	[tilespmem:$0x8000] =	vst v63  }
0x5aa: {  	s13 =	sld [smem:$0x7FC]  }
0x5ab: {  	[tilespmem:s0], [sflag:$0x1] =	stream.linear.gather [hbm4b:s8+s2], $0x80, $0x38;
	[tilespmem:$0x8000] =	vst v63  }
0x5ac: {  	s0 =	sld [smem:$0x7FD]  }
0x5ad: {  	[tilespmem:s13], [sflag:$0x1] =	stream.linear.gather [hbm4b:s9+s2], $0x80, $0x38;
	[tilespmem:$0x8000] =	vst v63  }
0x5ae: {  	_ = 	snop  }
0x5af: {  	[tilespmem:s0], [sflag:$0x1] =	stream.linear.gather [hbm4b:s10+s2], $0x80, $0x38;
	[tilespmem:$0x8000] =	vst v63  }
0x5b0: {  	s13 =	simm.s32 $0x7A80  }
0x5b1: {  	[tilespmem:s13], [sflag:$0x1] =	stream.linear.gather [hbm4b:s11+s2], $0x80, $0x38;
	[tilespmem:$0x8000] =	vst v63  }
0x5b2: {  	_ = 	snop  }
0x5b3: {  	[tilespmem:s14], [sflag:$0x1] =	stream.linear.gather [hbm4b:s12+s2], $0x80, $0x38;
	[tilespmem:$0x8000] =	vst v63  }
0x5b4: {  	_ = 	snop  }
0x5b5: {  	[tilespmem:s15], [sflag:$0x1] =	stream.linear.gather [hbm4b:s3+s2], $0x80, $0x38;
	[tilespmem:$0x8000] =	vst v63  }
0x5b6: {  	_ = 	snop  }
0x5b7: {  	[tilespmem:s16], [sflag:$0x1] =	stream.linear.gather [hbm4b:s6+s2], $0x80, $0x38;
	[tilespmem:$0x8000] =	vst v63  }
0x5b8: {  	_ = 	snop  }
0x5b9: {  	[tilespmem:s17], [sflag:$0x1] =	stream.linear.gather [hbm4b:s7+s2], $0x80, $0x38;
	[tilespmem:$0x8000] =	vst v63  }
0x5ba: {  	_ = 	snop  }
0x5bb: {  	[tilespmem:s18], [sflag:$0x1] =	stream.linear.gather [hbm4b:s8+s2], $0x80, $0x38;
	[tilespmem:$0x8000] =	vst v63  }
0x5bc: {  	_ = 	snop  }
0x5bd: {  	[tilespmem:s19], [sflag:$0x1] =	stream.linear.gather [hbm4b:s9+s2], $0x80, $0x38;
	[tilespmem:$0x8000] =	vst v63  }
0x5be: {  	_ = 	snop  }
0x5bf: {  	[tilespmem:s20], [sflag:$0x1] =	stream.linear.gather [hbm4b:s10+s2], $0x80, $0x38;
	[tilespmem:$0x8000] =	vst v63  }
0x5c0: {  	_ = 	snop  }
0x5c1: {  	[tilespmem:s21], [sflag:$0x1] =	stream.linear.gather [hbm4b:s11+s2], $0x80, $0x38;
	[tilespmem:$0x8000] =	vst v63  }
0x5c2: {  	_ = 	snop  }
0x5c3: {  	[tilespmem:s22], [sflag:$0x1] =	stream.linear.gather [hbm4b:s12+s2], $0x80, $0x38;
	[tilespmem:$0x8000] =	vst v63  }
0x5c4: {  	_ = 	snop  }
0x5c5: {  	[tilespmem:s23], [sflag:$0x1] =	stream.linear.gather [hbm4b:s3+s2], $0x80, $0x38;
	[tilespmem:$0x8000] =	vst v63  }
0x5c6: {  	_ = 	snop  }
0x5c7: {  	[tilespmem:s24], [sflag:$0x1] =	stream.linear.gather [hbm4b:s6+s2], $0x80, $0x38;
	[tilespmem:$0x8000] =	vst v63  }
0x5c8: {  	_ = 	snop  }
0x5c9: {  	[tilespmem:s25], [sflag:$0x1] =	stream.linear.gather [hbm4b:s7+s2], $0x80, $0x38;
	[tilespmem:$0x8000] =	vst v63  }
0x5ca: {  	_ = 	snop  }
0x5cb: {  	[tilespmem:s26], [sflag:$0x1] =	stream.linear.gather [hbm4b:s8+s2], $0x80, $0x38;
	[tilespmem:$0x8000] =	vst v63  }
0x5cc: {  	_ = 	snop  }
0x5cd: {  	[tilespmem:s28], [sflag:$0x1] =	stream.linear.gather [hbm4b:s9+s2], $0x80, $0x38;
	[tilespmem:$0x8000] =	vst v63  }
0x5ce: {  	_ = 	snop  }
0x5cf: {  	[tilespmem:s29], [sflag:$0x1] =	stream.linear.gather [hbm4b:s10+s2], $0x80, $0x38;
	[tilespmem:$0x8000] =	vst v63  }
0x5d0: {  	_ = 	snop  }
0x5d1: {  	[tilespmem:s30], [sflag:$0x1] =	stream.linear.gather [hbm4b:s11+s2], $0x80, $0x38;
	[tilespmem:$0x8000] =	vst v63  }
0x5d2: {  	_ = 	snop  }
0x5d3: {  	[tilespmem:s31], [sflag:$0x1] =	stream.linear.gather [hbm4b:s12+s2], $0x80, $0x38;
	[tilespmem:$0x8000] =	vst v63  }
0x5d4: {  	_ =	swait.ge [sflag:s5], $0x400  }
0x5d5: {  	[sflag:s5] =	ssyncset.done $0x0  }
0x5d6: {  	[sflag:s5] =	ssyncadd.s32 $0xFFFFFC00  }
0x5d7: {  	_ =	swait.ge [sflag:s5], $0x400  }
0x5d8: {  	[sflag:s5] =	ssyncset.done $0x0  }
0x5d9: {  	[sflag:s5] =	ssyncadd.s32 $0xFFFFFC00  }
0x5da: {  	_ =	swait.ge [sflag:s5], $0x400  }
0x5db: {  	[sflag:s5] =	ssyncset.done $0x0  }
0x5dc: {  	[sflag:s5] =	ssyncadd.s32 $0xFFFFFC00  }
0x5dd: {  	_ =	swait.ge [sflag:s5], $0x400  }
0x5de: {  	[sflag:s5] =	ssyncset.done $0x0  }
0x5df: {  	[sflag:s5] =	ssyncadd.s32 $0xFFFFFC00  }
0x5e0: {  	_ =	swait.ge [sflag:s5], $0x400  }
0x5e1: {  	[sflag:s5] =	ssyncset.done $0x0  }
0x5e2: {  	[sflag:s5] =	ssyncadd.s32 $0xFFFFFC00  }
0x5e3: {  	_ =	swait.ge [sflag:s5], $0x400  }
0x5e4: {  	[sflag:s5] =	ssyncset.done $0x0  }
0x5e5: {  	[sflag:s5] =	ssyncadd.s32 $0xFFFFFC00  }
0x5e6: {  	_ =	swait.ge [sflag:s5], $0x400  }
0x5e7: {  	[sflag:s5] =	ssyncset.done $0x0  }
0x5e8: {  	[sflag:s5] =	ssyncadd.s32 $0xFFFFFC00  }
0x5e9: {  	_ =	swait.ge [sflag:s5], $0x400  }
0x5ea: {  	[sflag:s5] =	ssyncset.done $0x0  }
0x5eb: {  	[sflag:s5] =	ssyncadd.s32 $0xFFFFFC00  }
0x5ec: {  	_ =	swait.ge [sflag:s5], $0x400  }
0x5ed: {  	[sflag:s5] =	ssyncset.done $0x0  }
0x5ee: {  	[sflag:s5] =	ssyncadd.s32 $0xFFFFFC00  }
0x5ef: {  	_ =	swait.ge [sflag:s5], $0x400  }
0x5f0: {  	[sflag:s5] =	ssyncset.done $0x0  }
0x5f1: {  	[sflag:s5] =	ssyncadd.s32 $0xFFFFFC00  }
0x5f2: {  	_ =	swait.ge [sflag:s5], $0x400  }
0x5f3: {  	[sflag:s5] =	ssyncset.done $0x0  }
0x5f4: {  	[sflag:s5] =	ssyncadd.s32 $0xFFFFFC00  }
0x5f5: {  	_ =	swait.ge [sflag:s5], $0x400  }
0x5f6: {  	[sflag:s5] =	ssyncset.done $0x0  }
0x5f7: {  	[sflag:s5] =	ssyncadd.s32 $0xFFFFFC00  }
0x5f8: {  	_ =	swait.ge [sflag:s5], $0x400  }
0x5f9: {  	[sflag:s5] =	ssyncset.done $0x0  }
0x5fa: {  	[sflag:s5] =	ssyncadd.s32 $0xFFFFFC00  }
0x5fb: {  	_ =	swait.ge [sflag:s5], $0x400  }
0x5fc: {  	[sflag:s5] =	ssyncset.done $0x0  }
0x5fd: {  	[sflag:s5] =	ssyncadd.s32 $0xFFFFFC00  }
0x5fe: {  	_ =	swait.ge [sflag:s5], $0x400  }
0x5ff: {  	[sflag:s5] =	ssyncset.done $0x0  }
0x600: {  	[sflag:s5] =	ssyncadd.s32 $0xFFFFFC00  }
0x601: {  	_ =	swait.ge [sflag:s5], $0x400  }
0x602: {  	[sflag:s5] =	ssyncset.done $0x0  }
0x603: {  	[sflag:s5] =	ssyncadd.s32 $0xFFFFFC00  }
0x604: {  	_ =	swait.ge [sflag:s5], $0x400  }
0x605: {  	[sflag:s5] =	ssyncset.done $0x0  }
0x606: {  	[sflag:s5] =	ssyncadd.s32 $0xFFFFFC00  }
0x607: {  	_ =	swait.ge [sflag:s5], $0x400  }
0x608: {  	[sflag:s5] =	ssyncset.done $0x0  }
0x609: {  	[sflag:s5] =	ssyncadd.s32 $0xFFFFFC00  }
0x60a: {  	_ =	swait.ge [sflag:s5], $0x400  }
0x60b: {  	[sflag:s5] =	ssyncset.done $0x0  }
0x60c: {  	[sflag:s5] =	ssyncadd.s32 $0xFFFFFC00  }
0x60d: {  	_ =	swait.ge [sflag:s5], $0x400  }
0x60e: {  	[sflag:s5] =	ssyncset.done $0x0  }
0x60f: {  	[sflag:s5] =	ssyncadd.s32 $0xFFFFFC00  }
0x610: {  	_ =	swait.ge [sflag:s5], $0x400  }
0x611: {  	[sflag:s5] =	ssyncset.done $0x0  }
0x612: {  	[sflag:s5] =	ssyncadd.s32 $0xFFFFFC00  }
0x613: {  	_ =	swait.ge [sflag:s5], $0x400  }
0x614: {  	[sflag:s5] =	ssyncset.done $0x0  }
0x615: {  	[sflag:s5] =	ssyncadd.s32 $0xFFFFFC00  }
0x616: {  	_ =	swait.ge [sflag:s5], $0x400  }
0x617: {  	[sflag:s5] =	ssyncset.done $0x0  }
0x618: {  	[sflag:s5] =	ssyncadd.s32 $0xFFFFFC00  }
0x619: {  	_ =	swait.ge [sflag:s5], $0x400  }
0x61a: {  	[sflag:s5] =	ssyncset.done $0x0  }
0x61b: {  	[sflag:s5] =	ssyncadd.s32 $0xFFFFFC00  }
0x61c: {  	_ =	swait.ge [sflag:s5], $0x400  }
0x61d: {  	[sflag:s5] =	ssyncset.done $0x0  }
0x61e: {  	[sflag:s5] =	ssyncadd.s32 $0xFFFFFC00  }
0x61f: {  	_ =	swait.ge [sflag:s5], $0x400  }
0x620: {  	[sflag:s5] =	ssyncset.done $0x0  }
0x621: {  	[sflag:s5] =	ssyncadd.s32 $0xFFFFFC00  }
0x622: {  	_ =	swait.ge [sflag:s5], $0x400  }
0x623: {  	[sflag:s5] =	ssyncset.done $0x0  }
0x624: {  	[sflag:s5] =	ssyncadd.s32 $0xFFFFFC00  }
0x625: {  	_ =	swait.ge [sflag:s5], $0x400  }
0x626: {  	[sflag:s5] =	ssyncset.done $0x0  }
0x627: {  	[sflag:s5] =	ssyncadd.s32 $0xFFFFFC00  }
0x628: {  	_ =	swait.ge [sflag:s5], $0x400  }
0x629: {  	[sflag:s5] =	ssyncset.done $0x0  }
0x62a: {  	[sflag:s5] =	ssyncadd.s32 $0xFFFFFC00  }
0x62b: {  	_ =	swait.ge [sflag:s5], $0x400  }
0x62c: {  	[sflag:s5] =	ssyncset.done $0x0  }
0x62d: {  	[sflag:s5] =	ssyncadd.s32 $0xFFFFFC00  }
0x62e: {  	_ =	swait.ge [sflag:s5], $0x400  }
0x62f: {  	[sflag:s5] =	ssyncset.done $0x0  }
0x630: {  	[sflag:s5] =	ssyncadd.s32 $0xFFFFFC00  }
0x631: {  	_ =	swait.ge [sflag:s5], $0x400  }
0x632: {  	[sflag:s5] =	ssyncset.done $0x0  }
0x633: {  	s0 =	rddreg [dreg:$0x3];
	[sflag:s5] =	ssyncadd.s32 $0xFFFFFC00  }
0x634: {  	[hbm4b:s0+s2] =	stream.linear.scatter [tilespmem:s2], [sflag:$0x2], $0x8000, $0x38;
	[tilespmem:$0x8000] =	vst v63  }
0x635: {  	s13 =	rddreg [dreg:$0x4]  }
0x636: {  	[hbm4b:s13+s2] =	stream.linear.scatter [tilespmem:s2], [sflag:$0x2], $0x8000, $0x38;
	[tilespmem:$0x8000] =	vst v63  }
0x637: {  	s0 =	rddreg [dreg:$0x5]  }
0x638: {  	[hbm4b:s0+s2] =	stream.linear.scatter [tilespmem:s2], [sflag:$0x2], $0x8000, $0x38;
	[tilespmem:$0x8000] =	vst v63  }
0x639: {  	s13 =	rddreg [dreg:$0x6]  }
0x63a: {  	[hbm4b:s13+s2] =	stream.linear.scatter [tilespmem:s2], [sflag:$0x2], $0x8000, $0x38;
	[tilespmem:$0x8000] =	vst v63  }
0x63b: {  	s0 =	rddreg [dreg:$0x7]  }
0x63c: {  	[hbm4b:s0+s2] =	stream.linear.scatter [tilespmem:s2], [sflag:$0x2], $0x8000, $0x38;
	[tilespmem:$0x8000] =	vst v63  }
0x63d: {  	s13 =	rddreg [dreg:$0x8]  }
0x63e: {  	[hbm4b:s13+s2] =	stream.linear.scatter [tilespmem:s2], [sflag:$0x2], $0x8000, $0x38;
	[tilespmem:$0x8000] =	vst v63  }
0x63f: {  	s0 =	rddreg [dreg:$0x9]  }
0x640: {  	[hbm4b:s0+s2] =	stream.linear.scatter [tilespmem:s2], [sflag:$0x2], $0x8000, $0x38;
	[tilespmem:$0x8000] =	vst v63  }
0x641: {  	s13 =	rddreg [dreg:$0xa]  }
0x642: {  	[hbm4b:s13+s2] =	stream.linear.scatter [tilespmem:s2], [sflag:$0x2], $0x8000, $0x38;
	[tilespmem:$0x8000] =	vst v63  }
0x643: {  	s0 =	rddreg [dreg:$0xb]  }
0x644: {  	[hbm4b:s0+s2] =	stream.linear.scatter [tilespmem:s2], [sflag:$0x2], $0x8000, $0x38;
	[tilespmem:$0x8000] =	vst v63  }
0x645: {  	s13 =	rddreg [dreg:$0xc]  }
0x646: {  	[hbm4b:s13+s2] =	stream.linear.scatter [tilespmem:s2], [sflag:$0x2], $0x8000, $0x38;
	[tilespmem:$0x8000] =	vst v63  }
0x647: {  	s0 =	rddreg [dreg:$0xd]  }
0x648: {  	[hbm4b:s0+s2] =	stream.linear.scatter [tilespmem:s2], [sflag:$0x2], $0x8000, $0x38;
	[tilespmem:$0x8000] =	vst v63  }
0x649: {  	s13 =	rddreg [dreg:$0xe]  }
0x64a: {  	[hbm4b:s13+s2] =	stream.linear.scatter [tilespmem:s2], [sflag:$0x2], $0x8000, $0x38;
	[tilespmem:$0x8000] =	vst v63  }
0x64b: {  	s0 =	rddreg [dreg:$0xf]  }
0x64c: {  	[hbm4b:s0+s2] =	stream.linear.scatter [tilespmem:s2], [sflag:$0x2], $0x8000, $0x38;
	[tilespmem:$0x8000] =	vst v63  }
0x64d: {  	s13 =	rddreg [dreg:$0x10]  }
0x64e: {  	[hbm4b:s13+s2] =	stream.linear.scatter [tilespmem:s2], [sflag:$0x2], $0x8000, $0x38;
	[tilespmem:$0x8000] =	vst v63  }
0x64f: {  	s0 =	rddreg [dreg:$0x11]  }
0x650: {  	[hbm4b:s0+s2] =	stream.linear.scatter [tilespmem:s2], [sflag:$0x2], $0x8000, $0x38;
	[tilespmem:$0x8000] =	vst v63  }
0x651: {  	s13 =	rddreg [dreg:$0x12]  }
0x652: {  	[hbm4b:s13+s2] =	stream.linear.scatter [tilespmem:s2], [sflag:$0x2], $0x8000, $0x38;
	[tilespmem:$0x8000] =	vst v63  }
0x653: {  	s0 =	rddreg [dreg:$0x13]  }
0x654: {  	[hbm4b:s0+s2] =	stream.linear.scatter [tilespmem:s2], [sflag:$0x2], $0x8000, $0x38;
	[tilespmem:$0x8000] =	vst v63  }
0x655: {  	s13 =	rddreg [dreg:$0x14]  }
0x656: {  	[hbm4b:s13+s2] =	stream.linear.scatter [tilespmem:s2], [sflag:$0x2], $0x8000, $0x38;
	[tilespmem:$0x8000] =	vst v63  }
0x657: {  	s0 =	rddreg [dreg:$0x15]  }
0x658: {  	[hbm4b:s0+s2] =	stream.linear.scatter [tilespmem:s2], [sflag:$0x2], $0x8000, $0x38;
	[tilespmem:$0x8000] =	vst v63  }
0x659: {  	s13 =	rddreg [dreg:$0x16]  }
0x65a: {  	[hbm4b:s13+s2] =	stream.linear.scatter [tilespmem:s2], [sflag:$0x2], $0x8000, $0x38;
	[tilespmem:$0x8000] =	vst v63  }
0x65b: {  	s0 =	rddreg [dreg:$0x17]  }
0x65c: {  	[hbm4b:s0+s2] =	stream.linear.scatter [tilespmem:s2], [sflag:$0x2], $0x8000, $0x38;
	[tilespmem:$0x8000] =	vst v63  }
0x65d: {  	_ =	swait.ge [sflag:s4], $0x8000  }
0x65e: {  	[sflag:s4] =	ssyncset.done $0x0  }
0x65f: {  	[sflag:s4] =	ssyncadd.s32 $0xFFFF8000  }
0x660: {  	_ =	swait.ge [sflag:s4], $0x8000  }
0x661: {  	[sflag:s4] =	ssyncset.done $0x0  }
0x662: {  	[sflag:s4] =	ssyncadd.s32 $0xFFFF8000  }
0x663: {  	_ =	swait.ge [sflag:s4], $0x8000  }
0x664: {  	[sflag:s4] =	ssyncset.done $0x0  }
0x665: {  	[sflag:s4] =	ssyncadd.s32 $0xFFFF8000  }
0x666: {  	_ =	swait.ge [sflag:s4], $0x8000  }
0x667: {  	[sflag:s4] =	ssyncset.done $0x0  }
0x668: {  	[sflag:s4] =	ssyncadd.s32 $0xFFFF8000  }
0x669: {  	_ =	swait.ge [sflag:s4], $0x8000  }
0x66a: {  	[sflag:s4] =	ssyncset.done $0x0  }
0x66b: {  	[sflag:s4] =	ssyncadd.s32 $0xFFFF8000  }
0x66c: {  	_ =	swait.ge [sflag:s4], $0x8000  }
0x66d: {  	[sflag:s4] =	ssyncset.done $0x0  }
0x66e: {  	[sflag:s4] =	ssyncadd.s32 $0xFFFF8000  }
0x66f: {  	_ =	swait.ge [sflag:s4], $0x8000  }
0x670: {  	[sflag:s4] =	ssyncset.done $0x0  }
0x671: {  	[sflag:s4] =	ssyncadd.s32 $0xFFFF8000  }
0x672: {  	_ =	swait.ge [sflag:s4], $0x8000  }
0x673: {  	[sflag:s4] =	ssyncset.done $0x0  }
0x674: {  	[sflag:s4] =	ssyncadd.s32 $0xFFFF8000  }
0x675: {  	_ =	swait.ge [sflag:s4], $0x8000  }
0x676: {  	[sflag:s4] =	ssyncset.done $0x0  }
0x677: {  	[sflag:s4] =	ssyncadd.s32 $0xFFFF8000  }
0x678: {  	_ =	swait.ge [sflag:s4], $0x8000  }
0x679: {  	[sflag:s4] =	ssyncset.done $0x0  }
0x67a: {  	[sflag:s4] =	ssyncadd.s32 $0xFFFF8000  }
0x67b: {  	_ =	swait.ge [sflag:s4], $0x8000  }
0x67c: {  	[sflag:s4] =	ssyncset.done $0x0  }
0x67d: {  	[sflag:s4] =	ssyncadd.s32 $0xFFFF8000  }
0x67e: {  	_ =	swait.ge [sflag:s4], $0x8000  }
0x67f: {  	[sflag:s4] =	ssyncset.done $0x0  }
0x680: {  	[sflag:s4] =	ssyncadd.s32 $0xFFFF8000  }
0x681: {  	_ =	swait.ge [sflag:s4], $0x8000  }
0x682: {  	[sflag:s4] =	ssyncset.done $0x0  }
0x683: {  	[sflag:s4] =	ssyncadd.s32 $0xFFFF8000  }
0x684: {  	_ =	swait.ge [sflag:s4], $0x8000  }
0x685: {  	[sflag:s4] =	ssyncset.done $0x0  }
0x686: {  	[sflag:s4] =	ssyncadd.s32 $0xFFFF8000  }
0x687: {  	_ =	swait.ge [sflag:s4], $0x8000  }
0x688: {  	[sflag:s4] =	ssyncset.done $0x0  }
0x689: {  	[sflag:s4] =	ssyncadd.s32 $0xFFFF8000  }
0x68a: {  	_ =	swait.ge [sflag:s4], $0x8000  }
0x68b: {  	[sflag:s4] =	ssyncset.done $0x0  }
0x68c: {  	[sflag:s4] =	ssyncadd.s32 $0xFFFF8000  }
0x68d: {  	_ =	swait.ge [sflag:s4], $0x8000  }
0x68e: {  	[sflag:s4] =	ssyncset.done $0x0  }
0x68f: {  	[sflag:s4] =	ssyncadd.s32 $0xFFFF8000  }
0x690: {  	_ =	swait.ge [sflag:s4], $0x8000  }
0x691: {  	[sflag:s4] =	ssyncset.done $0x0  }
0x692: {  	[sflag:s4] =	ssyncadd.s32 $0xFFFF8000  }
0x693: {  	_ =	swait.ge [sflag:s4], $0x8000  }
0x694: {  	[sflag:s4] =	ssyncset.done $0x0  }
0x695: {  	p1 =	sne.s32 s1, $0x1;
	[sflag:s4] =	ssyncadd.s32 $0xFFFF8000  }
.Ltmp2:
0x696: {  	_ =	swait.ge [sflag:s4], $0x8000;
	(pc) =	sbr.rel @p1 .LBB2_3-.Ltmp2, $4  }
0x697: {  	[sflag:s4] =	ssyncset.done $0x0  }
0x698: {  	[sflag:s4] =	ssyncadd.s32 $0xFFFF8000  }
0x699: {  	_ =	swait.ge [sflag:s4], $0x8000  }
0x69a: {  	s1 =	sadd.s32 $0xFFFFFFFF, s1;
	[sflag:s4] =	ssyncset.done $0x0  }
0x69b: {  	s13 =	stileid.u32  }
.LBB2_5:
0x69c: {  	[sflag:s4] =	ssyncadd.s32 @p0 $0xFFFF8000;
	s0 =	rddreg [dreg:$0x18]  }
0x69d: {  	[tilespmem:s2], [sflag:$0x1] =	stream.linear.gather [hbm4b:s3+s2], $0x80, $0x38;
	[tilespmem:$0x8000] =	vst v63  }
0x69e: {  	s1 =	rddreg [dreg:$0x19]  }
0x69f: {  	[tilespmem:s0], [sflag:$0x1] =	stream.linear.gather [hbm4b:s6+s2], $0x80, $0x38;
	[tilespmem:$0x8000] =	vst v63  }
0x6a0: {  	s0 =	rddreg [dreg:$0x1a]  }
0x6a1: {  	[tilespmem:s1], [sflag:$0x1] =	stream.linear.gather [hbm4b:s7+s2], $0x80, $0x38;
	[tilespmem:$0x8000] =	vst v63  }
0x6a2: {  	s1 =	rddreg [dreg:$0x1b]  }
0x6a3: {  	[tilespmem:s0], [sflag:$0x1] =	stream.linear.gather [hbm4b:s8+s2], $0x80, $0x38;
	[tilespmem:$0x8000] =	vst v63  }
0x6a4: {  	s0 =	rddreg [dreg:$0x1c]  }
0x6a5: {  	[tilespmem:s1], [sflag:$0x1] =	stream.linear.gather [hbm4b:s9+s2], $0x80, $0x38;
	[tilespmem:$0x8000] =	vst v63  }
0x6a6: {  	s1 =	rddreg [dreg:$0x1d]  }
0x6a7: {  	[tilespmem:s0], [sflag:$0x1] =	stream.linear.gather [hbm4b:s10+s2], $0x80, $0x38;
	[tilespmem:$0x8000] =	vst v63  }
0x6a8: {  	s0 =	rddreg [dreg:$0x1e]  }
0x6a9: {  	[tilespmem:s1], [sflag:$0x1] =	stream.linear.gather [hbm4b:s11+s2], $0x80, $0x38;
	[tilespmem:$0x8000] =	vst v63  }
0x6aa: {  	s1 =	rddreg [dreg:$0x1f]  }
0x6ab: {  	[tilespmem:s0], [sflag:$0x1] =	stream.linear.gather [hbm4b:s12+s2], $0x80, $0x38;
	[tilespmem:$0x8000] =	vst v63  }
0x6ac: {  	s0 =	sld [smem:$0x719]  }
0x6ad: {  	[tilespmem:s1], [sflag:$0x1] =	stream.linear.gather [hbm4b:s3+s2], $0x80, $0x38;
	[tilespmem:$0x8000] =	vst v63  }
0x6ae: {  	s1 =	sld [smem:$0x71A]  }
0x6af: {  	[tilespmem:s0], [sflag:$0x1] =	stream.linear.gather [hbm4b:s6+s2], $0x80, $0x38;
	[tilespmem:$0x8000] =	vst v63  }
0x6b0: {  	s0 =	sld [smem:$0x71B]  }
0x6b1: {  	[tilespmem:s1], [sflag:$0x1] =	stream.linear.gather [hbm4b:s7+s2], $0x80, $0x38;
	[tilespmem:$0x8000] =	vst v63  }
0x6b2: {  	s1 =	sld [smem:$0x71C]  }
0x6b3: {  	[tilespmem:s0], [sflag:$0x1] =	stream.linear.gather [hbm4b:s8+s2], $0x80, $0x38;
	[tilespmem:$0x8000] =	vst v63  }
0x6b4: {  	s0 =	sld [smem:$0x71D]  }
0x6b5: {  	[tilespmem:s1], [sflag:$0x1] =	stream.linear.gather [hbm4b:s9+s2], $0x80, $0x38;
	[tilespmem:$0x8000] =	vst v63  }
0x6b6: {  	s1 =	sld [smem:$0x71E]  }
0x6b7: {  	[tilespmem:s0], [sflag:$0x1] =	stream.linear.gather [hbm4b:s10+s2], $0x80, $0x38;
	[tilespmem:$0x8000] =	vst v63  }
0x6b8: {  	s0 =	sld [smem:$0x71F]  }
0x6b9: {  	[tilespmem:s1], [sflag:$0x1] =	stream.linear.gather [hbm4b:s11+s2], $0x80, $0x38;
	[tilespmem:$0x8000] =	vst v63  }
0x6ba: {  	s1 =	sld [smem:$0x720]  }
0x6bb: {  	[tilespmem:s0], [sflag:$0x1] =	stream.linear.gather [hbm4b:s12+s2], $0x80, $0x38;
	[tilespmem:$0x8000] =	vst v63  }
0x6bc: {  	s0 =	sld [smem:$0x721]  }
0x6bd: {  	[tilespmem:s1], [sflag:$0x1] =	stream.linear.gather [hbm4b:s3+s2], $0x80, $0x38;
	[tilespmem:$0x8000] =	vst v63  }
0x6be: {  	s1 =	sld [smem:$0x722]  }
0x6bf: {  	[tilespmem:s0], [sflag:$0x1] =	stream.linear.gather [hbm4b:s6+s2], $0x80, $0x38;
	[tilespmem:$0x8000] =	vst v63  }
0x6c0: {  	s0 =	sld [smem:$0x723]  }
0x6c1: {  	[tilespmem:s1], [sflag:$0x1] =	stream.linear.gather [hbm4b:s7+s2], $0x80, $0x38;
	[tilespmem:$0x8000] =	vst v63  }
0x6c2: {  	s1 =	sld [smem:$0x724]  }
0x6c3: {  	[tilespmem:s0], [sflag:$0x1] =	stream.linear.gather [hbm4b:s8+s2], $0x80, $0x38;
	[tilespmem:$0x8000] =	vst v63  }
0x6c4: {  	s0 =	sld [smem:$0x725]  }
0x6c5: {  	[tilespmem:s1], [sflag:$0x1] =	stream.linear.gather [hbm4b:s9+s2], $0x80, $0x38;
	[tilespmem:$0x8000] =	vst v63  }
0x6c6: {  	s1 =	sld [smem:$0x726]  }
0x6c7: {  	[tilespmem:s0], [sflag:$0x1] =	stream.linear.gather [hbm4b:s10+s2], $0x80, $0x38;
	[tilespmem:$0x8000] =	vst v63  }
0x6c8: {  	s0 =	sld [smem:$0x727]  }
0x6c9: {  	[tilespmem:s1], [sflag:$0x1] =	stream.linear.gather [hbm4b:s11+s2], $0x80, $0x38;
	[tilespmem:$0x8000] =	vst v63  }
0x6ca: {  	s1 =	sld [smem:$0x728]  }
0x6cb: {  	[tilespmem:s0], [sflag:$0x1] =	stream.linear.gather [hbm4b:s12+s2], $0x80, $0x38;
	[tilespmem:$0x8000] =	vst v63  }
0x6cc: {  	s0 =	sld [smem:$0x729]  }
0x6cd: {  	[tilespmem:s1], [sflag:$0x1] =	stream.linear.gather [hbm4b:s3+s2], $0x80, $0x38;
	[tilespmem:$0x8000] =	vst v63  }
0x6ce: {  	s1 =	sld [smem:$0x72A]  }
0x6cf: {  	[tilespmem:s0], [sflag:$0x1] =	stream.linear.gather [hbm4b:s6+s2], $0x80, $0x38;
	[tilespmem:$0x8000] =	vst v63  }
0x6d0: {  	s0 =	sld [smem:$0x72B]  }
0x6d1: {  	[tilespmem:s1], [sflag:$0x1] =	stream.linear.gather [hbm4b:s7+s2], $0x80, $0x38;
	[tilespmem:$0x8000] =	vst v63  }
0x6d2: {  	s1 =	sld [smem:$0x72C]  }
0x6d3: {  	[tilespmem:s0], [sflag:$0x1] =	stream.linear.gather [hbm4b:s8+s2], $0x80, $0x38;
	[tilespmem:$0x8000] =	vst v63  }
0x6d4: {  	s0 =	sld [smem:$0x72D]  }
0x6d5: {  	[tilespmem:s1], [sflag:$0x1] =	stream.linear.gather [hbm4b:s9+s2], $0x80, $0x38;
	[tilespmem:$0x8000] =	vst v63  }
0x6d6: {  	s1 =	sld [smem:$0x72E]  }
0x6d7: {  	[tilespmem:s0], [sflag:$0x1] =	stream.linear.gather [hbm4b:s10+s2], $0x80, $0x38;
	[tilespmem:$0x8000] =	vst v63  }
0x6d8: {  	s0 =	sld [smem:$0x72F]  }
0x6d9: {  	[tilespmem:s1], [sflag:$0x1] =	stream.linear.gather [hbm4b:s11+s2], $0x80, $0x38;
	[tilespmem:$0x8000] =	vst v63  }
0x6da: {  	s1 =	sld [smem:$0x730]  }
0x6db: {  	[tilespmem:s0], [sflag:$0x1] =	stream.linear.gather [hbm4b:s12+s2], $0x80, $0x38;
	[tilespmem:$0x8000] =	vst v63  }
0x6dc: {  	s0 =	sld [smem:$0x731]  }
0x6dd: {  	[tilespmem:s1], [sflag:$0x1] =	stream.linear.gather [hbm4b:s3+s2], $0x80, $0x38;
	[tilespmem:$0x8000] =	vst v63  }
0x6de: {  	s1 =	sld [smem:$0x732]  }
0x6df: {  	[tilespmem:s0], [sflag:$0x1] =	stream.linear.gather [hbm4b:s6+s2], $0x80, $0x38;
	[tilespmem:$0x8000] =	vst v63  }
0x6e0: {  	s0 =	sld [smem:$0x733]  }
0x6e1: {  	[tilespmem:s1], [sflag:$0x1] =	stream.linear.gather [hbm4b:s7+s2], $0x80, $0x38;
	[tilespmem:$0x8000] =	vst v63  }
0x6e2: {  	s1 =	sld [smem:$0x734]  }
0x6e3: {  	[tilespmem:s0], [sflag:$0x1] =	stream.linear.gather [hbm4b:s8+s2], $0x80, $0x38;
	[tilespmem:$0x8000] =	vst v63  }
0x6e4: {  	s0 =	sld [smem:$0x735]  }
0x6e5: {  	[tilespmem:s1], [sflag:$0x1] =	stream.linear.gather [hbm4b:s9+s2], $0x80, $0x38;
	[tilespmem:$0x8000] =	vst v63  }
0x6e6: {  	s1 =	sld [smem:$0x736]  }
0x6e7: {  	[tilespmem:s0], [sflag:$0x1] =	stream.linear.gather [hbm4b:s10+s2], $0x80, $0x38;
	[tilespmem:$0x8000] =	vst v63  }
0x6e8: {  	s0 =	sld [smem:$0x737]  }
0x6e9: {  	[tilespmem:s1], [sflag:$0x1] =	stream.linear.gather [hbm4b:s11+s2], $0x80, $0x38;
	[tilespmem:$0x8000] =	vst v63  }
0x6ea: {  	s1 =	sld [smem:$0x738]  }
0x6eb: {  	[tilespmem:s0], [sflag:$0x1] =	stream.linear.gather [hbm4b:s12+s2], $0x80, $0x38;
	[tilespmem:$0x8000] =	vst v63  }
0x6ec: {  	s0 =	sld [smem:$0x739]  }
0x6ed: {  	[tilespmem:s1], [sflag:$0x1] =	stream.linear.gather [hbm4b:s3+s2], $0x80, $0x38;
	[tilespmem:$0x8000] =	vst v63  }
0x6ee: {  	s1 =	sld [smem:$0x73A]  }
0x6ef: {  	[tilespmem:s0], [sflag:$0x1] =	stream.linear.gather [hbm4b:s6+s2], $0x80, $0x38;
	[tilespmem:$0x8000] =	vst v63  }
0x6f0: {  	s0 =	sld [smem:$0x73B]  }
0x6f1: {  	[tilespmem:s1], [sflag:$0x1] =	stream.linear.gather [hbm4b:s7+s2], $0x80, $0x38;
	[tilespmem:$0x8000] =	vst v63  }
0x6f2: {  	s1 =	sld [smem:$0x73C]  }
0x6f3: {  	[tilespmem:s0], [sflag:$0x1] =	stream.linear.gather [hbm4b:s8+s2], $0x80, $0x38;
	[tilespmem:$0x8000] =	vst v63  }
0x6f4: {  	s0 =	sld [smem:$0x73D]  }
0x6f5: {  	[tilespmem:s1], [sflag:$0x1] =	stream.linear.gather [hbm4b:s9+s2], $0x80, $0x38;
	[tilespmem:$0x8000] =	vst v63  }
0x6f6: {  	s1 =	sld [smem:$0x73E]  }
0x6f7: {  	[tilespmem:s0], [sflag:$0x1] =	stream.linear.gather [hbm4b:s10+s2], $0x80, $0x38;
	[tilespmem:$0x8000] =	vst v63  }
0x6f8: {  	s0 =	sld [smem:$0x73F]  }
0x6f9: {  	[tilespmem:s1], [sflag:$0x1] =	stream.linear.gather [hbm4b:s11+s2], $0x80, $0x38;
	[tilespmem:$0x8000] =	vst v63  }
0x6fa: {  	s1 =	sld [smem:$0x740]  }
0x6fb: {  	[tilespmem:s0], [sflag:$0x1] =	stream.linear.gather [hbm4b:s12+s2], $0x80, $0x38;
	[tilespmem:$0x8000] =	vst v63  }
0x6fc: {  	s0 =	sld [smem:$0x741]  }
0x6fd: {  	[tilespmem:s1], [sflag:$0x1] =	stream.linear.gather [hbm4b:s3+s2], $0x80, $0x38;
	[tilespmem:$0x8000] =	vst v63  }
0x6fe: {  	s1 =	sld [smem:$0x742]  }
0x6ff: {  	[tilespmem:s0], [sflag:$0x1] =	stream.linear.gather [hbm4b:s6+s2], $0x80, $0x38;
	[tilespmem:$0x8000] =	vst v63  }
0x700: {  	s0 =	sld [smem:$0x743]  }
0x701: {  	[tilespmem:s1], [sflag:$0x1] =	stream.linear.gather [hbm4b:s7+s2], $0x80, $0x38;
	[tilespmem:$0x8000] =	vst v63  }
0x702: {  	s1 =	sld [smem:$0x744]  }
0x703: {  	[tilespmem:s0], [sflag:$0x1] =	stream.linear.gather [hbm4b:s8+s2], $0x80, $0x38;
	[tilespmem:$0x8000] =	vst v63  }
0x704: {  	s0 =	sld [smem:$0x745]  }
0x705: {  	[tilespmem:s1], [sflag:$0x1] =	stream.linear.gather [hbm4b:s9+s2], $0x80, $0x38;
	[tilespmem:$0x8000] =	vst v63  }
0x706: {  	s1 =	sld [smem:$0x746]  }
0x707: {  	[tilespmem:s0], [sflag:$0x1] =	stream.linear.gather [hbm4b:s10+s2], $0x80, $0x38;
	[tilespmem:$0x8000] =	vst v63  }
0x708: {  	s0 =	sld [smem:$0x747]  }
0x709: {  	[tilespmem:s1], [sflag:$0x1] =	stream.linear.gather [hbm4b:s11+s2], $0x80, $0x38;
	[tilespmem:$0x8000] =	vst v63  }
0x70a: {  	s1 =	sld [smem:$0x748]  }
0x70b: {  	[tilespmem:s0], [sflag:$0x1] =	stream.linear.gather [hbm4b:s12+s2], $0x80, $0x38;
	[tilespmem:$0x8000] =	vst v63  }
0x70c: {  	s0 =	sld [smem:$0x749]  }
0x70d: {  	[tilespmem:s1], [sflag:$0x1] =	stream.linear.gather [hbm4b:s3+s2], $0x80, $0x38;
	[tilespmem:$0x8000] =	vst v63  }
0x70e: {  	s1 =	sld [smem:$0x74A]  }
0x70f: {  	[tilespmem:s0], [sflag:$0x1] =	stream.linear.gather [hbm4b:s6+s2], $0x80, $0x38;
	[tilespmem:$0x8000] =	vst v63  }
0x710: {  	s0 =	sld [smem:$0x74B]  }
0x711: {  	[tilespmem:s1], [sflag:$0x1] =	stream.linear.gather [hbm4b:s7+s2], $0x80, $0x38;
	[tilespmem:$0x8000] =	vst v63  }
0x712: {  	s1 =	sld [smem:$0x74C]  }
0x713: {  	[tilespmem:s0], [sflag:$0x1] =	stream.linear.gather [hbm4b:s8+s2], $0x80, $0x38;
	[tilespmem:$0x8000] =	vst v63  }
0x714: {  	s0 =	sld [smem:$0x74D]  }
0x715: {  	[tilespmem:s1], [sflag:$0x1] =	stream.linear.gather [hbm4b:s9+s2], $0x80, $0x38;
	[tilespmem:$0x8000] =	vst v63  }
0x716: {  	s1 =	sld [smem:$0x74E]  }
0x717: {  	[tilespmem:s0], [sflag:$0x1] =	stream.linear.gather [hbm4b:s10+s2], $0x80, $0x38;
	[tilespmem:$0x8000] =	vst v63  }
0x718: {  	s0 =	sld [smem:$0x74F]  }
0x719: {  	[tilespmem:s1], [sflag:$0x1] =	stream.linear.gather [hbm4b:s11+s2], $0x80, $0x38;
	[tilespmem:$0x8000] =	vst v63  }
0x71a: {  	s1 =	sld [smem:$0x750]  }
0x71b: {  	[tilespmem:s0], [sflag:$0x1] =	stream.linear.gather [hbm4b:s12+s2], $0x80, $0x38;
	[tilespmem:$0x8000] =	vst v63  }
0x71c: {  	s0 =	sld [smem:$0x751]  }
0x71d: {  	[tilespmem:s1], [sflag:$0x1] =	stream.linear.gather [hbm4b:s3+s2], $0x80, $0x38;
	[tilespmem:$0x8000] =	vst v63  }
0x71e: {  	s1 =	sld [smem:$0x752]  }
0x71f: {  	[tilespmem:s0], [sflag:$0x1] =	stream.linear.gather [hbm4b:s6+s2], $0x80, $0x38;
	[tilespmem:$0x8000] =	vst v63  }
0x720: {  	s0 =	sld [smem:$0x753]  }
0x721: {  	[tilespmem:s1], [sflag:$0x1] =	stream.linear.gather [hbm4b:s7+s2], $0x80, $0x38;
	[tilespmem:$0x8000] =	vst v63  }
0x722: {  	s1 =	sld [smem:$0x754]  }
0x723: {  	[tilespmem:s0], [sflag:$0x1] =	stream.linear.gather [hbm4b:s8+s2], $0x80, $0x38;
	[tilespmem:$0x8000] =	vst v63  }
0x724: {  	s0 =	sld [smem:$0x755]  }
0x725: {  	[tilespmem:s1], [sflag:$0x1] =	stream.linear.gather [hbm4b:s9+s2], $0x80, $0x38;
	[tilespmem:$0x8000] =	vst v63  }
0x726: {  	s1 =	sld [smem:$0x756]  }
0x727: {  	[tilespmem:s0], [sflag:$0x1] =	stream.linear.gather [hbm4b:s10+s2], $0x80, $0x38;
	[tilespmem:$0x8000] =	vst v63  }
0x728: {  	s0 =	sld [smem:$0x757]  }
0x729: {  	[tilespmem:s1], [sflag:$0x1] =	stream.linear.gather [hbm4b:s11+s2], $0x80, $0x38;
	[tilespmem:$0x8000] =	vst v63  }
0x72a: {  	s1 =	sld [smem:$0x758]  }
0x72b: {  	[tilespmem:s0], [sflag:$0x1] =	stream.linear.gather [hbm4b:s12+s2], $0x80, $0x38;
	[tilespmem:$0x8000] =	vst v63  }
0x72c: {  	s0 =	sld [smem:$0x759]  }
0x72d: {  	[tilespmem:s1], [sflag:$0x1] =	stream.linear.gather [hbm4b:s3+s2], $0x80, $0x38;
	[tilespmem:$0x8000] =	vst v63  }
0x72e: {  	s1 =	sld [smem:$0x75A]  }
0x72f: {  	[tilespmem:s0], [sflag:$0x1] =	stream.linear.gather [hbm4b:s6+s2], $0x80, $0x38;
	[tilespmem:$0x8000] =	vst v63  }
0x730: {  	s0 =	sld [smem:$0x75B]  }
0x731: {  	[tilespmem:s1], [sflag:$0x1] =	stream.linear.gather [hbm4b:s7+s2], $0x80, $0x38;
	[tilespmem:$0x8000] =	vst v63  }
0x732: {  	s1 =	sld [smem:$0x75C]  }
0x733: {  	[tilespmem:s0], [sflag:$0x1] =	stream.linear.gather [hbm4b:s8+s2], $0x80, $0x38;
	[tilespmem:$0x8000] =	vst v63  }
0x734: {  	s0 =	sld [smem:$0x75D]  }
0x735: {  	[tilespmem:s1], [sflag:$0x1] =	stream.linear.gather [hbm4b:s9+s2], $0x80, $0x38;
	[tilespmem:$0x8000] =	vst v63  }
0x736: {  	s1 =	sld [smem:$0x75E]  }
0x737: {  	[tilespmem:s0], [sflag:$0x1] =	stream.linear.gather [hbm4b:s10+s2], $0x80, $0x38;
	[tilespmem:$0x8000] =	vst v63  }
0x738: {  	s0 =	sld [smem:$0x75F]  }
0x739: {  	[tilespmem:s1], [sflag:$0x1] =	stream.linear.gather [hbm4b:s11+s2], $0x80, $0x38;
	[tilespmem:$0x8000] =	vst v63  }
0x73a: {  	s1 =	sld [smem:$0x760]  }
0x73b: {  	[tilespmem:s0], [sflag:$0x1] =	stream.linear.gather [hbm4b:s12+s2], $0x80, $0x38;
	[tilespmem:$0x8000] =	vst v63  }
0x73c: {  	s0 =	sld [smem:$0x761]  }
0x73d: {  	[tilespmem:s1], [sflag:$0x1] =	stream.linear.gather [hbm4b:s3+s2], $0x80, $0x38;
	[tilespmem:$0x8000] =	vst v63  }
0x73e: {  	s1 =	sld [smem:$0x762]  }
0x73f: {  	[tilespmem:s0], [sflag:$0x1] =	stream.linear.gather [hbm4b:s6+s2], $0x80, $0x38;
	[tilespmem:$0x8000] =	vst v63  }
0x740: {  	s0 =	sld [smem:$0x763]  }
0x741: {  	[tilespmem:s1], [sflag:$0x1] =	stream.linear.gather [hbm4b:s7+s2], $0x80, $0x38;
	[tilespmem:$0x8000] =	vst v63  }
0x742: {  	s1 =	sld [smem:$0x764]  }
0x743: {  	[tilespmem:s0], [sflag:$0x1] =	stream.linear.gather [hbm4b:s8+s2], $0x80, $0x38;
	[tilespmem:$0x8000] =	vst v63  }
0x744: {  	s0 =	sld [smem:$0x765]  }
0x745: {  	[tilespmem:s1], [sflag:$0x1] =	stream.linear.gather [hbm4b:s9+s2], $0x80, $0x38;
	[tilespmem:$0x8000] =	vst v63  }
0x746: {  	s1 =	sld [smem:$0x766]  }
0x747: {  	[tilespmem:s0], [sflag:$0x1] =	stream.linear.gather [hbm4b:s10+s2], $0x80, $0x38;
	[tilespmem:$0x8000] =	vst v63  }
0x748: {  	s0 =	sld [smem:$0x767]  }
0x749: {  	[tilespmem:s1], [sflag:$0x1] =	stream.linear.gather [hbm4b:s11+s2], $0x80, $0x38;
	[tilespmem:$0x8000] =	vst v63  }
0x74a: {  	s1 =	sld [smem:$0x768]  }
0x74b: {  	[tilespmem:s0], [sflag:$0x1] =	stream.linear.gather [hbm4b:s12+s2], $0x80, $0x38;
	[tilespmem:$0x8000] =	vst v63  }
0x74c: {  	s0 =	sld [smem:$0x769]  }
0x74d: {  	[tilespmem:s1], [sflag:$0x1] =	stream.linear.gather [hbm4b:s3+s2], $0x80, $0x38;
	[tilespmem:$0x8000] =	vst v63  }
0x74e: {  	s1 =	sld [smem:$0x76A]  }
0x74f: {  	[tilespmem:s0], [sflag:$0x1] =	stream.linear.gather [hbm4b:s6+s2], $0x80, $0x38;
	[tilespmem:$0x8000] =	vst v63  }
0x750: {  	s0 =	sld [smem:$0x76B]  }
0x751: {  	[tilespmem:s1], [sflag:$0x1] =	stream.linear.gather [hbm4b:s7+s2], $0x80, $0x38;
	[tilespmem:$0x8000] =	vst v63  }
0x752: {  	s1 =	sld [smem:$0x76C]  }
0x753: {  	[tilespmem:s0], [sflag:$0x1] =	stream.linear.gather [hbm4b:s8+s2], $0x80, $0x38;
	[tilespmem:$0x8000] =	vst v63  }
0x754: {  	s0 =	sld [smem:$0x76D]  }
0x755: {  	[tilespmem:s1], [sflag:$0x1] =	stream.linear.gather [hbm4b:s9+s2], $0x80, $0x38;
	[tilespmem:$0x8000] =	vst v63  }
0x756: {  	s1 =	sld [smem:$0x76E]  }
0x757: {  	[tilespmem:s0], [sflag:$0x1] =	stream.linear.gather [hbm4b:s10+s2], $0x80, $0x38;
	[tilespmem:$0x8000] =	vst v63  }
0x758: {  	s0 =	sld [smem:$0x76F]  }
0x759: {  	[tilespmem:s1], [sflag:$0x1] =	stream.linear.gather [hbm4b:s11+s2], $0x80, $0x38;
	[tilespmem:$0x8000] =	vst v63  }
0x75a: {  	s1 =	sld [smem:$0x770]  }
0x75b: {  	[tilespmem:s0], [sflag:$0x1] =	stream.linear.gather [hbm4b:s12+s2], $0x80, $0x38;
	[tilespmem:$0x8000] =	vst v63  }
0x75c: {  	s0 =	sld [smem:$0x771]  }
0x75d: {  	[tilespmem:s1], [sflag:$0x1] =	stream.linear.gather [hbm4b:s3+s2], $0x80, $0x38;
	[tilespmem:$0x8000] =	vst v63  }
0x75e: {  	s1 =	sld [smem:$0x772]  }
0x75f: {  	[tilespmem:s0], [sflag:$0x1] =	stream.linear.gather [hbm4b:s6+s2], $0x80, $0x38;
	[tilespmem:$0x8000] =	vst v63  }
0x760: {  	s0 =	sld [smem:$0x773]  }
0x761: {  	[tilespmem:s1], [sflag:$0x1] =	stream.linear.gather [hbm4b:s7+s2], $0x80, $0x38;
	[tilespmem:$0x8000] =	vst v63  }
0x762: {  	s1 =	sld [smem:$0x774]  }
0x763: {  	[tilespmem:s0], [sflag:$0x1] =	stream.linear.gather [hbm4b:s8+s2], $0x80, $0x38;
	[tilespmem:$0x8000] =	vst v63  }
0x764: {  	s0 =	sld [smem:$0x775]  }
0x765: {  	[tilespmem:s1], [sflag:$0x1] =	stream.linear.gather [hbm4b:s9+s2], $0x80, $0x38;
	[tilespmem:$0x8000] =	vst v63  }
0x766: {  	s1 =	sld [smem:$0x776]  }
0x767: {  	[tilespmem:s0], [sflag:$0x1] =	stream.linear.gather [hbm4b:s10+s2], $0x80, $0x38;
	[tilespmem:$0x8000] =	vst v63  }
0x768: {  	s0 =	sld [smem:$0x777]  }
0x769: {  	[tilespmem:s1], [sflag:$0x1] =	stream.linear.gather [hbm4b:s11+s2], $0x80, $0x38;
	[tilespmem:$0x8000] =	vst v63  }
0x76a: {  	s1 =	sld [smem:$0x778]  }
0x76b: {  	[tilespmem:s0], [sflag:$0x1] =	stream.linear.gather [hbm4b:s12+s2], $0x80, $0x38;
	[tilespmem:$0x8000] =	vst v63  }
0x76c: {  	s0 =	sld [smem:$0x779]  }
0x76d: {  	[tilespmem:s1], [sflag:$0x1] =	stream.linear.gather [hbm4b:s3+s2], $0x80, $0x38;
	[tilespmem:$0x8000] =	vst v63  }
0x76e: {  	s1 =	sld [smem:$0x77A]  }
0x76f: {  	[tilespmem:s0], [sflag:$0x1] =	stream.linear.gather [hbm4b:s6+s2], $0x80, $0x38;
	[tilespmem:$0x8000] =	vst v63  }
0x770: {  	s0 =	sld [smem:$0x77B]  }
0x771: {  	[tilespmem:s1], [sflag:$0x1] =	stream.linear.gather [hbm4b:s7+s2], $0x80, $0x38;
	[tilespmem:$0x8000] =	vst v63  }
0x772: {  	s1 =	sld [smem:$0x77C]  }
0x773: {  	[tilespmem:s0], [sflag:$0x1] =	stream.linear.gather [hbm4b:s8+s2], $0x80, $0x38;
	[tilespmem:$0x8000] =	vst v63  }
0x774: {  	s0 =	sld [smem:$0x77D]  }
0x775: {  	[tilespmem:s1], [sflag:$0x1] =	stream.linear.gather [hbm4b:s9+s2], $0x80, $0x38;
	[tilespmem:$0x8000] =	vst v63  }
0x776: {  	s1 =	sld [smem:$0x77E]  }
0x777: {  	[tilespmem:s0], [sflag:$0x1] =	stream.linear.gather [hbm4b:s10+s2], $0x80, $0x38;
	[tilespmem:$0x8000] =	vst v63  }
0x778: {  	s0 =	sld [smem:$0x77F]  }
0x779: {  	[tilespmem:s1], [sflag:$0x1] =	stream.linear.gather [hbm4b:s11+s2], $0x80, $0x38;
	[tilespmem:$0x8000] =	vst v63  }
0x77a: {  	s1 =	sld [smem:$0x780]  }
0x77b: {  	[tilespmem:s0], [sflag:$0x1] =	stream.linear.gather [hbm4b:s12+s2], $0x80, $0x38;
	[tilespmem:$0x8000] =	vst v63  }
0x77c: {  	s0 =	sld [smem:$0x781]  }
0x77d: {  	[tilespmem:s1], [sflag:$0x1] =	stream.linear.gather [hbm4b:s3+s2], $0x80, $0x38;
	[tilespmem:$0x8000] =	vst v63  }
0x77e: {  	s1 =	sld [smem:$0x782]  }
0x77f: {  	[tilespmem:s0], [sflag:$0x1] =	stream.linear.gather [hbm4b:s6+s2], $0x80, $0x38;
	[tilespmem:$0x8000] =	vst v63  }
0x780: {  	s0 =	sld [smem:$0x783]  }
0x781: {  	[tilespmem:s1], [sflag:$0x1] =	stream.linear.gather [hbm4b:s7+s2], $0x80, $0x38;
	[tilespmem:$0x8000] =	vst v63  }
0x782: {  	s1 =	sld [smem:$0x784]  }
0x783: {  	[tilespmem:s0], [sflag:$0x1] =	stream.linear.gather [hbm4b:s8+s2], $0x80, $0x38;
	[tilespmem:$0x8000] =	vst v63  }
0x784: {  	s0 =	sld [smem:$0x785]  }
0x785: {  	[tilespmem:s1], [sflag:$0x1] =	stream.linear.gather [hbm4b:s9+s2], $0x80, $0x38;
	[tilespmem:$0x8000] =	vst v63  }
0x786: {  	s1 =	sld [smem:$0x786]  }
0x787: {  	[tilespmem:s0], [sflag:$0x1] =	stream.linear.gather [hbm4b:s10+s2], $0x80, $0x38;
	[tilespmem:$0x8000] =	vst v63  }
0x788: {  	s0 =	sld [smem:$0x787]  }
0x789: {  	[tilespmem:s1], [sflag:$0x1] =	stream.linear.gather [hbm4b:s11+s2], $0x80, $0x38;
	[tilespmem:$0x8000] =	vst v63  }
0x78a: {  	s1 =	sld [smem:$0x788]  }
0x78b: {  	[tilespmem:s0], [sflag:$0x1] =	stream.linear.gather [hbm4b:s12+s2], $0x80, $0x38;
	[tilespmem:$0x8000] =	vst v63  }
0x78c: {  	s0 =	sld [smem:$0x789]  }
0x78d: {  	[tilespmem:s1], [sflag:$0x1] =	stream.linear.gather [hbm4b:s3+s2], $0x80, $0x38;
	[tilespmem:$0x8000] =	vst v63  }
0x78e: {  	s1 =	sld [smem:$0x78A]  }
0x78f: {  	[tilespmem:s0], [sflag:$0x1] =	stream.linear.gather [hbm4b:s6+s2], $0x80, $0x38;
	[tilespmem:$0x8000] =	vst v63  }
0x790: {  	s0 =	sld [smem:$0x78B]  }
0x791: {  	[tilespmem:s1], [sflag:$0x1] =	stream.linear.gather [hbm4b:s7+s2], $0x80, $0x38;
	[tilespmem:$0x8000] =	vst v63  }
0x792: {  	s1 =	sld [smem:$0x78C]  }
0x793: {  	[tilespmem:s0], [sflag:$0x1] =	stream.linear.gather [hbm4b:s8+s2], $0x80, $0x38;
	[tilespmem:$0x8000] =	vst v63  }
0x794: {  	s0 =	sld [smem:$0x78D]  }
0x795: {  	[tilespmem:s1], [sflag:$0x1] =	stream.linear.gather [hbm4b:s9+s2], $0x80, $0x38;
	[tilespmem:$0x8000] =	vst v63  }
0x796: {  	s1 =	sld [smem:$0x78E]  }
0x797: {  	[tilespmem:s0], [sflag:$0x1] =	stream.linear.gather [hbm4b:s10+s2], $0x80, $0x38;
	[tilespmem:$0x8000] =	vst v63  }
0x798: {  	s0 =	sld [smem:$0x78F]  }
0x799: {  	[tilespmem:s1], [sflag:$0x1] =	stream.linear.gather [hbm4b:s11+s2], $0x80, $0x38;
	[tilespmem:$0x8000] =	vst v63  }
0x79a: {  	s1 =	sld [smem:$0x790]  }
0x79b: {  	[tilespmem:s0], [sflag:$0x1] =	stream.linear.gather [hbm4b:s12+s2], $0x80, $0x38;
	[tilespmem:$0x8000] =	vst v63  }
0x79c: {  	s0 =	sld [smem:$0x791]  }
0x79d: {  	[tilespmem:s1], [sflag:$0x1] =	stream.linear.gather [hbm4b:s3+s2], $0x80, $0x38;
	[tilespmem:$0x8000] =	vst v63  }
0x79e: {  	s1 =	sld [smem:$0x792]  }
0x79f: {  	[tilespmem:s0], [sflag:$0x1] =	stream.linear.gather [hbm4b:s6+s2], $0x80, $0x38;
	[tilespmem:$0x8000] =	vst v63  }
0x7a0: {  	s0 =	sld [smem:$0x793]  }
0x7a1: {  	[tilespmem:s1], [sflag:$0x1] =	stream.linear.gather [hbm4b:s7+s2], $0x80, $0x38;
	[tilespmem:$0x8000] =	vst v63  }
0x7a2: {  	s1 =	sld [smem:$0x794]  }
0x7a3: {  	[tilespmem:s0], [sflag:$0x1] =	stream.linear.gather [hbm4b:s8+s2], $0x80, $0x38;
	[tilespmem:$0x8000] =	vst v63  }
0x7a4: {  	s0 =	sld [smem:$0x795]  }
0x7a5: {  	[tilespmem:s1], [sflag:$0x1] =	stream.linear.gather [hbm4b:s9+s2], $0x80, $0x38;
	[tilespmem:$0x8000] =	vst v63  }
0x7a6: {  	s1 =	sld [smem:$0x796]  }
0x7a7: {  	[tilespmem:s0], [sflag:$0x1] =	stream.linear.gather [hbm4b:s10+s2], $0x80, $0x38;
	[tilespmem:$0x8000] =	vst v63  }
0x7a8: {  	s0 =	sld [smem:$0x797]  }
0x7a9: {  	[tilespmem:s1], [sflag:$0x1] =	stream.linear.gather [hbm4b:s11+s2], $0x80, $0x38;
	[tilespmem:$0x8000] =	vst v63  }
0x7aa: {  	s1 =	sld [smem:$0x798]  }
0x7ab: {  	[tilespmem:s0], [sflag:$0x1] =	stream.linear.gather [hbm4b:s12+s2], $0x80, $0x38;
	[tilespmem:$0x8000] =	vst v63  }
0x7ac: {  	s0 =	sld [smem:$0x799]  }
0x7ad: {  	[tilespmem:s1], [sflag:$0x1] =	stream.linear.gather [hbm4b:s3+s2], $0x80, $0x38;
	[tilespmem:$0x8000] =	vst v63  }
0x7ae: {  	s1 =	sld [smem:$0x79A]  }
0x7af: {  	[tilespmem:s0], [sflag:$0x1] =	stream.linear.gather [hbm4b:s6+s2], $0x80, $0x38;
	[tilespmem:$0x8000] =	vst v63  }
0x7b0: {  	s0 =	sld [smem:$0x79B]  }
0x7b1: {  	[tilespmem:s1], [sflag:$0x1] =	stream.linear.gather [hbm4b:s7+s2], $0x80, $0x38;
	[tilespmem:$0x8000] =	vst v63  }
0x7b2: {  	s1 =	sld [smem:$0x79C]  }
0x7b3: {  	[tilespmem:s0], [sflag:$0x1] =	stream.linear.gather [hbm4b:s8+s2], $0x80, $0x38;
	[tilespmem:$0x8000] =	vst v63  }
0x7b4: {  	s0 =	sld [smem:$0x79D]  }
0x7b5: {  	[tilespmem:s1], [sflag:$0x1] =	stream.linear.gather [hbm4b:s9+s2], $0x80, $0x38;
	[tilespmem:$0x8000] =	vst v63  }
0x7b6: {  	s1 =	sld [smem:$0x79E]  }
0x7b7: {  	[tilespmem:s0], [sflag:$0x1] =	stream.linear.gather [hbm4b:s10+s2], $0x80, $0x38;
	[tilespmem:$0x8000] =	vst v63  }
0x7b8: {  	s0 =	sld [smem:$0x79F]  }
0x7b9: {  	[tilespmem:s1], [sflag:$0x1] =	stream.linear.gather [hbm4b:s11+s2], $0x80, $0x38;
	[tilespmem:$0x8000] =	vst v63  }
0x7ba: {  	s1 =	sld [smem:$0x7A0]  }
0x7bb: {  	[tilespmem:s0], [sflag:$0x1] =	stream.linear.gather [hbm4b:s12+s2], $0x80, $0x38;
	[tilespmem:$0x8000] =	vst v63  }
0x7bc: {  	s0 =	sld [smem:$0x7A1]  }
0x7bd: {  	[tilespmem:s1], [sflag:$0x1] =	stream.linear.gather [hbm4b:s3+s2], $0x80, $0x38;
	[tilespmem:$0x8000] =	vst v63  }
0x7be: {  	s1 =	sld [smem:$0x7A2]  }
0x7bf: {  	[tilespmem:s0], [sflag:$0x1] =	stream.linear.gather [hbm4b:s6+s2], $0x80, $0x38;
	[tilespmem:$0x8000] =	vst v63  }
0x7c0: {  	s0 =	sld [smem:$0x7A3]  }
0x7c1: {  	[tilespmem:s1], [sflag:$0x1] =	stream.linear.gather [hbm4b:s7+s2], $0x80, $0x38;
	[tilespmem:$0x8000] =	vst v63  }
0x7c2: {  	s1 =	sld [smem:$0x7A4]  }
0x7c3: {  	[tilespmem:s0], [sflag:$0x1] =	stream.linear.gather [hbm4b:s8+s2], $0x80, $0x38;
	[tilespmem:$0x8000] =	vst v63  }
0x7c4: {  	s0 =	sld [smem:$0x7A5]  }
0x7c5: {  	[tilespmem:s1], [sflag:$0x1] =	stream.linear.gather [hbm4b:s9+s2], $0x80, $0x38;
	[tilespmem:$0x8000] =	vst v63  }
0x7c6: {  	s1 =	sld [smem:$0x7A6]  }
0x7c7: {  	[tilespmem:s0], [sflag:$0x1] =	stream.linear.gather [hbm4b:s10+s2], $0x80, $0x38;
	[tilespmem:$0x8000] =	vst v63  }
0x7c8: {  	s0 =	sld [smem:$0x7A7]  }
0x7c9: {  	[tilespmem:s1], [sflag:$0x1] =	stream.linear.gather [hbm4b:s11+s2], $0x80, $0x38;
	[tilespmem:$0x8000] =	vst v63  }
0x7ca: {  	s1 =	sld [smem:$0x7A8]  }
0x7cb: {  	[tilespmem:s0], [sflag:$0x1] =	stream.linear.gather [hbm4b:s12+s2], $0x80, $0x38;
	[tilespmem:$0x8000] =	vst v63  }
0x7cc: {  	s0 =	sld [smem:$0x7A9]  }
0x7cd: {  	[tilespmem:s1], [sflag:$0x1] =	stream.linear.gather [hbm4b:s3+s2], $0x80, $0x38;
	[tilespmem:$0x8000] =	vst v63  }
0x7ce: {  	s1 =	sld [smem:$0x7AA]  }
0x7cf: {  	[tilespmem:s0], [sflag:$0x1] =	stream.linear.gather [hbm4b:s6+s2], $0x80, $0x38;
	[tilespmem:$0x8000] =	vst v63  }
0x7d0: {  	s0 =	sld [smem:$0x7AB]  }
0x7d1: {  	[tilespmem:s1], [sflag:$0x1] =	stream.linear.gather [hbm4b:s7+s2], $0x80, $0x38;
	[tilespmem:$0x8000] =	vst v63  }
0x7d2: {  	s1 =	sld [smem:$0x7AC]  }
0x7d3: {  	[tilespmem:s0], [sflag:$0x1] =	stream.linear.gather [hbm4b:s8+s2], $0x80, $0x38;
	[tilespmem:$0x8000] =	vst v63  }
0x7d4: {  	s0 =	sld [smem:$0x7AD]  }
0x7d5: {  	[tilespmem:s1], [sflag:$0x1] =	stream.linear.gather [hbm4b:s9+s2], $0x80, $0x38;
	[tilespmem:$0x8000] =	vst v63  }
0x7d6: {  	s1 =	sld [smem:$0x7AE]  }
0x7d7: {  	[tilespmem:s0], [sflag:$0x1] =	stream.linear.gather [hbm4b:s10+s2], $0x80, $0x38;
	[tilespmem:$0x8000] =	vst v63  }
0x7d8: {  	s0 =	sld [smem:$0x7AF]  }
0x7d9: {  	[tilespmem:s1], [sflag:$0x1] =	stream.linear.gather [hbm4b:s11+s2], $0x80, $0x38;
	[tilespmem:$0x8000] =	vst v63  }
0x7da: {  	s1 =	sld [smem:$0x7B0]  }
0x7db: {  	[tilespmem:s0], [sflag:$0x1] =	stream.linear.gather [hbm4b:s12+s2], $0x80, $0x38;
	[tilespmem:$0x8000] =	vst v63  }
0x7dc: {  	s0 =	sld [smem:$0x7B1]  }
0x7dd: {  	[tilespmem:s1], [sflag:$0x1] =	stream.linear.gather [hbm4b:s3+s2], $0x80, $0x38;
	[tilespmem:$0x8000] =	vst v63  }
0x7de: {  	s1 =	sld [smem:$0x7B2]  }
0x7df: {  	[tilespmem:s0], [sflag:$0x1] =	stream.linear.gather [hbm4b:s6+s2], $0x80, $0x38;
	[tilespmem:$0x8000] =	vst v63  }
0x7e0: {  	s0 =	sld [smem:$0x7B3]  }
0x7e1: {  	[tilespmem:s1], [sflag:$0x1] =	stream.linear.gather [hbm4b:s7+s2], $0x80, $0x38;
	[tilespmem:$0x8000] =	vst v63  }
0x7e2: {  	s1 =	sld [smem:$0x7B4]  }
0x7e3: {  	[tilespmem:s0], [sflag:$0x1] =	stream.linear.gather [hbm4b:s8+s2], $0x80, $0x38;
	[tilespmem:$0x8000] =	vst v63  }
0x7e4: {  	s0 =	sld [smem:$0x7B5]  }
0x7e5: {  	[tilespmem:s1], [sflag:$0x1] =	stream.linear.gather [hbm4b:s9+s2], $0x80, $0x38;
	[tilespmem:$0x8000] =	vst v63  }
0x7e6: {  	s1 =	sld [smem:$0x7B6]  }
0x7e7: {  	[tilespmem:s0], [sflag:$0x1] =	stream.linear.gather [hbm4b:s10+s2], $0x80, $0x38;
	[tilespmem:$0x8000] =	vst v63  }
0x7e8: {  	s0 =	sld [smem:$0x7B7]  }
0x7e9: {  	[tilespmem:s1], [sflag:$0x1] =	stream.linear.gather [hbm4b:s11+s2], $0x80, $0x38;
	[tilespmem:$0x8000] =	vst v63  }
0x7ea: {  	s1 =	sld [smem:$0x7B8]  }
0x7eb: {  	[tilespmem:s0], [sflag:$0x1] =	stream.linear.gather [hbm4b:s12+s2], $0x80, $0x38;
	[tilespmem:$0x8000] =	vst v63  }
0x7ec: {  	s0 =	sld [smem:$0x7B9]  }
0x7ed: {  	[tilespmem:s1], [sflag:$0x1] =	stream.linear.gather [hbm4b:s3+s2], $0x80, $0x38;
	[tilespmem:$0x8000] =	vst v63  }
0x7ee: {  	s1 =	sld [smem:$0x7BA]  }
0x7ef: {  	[tilespmem:s0], [sflag:$0x1] =	stream.linear.gather [hbm4b:s6+s2], $0x80, $0x38;
	[tilespmem:$0x8000] =	vst v63  }
0x7f0: {  	s0 =	sld [smem:$0x7BB]  }
0x7f1: {  	[tilespmem:s1], [sflag:$0x1] =	stream.linear.gather [hbm4b:s7+s2], $0x80, $0x38;
	[tilespmem:$0x8000] =	vst v63  }
0x7f2: {  	s1 =	sld [smem:$0x7BC]  }
0x7f3: {  	[tilespmem:s0], [sflag:$0x1] =	stream.linear.gather [hbm4b:s8+s2], $0x80, $0x38;
	[tilespmem:$0x8000] =	vst v63  }
0x7f4: {  	s0 =	sld [smem:$0x7BD]  }
0x7f5: {  	[tilespmem:s1], [sflag:$0x1] =	stream.linear.gather [hbm4b:s9+s2], $0x80, $0x38;
	[tilespmem:$0x8000] =	vst v63  }
0x7f6: {  	s1 =	sld [smem:$0x7BE]  }
0x7f7: {  	[tilespmem:s0], [sflag:$0x1] =	stream.linear.gather [hbm4b:s10+s2], $0x80, $0x38;
	[tilespmem:$0x8000] =	vst v63  }
0x7f8: {  	s0 =	sld [smem:$0x7BF]  }
0x7f9: {  	[tilespmem:s1], [sflag:$0x1] =	stream.linear.gather [hbm4b:s11+s2], $0x80, $0x38;
	[tilespmem:$0x8000] =	vst v63  }
0x7fa: {  	s1 =	sld [smem:$0x7C0]  }
0x7fb: {  	[tilespmem:s0], [sflag:$0x1] =	stream.linear.gather [hbm4b:s12+s2], $0x80, $0x38;
	[tilespmem:$0x8000] =	vst v63  }
0x7fc: {  	s0 =	sld [smem:$0x7C1]  }
0x7fd: {  	[tilespmem:s1], [sflag:$0x1] =	stream.linear.gather [hbm4b:s3+s2], $0x80, $0x38;
	[tilespmem:$0x8000] =	vst v63  }
0x7fe: {  	s1 =	sld [smem:$0x7C2]  }
0x7ff: {  	[tilespmem:s0], [sflag:$0x1] =	stream.linear.gather [hbm4b:s6+s2], $0x80, $0x38;
	[tilespmem:$0x8000] =	vst v63  }
0x800: {  	s0 =	sld [smem:$0x7C3]  }
0x801: {  	[tilespmem:s1], [sflag:$0x1] =	stream.linear.gather [hbm4b:s7+s2], $0x80, $0x38;
	[tilespmem:$0x8000] =	vst v63  }
0x802: {  	s1 =	sld [smem:$0x7C4]  }
0x803: {  	[tilespmem:s0], [sflag:$0x1] =	stream.linear.gather [hbm4b:s8+s2], $0x80, $0x38;
	[tilespmem:$0x8000] =	vst v63  }
0x804: {  	s0 =	sld [smem:$0x7C5]  }
0x805: {  	[tilespmem:s1], [sflag:$0x1] =	stream.linear.gather [hbm4b:s9+s2], $0x80, $0x38;
	[tilespmem:$0x8000] =	vst v63  }
0x806: {  	s1 =	sld [smem:$0x7C6]  }
0x807: {  	[tilespmem:s0], [sflag:$0x1] =	stream.linear.gather [hbm4b:s10+s2], $0x80, $0x38;
	[tilespmem:$0x8000] =	vst v63  }
0x808: {  	s0 =	sld [smem:$0x7C7]  }
0x809: {  	[tilespmem:s1], [sflag:$0x1] =	stream.linear.gather [hbm4b:s11+s2], $0x80, $0x38;
	[tilespmem:$0x8000] =	vst v63  }
0x80a: {  	s1 =	sld [smem:$0x7C8]  }
0x80b: {  	[tilespmem:s0], [sflag:$0x1] =	stream.linear.gather [hbm4b:s12+s2], $0x80, $0x38;
	[tilespmem:$0x8000] =	vst v63  }
0x80c: {  	s0 =	sld [smem:$0x7C9]  }
0x80d: {  	[tilespmem:s1], [sflag:$0x1] =	stream.linear.gather [hbm4b:s3+s2], $0x80, $0x38;
	[tilespmem:$0x8000] =	vst v63  }
0x80e: {  	s1 =	sld [smem:$0x7CA]  }
0x80f: {  	[tilespmem:s0], [sflag:$0x1] =	stream.linear.gather [hbm4b:s6+s2], $0x80, $0x38;
	[tilespmem:$0x8000] =	vst v63  }
0x810: {  	s0 =	sld [smem:$0x7CB]  }
0x811: {  	[tilespmem:s1], [sflag:$0x1] =	stream.linear.gather [hbm4b:s7+s2], $0x80, $0x38;
	[tilespmem:$0x8000] =	vst v63  }
0x812: {  	s1 =	sld [smem:$0x7CC]  }
0x813: {  	[tilespmem:s0], [sflag:$0x1] =	stream.linear.gather [hbm4b:s8+s2], $0x80, $0x38;
	[tilespmem:$0x8000] =	vst v63  }
0x814: {  	s0 =	sld [smem:$0x7CD]  }
0x815: {  	[tilespmem:s1], [sflag:$0x1] =	stream.linear.gather [hbm4b:s9+s2], $0x80, $0x38;
	[tilespmem:$0x8000] =	vst v63  }
0x816: {  	s1 =	sld [smem:$0x7CE]  }
0x817: {  	[tilespmem:s0], [sflag:$0x1] =	stream.linear.gather [hbm4b:s10+s2], $0x80, $0x38;
	[tilespmem:$0x8000] =	vst v63  }
0x818: {  	s0 =	sld [smem:$0x7CF]  }
0x819: {  	[tilespmem:s1], [sflag:$0x1] =	stream.linear.gather [hbm4b:s11+s2], $0x80, $0x38;
	[tilespmem:$0x8000] =	vst v63  }
0x81a: {  	s1 =	sld [smem:$0x7D0]  }
0x81b: {  	[tilespmem:s0], [sflag:$0x1] =	stream.linear.gather [hbm4b:s12+s2], $0x80, $0x38;
	[tilespmem:$0x8000] =	vst v63  }
0x81c: {  	s0 =	sld [smem:$0x7D1]  }
0x81d: {  	[tilespmem:s1], [sflag:$0x1] =	stream.linear.gather [hbm4b:s3+s2], $0x80, $0x38;
	[tilespmem:$0x8000] =	vst v63  }
0x81e: {  	s1 =	sld [smem:$0x7D2]  }
0x81f: {  	[tilespmem:s0], [sflag:$0x1] =	stream.linear.gather [hbm4b:s6+s2], $0x80, $0x38;
	[tilespmem:$0x8000] =	vst v63  }
0x820: {  	s0 =	sld [smem:$0x7D3]  }
0x821: {  	[tilespmem:s1], [sflag:$0x1] =	stream.linear.gather [hbm4b:s7+s2], $0x80, $0x38;
	[tilespmem:$0x8000] =	vst v63  }
0x822: {  	s1 =	sld [smem:$0x7D4]  }
0x823: {  	[tilespmem:s0], [sflag:$0x1] =	stream.linear.gather [hbm4b:s8+s2], $0x80, $0x38;
	[tilespmem:$0x8000] =	vst v63  }
0x824: {  	s0 =	sld [smem:$0x7D5]  }
0x825: {  	[tilespmem:s1], [sflag:$0x1] =	stream.linear.gather [hbm4b:s9+s2], $0x80, $0x38;
	[tilespmem:$0x8000] =	vst v63  }
0x826: {  	s1 =	sld [smem:$0x7D6]  }
0x827: {  	[tilespmem:s0], [sflag:$0x1] =	stream.linear.gather [hbm4b:s10+s2], $0x80, $0x38;
	[tilespmem:$0x8000] =	vst v63  }
0x828: {  	s0 =	sld [smem:$0x7D7]  }
0x829: {  	[tilespmem:s1], [sflag:$0x1] =	stream.linear.gather [hbm4b:s11+s2], $0x80, $0x38;
	[tilespmem:$0x8000] =	vst v63  }
0x82a: {  	s1 =	sld [smem:$0x7D8]  }
0x82b: {  	[tilespmem:s0], [sflag:$0x1] =	stream.linear.gather [hbm4b:s12+s2], $0x80, $0x38;
	[tilespmem:$0x8000] =	vst v63  }
0x82c: {  	s0 =	sld [smem:$0x7D9]  }
0x82d: {  	[tilespmem:s1], [sflag:$0x1] =	stream.linear.gather [hbm4b:s3+s2], $0x80, $0x38;
	[tilespmem:$0x8000] =	vst v63  }
0x82e: {  	s1 =	sld [smem:$0x7DA]  }
0x82f: {  	[tilespmem:s0], [sflag:$0x1] =	stream.linear.gather [hbm4b:s6+s2], $0x80, $0x38;
	[tilespmem:$0x8000] =	vst v63  }
0x830: {  	s0 =	sld [smem:$0x7DB]  }
0x831: {  	[tilespmem:s1], [sflag:$0x1] =	stream.linear.gather [hbm4b:s7+s2], $0x80, $0x38;
	[tilespmem:$0x8000] =	vst v63  }
0x832: {  	s1 =	sld [smem:$0x7DC]  }
0x833: {  	[tilespmem:s0], [sflag:$0x1] =	stream.linear.gather [hbm4b:s8+s2], $0x80, $0x38;
	[tilespmem:$0x8000] =	vst v63  }
0x834: {  	s0 =	sld [smem:$0x7DD]  }
0x835: {  	[tilespmem:s1], [sflag:$0x1] =	stream.linear.gather [hbm4b:s9+s2], $0x80, $0x38;
	[tilespmem:$0x8000] =	vst v63  }
0x836: {  	s1 =	sld [smem:$0x7DE]  }
0x837: {  	[tilespmem:s0], [sflag:$0x1] =	stream.linear.gather [hbm4b:s10+s2], $0x80, $0x38;
	[tilespmem:$0x8000] =	vst v63  }
0x838: {  	s0 =	sld [smem:$0x7DF]  }
0x839: {  	[tilespmem:s1], [sflag:$0x1] =	stream.linear.gather [hbm4b:s11+s2], $0x80, $0x38;
	[tilespmem:$0x8000] =	vst v63  }
0x83a: {  	s1 =	sld [smem:$0x7E0]  }
0x83b: {  	[tilespmem:s0], [sflag:$0x1] =	stream.linear.gather [hbm4b:s12+s2], $0x80, $0x38;
	[tilespmem:$0x8000] =	vst v63  }
0x83c: {  	s0 =	sld [smem:$0x7E1]  }
0x83d: {  	[tilespmem:s1], [sflag:$0x1] =	stream.linear.gather [hbm4b:s3+s2], $0x80, $0x38;
	[tilespmem:$0x8000] =	vst v63  }
0x83e: {  	s1 =	sld [smem:$0x7E2]  }
0x83f: {  	[tilespmem:s0], [sflag:$0x1] =	stream.linear.gather [hbm4b:s6+s2], $0x80, $0x38;
	[tilespmem:$0x8000] =	vst v63  }
0x840: {  	s0 =	sld [smem:$0x7E3]  }
0x841: {  	[tilespmem:s1], [sflag:$0x1] =	stream.linear.gather [hbm4b:s7+s2], $0x80, $0x38;
	[tilespmem:$0x8000] =	vst v63  }
0x842: {  	s1 =	sld [smem:$0x7E4]  }
0x843: {  	[tilespmem:s0], [sflag:$0x1] =	stream.linear.gather [hbm4b:s8+s2], $0x80, $0x38;
	[tilespmem:$0x8000] =	vst v63  }
0x844: {  	s0 =	sld [smem:$0x7E5]  }
0x845: {  	[tilespmem:s1], [sflag:$0x1] =	stream.linear.gather [hbm4b:s9+s2], $0x80, $0x38;
	[tilespmem:$0x8000] =	vst v63  }
0x846: {  	s1 =	sld [smem:$0x7E6]  }
0x847: {  	[tilespmem:s0], [sflag:$0x1] =	stream.linear.gather [hbm4b:s10+s2], $0x80, $0x38;
	[tilespmem:$0x8000] =	vst v63  }
0x848: {  	s0 =	sld [smem:$0x7E7]  }
0x849: {  	[tilespmem:s1], [sflag:$0x1] =	stream.linear.gather [hbm4b:s11+s2], $0x80, $0x38;
	[tilespmem:$0x8000] =	vst v63  }
0x84a: {  	s1 =	sld [smem:$0x7E8]  }
0x84b: {  	[tilespmem:s0], [sflag:$0x1] =	stream.linear.gather [hbm4b:s12+s2], $0x80, $0x38;
	[tilespmem:$0x8000] =	vst v63  }
0x84c: {  	s0 =	sld [smem:$0x7E9]  }
0x84d: {  	[tilespmem:s1], [sflag:$0x1] =	stream.linear.gather [hbm4b:s3+s2], $0x80, $0x38;
	[tilespmem:$0x8000] =	vst v63  }
0x84e: {  	s1 =	sld [smem:$0x7EA]  }
0x84f: {  	[tilespmem:s0], [sflag:$0x1] =	stream.linear.gather [hbm4b:s6+s2], $0x80, $0x38;
	[tilespmem:$0x8000] =	vst v63  }
0x850: {  	s0 =	sld [smem:$0x7EB]  }
0x851: {  	[tilespmem:s1], [sflag:$0x1] =	stream.linear.gather [hbm4b:s7+s2], $0x80, $0x38;
	[tilespmem:$0x8000] =	vst v63  }
0x852: {  	s1 =	sld [smem:$0x7EC]  }
0x853: {  	[tilespmem:s0], [sflag:$0x1] =	stream.linear.gather [hbm4b:s8+s2], $0x80, $0x38;
	[tilespmem:$0x8000] =	vst v63  }
0x854: {  	s0 =	sld [smem:$0x7ED]  }
0x855: {  	[tilespmem:s1], [sflag:$0x1] =	stream.linear.gather [hbm4b:s9+s2], $0x80, $0x38;
	[tilespmem:$0x8000] =	vst v63  }
0x856: {  	s1 =	sld [smem:$0x7EE]  }
0x857: {  	[tilespmem:s0], [sflag:$0x1] =	stream.linear.gather [hbm4b:s10+s2], $0x80, $0x38;
	[tilespmem:$0x8000] =	vst v63  }
0x858: {  	s0 =	sld [smem:$0x7EF]  }
0x859: {  	[tilespmem:s1], [sflag:$0x1] =	stream.linear.gather [hbm4b:s11+s2], $0x80, $0x38;
	[tilespmem:$0x8000] =	vst v63  }
0x85a: {  	s1 =	sld [smem:$0x7F0]  }
0x85b: {  	[tilespmem:s0], [sflag:$0x1] =	stream.linear.gather [hbm4b:s12+s2], $0x80, $0x38;
	[tilespmem:$0x8000] =	vst v63  }
0x85c: {  	s0 =	sld [smem:$0x7F1]  }
0x85d: {  	[tilespmem:s1], [sflag:$0x1] =	stream.linear.gather [hbm4b:s3+s2], $0x80, $0x38;
	[tilespmem:$0x8000] =	vst v63  }
0x85e: {  	s1 =	sld [smem:$0x7F2]  }
0x85f: {  	[tilespmem:s0], [sflag:$0x1] =	stream.linear.gather [hbm4b:s6+s2], $0x80, $0x38;
	[tilespmem:$0x8000] =	vst v63  }
0x860: {  	s0 =	sld [smem:$0x7F3]  }
0x861: {  	[tilespmem:s1], [sflag:$0x1] =	stream.linear.gather [hbm4b:s7+s2], $0x80, $0x38;
	[tilespmem:$0x8000] =	vst v63  }
0x862: {  	s1 =	sld [smem:$0x7F4]  }
0x863: {  	[tilespmem:s0], [sflag:$0x1] =	stream.linear.gather [hbm4b:s8+s2], $0x80, $0x38;
	[tilespmem:$0x8000] =	vst v63  }
0x864: {  	s0 =	sld [smem:$0x7F5]  }
0x865: {  	[tilespmem:s1], [sflag:$0x1] =	stream.linear.gather [hbm4b:s9+s2], $0x80, $0x38;
	[tilespmem:$0x8000] =	vst v63  }
0x866: {  	s1 =	sld [smem:$0x7F6]  }
0x867: {  	[tilespmem:s0], [sflag:$0x1] =	stream.linear.gather [hbm4b:s10+s2], $0x80, $0x38;
	[tilespmem:$0x8000] =	vst v63  }
0x868: {  	s0 =	sld [smem:$0x7F7]  }
0x869: {  	[tilespmem:s1], [sflag:$0x1] =	stream.linear.gather [hbm4b:s11+s2], $0x80, $0x38;
	[tilespmem:$0x8000] =	vst v63  }
0x86a: {  	s1 =	sld [smem:$0x7F8]  }
0x86b: {  	[tilespmem:s0], [sflag:$0x1] =	stream.linear.gather [hbm4b:s12+s2], $0x80, $0x38;
	[tilespmem:$0x8000] =	vst v63  }
0x86c: {  	s0 =	sld [smem:$0x7F9]  }
0x86d: {  	[tilespmem:s1], [sflag:$0x1] =	stream.linear.gather [hbm4b:s3+s2], $0x80, $0x38;
	[tilespmem:$0x8000] =	vst v63  }
0x86e: {  	s1 =	sld [smem:$0x7FA]  }
0x86f: {  	[tilespmem:s0], [sflag:$0x1] =	stream.linear.gather [hbm4b:s6+s2], $0x80, $0x38;
	[tilespmem:$0x8000] =	vst v63  }
0x870: {  	s0 =	sld [smem:$0x7FB]  }
0x871: {  	[tilespmem:s1], [sflag:$0x1] =	stream.linear.gather [hbm4b:s7+s2], $0x80, $0x38;
	[tilespmem:$0x8000] =	vst v63  }
0x872: {  	s1 =	sld [smem:$0x7FC]  }
0x873: {  	[tilespmem:s0], [sflag:$0x1] =	stream.linear.gather [hbm4b:s8+s2], $0x80, $0x38;
	[tilespmem:$0x8000] =	vst v63  }
0x874: {  	s0 =	sld [smem:$0x7FD]  }
0x875: {  	[tilespmem:s1], [sflag:$0x1] =	stream.linear.gather [hbm4b:s9+s2], $0x80, $0x38;
	[tilespmem:$0x8000] =	vst v63  }
0x876: {  	_ = 	snop  }
0x877: {  	[tilespmem:s0], [sflag:$0x1] =	stream.linear.gather [hbm4b:s10+s2], $0x80, $0x38;
	[tilespmem:$0x8000] =	vst v63  }
0x878: {  	s1 =	simm.s32 $0x7A80  }
0x879: {  	[tilespmem:s1], [sflag:$0x1] =	stream.linear.gather [hbm4b:s11+s2], $0x80, $0x38;
	[tilespmem:$0x8000] =	vst v63  }
0x87a: {  	_ = 	snop  }
0x87b: {  	[tilespmem:s14], [sflag:$0x1] =	stream.linear.gather [hbm4b:s12+s2], $0x80, $0x38;
	[tilespmem:$0x8000] =	vst v63  }
0x87c: {  	_ = 	snop  }
0x87d: {  	[tilespmem:s15], [sflag:$0x1] =	stream.linear.gather [hbm4b:s3+s2], $0x80, $0x38;
	[tilespmem:$0x8000] =	vst v63  }
0x87e: {  	_ = 	snop  }
0x87f: {  	[tilespmem:s16], [sflag:$0x1] =	stream.linear.gather [hbm4b:s6+s2], $0x80, $0x38;
	[tilespmem:$0x8000] =	vst v63  }
0x880: {  	_ = 	snop  }
0x881: {  	[tilespmem:s17], [sflag:$0x1] =	stream.linear.gather [hbm4b:s7+s2], $0x80, $0x38;
	[tilespmem:$0x8000] =	vst v63  }
0x882: {  	_ = 	snop  }
0x883: {  	[tilespmem:s18], [sflag:$0x1] =	stream.linear.gather [hbm4b:s8+s2], $0x80, $0x38;
	[tilespmem:$0x8000] =	vst v63  }
0x884: {  	_ = 	snop  }
0x885: {  	[tilespmem:s19], [sflag:$0x1] =	stream.linear.gather [hbm4b:s9+s2], $0x80, $0x38;
	[tilespmem:$0x8000] =	vst v63  }
0x886: {  	_ = 	snop  }
0x887: {  	[tilespmem:s20], [sflag:$0x1] =	stream.linear.gather [hbm4b:s10+s2], $0x80, $0x38;
	[tilespmem:$0x8000] =	vst v63  }
0x888: {  	_ = 	snop  }
0x889: {  	[tilespmem:s21], [sflag:$0x1] =	stream.linear.gather [hbm4b:s11+s2], $0x80, $0x38;
	[tilespmem:$0x8000] =	vst v63  }
0x88a: {  	_ = 	snop  }
0x88b: {  	[tilespmem:s22], [sflag:$0x1] =	stream.linear.gather [hbm4b:s12+s2], $0x80, $0x38;
	[tilespmem:$0x8000] =	vst v63  }
0x88c: {  	_ = 	snop  }
0x88d: {  	[tilespmem:s23], [sflag:$0x1] =	stream.linear.gather [hbm4b:s3+s2], $0x80, $0x38;
	[tilespmem:$0x8000] =	vst v63  }
0x88e: {  	_ = 	snop  }
0x88f: {  	[tilespmem:s24], [sflag:$0x1] =	stream.linear.gather [hbm4b:s6+s2], $0x80, $0x38;
	[tilespmem:$0x8000] =	vst v63  }
0x890: {  	_ = 	snop  }
0x891: {  	[tilespmem:s25], [sflag:$0x1] =	stream.linear.gather [hbm4b:s7+s2], $0x80, $0x38;
	[tilespmem:$0x8000] =	vst v63  }
0x892: {  	_ = 	snop  }
0x893: {  	[tilespmem:s26], [sflag:$0x1] =	stream.linear.gather [hbm4b:s8+s2], $0x80, $0x38;
	[tilespmem:$0x8000] =	vst v63  }
0x894: {  	_ = 	snop  }
0x895: {  	[tilespmem:s28], [sflag:$0x1] =	stream.linear.gather [hbm4b:s9+s2], $0x80, $0x38;
	[tilespmem:$0x8000] =	vst v63  }
0x896: {  	_ = 	snop  }
0x897: {  	[tilespmem:s29], [sflag:$0x1] =	stream.linear.gather [hbm4b:s10+s2], $0x80, $0x38;
	[tilespmem:$0x8000] =	vst v63  }
0x898: {  	_ = 	snop  }
0x899: {  	[tilespmem:s30], [sflag:$0x1] =	stream.linear.gather [hbm4b:s11+s2], $0x80, $0x38;
	[tilespmem:$0x8000] =	vst v63  }
0x89a: {  	_ = 	snop  }
0x89b: {  	[tilespmem:s31], [sflag:$0x1] =	stream.linear.gather [hbm4b:s12+s2], $0x80, $0x38;
	[tilespmem:$0x8000] =	vst v63  }
0x89c: {  	_ =	swait.ge [sflag:s5], $0x400  }
0x89d: {  	[sflag:s5] =	ssyncset.done $0x0  }
0x89e: {  	[sflag:s5] =	ssyncadd.s32 $0xFFFFFC00  }
0x89f: {  	_ =	swait.ge [sflag:s5], $0x400  }
0x8a0: {  	[sflag:s5] =	ssyncset.done $0x0  }
0x8a1: {  	[sflag:s5] =	ssyncadd.s32 $0xFFFFFC00  }
0x8a2: {  	_ =	swait.ge [sflag:s5], $0x400  }
0x8a3: {  	[sflag:s5] =	ssyncset.done $0x0  }
0x8a4: {  	[sflag:s5] =	ssyncadd.s32 $0xFFFFFC00  }
0x8a5: {  	_ =	swait.ge [sflag:s5], $0x400  }
0x8a6: {  	[sflag:s5] =	ssyncset.done $0x0  }
0x8a7: {  	[sflag:s5] =	ssyncadd.s32 $0xFFFFFC00  }
0x8a8: {  	_ =	swait.ge [sflag:s5], $0x400  }
0x8a9: {  	[sflag:s5] =	ssyncset.done $0x0  }
0x8aa: {  	[sflag:s5] =	ssyncadd.s32 $0xFFFFFC00  }
0x8ab: {  	_ =	swait.ge [sflag:s5], $0x400  }
0x8ac: {  	[sflag:s5] =	ssyncset.done $0x0  }
0x8ad: {  	[sflag:s5] =	ssyncadd.s32 $0xFFFFFC00  }
0x8ae: {  	_ =	swait.ge [sflag:s5], $0x400  }
0x8af: {  	[sflag:s5] =	ssyncset.done $0x0  }
0x8b0: {  	[sflag:s5] =	ssyncadd.s32 $0xFFFFFC00  }
0x8b1: {  	_ =	swait.ge [sflag:s5], $0x400  }
0x8b2: {  	[sflag:s5] =	ssyncset.done $0x0  }
0x8b3: {  	[sflag:s5] =	ssyncadd.s32 $0xFFFFFC00  }
0x8b4: {  	_ =	swait.ge [sflag:s5], $0x400  }
0x8b5: {  	[sflag:s5] =	ssyncset.done $0x0  }
0x8b6: {  	[sflag:s5] =	ssyncadd.s32 $0xFFFFFC00  }
0x8b7: {  	_ =	swait.ge [sflag:s5], $0x400  }
0x8b8: {  	[sflag:s5] =	ssyncset.done $0x0  }
0x8b9: {  	[sflag:s5] =	ssyncadd.s32 $0xFFFFFC00  }
0x8ba: {  	_ =	swait.ge [sflag:s5], $0x400  }
0x8bb: {  	[sflag:s5] =	ssyncset.done $0x0  }
0x8bc: {  	[sflag:s5] =	ssyncadd.s32 $0xFFFFFC00  }
0x8bd: {  	_ =	swait.ge [sflag:s5], $0x400  }
0x8be: {  	[sflag:s5] =	ssyncset.done $0x0  }
0x8bf: {  	[sflag:s5] =	ssyncadd.s32 $0xFFFFFC00  }
0x8c0: {  	_ =	swait.ge [sflag:s5], $0x400  }
0x8c1: {  	[sflag:s5] =	ssyncset.done $0x0  }
0x8c2: {  	[sflag:s5] =	ssyncadd.s32 $0xFFFFFC00  }
0x8c3: {  	_ =	swait.ge [sflag:s5], $0x400  }
0x8c4: {  	[sflag:s5] =	ssyncset.done $0x0  }
0x8c5: {  	[sflag:s5] =	ssyncadd.s32 $0xFFFFFC00  }
0x8c6: {  	_ =	swait.ge [sflag:s5], $0x400  }
0x8c7: {  	[sflag:s5] =	ssyncset.done $0x0  }
0x8c8: {  	[sflag:s5] =	ssyncadd.s32 $0xFFFFFC00  }
0x8c9: {  	_ =	swait.ge [sflag:s5], $0x400  }
0x8ca: {  	[sflag:s5] =	ssyncset.done $0x0  }
0x8cb: {  	[sflag:s5] =	ssyncadd.s32 $0xFFFFFC00  }
0x8cc: {  	_ =	swait.ge [sflag:s5], $0x400  }
0x8cd: {  	[sflag:s5] =	ssyncset.done $0x0  }
0x8ce: {  	[sflag:s5] =	ssyncadd.s32 $0xFFFFFC00  }
0x8cf: {  	_ =	swait.ge [sflag:s5], $0x400  }
0x8d0: {  	[sflag:s5] =	ssyncset.done $0x0  }
0x8d1: {  	[sflag:s5] =	ssyncadd.s32 $0xFFFFFC00  }
0x8d2: {  	_ =	swait.ge [sflag:s5], $0x400  }
0x8d3: {  	[sflag:s5] =	ssyncset.done $0x0  }
0x8d4: {  	[sflag:s5] =	ssyncadd.s32 $0xFFFFFC00  }
0x8d5: {  	_ =	swait.ge [sflag:s5], $0x400  }
0x8d6: {  	[sflag:s5] =	ssyncset.done $0x0  }
0x8d7: {  	[sflag:s5] =	ssyncadd.s32 $0xFFFFFC00  }
0x8d8: {  	_ =	swait.ge [sflag:s5], $0x400  }
0x8d9: {  	[sflag:s5] =	ssyncset.done $0x0  }
0x8da: {  	[sflag:s5] =	ssyncadd.s32 $0xFFFFFC00  }
0x8db: {  	_ =	swait.ge [sflag:s5], $0x400  }
0x8dc: {  	[sflag:s5] =	ssyncset.done $0x0  }
0x8dd: {  	[sflag:s5] =	ssyncadd.s32 $0xFFFFFC00  }
0x8de: {  	_ =	swait.ge [sflag:s5], $0x400  }
0x8df: {  	[sflag:s5] =	ssyncset.done $0x0  }
0x8e0: {  	[sflag:s5] =	ssyncadd.s32 $0xFFFFFC00  }
0x8e1: {  	_ =	swait.ge [sflag:s5], $0x400  }
0x8e2: {  	[sflag:s5] =	ssyncset.done $0x0  }
0x8e3: {  	[sflag:s5] =	ssyncadd.s32 $0xFFFFFC00  }
0x8e4: {  	_ =	swait.ge [sflag:s5], $0x400  }
0x8e5: {  	[sflag:s5] =	ssyncset.done $0x0  }
0x8e6: {  	[sflag:s5] =	ssyncadd.s32 $0xFFFFFC00  }
0x8e7: {  	_ =	swait.ge [sflag:s5], $0x400  }
0x8e8: {  	[sflag:s5] =	ssyncset.done $0x0  }
0x8e9: {  	[sflag:s5] =	ssyncadd.s32 $0xFFFFFC00  }
0x8ea: {  	_ =	swait.ge [sflag:s5], $0x400  }
0x8eb: {  	[sflag:s5] =	ssyncset.done $0x0  }
0x8ec: {  	[sflag:s5] =	ssyncadd.s32 $0xFFFFFC00  }
0x8ed: {  	_ =	swait.ge [sflag:s5], $0x400  }
0x8ee: {  	[sflag:s5] =	ssyncset.done $0x0  }
0x8ef: {  	[sflag:s5] =	ssyncadd.s32 $0xFFFFFC00  }
0x8f0: {  	_ =	swait.ge [sflag:s5], $0x400  }
0x8f1: {  	[sflag:s5] =	ssyncset.done $0x0  }
0x8f2: {  	[sflag:s5] =	ssyncadd.s32 $0xFFFFFC00  }
0x8f3: {  	_ =	swait.ge [sflag:s5], $0x400  }
0x8f4: {  	[sflag:s5] =	ssyncset.done $0x0  }
0x8f5: {  	[sflag:s5] =	ssyncadd.s32 $0xFFFFFC00  }
0x8f6: {  	_ =	swait.ge [sflag:s5], $0x400  }
0x8f7: {  	[sflag:s5] =	ssyncset.done $0x0  }
0x8f8: {  	[sflag:s5] =	ssyncadd.s32 $0xFFFFFC00  }
0x8f9: {  	_ =	swait.ge [sflag:s5], $0x400  }
0x8fa: {  	[sflag:s5] =	ssyncset.done $0x0  }
0x8fb: {  	s9 =	rddreg [dreg:$0x3];
	[sflag:s5] =	ssyncadd.s32 $0xFFFFFC00  }
0x8fc: {  	[hbm4b:s9+s2] =	stream.linear.scatter [tilespmem:s2], [sflag:$0x2], $0x8000, $0x38;
	[tilespmem:$0x8000] =	vst v63  }
0x8fd: {  	s10 =	rddreg [dreg:$0x4]  }
0x8fe: {  	[hbm4b:s10+s2] =	stream.linear.scatter [tilespmem:s2], [sflag:$0x2], $0x8000, $0x38;
	[tilespmem:$0x8000] =	vst v63  }
0x8ff: {  	s11 =	rddreg [dreg:$0x5]  }
0x900: {  	[hbm4b:s11+s2] =	stream.linear.scatter [tilespmem:s2], [sflag:$0x2], $0x8000, $0x38;
	[tilespmem:$0x8000] =	vst v63  }
0x901: {  	s12 =	rddreg [dreg:$0x6]  }
0x902: {  	[hbm4b:s12+s2] =	stream.linear.scatter [tilespmem:s2], [sflag:$0x2], $0x8000, $0x38;
	[tilespmem:$0x8000] =	vst v63  }
0x903: {  	s14 =	rddreg [dreg:$0x7]  }
0x904: {  	[hbm4b:s14+s2] =	stream.linear.scatter [tilespmem:s2], [sflag:$0x2], $0x8000, $0x38;
	[tilespmem:$0x8000] =	vst v63  }
0x905: {  	s15 =	rddreg [dreg:$0x8]  }
0x906: {  	[hbm4b:s15+s2] =	stream.linear.scatter [tilespmem:s2], [sflag:$0x2], $0x8000, $0x38;
	[tilespmem:$0x8000] =	vst v63  }
0x907: {  	s16 =	rddreg [dreg:$0x9]  }
0x908: {  	[hbm4b:s16+s2] =	stream.linear.scatter [tilespmem:s2], [sflag:$0x2], $0x8000, $0x38;
	[tilespmem:$0x8000] =	vst v63  }
0x909: {  	s17 =	rddreg [dreg:$0xa]  }
0x90a: {  	[hbm4b:s17+s2] =	stream.linear.scatter [tilespmem:s2], [sflag:$0x2], $0x8000, $0x38;
	[tilespmem:$0x8000] =	vst v63  }
0x90b: {  	s18 =	rddreg [dreg:$0xb]  }
0x90c: {  	[hbm4b:s18+s2] =	stream.linear.scatter [tilespmem:s2], [sflag:$0x2], $0x8000, $0x38;
	[tilespmem:$0x8000] =	vst v63  }
0x90d: {  	s19 =	rddreg [dreg:$0xc]  }
0x90e: {  	[hbm4b:s19+s2] =	stream.linear.scatter [tilespmem:s2], [sflag:$0x2], $0x8000, $0x38;
	[tilespmem:$0x8000] =	vst v63  }
0x90f: {  	s20 =	rddreg [dreg:$0xd]  }
0x910: {  	[hbm4b:s20+s2] =	stream.linear.scatter [tilespmem:s2], [sflag:$0x2], $0x8000, $0x38;
	[tilespmem:$0x8000] =	vst v63  }
0x911: {  	s21 =	rddreg [dreg:$0xe]  }
0x912: {  	[hbm4b:s21+s2] =	stream.linear.scatter [tilespmem:s2], [sflag:$0x2], $0x8000, $0x38;
	[tilespmem:$0x8000] =	vst v63  }
0x913: {  	s22 =	rddreg [dreg:$0xf]  }
0x914: {  	[hbm4b:s22+s2] =	stream.linear.scatter [tilespmem:s2], [sflag:$0x2], $0x8000, $0x38;
	[tilespmem:$0x8000] =	vst v63  }
0x915: {  	s23 =	rddreg [dreg:$0x10]  }
0x916: {  	[hbm4b:s23+s2] =	stream.linear.scatter [tilespmem:s2], [sflag:$0x2], $0x8000, $0x38;
	[tilespmem:$0x8000] =	vst v63  }
0x917: {  	s24 =	rddreg [dreg:$0x11]  }
0x918: {  	[hbm4b:s24+s2] =	stream.linear.scatter [tilespmem:s2], [sflag:$0x2], $0x8000, $0x38;
	[tilespmem:$0x8000] =	vst v63  }
0x919: {  	s25 =	rddreg [dreg:$0x12]  }
0x91a: {  	[hbm4b:s25+s2] =	stream.linear.scatter [tilespmem:s2], [sflag:$0x2], $0x8000, $0x38;
	[tilespmem:$0x8000] =	vst v63  }
0x91b: {  	s26 =	rddreg [dreg:$0x13]  }
0x91c: {  	[hbm4b:s26+s2] =	stream.linear.scatter [tilespmem:s2], [sflag:$0x2], $0x8000, $0x38;
	[tilespmem:$0x8000] =	vst v63  }
0x91d: {  	s28 =	rddreg [dreg:$0x14]  }
0x91e: {  	[hbm4b:s28+s2] =	stream.linear.scatter [tilespmem:s2], [sflag:$0x2], $0x8000, $0x38;
	[tilespmem:$0x8000] =	vst v63  }
0x91f: {  	s29 =	rddreg [dreg:$0x15]  }
0x920: {  	[hbm4b:s29+s2] =	stream.linear.scatter [tilespmem:s2], [sflag:$0x2], $0x8000, $0x38;
	[tilespmem:$0x8000] =	vst v63  }
0x921: {  	s30 =	rddreg [dreg:$0x16]  }
0x922: {  	[hbm4b:s30+s2] =	stream.linear.scatter [tilespmem:s2], [sflag:$0x2], $0x8000, $0x38;
	[tilespmem:$0x8000] =	vst v63  }
0x923: {  	s31 =	rddreg [dreg:$0x17]  }
0x924: {  	[hbm4b:s31+s2] =	stream.linear.scatter [tilespmem:s2], [sflag:$0x2], $0x8000, $0x38;
	[tilespmem:$0x8000] =	vst v63  }
0x925: {  	_ =	swait.ge [sflag:s4], $0x8000  }
0x926: {  	[sflag:s4] =	ssyncset.done $0x0  }
0x927: {  	[sflag:s4] =	ssyncadd.s32 $0xFFFF8000  }
0x928: {  	_ =	swait.ge [sflag:s4], $0x8000  }
0x929: {  	[sflag:s4] =	ssyncset.done $0x0  }
0x92a: {  	[sflag:s4] =	ssyncadd.s32 $0xFFFF8000  }
0x92b: {  	_ =	swait.ge [sflag:s4], $0x8000  }
0x92c: {  	[sflag:s4] =	ssyncset.done $0x0  }
0x92d: {  	[sflag:s4] =	ssyncadd.s32 $0xFFFF8000  }
0x92e: {  	_ =	swait.ge [sflag:s4], $0x8000  }
0x92f: {  	[sflag:s4] =	ssyncset.done $0x0  }
0x930: {  	[sflag:s4] =	ssyncadd.s32 $0xFFFF8000  }
0x931: {  	_ =	swait.ge [sflag:s4], $0x8000  }
0x932: {  	[sflag:s4] =	ssyncset.done $0x0  }
0x933: {  	[sflag:s4] =	ssyncadd.s32 $0xFFFF8000  }
0x934: {  	_ =	swait.ge [sflag:s4], $0x8000  }
0x935: {  	[sflag:s4] =	ssyncset.done $0x0  }
0x936: {  	[sflag:s4] =	ssyncadd.s32 $0xFFFF8000  }
0x937: {  	_ =	swait.ge [sflag:s4], $0x8000  }
0x938: {  	[sflag:s4] =	ssyncset.done $0x0  }
0x939: {  	[sflag:s4] =	ssyncadd.s32 $0xFFFF8000  }
0x93a: {  	_ =	swait.ge [sflag:s4], $0x8000  }
0x93b: {  	[sflag:s4] =	ssyncset.done $0x0  }
0x93c: {  	[sflag:s4] =	ssyncadd.s32 $0xFFFF8000  }
0x93d: {  	_ =	swait.ge [sflag:s4], $0x8000  }
0x93e: {  	[sflag:s4] =	ssyncset.done $0x0  }
0x93f: {  	[sflag:s4] =	ssyncadd.s32 $0xFFFF8000  }
0x940: {  	_ =	swait.ge [sflag:s4], $0x8000  }
0x941: {  	[sflag:s4] =	ssyncset.done $0x0  }
0x942: {  	[sflag:s4] =	ssyncadd.s32 $0xFFFF8000  }
0x943: {  	_ =	swait.ge [sflag:s4], $0x8000  }
0x944: {  	[sflag:s4] =	ssyncset.done $0x0  }
0x945: {  	[sflag:s4] =	ssyncadd.s32 $0xFFFF8000  }
0x946: {  	_ =	swait.ge [sflag:s4], $0x8000  }
0x947: {  	[sflag:s4] =	ssyncset.done $0x0  }
0x948: {  	[sflag:s4] =	ssyncadd.s32 $0xFFFF8000  }
0x949: {  	_ =	swait.ge [sflag:s4], $0x8000  }
0x94a: {  	[sflag:s4] =	ssyncset.done $0x0  }
0x94b: {  	[sflag:s4] =	ssyncadd.s32 $0xFFFF8000  }
0x94c: {  	_ =	swait.ge [sflag:s4], $0x8000  }
0x94d: {  	[sflag:s4] =	ssyncset.done $0x0  }
0x94e: {  	[sflag:s4] =	ssyncadd.s32 $0xFFFF8000  }
0x94f: {  	_ =	swait.ge [sflag:s4], $0x8000  }
0x950: {  	[sflag:s4] =	ssyncset.done $0x0  }
0x951: {  	[sflag:s4] =	ssyncadd.s32 $0xFFFF8000  }
0x952: {  	_ =	swait.ge [sflag:s4], $0x8000  }
0x953: {  	[sflag:s4] =	ssyncset.done $0x0  }
0x954: {  	[sflag:s4] =	ssyncadd.s32 $0xFFFF8000  }
0x955: {  	_ =	swait.ge [sflag:s4], $0x8000  }
0x956: {  	[sflag:s4] =	ssyncset.done $0x0  }
0x957: {  	[sflag:s4] =	ssyncadd.s32 $0xFFFF8000  }
0x958: {  	_ =	swait.ge [sflag:s4], $0x8000  }
0x959: {  	[sflag:s4] =	ssyncset.done $0x0  }
0x95a: {  	[sflag:s4] =	ssyncadd.s32 $0xFFFF8000  }
0x95b: {  	_ =	swait.ge [sflag:s4], $0x8000  }
0x95c: {  	[sflag:s4] =	ssyncset.done $0x0  }
0x95d: {  	[sflag:s4] =	ssyncadd.s32 $0xFFFF8000  }
0x95e: {  	_ =	swait.ge [sflag:s4], $0x8000  }
0x95f: {  	[sflag:s4] =	ssyncset.done $0x0  }
0x960: {  	[sflag:s4] =	ssyncadd.s32 $0xFFFF8000  }
0x961: {  	_ =	swait.ge [sflag:s4], $0x8000  }
0x962: {  	[sflag:s4] =	ssyncset.done $0x0  }
0x963: {  	[sflag:s4] =	ssyncadd.s32 $0xFFFF8000  }
0x964: {  	_ =	sfence.sel $0x180000  }
0x965: {  	[bflag:$0x0] =	sbarrier.arrive $0xFFFF  }
0x966: {  	_ =	strace $0x90000047  }
0x967: {  	[bflag:$0x2] =	sbarrier.arrive $0xFFFF  }
0x968: {  	p0 =	sne.s32 s13, $0x0;
	s0 =	rddreg [dreg:$0x2]  }
0x969: {  	s0 =	sadd.s32 @!p0 $0x100000, s0  }
0x96a: {  	[sflag:s0] =	ssyncadd.tile.s32 @!p0 $0x1;
	_ =	shalt  }
.LBB2_2:
.Ltmp3:
0x96b: {  	(pc) =	sbr.rel .LBB2_5-.Ltmp3, $2  }
0x96c: {  	_ =	sdelay $0x2  }
0x96d: {  	s13 =	stileid.u32  }
.Lfunc_end2:
_tile_overlayer_lowered:
.L_overlay_start_2:
0x96e: {  	(tag) =	ssettag $0x2  }
0x96f: {  	s0 =	rddreg [dreg:$0x0];
	s2 =	stileid.u32  }
0x970: {  	s1 =	rddreg [dreg:$0x1];
	p0 =	sne.s32 s2, $0x0  }
0x971: {  	s3 =	rddreg [dreg:$0x2];
	[bflag:$0x3] =	sbarrier.arrive $0xFFFF;
	s2 =	simm.s32 @!p0 $0x1C03  }
0x972: {  	[timem:s3], [sflag:s2] =	dma.local @!p0 [hbm:s0], s1  }
0x973: {  	s0 =	simm.s32 @!p0 $0x3  }
0x974: {  	_ =	swait.ge @!p0 [sflag:s0], s1  }
0x975: {  	s1 =	ssub.s32 @!p0 $0x0, s1;
	[sflag:s0] =	ssyncset.done @!p0 $0x0  }
0x976: {  	[sflag:s0] =	ssyncadd.s32 @!p0 s1  }
0x977: {  	[bflag:$0x3] =	sbarrier.arrive $0xFFFF  }
0x978: {  	_ =	shalt  }

</sc_bundles>
